<compile_context>
chip_gen: v7x
topology: tpu7x:2x2x1
jax: 0.10.2.dev20260603
libtpu: 0.0.44.dev20260713+nightly
codegen_flags: <defaults>
</compile_context>

<pallas_src>
import functools

import jax
import jax.numpy as jnp
from jax import lax
from jax.experimental import pallas as pl
from jax.experimental.pallas import tpu as pltpu
from jax.experimental.pallas import tpu_sc as plsc

N = 10000
E = 320000
D = 128
H = 128
G = 64
C = 10

NC = 2
NS = 16
NW = NC * NS

CH = 80
CPT = 128
GRP = 8
NG = CPT // GRP
NBUF = 4
E_PAD = NW * CPT * CH
OB = 632
N_ACC = 10112
ZPT = N_ACC // NS



def _mesh():
    return plsc.VectorSubcoreMesh(
        core_axis_name="c", subcore_axis_name="s", num_cores=NC, num_subcores=NS
    )


def _copy_out(acc, out_hbm, cid, sid):
    tail = N - (NS - 1) * OB

    @pl.when(sid < NS - 1)
    def _():
        pltpu.sync_copy(acc.at[pl.ds(sid * OB, OB)],
                        out_hbm.at[cid].at[pl.ds(sid * OB, OB)])

    @pl.when(sid == NS - 1)
    def _():
        pltpu.sync_copy(acc.at[pl.ds((NS - 1) * OB, tail)],
                        out_hbm.at[cid].at[pl.ds((NS - 1) * OB, tail)])


@functools.lru_cache(maxsize=None)
def _sc_edge_aggregate():

    def body(h_hbm, src_hbm, dst_hbm, zd_hbm, out_hbm, acc, srcg, dstg,
             rows_v, gsem0, gsem1, gsem2, gsem3, ssem0, ssem1, ssem2, ssem3,
             isem):
        gsems = (gsem0, gsem1, gsem2, gsem3)
        ssems = (ssem0, ssem1, ssem2, ssem3)
        cid = lax.axis_index("c")
        sid = lax.axis_index("s")
        w = cid * NS + sid

        pltpu.sync_copy(zd_hbm, acc.at[pl.ds(sid * ZPT, ZPT)])

        def stage(g, gb):
            pltpu.async_copy(src_hbm.at[pl.ds(w * CPT + g * GRP, GRP)],
                             srcg.at[gb], isem)
            pltpu.async_copy(dst_hbm.at[pl.ds(w * CPT + g * GRP, GRP)],
                             dstg.at[gb], isem)

        def stage_wait(gb):
            pltpu.make_async_copy(src_hbm.at[pl.ds(0, GRP)], srcg.at[gb],
                                  isem).wait()
            pltpu.make_async_copy(dst_hbm.at[pl.ds(0, GRP)], dstg.at[gb],
                                  isem).wait()

        def gather(gb, k, b):
            pltpu.async_copy(h_hbm.at[srcg.at[gb].at[k]], rows_v.at[b],
                             gsems[b])

        def gather_wait(b):
            pltpu.make_async_copy(h_hbm.at[pl.ds(0, CH)], rows_v.at[b],
                                  gsems[b]).wait()

        def scatter(gb, k, b):
            pltpu.async_copy(rows_v.at[b], acc.at[dstg.at[gb].at[k]],
                             ssems[b], add=True)

        def scatter_wait(b):
            pltpu.make_async_copy(h_hbm.at[pl.ds(0, CH)], rows_v.at[b],
                                  ssems[b]).wait()

        plsc.subcore_barrier()

        stage(0, 0)
        stage_wait(0)
        stage(1, 1)
        for k in range(3):
            gather(0, k, k)

        def group(g, carry):
            gb = lax.rem(g, 2)
            ngb = 1 - gb
            for k in range(GRP):
                b = k % NBUF
                j = g * GRP + k
                gather_wait(b)
                scatter(gb, k, b)

                @pl.when(j >= 1)
                def _():
                    scatter_wait((k + 3) % NBUF)

                if k == 0:
                    @pl.when(jnp.logical_and(g >= 1, g + 1 < NG))
                    def _():
                        stage(g + 1, ngb)

                if k == 5:
                    @pl.when(g + 1 < NG)
                    def _():
                        stage_wait(ngb)

                if k < 5:
                    @pl.when(j + 3 < CPT)
                    def _():
                        gather(gb, k + 3, (k + 3) % NBUF)
                else:
                    @pl.when(j + 3 < CPT)
                    def _():
                        gather(ngb, k - 5, (k + 3) % NBUF)
            return carry

        lax.fori_loop(0, NG, group, 0)
        scatter_wait((CPT - 1) % NBUF)
        plsc.subcore_barrier()
        _copy_out(acc, out_hbm, cid, sid)

    return pl.kernel(
        body,
        out_type=jax.ShapeDtypeStruct((NC, N, D), jnp.float32),
        mesh=_mesh(),
        scratch_types=[
            pltpu.VMEM_SHARED((N_ACC, D), jnp.float32),
            pltpu.VMEM((2, GRP, CH), jnp.int32),
            pltpu.VMEM((2, GRP, CH), jnp.int32),
            pltpu.VMEM((NBUF, CH, D), jnp.float32),
            pltpu.SemaphoreType.DMA,
            pltpu.SemaphoreType.DMA,
            pltpu.SemaphoreType.DMA,
            pltpu.SemaphoreType.DMA,
            pltpu.SemaphoreType.DMA,
            pltpu.SemaphoreType.DMA,
            pltpu.SemaphoreType.DMA,
            pltpu.SemaphoreType.DMA,
            pltpu.SemaphoreType.DMA,
        ],
    )


N_HIST = 10240
_RED = N_HIST // NS


@functools.lru_cache(maxsize=None)
def _sc_degree():

    def body(dst_hbm, dout_hbm, shared, dst_v, hist, red, res):
        cid = lax.axis_index("c")
        sid = lax.axis_index("s")
        w = cid * NS + sid

        pltpu.sync_copy(dst_hbm.at[pl.ds(w * CPT * CH, CPT * CH)], dst_v)

        zeros16 = jnp.zeros((16,), jnp.float32)
        ones16 = jnp.ones((16,), jnp.float32)

        def zstep(i, carry):
            hist[pl.ds(i * 16, 16)] = zeros16
            return carry

        lax.fori_loop(0, N_HIST // 16, zstep, 0)

        mask16 = jnp.ones((16,), jnp.bool_)

        def count(i, carry):
            idx = dst_v[pl.ds(i * 16, 16)]
            plsc.addupdate_scatter(hist, [idx], ones16, mask=mask16)
            return carry

        lax.fori_loop(0, CPT * CH // 16, count, 0)

        pltpu.sync_copy(hist, shared.at[pl.ds(sid * N_HIST, N_HIST)])
        plsc.subcore_barrier()
        for r in range(NS):
            pltpu.sync_copy(shared.at[pl.ds(r * N_HIST + sid * _RED, _RED)],
                            red.at[pl.ds(r * _RED, _RED)])

        def rstep(c, carry):
            s = jnp.zeros((16,), jnp.float32)
            for r in range(NS):
                s = s + red[pl.ds(r * _RED + c * 16, 16)]
            res[pl.ds(c * 16, 16)] = s
            return carry

        lax.fori_loop(0, _RED // 16, rstep, 0)

        tail = N - (NS - 1) * _RED

        @pl.when(sid < NS - 1)
        def _():
            pltpu.sync_copy(res.at[pl.ds(0, _RED)],
                            dout_hbm.at[pl.ds(cid * N + sid * _RED, _RED)])

        @pl.when(sid == NS - 1)
        def _():
            pltpu.sync_copy(res.at[pl.ds(0, tail)],
                            dout_hbm.at[pl.ds(cid * N + (NS - 1) * _RED, tail)])

    return pl.kernel(
        body,
        out_type=jax.ShapeDtypeStruct((NC * N,), jnp.float32),
        mesh=_mesh(),
        compiler_params=pltpu.CompilerParams(needs_layout_passes=False),
        scratch_types=[
            pltpu.VMEM_SHARED((NS * N_HIST,), jnp.float32),
            pltpu.VMEM((CPT * CH,), jnp.int32),
            pltpu.VMEM((N_HIST,), jnp.float32),
            pltpu.VMEM((NS * _RED,), jnp.float32),
            pltpu.VMEM((_RED,), jnp.float32),
        ],
    )


def _sage_body(p_ref, d_ref, h_ref, wl_ref, wr_ref, b_ref, o_ref):
    deg = jnp.maximum(d_ref[0] + d_ref[1], 1.0)
    agg = (p_ref[0] + p_ref[1]) / deg
    acc = (
        jnp.dot(agg, wl_ref[...], preferred_element_type=jnp.float32)
        + jnp.dot(h_ref[...], wr_ref[...], preferred_element_type=jnp.float32)
        + b_ref[...]
    )
    o_ref[...] = jnp.maximum(acc, 0.0)


_R = 1000


def _sage_tc(p, dsum, h, wl, wr, b2d):
    return pl.pallas_call(
        _sage_body,
        grid=(N // _R,),
        in_specs=[
            pl.BlockSpec((NC, _R, D), lambda i: (0, i, 0)),
            pl.BlockSpec((NC, _R, 1), lambda i: (0, i, 0)),
            pl.BlockSpec((_R, D), lambda i: (i, 0)),
            pl.BlockSpec((D, D), lambda i: (0, 0)),
            pl.BlockSpec((D, D), lambda i: (0, 0)),
            pl.BlockSpec((1, D), lambda i: (0, 0)),
        ],
        out_specs=pl.BlockSpec((_R, D), lambda i: (i, 0)),
        out_shape=jax.ShapeDtypeStruct((N, D), jnp.float32),
    )(p, dsum, h, wl, wr, b2d)


def _pool_body(h_ref, bt_ref, wg_ref, bg_ref, wl1_ref, bl1_ref, wl2_ref, bl2_ref, o_ref):
    h = h_ref[...]
    gate = jnp.dot(h, wg_ref[...], preferred_element_type=jnp.float32) + bg_ref[...]
    mask = bt_ref[...] == lax.broadcasted_iota(jnp.int32, (1, G), 1)
    gb = jnp.where(mask, gate, -jnp.inf)
    m = jnp.max(gb, axis=0, keepdims=True)
    m = jnp.where(jnp.isfinite(m), m, 0.0)
    e = jnp.where(mask, jnp.exp(gate - m), 0.0)
    s = jnp.sum(e, axis=0, keepdims=True)
    alpha = e / (s + 1e-16)
    g = lax.dot_general(alpha, h, (((0,), (0,)), ((), ())),
                        preferred_element_type=jnp.float32)
    g1 = jnp.maximum(
        jnp.dot(g, wl1_ref[...], preferred_element_type=jnp.float32) + bl1_ref[...],
        0.0,
    )
    out = jnp.dot(g1, wl2_ref[...], preferred_element_type=jnp.float32) + bl2_ref[...]
    mx = jnp.max(out, axis=1, keepdims=True)
    sh = out - mx
    lse = jnp.log(jnp.sum(jnp.exp(sh), axis=1, keepdims=True))
    o_ref[...] = sh - lse


def _pool_tc(h, bt, wg, bg2d, wl1, bl1_2d, wl2, bl2_2d):
    return pl.pallas_call(
        _pool_body,
        out_shape=jax.ShapeDtypeStruct((G, C), jnp.float32),
    )(h, bt, wg, bg2d, wl1, bl1_2d, wl2, bl2_2d)


def kernel(x, edge_index, batch, W1_l, W1_r, b1, W2_l, W2_r, b2, W3_l, W3_r, b3,
           Wg, bg, Wl1, bl1, Wl2, bl2):
    ept = E // NW
    padt = CPT * CH - ept
    src_r = edge_index[0].reshape(NW, ept)
    dst_r = edge_index[1].reshape(NW, ept)
    fill = jax.lax.broadcasted_iota(jnp.int32, (NW, padt), 1)
    src2 = jnp.concatenate([src_r, fill % N], axis=1).reshape(NW * CPT, CH)
    dst2 = jnp.concatenate([dst_r, N + fill % (N_ACC - N)], axis=1).reshape(NW * CPT, CH)
    zd = jnp.zeros((ZPT, D), jnp.float32)

    degp = _sc_degree()(dst2.reshape(-1)).reshape(NC, N)[:, :, None]
    p1 = _sc_edge_aggregate()(x, src2, dst2, zd)
    h1 = _sage_tc(p1, degp, x, W1_l, W1_r, b1.reshape(1, D))
    p2 = _sc_edge_aggregate()(h1, src2, dst2, zd)
    h2 = _sage_tc(p2, degp, h1, W2_l, W2_r, b2.reshape(1, H))
    p3 = _sc_edge_aggregate()(h2, src2, dst2, zd)
    h3 = _sage_tc(p3, degp, h2, W3_l, W3_r, b3.reshape(1, H))

    return _pool_tc(
        h3,
        batch.reshape(N, 1),
        Wg,
        bg.reshape(1, 1),
        Wl1,
        bl1.reshape(1, H),
        Wl2,
        bl2.reshape(1, C),
    )

# --- scband reference (transcript-rebuilt; emitter-appended) ---
"""Pipeline reference for scband-global-attention-net-30210799960809 (READ-ONLY COPY).

The authoritative reference and input builder live on the scoring server;
editing this copy changes nothing except your own understanding.
"""

import jax, jax.numpy as jnp
import numpy as np

N = 10000
E = 320000
D = 128
H = 128
C = 10
G = 64


def _lin(k, fan_in, fan_out):
    return jax.random.normal(k, (fan_in, fan_out), dtype=jnp.float32) / np.sqrt(fan_in)


def setup_inputs(seed: int = 0):
    key = jax.random.key(seed)
    ks = jax.random.split(key, 16)
    d = {}
    d["x"] = jax.random.normal(ks[0], (N, D), dtype=jnp.float32)
    d["edge_index"] = jax.random.randint(ks[1], (2, E), 0, N, dtype=jnp.int32)
    d["batch"] = jnp.sort(jax.random.randint(ks[2], (N,), 0, G, dtype=jnp.int32))
    d["W1_l"] = _lin(ks[3], D, H); d["W1_r"] = _lin(ks[4], D, H); d["b1"] = jnp.zeros((H,), jnp.float32)
    d["W2_l"] = _lin(ks[5], H, H); d["W2_r"] = _lin(ks[6], H, H); d["b2"] = jnp.zeros((H,), jnp.float32)
    d["W3_l"] = _lin(ks[7], H, H); d["W3_r"] = _lin(ks[8], H, H); d["b3"] = jnp.zeros((H,), jnp.float32)
    d["Wg"] = _lin(ks[9], H, 1); d["bg"] = jnp.zeros((1,), jnp.float32)
    d["Wl1"] = _lin(ks[10], H, H); d["bl1"] = jnp.zeros((H,), jnp.float32)
    d["Wl2"] = _lin(ks[11], H, C); d["bl2"] = jnp.zeros((C,), jnp.float32)
    return d


def reference(x, edge_index, batch, W1_l, W1_r, b1, W2_l, W2_r, b2, W3_l, W3_r, b3, Wg, bg, Wl1, bl1, Wl2, bl2):
    src = edge_index[0]
    dst = edge_index[1]
    deg = jax.ops.segment_sum(jnp.ones((E,), jnp.float32), dst, num_segments=N)
    deg = jnp.maximum(deg, 1.0)

    def sage(h, Wl, Wr, b):
        # SAGEConv (mean aggregation): lin_l(mean_j x_j) + lin_r(x_i)
        agg = jax.ops.segment_sum(jnp.take(h, src, axis=0), dst, num_segments=N) / deg[:, None]
        return agg @ Wl + h @ Wr + b

    h = jax.nn.relu(sage(x, W1_l, W1_r, b1))
    h = jax.nn.relu(sage(h, W2_l, W2_r, b2))
    h = jax.nn.relu(sage(h, W3_l, W3_r, b3))

    # GlobalAttention pooling: softmax(gate_nn(h)) over each graph segment
    gate = h @ Wg + bg  # [N, 1]
    m = jax.ops.segment_max(gate, batch, num_segments=G)
    m = jnp.where(jnp.isfinite(m), m, 0.0)
    e = jnp.exp(gate - jnp.take(m, batch, axis=0))
    s = jax.ops.segment_sum(e, batch, num_segments=G)
    alpha = e / (jnp.take(s, batch, axis=0) + 1e-16)
    g = jax.ops.segment_sum(alpha * h, batch, num_segments=G)  # [G, H]

    g = jax.nn.relu(g @ Wl1 + bl1)
    # dropout p=0.5 is identity in eval mode
    out = g @ Wl2 + bl2
    return jax.nn.log_softmax(out, axis=-1)

if __name__ == "__main__":
    import jax
    _d = setup_inputs()
    print(jax.jit(kernel)(*tuple(_d.values())))

</pallas_src>

<mosaic_0001>
#map = affine_map<(d0, d1) -> (0)>
module attributes {stable_mosaic.version = 14 : i64} {
  func.func @body(%arg0: i32, %arg1: i32, %arg2: memref<327680xi32, #tpu.memory_space<hbm>>, %arg3: memref<20000xf32, #tpu.memory_space<hbm>>, %arg4: memref<163840xf32, #tpu.memory_space<vmem_shared>>, %arg5: memref<10240xi32, #tpu.memory_space<vmem>>, %arg6: memref<10240xf32, #tpu.memory_space<vmem>>, %arg7: memref<10240xf32, #tpu.memory_space<vmem>>, %arg8: memref<640xf32, #tpu.memory_space<vmem>>) attributes {dimension_semantics = [#tpu.dimension_semantics<core_parallel>, #tpu.dimension_semantics<subcore_parallel>], iteration_bounds = array<i64: 2, 16>, scalar_prefetch = 0 : i64, scratch_operands = 5 : i64, tpu.core_type = #tpu.core_type<sc_vector_subcore>, window_params = [{transform_indices = #map}, {transform_indices = #map}]} {
    %mul3A = arith.constant 16 : i32
    %mul3A_0 = arith.muli %arg0, %mul3A : i32
    %add3A = arith.addi %mul3A_0, %arg1 : i32
    %mul3A_1 = arith.constant 128 : i32
    %mul3A_2 = arith.muli %add3A, %mul3A_1 : i32
    %mul3A_3 = arith.constant 80 : i32
    %mul3A_4 = arith.muli %mul3A_2, %mul3A_3 : i32
    "tpu.region"() ({
      %run_scoped3A = tpu.sem_alloc : memref<!tpu.dma_semaphore, #tpu.memory_space<semaphore_mem>>
      %dma_start3A = tpu.memref_slice %arg2[%mul3A_4] : memref<327680xi32, #tpu.memory_space<hbm>> -> memref<10240xi32, #tpu.memory_space<hbm>>
      %dma_start3A_99 = tpu.memref_slice %arg2[%mul3A_4] : memref<327680xi32, #tpu.memory_space<hbm>> -> memref<10240xi32, #tpu.memory_space<hbm>>
      tpu.enqueue_dma source(%dma_start3A_99 : memref<10240xi32, #tpu.memory_space<hbm>>) target(%arg5 : memref<10240xi32, #tpu.memory_space<vmem>>) target_semaphore(%run_scoped3A : memref<!tpu.dma_semaphore, #tpu.memory_space<semaphore_mem>>)
      %dma_wait3A = tpu.memref_slice %arg2[%mul3A_4] : memref<327680xi32, #tpu.memory_space<hbm>> -> memref<10240xi32, #tpu.memory_space<hbm>>
      %dma_wait3A_100 = tpu.memref_slice %arg2[%mul3A_4] : memref<327680xi32, #tpu.memory_space<hbm>> -> memref<10240xi32, #tpu.memory_space<hbm>>
      tpu.wait_dma2 semaphore(%run_scoped3A : memref<!tpu.dma_semaphore, #tpu.memory_space<semaphore_mem>>) src(%dma_wait3A_100 : memref<10240xi32, #tpu.memory_space<hbm>>) dst(%arg5 : memref<10240xi32, #tpu.memory_space<vmem>>)
      tpu.yield
    }) : () -> ()
    %broadcast_in_dim3A = arith.constant 0.000000e+00 : f32
    %broadcast_in_dim3A_5 = vector.broadcast %broadcast_in_dim3A : f32 to vector<16xf32>
    %broadcast_in_dim3A_6 = arith.constant 1.000000e+00 : f32
    %broadcast_in_dim3A_7 = vector.broadcast %broadcast_in_dim3A_6 : f32 to vector<16xf32>
    %scan3A = arith.constant 0 : i32
    %scan3A_8 = arith.constant 0 : i32
    %scan3A_9 = arith.constant 640 : i32
    %scan3A_10 = arith.addi %scan3A_8, %scan3A_9 : i32
    %scan3A_11 = arith.constant 1 : i32
    scf.for %scan3A_99 = %scan3A_8 to %scan3A_10 step %scan3A_11  : i32 {
      %mul3A_100 = arith.constant 16 : i32
      %mul3A_101 = arith.muli %scan3A_99, %mul3A_100 : i32
      %swap3A = arith.index_cast %mul3A_101 : i32 to index
      %swap3A_102 = tpu.vector_load %arg6[%swap3A] {strides = array<i32>} : memref<10240xf32, #tpu.memory_space<vmem>>, vector<16xf32>,
      tpu.vector_store %arg6[%swap3A], %broadcast_in_dim3A_5 {strides = array<i32>} : memref<10240xf32, #tpu.memory_space<vmem>>, vector<16xf32>,
    }
    %scan3A_12 = arith.constant 640 : i32
    %broadcast_in_dim3A_13 = arith.constant true
    %broadcast_in_dim3A_14 = vector.broadcast %broadcast_in_dim3A_13 : i1 to vector<16xi1>
    %scan3A_15 = arith.constant 0 : i32
    %scan3A_16 = arith.constant 0 : i32
    %scan3A_17 = arith.constant 640 : i32
    %scan3A_18 = arith.addi %scan3A_16, %scan3A_17 : i32
    %scan3A_19 = arith.constant 1 : i32
    scf.for %scan3A_99 = %scan3A_16 to %scan3A_18 step %scan3A_19  : i32 {
      %mul3A_100 = arith.constant 16 : i32
      %mul3A_101 = arith.muli %scan3A_99, %mul3A_100 : i32
      %get3A = arith.index_cast %mul3A_101 : i32 to index
      %get3A_102 = tpu.vector_load %arg5[%get3A] {strides = array<i32>} : memref<10240xi32, #tpu.memory_space<vmem>>, vector<16xi32>,
      tpu.vector_store_idx %arg6[%get3A_102], %broadcast_in_dim3A_7 masked %broadcast_in_dim3A_14 {add = true} : memref<10240xf32, #tpu.memory_space<vmem>>[vector<16xi32>], vector<16xf32>, vector<16xi1>
    }
    %scan3A_20 = arith.constant 640 : i32
    %mul3A_21 = arith.constant 10240 : i32
    %mul3A_22 = arith.muli %arg1, %mul3A_21 : i32
    "tpu.region"() ({
      %run_scoped3A = tpu.sem_alloc : memref<!tpu.dma_semaphore, #tpu.memory_space<semaphore_mem>>
      %dma_start3A = tpu.memref_slice %arg4[%mul3A_22] : memref<163840xf32, #tpu.memory_space<vmem_shared>> -> memref<10240xf32, #tpu.memory_space<vmem_shared>>
      %dma_start3A_99 = tpu.memref_slice %arg4[%mul3A_22] : memref<163840xf32, #tpu.memory_space<vmem_shared>> -> memref<10240xf32, #tpu.memory_space<vmem_shared>>
      tpu.enqueue_dma source(%arg6 : memref<10240xf32, #tpu.memory_space<vmem>>) target(%dma_start3A_99 : memref<10240xf32, #tpu.memory_space<vmem_shared>>) target_semaphore(%run_scoped3A : memref<!tpu.dma_semaphore, #tpu.memory_space<semaphore_mem>>)
      %dma_wait3A = tpu.memref_slice %arg4[%mul3A_22] : memref<163840xf32, #tpu.memory_space<vmem_shared>> -> memref<10240xf32, #tpu.memory_space<vmem_shared>>
      %dma_wait3A_100 = tpu.memref_slice %arg4[%mul3A_22] : memref<163840xf32, #tpu.memory_space<vmem_shared>> -> memref<10240xf32, #tpu.memory_space<vmem_shared>>
      tpu.wait_dma2 semaphore(%run_scoped3A : memref<!tpu.dma_semaphore, #tpu.memory_space<semaphore_mem>>) src(%arg6 : memref<10240xf32, #tpu.memory_space<vmem>>) dst(%dma_wait3A_100 : memref<10240xf32, #tpu.memory_space<vmem_shared>>)
      tpu.yield
    }) : () -> ()
    %barrier3A = arith.constant 0 : index
    tpu.barrier barrier_id(%barrier3A)
    %mul3A_23 = arith.constant 640 : i32
    %mul3A_24 = arith.muli %arg1, %mul3A_23 : i32
    %add3A_25 = arith.constant 0 : i32
    %add3A_26 = arith.addi %add3A_25, %mul3A_24 : i32
    "tpu.region"() ({
      %run_scoped3A = tpu.sem_alloc : memref<!tpu.dma_semaphore, #tpu.memory_space<semaphore_mem>>
      %dma_start3A = arith.constant 0 : i32
      %dma_start3A_99 = tpu.memref_slice %arg7[%dma_start3A] : memref<10240xf32, #tpu.memory_space<vmem>> -> memref<640xf32, #tpu.memory_space<vmem>>
      %dma_start3A_100 = tpu.memref_slice %arg4[%add3A_26] : memref<163840xf32, #tpu.memory_space<vmem_shared>> -> memref<640xf32, #tpu.memory_space<vmem_shared>>
      %dma_start3A_101 = arith.constant 0 : i32
      %dma_start3A_102 = tpu.memref_slice %arg7[%dma_start3A_101] : memref<10240xf32, #tpu.memory_space<vmem>> -> memref<640xf32, #tpu.memory_space<vmem>>
      %dma_start3A_103 = tpu.memref_slice %arg4[%add3A_26] : memref<163840xf32, #tpu.memory_space<vmem_shared>> -> memref<640xf32, #tpu.memory_space<vmem_shared>>
      tpu.enqueue_dma source(%dma_start3A_103 : memref<640xf32, #tpu.memory_space<vmem_shared>>) target(%dma_start3A_102 : memref<640xf32, #tpu.memory_space<vmem>>) target_semaphore(%run_scoped3A : memref<!tpu.dma_semaphore, #tpu.memory_space<semaphore_mem>>)
      %dma_wait3A = arith.constant 0 : i32
      %dma_wait3A_104 = tpu.memref_slice %arg7[%dma_wait3A] : memref<10240xf32, #tpu.memory_space<vmem>> -> memref<640xf32, #tpu.memory_space<vmem>>
      %dma_wait3A_105 = tpu.memref_slice %arg4[%add3A_26] : memref<163840xf32, #tpu.memory_space<vmem_shared>> -> memref<640xf32, #tpu.memory_space<vmem_shared>>
      %dma_wait3A_106 = arith.constant 0 : i32
      %dma_wait3A_107 = tpu.memref_slice %arg7[%dma_wait3A_106] : memref<10240xf32, #tpu.memory_space<vmem>> -> memref<640xf32, #tpu.memory_space<vmem>>
      %dma_wait3A_108 = tpu.memref_slice %arg4[%add3A_26] : memref<163840xf32, #tpu.memory_space<vmem_shared>> -> memref<640xf32, #tpu.memory_space<vmem_shared>>
      tpu.wait_dma2 semaphore(%run_scoped3A : memref<!tpu.dma_semaphore, #tpu.memory_space<semaphore_mem>>) src(%dma_wait3A_108 : memref<640xf32, #tpu.memory_space<vmem_shared>>) dst(%dma_wait3A_107 : memref<640xf32, #tpu.memory_space<vmem>>)
      tpu.yield
    }) : () -> ()
    %mul3A_27 = arith.constant 640 : i32
    %mul3A_28 = arith.muli %arg1, %mul3A_27 : i32
    %add3A_29 = arith.constant 10240 : i32
    %add3A_30 = arith.addi %add3A_29, %mul3A_28 : i32
    "tpu.region"() ({
      %run_scoped3A = tpu.sem_alloc : memref<!tpu.dma_semaphore, #tpu.memory_space<semaphore_mem>>
      %dma_start3A = arith.constant 640 : i32
      %dma_start3A_99 = tpu.memref_slice %arg7[%dma_start3A] : memref<10240xf32, #tpu.memory_space<vmem>> -> memref<640xf32, #tpu.memory_space<vmem>>
      %dma_start3A_100 = tpu.memref_slice %arg4[%add3A_30] : memref<163840xf32, #tpu.memory_space<vmem_shared>> -> memref<640xf32, #tpu.memory_space<vmem_shared>>
      %dma_start3A_101 = arith.constant 640 : i32
      %dma_start3A_102 = tpu.memref_slice %arg7[%dma_start3A_101] : memref<10240xf32, #tpu.memory_space<vmem>> -> memref<640xf32, #tpu.memory_space<vmem>>
      %dma_start3A_103 = tpu.memref_slice %arg4[%add3A_30] : memref<163840xf32, #tpu.memory_space<vmem_shared>> -> memref<640xf32, #tpu.memory_space<vmem_shared>>
      tpu.enqueue_dma source(%dma_start3A_103 : memref<640xf32, #tpu.memory_space<vmem_shared>>) target(%dma_start3A_102 : memref<640xf32, #tpu.memory_space<vmem>>) target_semaphore(%run_scoped3A : memref<!tpu.dma_semaphore, #tpu.memory_space<semaphore_mem>>)
      %dma_wait3A = arith.constant 640 : i32
      %dma_wait3A_104 = tpu.memref_slice %arg7[%dma_wait3A] : memref<10240xf32, #tpu.memory_space<vmem>> -> memref<640xf32, #tpu.memory_space<vmem>>
      %dma_wait3A_105 = tpu.memref_slice %arg4[%add3A_30] : memref<163840xf32, #tpu.memory_space<vmem_shared>> -> memref<640xf32, #tpu.memory_space<vmem_shared>>
      %dma_wait3A_106 = arith.constant 640 : i32
      %dma_wait3A_107 = tpu.memref_slice %arg7[%dma_wait3A_106] : memref<10240xf32, #tpu.memory_space<vmem>> -> memref<640xf32, #tpu.memory_space<vmem>>
      %dma_wait3A_108 = tpu.memref_slice %arg4[%add3A_30] : memref<163840xf32, #tpu.memory_space<vmem_shared>> -> memref<640xf32, #tpu.memory_space<vmem_shared>>
      tpu.wait_dma2 semaphore(%run_scoped3A : memref<!tpu.dma_semaphore, #tpu.memory_space<semaphore_mem>>) src(%dma_wait3A_108 : memref<640xf32, #tpu.memory_space<vmem_shared>>) dst(%dma_wait3A_107 : memref<640xf32, #tpu.memory_space<vmem>>)
      tpu.yield
    }) : () -> ()
    %mul3A_31 = arith.constant 640 : i32
    %mul3A_32 = arith.muli %arg1, %mul3A_31 : i32
    %add3A_33 = arith.constant 20480 : i32
    %add3A_34 = arith.addi %add3A_33, %mul3A_32 : i32
    "tpu.region"() ({
      %run_scoped3A = tpu.sem_alloc : memref<!tpu.dma_semaphore, #tpu.memory_space<semaphore_mem>>
      %dma_start3A = arith.constant 1280 : i32
      %dma_start3A_99 = tpu.memref_slice %arg7[%dma_start3A] : memref<10240xf32, #tpu.memory_space<vmem>> -> memref<640xf32, #tpu.memory_space<vmem>>
      %dma_start3A_100 = tpu.memref_slice %arg4[%add3A_34] : memref<163840xf32, #tpu.memory_space<vmem_shared>> -> memref<640xf32, #tpu.memory_space<vmem_shared>>
      %dma_start3A_101 = arith.constant 1280 : i32
      %dma_start3A_102 = tpu.memref_slice %arg7[%dma_start3A_101] : memref<10240xf32, #tpu.memory_space<vmem>> -> memref<640xf32, #tpu.memory_space<vmem>>
      %dma_start3A_103 = tpu.memref_slice %arg4[%add3A_34] : memref<163840xf32, #tpu.memory_space<vmem_shared>> -> memref<640xf32, #tpu.memory_space<vmem_shared>>
      tpu.enqueue_dma source(%dma_start3A_103 : memref<640xf32, #tpu.memory_space<vmem_shared>>) target(%dma_start3A_102 : memref<640xf32, #tpu.memory_space<vmem>>) target_semaphore(%run_scoped3A : memref<!tpu.dma_semaphore, #tpu.memory_space<semaphore_mem>>)
      %dma_wait3A = arith.constant 1280 : i32
      %dma_wait3A_104 = tpu.memref_slice %arg7[%dma_wait3A] : memref<10240xf32, #tpu.memory_space<vmem>> -> memref<640xf32, #tpu.memory_space<vmem>>
      %dma_wait3A_105 = tpu.memref_slice %arg4[%add3A_34] : memref<163840xf32, #tpu.memory_space<vmem_shared>> -> memref<640xf32, #tpu.memory_space<vmem_shared>>
      %dma_wait3A_106 = arith.constant 1280 : i32
      %dma_wait3A_107 = tpu.memref_slice %arg7[%dma_wait3A_106] : memref<10240xf32, #tpu.memory_space<vmem>> -> memref<640xf32, #tpu.memory_space<vmem>>
      %dma_wait3A_108 = tpu.memref_slice %arg4[%add3A_34] : memref<163840xf32, #tpu.memory_space<vmem_shared>> -> memref<640xf32, #tpu.memory_space<vmem_shared>>
      tpu.wait_dma2 semaphore(%run_scoped3A : memref<!tpu.dma_semaphore, #tpu.memory_space<semaphore_mem>>) src(%dma_wait3A_108 : memref<640xf32, #tpu.memory_space<vmem_shared>>) dst(%dma_wait3A_107 : memref<640xf32, #tpu.memory_space<vmem>>)
      tpu.yield
    }) : () -> ()
    %mul3A_35 = arith.constant 640 : i32
    %mul3A_36 = arith.muli %arg1, %mul3A_35 : i32
    %add3A_37 = arith.constant 30720 : i32
    %add3A_38 = arith.addi %add3A_37, %mul3A_36 : i32
    "tpu.region"() ({
      %run_scoped3A = tpu.sem_alloc : memref<!tpu.dma_semaphore, #tpu.memory_space<semaphore_mem>>
      %dma_start3A = arith.constant 1920 : i32
      %dma_start3A_99 = tpu.memref_slice %arg7[%dma_start3A] : memref<10240xf32, #tpu.memory_space<vmem>> -> memref<640xf32, #tpu.memory_space<vmem>>
      %dma_start3A_100 = tpu.memref_slice %arg4[%add3A_38] : memref<163840xf32, #tpu.memory_space<vmem_shared>> -> memref<640xf32, #tpu.memory_space<vmem_shared>>
      %dma_start3A_101 = arith.constant 1920 : i32
      %dma_start3A_102 = tpu.memref_slice %arg7[%dma_start3A_101] : memref<10240xf32, #tpu.memory_space<vmem>> -> memref<640xf32, #tpu.memory_space<vmem>>
      %dma_start3A_103 = tpu.memref_slice %arg4[%add3A_38] : memref<163840xf32, #tpu.memory_space<vmem_shared>> -> memref<640xf32, #tpu.memory_space<vmem_shared>>
      tpu.enqueue_dma source(%dma_start3A_103 : memref<640xf32, #tpu.memory_space<vmem_shared>>) target(%dma_start3A_102 : memref<640xf32, #tpu.memory_space<vmem>>) target_semaphore(%run_scoped3A : memref<!tpu.dma_semaphore, #tpu.memory_space<semaphore_mem>>)
      %dma_wait3A = arith.constant 1920 : i32
      %dma_wait3A_104 = tpu.memref_slice %arg7[%dma_wait3A] : memref<10240xf32, #tpu.memory_space<vmem>> -> memref<640xf32, #tpu.memory_space<vmem>>
      %dma_wait3A_105 = tpu.memref_slice %arg4[%add3A_38] : memref<163840xf32, #tpu.memory_space<vmem_shared>> -> memref<640xf32, #tpu.memory_space<vmem_shared>>
      %dma_wait3A_106 = arith.constant 1920 : i32
      %dma_wait3A_107 = tpu.memref_slice %arg7[%dma_wait3A_106] : memref<10240xf32, #tpu.memory_space<vmem>> -> memref<640xf32, #tpu.memory_space<vmem>>
      %dma_wait3A_108 = tpu.memref_slice %arg4[%add3A_38] : memref<163840xf32, #tpu.memory_space<vmem_shared>> -> memref<640xf32, #tpu.memory_space<vmem_shared>>
      tpu.wait_dma2 semaphore(%run_scoped3A : memref<!tpu.dma_semaphore, #tpu.memory_space<semaphore_mem>>) src(%dma_wait3A_108 : memref<640xf32, #tpu.memory_space<vmem_shared>>) dst(%dma_wait3A_107 : memref<640xf32, #tpu.memory_space<vmem>>)
      tpu.yield
    }) : () -> ()
    %mul3A_39 = arith.constant 640 : i32
    %mul3A_40 = arith.muli %arg1, %mul3A_39 : i32
    %add3A_41 = arith.constant 40960 : i32
    %add3A_42 = arith.addi %add3A_41, %mul3A_40 : i32
    "tpu.region"() ({
      %run_scoped3A = tpu.sem_alloc : memref<!tpu.dma_semaphore, #tpu.memory_space<semaphore_mem>>
      %dma_start3A = arith.constant 2560 : i32
      %dma_start3A_99 = tpu.memref_slice %arg7[%dma_start3A] : memref<10240xf32, #tpu.memory_space<vmem>> -> memref<640xf32, #tpu.memory_space<vmem>>
      %dma_start3A_100 = tpu.memref_slice %arg4[%add3A_42] : memref<163840xf32, #tpu.memory_space<vmem_shared>> -> memref<640xf32, #tpu.memory_space<vmem_shared>>
      %dma_start3A_101 = arith.constant 2560 : i32
      %dma_start3A_102 = tpu.memref_slice %arg7[%dma_start3A_101] : memref<10240xf32, #tpu.memory_space<vmem>> -> memref<640xf32, #tpu.memory_space<vmem>>
      %dma_start3A_103 = tpu.memref_slice %arg4[%add3A_42] : memref<163840xf32, #tpu.memory_space<vmem_shared>> -> memref<640xf32, #tpu.memory_space<vmem_shared>>
      tpu.enqueue_dma source(%dma_start3A_103 : memref<640xf32, #tpu.memory_space<vmem_shared>>) target(%dma_start3A_102 : memref<640xf32, #tpu.memory_space<vmem>>) target_semaphore(%run_scoped3A : memref<!tpu.dma_semaphore, #tpu.memory_space<semaphore_mem>>)
      %dma_wait3A = arith.constant 2560 : i32
      %dma_wait3A_104 = tpu.memref_slice %arg7[%dma_wait3A] : memref<10240xf32, #tpu.memory_space<vmem>> -> memref<640xf32, #tpu.memory_space<vmem>>
      %dma_wait3A_105 = tpu.memref_slice %arg4[%add3A_42] : memref<163840xf32, #tpu.memory_space<vmem_shared>> -> memref<640xf32, #tpu.memory_space<vmem_shared>>
      %dma_wait3A_106 = arith.constant 2560 : i32
      %dma_wait3A_107 = tpu.memref_slice %arg7[%dma_wait3A_106] : memref<10240xf32, #tpu.memory_space<vmem>> -> memref<640xf32, #tpu.memory_space<vmem>>
      %dma_wait3A_108 = tpu.memref_slice %arg4[%add3A_42] : memref<163840xf32, #tpu.memory_space<vmem_shared>> -> memref<640xf32, #tpu.memory_space<vmem_shared>>
      tpu.wait_dma2 semaphore(%run_scoped3A : memref<!tpu.dma_semaphore, #tpu.memory_space<semaphore_mem>>) src(%dma_wait3A_108 : memref<640xf32, #tpu.memory_space<vmem_shared>>) dst(%dma_wait3A_107 : memref<640xf32, #tpu.memory_space<vmem>>)
      tpu.yield
    }) : () -> ()
    %mul3A_43 = arith.constant 640 : i32
    %mul3A_44 = arith.muli %arg1, %mul3A_43 : i32
    %add3A_45 = arith.constant 51200 : i32
    %add3A_46 = arith.addi %add3A_45, %mul3A_44 : i32
    "tpu.region"() ({
      %run_scoped3A = tpu.sem_alloc : memref<!tpu.dma_semaphore, #tpu.memory_space<semaphore_mem>>
      %dma_start3A = arith.constant 3200 : i32
      %dma_start3A_99 = tpu.memref_slice %arg7[%dma_start3A] : memref<10240xf32, #tpu.memory_space<vmem>> -> memref<640xf32, #tpu.memory_space<vmem>>
      %dma_start3A_100 = tpu.memref_slice %arg4[%add3A_46] : memref<163840xf32, #tpu.memory_space<vmem_shared>> -> memref<640xf32, #tpu.memory_space<vmem_shared>>
      %dma_start3A_101 = arith.constant 3200 : i32
      %dma_start3A_102 = tpu.memref_slice %arg7[%dma_start3A_101] : memref<10240xf32, #tpu.memory_space<vmem>> -> memref<640xf32, #tpu.memory_space<vmem>>
      %dma_start3A_103 = tpu.memref_slice %arg4[%add3A_46] : memref<163840xf32, #tpu.memory_space<vmem_shared>> -> memref<640xf32, #tpu.memory_space<vmem_shared>>
      tpu.enqueue_dma source(%dma_start3A_103 : memref<640xf32, #tpu.memory_space<vmem_shared>>) target(%dma_start3A_102 : memref<640xf32, #tpu.memory_space<vmem>>) target_semaphore(%run_scoped3A : memref<!tpu.dma_semaphore, #tpu.memory_space<semaphore_mem>>)
      %dma_wait3A = arith.constant 3200 : i32
      %dma_wait3A_104 = tpu.memref_slice %arg7[%dma_wait3A] : memref<10240xf32, #tpu.memory_space<vmem>> -> memref<640xf32, #tpu.memory_space<vmem>>
      %dma_wait3A_105 = tpu.memref_slice %arg4[%add3A_46] : memref<163840xf32, #tpu.memory_space<vmem_shared>> -> memref<640xf32, #tpu.memory_space<vmem_shared>>
      %dma_wait3A_106 = arith.constant 3200 : i32
      %dma_wait3A_107 = tpu.memref_slice %arg7[%dma_wait3A_106] : memref<10240xf32, #tpu.memory_space<vmem>> -> memref<640xf32, #tpu.memory_space<vmem>>
      %dma_wait3A_108 = tpu.memref_slice %arg4[%add3A_46] : memref<163840xf32, #tpu.memory_space<vmem_shared>> -> memref<640xf32, #tpu.memory_space<vmem_shared>>
      tpu.wait_dma2 semaphore(%run_scoped3A : memref<!tpu.dma_semaphore, #tpu.memory_space<semaphore_mem>>) src(%dma_wait3A_108 : memref<640xf32, #tpu.memory_space<vmem_shared>>) dst(%dma_wait3A_107 : memref<640xf32, #tpu.memory_space<vmem>>)
      tpu.yield
    }) : () -> ()
    %mul3A_47 = arith.constant 640 : i32
    %mul3A_48 = arith.muli %arg1, %mul3A_47 : i32
    %add3A_49 = arith.constant 61440 : i32
    %add3A_50 = arith.addi %add3A_49, %mul3A_48 : i32
    "tpu.region"() ({
      %run_scoped3A = tpu.sem_alloc : memref<!tpu.dma_semaphore, #tpu.memory_space<semaphore_mem>>
      %dma_start3A = arith.constant 3840 : i32
      %dma_start3A_99 = tpu.memref_slice %arg7[%dma_start3A] : memref<10240xf32, #tpu.memory_space<vmem>> -> memref<640xf32, #tpu.memory_space<vmem>>
      %dma_start3A_100 = tpu.memref_slice %arg4[%add3A_50] : memref<163840xf32, #tpu.memory_space<vmem_shared>> -> memref<640xf32, #tpu.memory_space<vmem_shared>>
      %dma_start3A_101 = arith.constant 3840 : i32
      %dma_start3A_102 = tpu.memref_slice %arg7[%dma_start3A_101] : memref<10240xf32, #tpu.memory_space<vmem>> -> memref<640xf32, #tpu.memory_space<vmem>>
      %dma_start3A_103 = tpu.memref_slice %arg4[%add3A_50] : memref<163840xf32, #tpu.memory_space<vmem_shared>> -> memref<640xf32, #tpu.memory_space<vmem_shared>>
      tpu.enqueue_dma source(%dma_start3A_103 : memref<640xf32, #tpu.memory_space<vmem_shared>>) target(%dma_start3A_102 : memref<640xf32, #tpu.memory_space<vmem>>) target_semaphore(%run_scoped3A : memref<!tpu.dma_semaphore, #tpu.memory_space<semaphore_mem>>)
      %dma_wait3A = arith.constant 3840 : i32
      %dma_wait3A_104 = tpu.memref_slice %arg7[%dma_wait3A] : memref<10240xf32, #tpu.memory_space<vmem>> -> memref<640xf32, #tpu.memory_space<vmem>>
      %dma_wait3A_105 = tpu.memref_slice %arg4[%add3A_50] : memref<163840xf32, #tpu.memory_space<vmem_shared>> -> memref<640xf32, #tpu.memory_space<vmem_shared>>
      %dma_wait3A_106 = arith.constant 3840 : i32
      %dma_wait3A_107 = tpu.memref_slice %arg7[%dma_wait3A_106] : memref<10240xf32, #tpu.memory_space<vmem>> -> memref<640xf32, #tpu.memory_space<vmem>>
      %dma_wait3A_108 = tpu.memref_slice %arg4[%add3A_50] : memref<163840xf32, #tpu.memory_space<vmem_shared>> -> memref<640xf32, #tpu.memory_space<vmem_shared>>
      tpu.wait_dma2 semaphore(%run_scoped3A : memref<!tpu.dma_semaphore, #tpu.memory_space<semaphore_mem>>) src(%dma_wait3A_108 : memref<640xf32, #tpu.memory_space<vmem_shared>>) dst(%dma_wait3A_107 : memref<640xf32, #tpu.memory_space<vmem>>)
      tpu.yield
    }) : () -> ()
    %mul3A_51 = arith.constant 640 : i32
    %mul3A_52 = arith.muli %arg1, %mul3A_51 : i32
    %add3A_53 = arith.constant 71680 : i32
    %add3A_54 = arith.addi %add3A_53, %mul3A_52 : i32
    "tpu.region"() ({
      %run_scoped3A = tpu.sem_alloc : memref<!tpu.dma_semaphore, #tpu.memory_space<semaphore_mem>>
      %dma_start3A = arith.constant 4480 : i32
      %dma_start3A_99 = tpu.memref_slice %arg7[%dma_start3A] : memref<10240xf32, #tpu.memory_space<vmem>> -> memref<640xf32, #tpu.memory_space<vmem>>
      %dma_start3A_100 = tpu.memref_slice %arg4[%add3A_54] : memref<163840xf32, #tpu.memory_space<vmem_shared>> -> memref<640xf32, #tpu.memory_space<vmem_shared>>
      %dma_start3A_101 = arith.constant 4480 : i32
      %dma_start3A_102 = tpu.memref_slice %arg7[%dma_start3A_101] : memref<10240xf32, #tpu.memory_space<vmem>> -> memref<640xf32, #tpu.memory_space<vmem>>
      %dma_start3A_103 = tpu.memref_slice %arg4[%add3A_54] : memref<163840xf32, #tpu.memory_space<vmem_shared>> -> memref<640xf32, #tpu.memory_space<vmem_shared>>
      tpu.enqueue_dma source(%dma_start3A_103 : memref<640xf32, #tpu.memory_space<vmem_shared>>) target(%dma_start3A_102 : memref<640xf32, #tpu.memory_space<vmem>>) target_semaphore(%run_scoped3A : memref<!tpu.dma_semaphore, #tpu.memory_space<semaphore_mem>>)
      %dma_wait3A = arith.constant 4480 : i32
      %dma_wait3A_104 = tpu.memref_slice %arg7[%dma_wait3A] : memref<10240xf32, #tpu.memory_space<vmem>> -> memref<640xf32, #tpu.memory_space<vmem>>
      %dma_wait3A_105 = tpu.memref_slice %arg4[%add3A_54] : memref<163840xf32, #tpu.memory_space<vmem_shared>> -> memref<640xf32, #tpu.memory_space<vmem_shared>>
      %dma_wait3A_106 = arith.constant 4480 : i32
      %dma_wait3A_107 = tpu.memref_slice %arg7[%dma_wait3A_106] : memref<10240xf32, #tpu.memory_space<vmem>> -> memref<640xf32, #tpu.memory_space<vmem>>
      %dma_wait3A_108 = tpu.memref_slice %arg4[%add3A_54] : memref<163840xf32, #tpu.memory_space<vmem_shared>> -> memref<640xf32, #tpu.memory_space<vmem_shared>>
      tpu.wait_dma2 semaphore(%run_scoped3A : memref<!tpu.dma_semaphore, #tpu.memory_space<semaphore_mem>>) src(%dma_wait3A_108 : memref<640xf32, #tpu.memory_space<vmem_shared>>) dst(%dma_wait3A_107 : memref<640xf32, #tpu.memory_space<vmem>>)
      tpu.yield
    }) : () -> ()
    %mul3A_55 = arith.constant 640 : i32
    %mul3A_56 = arith.muli %arg1, %mul3A_55 : i32
    %add3A_57 = arith.constant 81920 : i32
    %add3A_58 = arith.addi %add3A_57, %mul3A_56 : i32
    "tpu.region"() ({
      %run_scoped3A = tpu.sem_alloc : memref<!tpu.dma_semaphore, #tpu.memory_space<semaphore_mem>>
      %dma_start3A = arith.constant 5120 : i32
      %dma_start3A_99 = tpu.memref_slice %arg7[%dma_start3A] : memref<10240xf32, #tpu.memory_space<vmem>> -> memref<640xf32, #tpu.memory_space<vmem>>
      %dma_start3A_100 = tpu.memref_slice %arg4[%add3A_58] : memref<163840xf32, #tpu.memory_space<vmem_shared>> -> memref<640xf32, #tpu.memory_space<vmem_shared>>
      %dma_start3A_101 = arith.constant 5120 : i32
      %dma_start3A_102 = tpu.memref_slice %arg7[%dma_start3A_101] : memref<10240xf32, #tpu.memory_space<vmem>> -> memref<640xf32, #tpu.memory_space<vmem>>
      %dma_start3A_103 = tpu.memref_slice %arg4[%add3A_58] : memref<163840xf32, #tpu.memory_space<vmem_shared>> -> memref<640xf32, #tpu.memory_space<vmem_shared>>
      tpu.enqueue_dma source(%dma_start3A_103 : memref<640xf32, #tpu.memory_space<vmem_shared>>) target(%dma_start3A_102 : memref<640xf32, #tpu.memory_space<vmem>>) target_semaphore(%run_scoped3A : memref<!tpu.dma_semaphore, #tpu.memory_space<semaphore_mem>>)
      %dma_wait3A = arith.constant 5120 : i32
      %dma_wait3A_104 = tpu.memref_slice %arg7[%dma_wait3A] : memref<10240xf32, #tpu.memory_space<vmem>> -> memref<640xf32, #tpu.memory_space<vmem>>
      %dma_wait3A_105 = tpu.memref_slice %arg4[%add3A_58] : memref<163840xf32, #tpu.memory_space<vmem_shared>> -> memref<640xf32, #tpu.memory_space<vmem_shared>>
      %dma_wait3A_106 = arith.constant 5120 : i32
      %dma_wait3A_107 = tpu.memref_slice %arg7[%dma_wait3A_106] : memref<10240xf32, #tpu.memory_space<vmem>> -> memref<640xf32, #tpu.memory_space<vmem>>
      %dma_wait3A_108 = tpu.memref_slice %arg4[%add3A_58] : memref<163840xf32, #tpu.memory_space<vmem_shared>> -> memref<640xf32, #tpu.memory_space<vmem_shared>>
      tpu.wait_dma2 semaphore(%run_scoped3A : memref<!tpu.dma_semaphore, #tpu.memory_space<semaphore_mem>>) src(%dma_wait3A_108 : memref<640xf32, #tpu.memory_space<vmem_shared>>) dst(%dma_wait3A_107 : memref<640xf32, #tpu.memory_space<vmem>>)
      tpu.yield
    }) : () -> ()
    %mul3A_59 = arith.constant 640 : i32
    %mul3A_60 = arith.muli %arg1, %mul3A_59 : i32
    %add3A_61 = arith.constant 92160 : i32
    %add3A_62 = arith.addi %add3A_61, %mul3A_60 : i32
    "tpu.region"() ({
      %run_scoped3A = tpu.sem_alloc : memref<!tpu.dma_semaphore, #tpu.memory_space<semaphore_mem>>
      %dma_start3A = arith.constant 5760 : i32
      %dma_start3A_99 = tpu.memref_slice %arg7[%dma_start3A] : memref<10240xf32, #tpu.memory_space<vmem>> -> memref<640xf32, #tpu.memory_space<vmem>>
      %dma_start3A_100 = tpu.memref_slice %arg4[%add3A_62] : memref<163840xf32, #tpu.memory_space<vmem_shared>> -> memref<640xf32, #tpu.memory_space<vmem_shared>>
      %dma_start3A_101 = arith.constant 5760 : i32
      %dma_start3A_102 = tpu.memref_slice %arg7[%dma_start3A_101] : memref<10240xf32, #tpu.memory_space<vmem>> -> memref<640xf32, #tpu.memory_space<vmem>>
      %dma_start3A_103 = tpu.memref_slice %arg4[%add3A_62] : memref<163840xf32, #tpu.memory_space<vmem_shared>> -> memref<640xf32, #tpu.memory_space<vmem_shared>>
      tpu.enqueue_dma source(%dma_start3A_103 : memref<640xf32, #tpu.memory_space<vmem_shared>>) target(%dma_start3A_102 : memref<640xf32, #tpu.memory_space<vmem>>) target_semaphore(%run_scoped3A : memref<!tpu.dma_semaphore, #tpu.memory_space<semaphore_mem>>)
      %dma_wait3A = arith.constant 5760 : i32
      %dma_wait3A_104 = tpu.memref_slice %arg7[%dma_wait3A] : memref<10240xf32, #tpu.memory_space<vmem>> -> memref<640xf32, #tpu.memory_space<vmem>>
      %dma_wait3A_105 = tpu.memref_slice %arg4[%add3A_62] : memref<163840xf32, #tpu.memory_space<vmem_shared>> -> memref<640xf32, #tpu.memory_space<vmem_shared>>
      %dma_wait3A_106 = arith.constant 5760 : i32
      %dma_wait3A_107 = tpu.memref_slice %arg7[%dma_wait3A_106] : memref<10240xf32, #tpu.memory_space<vmem>> -> memref<640xf32, #tpu.memory_space<vmem>>
      %dma_wait3A_108 = tpu.memref_slice %arg4[%add3A_62] : memref<163840xf32, #tpu.memory_space<vmem_shared>> -> memref<640xf32, #tpu.memory_space<vmem_shared>>
      tpu.wait_dma2 semaphore(%run_scoped3A : memref<!tpu.dma_semaphore, #tpu.memory_space<semaphore_mem>>) src(%dma_wait3A_108 : memref<640xf32, #tpu.memory_space<vmem_shared>>) dst(%dma_wait3A_107 : memref<640xf32, #tpu.memory_space<vmem>>)
      tpu.yield
    }) : () -> ()
    %mul3A_63 = arith.constant 640 : i32
    %mul3A_64 = arith.muli %arg1, %mul3A_63 : i32
    %add3A_65 = arith.constant 102400 : i32
    %add3A_66 = arith.addi %add3A_65, %mul3A_64 : i32
    "tpu.region"() ({
      %run_scoped3A = tpu.sem_alloc : memref<!tpu.dma_semaphore, #tpu.memory_space<semaphore_mem>>
      %dma_start3A = arith.constant 6400 : i32
      %dma_start3A_99 = tpu.memref_slice %arg7[%dma_start3A] : memref<10240xf32, #tpu.memory_space<vmem>> -> memref<640xf32, #tpu.memory_space<vmem>>
      %dma_start3A_100 = tpu.memref_slice %arg4[%add3A_66] : memref<163840xf32, #tpu.memory_space<vmem_shared>> -> memref<640xf32, #tpu.memory_space<vmem_shared>>
      %dma_start3A_101 = arith.constant 6400 : i32
      %dma_start3A_102 = tpu.memref_slice %arg7[%dma_start3A_101] : memref<10240xf32, #tpu.memory_space<vmem>> -> memref<640xf32, #tpu.memory_space<vmem>>
      %dma_start3A_103 = tpu.memref_slice %arg4[%add3A_66] : memref<163840xf32, #tpu.memory_space<vmem_shared>> -> memref<640xf32, #tpu.memory_space<vmem_shared>>
      tpu.enqueue_dma source(%dma_start3A_103 : memref<640xf32, #tpu.memory_space<vmem_shared>>) target(%dma_start3A_102 : memref<640xf32, #tpu.memory_space<vmem>>) target_semaphore(%run_scoped3A : memref<!tpu.dma_semaphore, #tpu.memory_space<semaphore_mem>>)
      %dma_wait3A = arith.constant 6400 : i32
      %dma_wait3A_104 = tpu.memref_slice %arg7[%dma_wait3A] : memref<10240xf32, #tpu.memory_space<vmem>> -> memref<640xf32, #tpu.memory_space<vmem>>
      %dma_wait3A_105 = tpu.memref_slice %arg4[%add3A_66] : memref<163840xf32, #tpu.memory_space<vmem_shared>> -> memref<640xf32, #tpu.memory_space<vmem_shared>>
      %dma_wait3A_106 = arith.constant 6400 : i32
      %dma_wait3A_107 = tpu.memref_slice %arg7[%dma_wait3A_106] : memref<10240xf32, #tpu.memory_space<vmem>> -> memref<640xf32, #tpu.memory_space<vmem>>
      %dma_wait3A_108 = tpu.memref_slice %arg4[%add3A_66] : memref<163840xf32, #tpu.memory_space<vmem_shared>> -> memref<640xf32, #tpu.memory_space<vmem_shared>>
      tpu.wait_dma2 semaphore(%run_scoped3A : memref<!tpu.dma_semaphore, #tpu.memory_space<semaphore_mem>>) src(%dma_wait3A_108 : memref<640xf32, #tpu.memory_space<vmem_shared>>) dst(%dma_wait3A_107 : memref<640xf32, #tpu.memory_space<vmem>>)
      tpu.yield
    }) : () -> ()
    %mul3A_67 = arith.constant 640 : i32
    %mul3A_68 = arith.muli %arg1, %mul3A_67 : i32
    %add3A_69 = arith.constant 112640 : i32
    %add3A_70 = arith.addi %add3A_69, %mul3A_68 : i32
    "tpu.region"() ({
      %run_scoped3A = tpu.sem_alloc : memref<!tpu.dma_semaphore, #tpu.memory_space<semaphore_mem>>
      %dma_start3A = arith.constant 7040 : i32
      %dma_start3A_99 = tpu.memref_slice %arg7[%dma_start3A] : memref<10240xf32, #tpu.memory_space<vmem>> -> memref<640xf32, #tpu.memory_space<vmem>>
      %dma_start3A_100 = tpu.memref_slice %arg4[%add3A_70] : memref<163840xf32, #tpu.memory_space<vmem_shared>> -> memref<640xf32, #tpu.memory_space<vmem_shared>>
      %dma_start3A_101 = arith.constant 7040 : i32
      %dma_start3A_102 = tpu.memref_slice %arg7[%dma_start3A_101] : memref<10240xf32, #tpu.memory_space<vmem>> -> memref<640xf32, #tpu.memory_space<vmem>>
      %dma_start3A_103 = tpu.memref_slice %arg4[%add3A_70] : memref<163840xf32, #tpu.memory_space<vmem_shared>> -> memref<640xf32, #tpu.memory_space<vmem_shared>>
      tpu.enqueue_dma source(%dma_start3A_103 : memref<640xf32, #tpu.memory_space<vmem_shared>>) target(%dma_start3A_102 : memref<640xf32, #tpu.memory_space<vmem>>) target_semaphore(%run_scoped3A : memref<!tpu.dma_semaphore, #tpu.memory_space<semaphore_mem>>)
      %dma_wait3A = arith.constant 7040 : i32
      %dma_wait3A_104 = tpu.memref_slice %arg7[%dma_wait3A] : memref<10240xf32, #tpu.memory_space<vmem>> -> memref<640xf32, #tpu.memory_space<vmem>>
      %dma_wait3A_105 = tpu.memref_slice %arg4[%add3A_70] : memref<163840xf32, #tpu.memory_space<vmem_shared>> -> memref<640xf32, #tpu.memory_space<vmem_shared>>
      %dma_wait3A_106 = arith.constant 7040 : i32
      %dma_wait3A_107 = tpu.memref_slice %arg7[%dma_wait3A_106] : memref<10240xf32, #tpu.memory_space<vmem>> -> memref<640xf32, #tpu.memory_space<vmem>>
      %dma_wait3A_108 = tpu.memref_slice %arg4[%add3A_70] : memref<163840xf32, #tpu.memory_space<vmem_shared>> -> memref<640xf32, #tpu.memory_space<vmem_shared>>
      tpu.wait_dma2 semaphore(%run_scoped3A : memref<!tpu.dma_semaphore, #tpu.memory_space<semaphore_mem>>) src(%dma_wait3A_108 : memref<640xf32, #tpu.memory_space<vmem_shared>>) dst(%dma_wait3A_107 : memref<640xf32, #tpu.memory_space<vmem>>)
      tpu.yield
    }) : () -> ()
    %mul3A_71 = arith.constant 640 : i32
    %mul3A_72 = arith.muli %arg1, %mul3A_71 : i32
    %add3A_73 = arith.constant 122880 : i32
    %add3A_74 = arith.addi %add3A_73, %mul3A_72 : i32
    "tpu.region"() ({
      %run_scoped3A = tpu.sem_alloc : memref<!tpu.dma_semaphore, #tpu.memory_space<semaphore_mem>>
      %dma_start3A = arith.constant 7680 : i32
      %dma_start3A_99 = tpu.memref_slice %arg7[%dma_start3A] : memref<10240xf32, #tpu.memory_space<vmem>> -> memref<640xf32, #tpu.memory_space<vmem>>
      %dma_start3A_100 = tpu.memref_slice %arg4[%add3A_74] : memref<163840xf32, #tpu.memory_space<vmem_shared>> -> memref<640xf32, #tpu.memory_space<vmem_shared>>
      %dma_start3A_101 = arith.constant 7680 : i32
      %dma_start3A_102 = tpu.memref_slice %arg7[%dma_start3A_101] : memref<10240xf32, #tpu.memory_space<vmem>> -> memref<640xf32, #tpu.memory_space<vmem>>
      %dma_start3A_103 = tpu.memref_slice %arg4[%add3A_74] : memref<163840xf32, #tpu.memory_space<vmem_shared>> -> memref<640xf32, #tpu.memory_space<vmem_shared>>
      tpu.enqueue_dma source(%dma_start3A_103 : memref<640xf32, #tpu.memory_space<vmem_shared>>) target(%dma_start3A_102 : memref<640xf32, #tpu.memory_space<vmem>>) target_semaphore(%run_scoped3A : memref<!tpu.dma_semaphore, #tpu.memory_space<semaphore_mem>>)
      %dma_wait3A = arith.constant 7680 : i32
      %dma_wait3A_104 = tpu.memref_slice %arg7[%dma_wait3A] : memref<10240xf32, #tpu.memory_space<vmem>> -> memref<640xf32, #tpu.memory_space<vmem>>
      %dma_wait3A_105 = tpu.memref_slice %arg4[%add3A_74] : memref<163840xf32, #tpu.memory_space<vmem_shared>> -> memref<640xf32, #tpu.memory_space<vmem_shared>>
      %dma_wait3A_106 = arith.constant 7680 : i32
      %dma_wait3A_107 = tpu.memref_slice %arg7[%dma_wait3A_106] : memref<10240xf32, #tpu.memory_space<vmem>> -> memref<640xf32, #tpu.memory_space<vmem>>
      %dma_wait3A_108 = tpu.memref_slice %arg4[%add3A_74] : memref<163840xf32, #tpu.memory_space<vmem_shared>> -> memref<640xf32, #tpu.memory_space<vmem_shared>>
      tpu.wait_dma2 semaphore(%run_scoped3A : memref<!tpu.dma_semaphore, #tpu.memory_space<semaphore_mem>>) src(%dma_wait3A_108 : memref<640xf32, #tpu.memory_space<vmem_shared>>) dst(%dma_wait3A_107 : memref<640xf32, #tpu.memory_space<vmem>>)
      tpu.yield
    }) : () -> ()
    %mul3A_75 = arith.constant 640 : i32
    %mul3A_76 = arith.muli %arg1, %mul3A_75 : i32
    %add3A_77 = arith.constant 133120 : i32
    %add3A_78 = arith.addi %add3A_77, %mul3A_76 : i32
    "tpu.region"() ({
      %run_scoped3A = tpu.sem_alloc : memref<!tpu.dma_semaphore, #tpu.memory_space<semaphore_mem>>
      %dma_start3A = arith.constant 8320 : i32
      %dma_start3A_99 = tpu.memref_slice %arg7[%dma_start3A] : memref<10240xf32, #tpu.memory_space<vmem>> -> memref<640xf32, #tpu.memory_space<vmem>>
      %dma_start3A_100 = tpu.memref_slice %arg4[%add3A_78] : memref<163840xf32, #tpu.memory_space<vmem_shared>> -> memref<640xf32, #tpu.memory_space<vmem_shared>>
      %dma_start3A_101 = arith.constant 8320 : i32
      %dma_start3A_102 = tpu.memref_slice %arg7[%dma_start3A_101] : memref<10240xf32, #tpu.memory_space<vmem>> -> memref<640xf32, #tpu.memory_space<vmem>>
      %dma_start3A_103 = tpu.memref_slice %arg4[%add3A_78] : memref<163840xf32, #tpu.memory_space<vmem_shared>> -> memref<640xf32, #tpu.memory_space<vmem_shared>>
      tpu.enqueue_dma source(%dma_start3A_103 : memref<640xf32, #tpu.memory_space<vmem_shared>>) target(%dma_start3A_102 : memref<640xf32, #tpu.memory_space<vmem>>) target_semaphore(%run_scoped3A : memref<!tpu.dma_semaphore, #tpu.memory_space<semaphore_mem>>)
      %dma_wait3A = arith.constant 8320 : i32
      %dma_wait3A_104 = tpu.memref_slice %arg7[%dma_wait3A] : memref<10240xf32, #tpu.memory_space<vmem>> -> memref<640xf32, #tpu.memory_space<vmem>>
      %dma_wait3A_105 = tpu.memref_slice %arg4[%add3A_78] : memref<163840xf32, #tpu.memory_space<vmem_shared>> -> memref<640xf32, #tpu.memory_space<vmem_shared>>
      %dma_wait3A_106 = arith.constant 8320 : i32
      %dma_wait3A_107 = tpu.memref_slice %arg7[%dma_wait3A_106] : memref<10240xf32, #tpu.memory_space<vmem>> -> memref<640xf32, #tpu.memory_space<vmem>>
      %dma_wait3A_108 = tpu.memref_slice %arg4[%add3A_78] : memref<163840xf32, #tpu.memory_space<vmem_shared>> -> memref<640xf32, #tpu.memory_space<vmem_shared>>
      tpu.wait_dma2 semaphore(%run_scoped3A : memref<!tpu.dma_semaphore, #tpu.memory_space<semaphore_mem>>) src(%dma_wait3A_108 : memref<640xf32, #tpu.memory_space<vmem_shared>>) dst(%dma_wait3A_107 : memref<640xf32, #tpu.memory_space<vmem>>)
      tpu.yield
    }) : () -> ()
    %mul3A_79 = arith.constant 640 : i32
    %mul3A_80 = arith.muli %arg1, %mul3A_79 : i32
    %add3A_81 = arith.constant 143360 : i32
    %add3A_82 = arith.addi %add3A_81, %mul3A_80 : i32
    "tpu.region"() ({
      %run_scoped3A = tpu.sem_alloc : memref<!tpu.dma_semaphore, #tpu.memory_space<semaphore_mem>>
      %dma_start3A = arith.constant 8960 : i32
      %dma_start3A_99 = tpu.memref_slice %arg7[%dma_start3A] : memref<10240xf32, #tpu.memory_space<vmem>> -> memref<640xf32, #tpu.memory_space<vmem>>
      %dma_start3A_100 = tpu.memref_slice %arg4[%add3A_82] : memref<163840xf32, #tpu.memory_space<vmem_shared>> -> memref<640xf32, #tpu.memory_space<vmem_shared>>
      %dma_start3A_101 = arith.constant 8960 : i32
      %dma_start3A_102 = tpu.memref_slice %arg7[%dma_start3A_101] : memref<10240xf32, #tpu.memory_space<vmem>> -> memref<640xf32, #tpu.memory_space<vmem>>
      %dma_start3A_103 = tpu.memref_slice %arg4[%add3A_82] : memref<163840xf32, #tpu.memory_space<vmem_shared>> -> memref<640xf32, #tpu.memory_space<vmem_shared>>
      tpu.enqueue_dma source(%dma_start3A_103 : memref<640xf32, #tpu.memory_space<vmem_shared>>) target(%dma_start3A_102 : memref<640xf32, #tpu.memory_space<vmem>>) target_semaphore(%run_scoped3A : memref<!tpu.dma_semaphore, #tpu.memory_space<semaphore_mem>>)
      %dma_wait3A = arith.constant 8960 : i32
      %dma_wait3A_104 = tpu.memref_slice %arg7[%dma_wait3A] : memref<10240xf32, #tpu.memory_space<vmem>> -> memref<640xf32, #tpu.memory_space<vmem>>
      %dma_wait3A_105 = tpu.memref_slice %arg4[%add3A_82] : memref<163840xf32, #tpu.memory_space<vmem_shared>> -> memref<640xf32, #tpu.memory_space<vmem_shared>>
      %dma_wait3A_106 = arith.constant 8960 : i32
      %dma_wait3A_107 = tpu.memref_slice %arg7[%dma_wait3A_106] : memref<10240xf32, #tpu.memory_space<vmem>> -> memref<640xf32, #tpu.memory_space<vmem>>
      %dma_wait3A_108 = tpu.memref_slice %arg4[%add3A_82] : memref<163840xf32, #tpu.memory_space<vmem_shared>> -> memref<640xf32, #tpu.memory_space<vmem_shared>>
      tpu.wait_dma2 semaphore(%run_scoped3A : memref<!tpu.dma_semaphore, #tpu.memory_space<semaphore_mem>>) src(%dma_wait3A_108 : memref<640xf32, #tpu.memory_space<vmem_shared>>) dst(%dma_wait3A_107 : memref<640xf32, #tpu.memory_space<vmem>>)
      tpu.yield
    }) : () -> ()
    %mul3A_83 = arith.constant 640 : i32
    %mul3A_84 = arith.muli %arg1, %mul3A_83 : i32
    %add3A_85 = arith.constant 153600 : i32
    %add3A_86 = arith.addi %add3A_85, %mul3A_84 : i32
    "tpu.region"() ({
      %run_scoped3A = tpu.sem_alloc : memref<!tpu.dma_semaphore, #tpu.memory_space<semaphore_mem>>
      %dma_start3A = arith.constant 9600 : i32
      %dma_start3A_99 = tpu.memref_slice %arg7[%dma_start3A] : memref<10240xf32, #tpu.memory_space<vmem>> -> memref<640xf32, #tpu.memory_space<vmem>>
      %dma_start3A_100 = tpu.memref_slice %arg4[%add3A_86] : memref<163840xf32, #tpu.memory_space<vmem_shared>> -> memref<640xf32, #tpu.memory_space<vmem_shared>>
      %dma_start3A_101 = arith.constant 9600 : i32
      %dma_start3A_102 = tpu.memref_slice %arg7[%dma_start3A_101] : memref<10240xf32, #tpu.memory_space<vmem>> -> memref<640xf32, #tpu.memory_space<vmem>>
      %dma_start3A_103 = tpu.memref_slice %arg4[%add3A_86] : memref<163840xf32, #tpu.memory_space<vmem_shared>> -> memref<640xf32, #tpu.memory_space<vmem_shared>>
      tpu.enqueue_dma source(%dma_start3A_103 : memref<640xf32, #tpu.memory_space<vmem_shared>>) target(%dma_start3A_102 : memref<640xf32, #tpu.memory_space<vmem>>) target_semaphore(%run_scoped3A : memref<!tpu.dma_semaphore, #tpu.memory_space<semaphore_mem>>)
      %dma_wait3A = arith.constant 9600 : i32
      %dma_wait3A_104 = tpu.memref_slice %arg7[%dma_wait3A] : memref<10240xf32, #tpu.memory_space<vmem>> -> memref<640xf32, #tpu.memory_space<vmem>>
      %dma_wait3A_105 = tpu.memref_slice %arg4[%add3A_86] : memref<163840xf32, #tpu.memory_space<vmem_shared>> -> memref<640xf32, #tpu.memory_space<vmem_shared>>
      %dma_wait3A_106 = arith.constant 9600 : i32
      %dma_wait3A_107 = tpu.memref_slice %arg7[%dma_wait3A_106] : memref<10240xf32, #tpu.memory_space<vmem>> -> memref<640xf32, #tpu.memory_space<vmem>>
      %dma_wait3A_108 = tpu.memref_slice %arg4[%add3A_86] : memref<163840xf32, #tpu.memory_space<vmem_shared>> -> memref<640xf32, #tpu.memory_space<vmem_shared>>
      tpu.wait_dma2 semaphore(%run_scoped3A : memref<!tpu.dma_semaphore, #tpu.memory_space<semaphore_mem>>) src(%dma_wait3A_108 : memref<640xf32, #tpu.memory_space<vmem_shared>>) dst(%dma_wait3A_107 : memref<640xf32, #tpu.memory_space<vmem>>)
      tpu.yield
    }) : () -> ()
    %scan3A_87 = arith.constant 0 : i32
    %scan3A_88 = arith.constant 0 : i32
    %scan3A_89 = arith.constant 40 : i32
    %scan3A_90 = arith.addi %scan3A_88, %scan3A_89 : i32
    %scan3A_91 = arith.constant 1 : i32
    scf.for %scan3A_99 = %scan3A_88 to %scan3A_90 step %scan3A_91  : i32 {
      %broadcast_in_dim3A_100 = arith.constant 0.000000e+00 : f32
      %broadcast_in_dim3A_101 = vector.broadcast %broadcast_in_dim3A_100 : f32 to vector<16xf32>
      %mul3A_102 = arith.constant 16 : i32
      %mul3A_103 = arith.muli %scan3A_99, %mul3A_102 : i32
      %add3A_104 = arith.constant 0 : i32
      %add3A_105 = arith.addi %add3A_104, %mul3A_103 : i32
      %get3A = arith.index_cast %add3A_105 : i32 to index
      %get3A_106 = tpu.vector_load %arg7[%get3A] {strides = array<i32>} : memref<10240xf32, #tpu.memory_space<vmem>>, vector<16xf32>,
      %add3A_107 = arith.addf %broadcast_in_dim3A_101, %get3A_106 : vector<16xf32>
      %mul3A_108 = arith.constant 16 : i32
      %mul3A_109 = arith.muli %scan3A_99, %mul3A_108 : i32
      %add3A_110 = arith.constant 640 : i32
      %add3A_111 = arith.addi %add3A_110, %mul3A_109 : i32
      %get3A_112 = arith.index_cast %add3A_111 : i32 to index
      %get3A_113 = tpu.vector_load %arg7[%get3A_112] {strides = array<i32>} : memref<10240xf32, #tpu.memory_space<vmem>>, vector<16xf32>,
      %add3A_114 = arith.addf %add3A_107, %get3A_113 : vector<16xf32>
      %mul3A_115 = arith.constant 16 : i32
      %mul3A_116 = arith.muli %scan3A_99, %mul3A_115 : i32
      %add3A_117 = arith.constant 1280 : i32
      %add3A_118 = arith.addi %add3A_117, %mul3A_116 : i32
      %get3A_119 = arith.index_cast %add3A_118 : i32 to index
      %get3A_120 = tpu.vector_load %arg7[%get3A_119] {strides = array<i32>} : memref<10240xf32, #tpu.memory_space<vmem>>, vector<16xf32>,
      %add3A_121 = arith.addf %add3A_114, %get3A_120 : vector<16xf32>
      %mul3A_122 = arith.constant 16 : i32
      %mul3A_123 = arith.muli %scan3A_99, %mul3A_122 : i32
      %add3A_124 = arith.constant 1920 : i32
      %add3A_125 = arith.addi %add3A_124, %mul3A_123 : i32
      %get3A_126 = arith.index_cast %add3A_125 : i32 to index
      %get3A_127 = tpu.vector_load %arg7[%get3A_126] {strides = array<i32>} : memref<10240xf32, #tpu.memory_space<vmem>>, vector<16xf32>,
      %add3A_128 = arith.addf %add3A_121, %get3A_127 : vector<16xf32>
      %mul3A_129 = arith.constant 16 : i32
      %mul3A_130 = arith.muli %scan3A_99, %mul3A_129 : i32
      %add3A_131 = arith.constant 2560 : i32
      %add3A_132 = arith.addi %add3A_131, %mul3A_130 : i32
      %get3A_133 = arith.index_cast %add3A_132 : i32 to index
      %get3A_134 = tpu.vector_load %arg7[%get3A_133] {strides = array<i32>} : memref<10240xf32, #tpu.memory_space<vmem>>, vector<16xf32>,
      %add3A_135 = arith.addf %add3A_128, %get3A_134 : vector<16xf32>
      %mul3A_136 = arith.constant 16 : i32
      %mul3A_137 = arith.muli %scan3A_99, %mul3A_136 : i32
      %add3A_138 = arith.constant 3200 : i32
      %add3A_139 = arith.addi %add3A_138, %mul3A_137 : i32
      %get3A_140 = arith.index_cast %add3A_139 : i32 to index
      %get3A_141 = tpu.vector_load %arg7[%get3A_140] {strides = array<i32>} : memref<10240xf32, #tpu.memory_space<vmem>>, vector<16xf32>,
      %add3A_142 = arith.addf %add3A_135, %get3A_141 : vector<16xf32>
      %mul3A_143 = arith.constant 16 : i32
      %mul3A_144 = arith.muli %scan3A_99, %mul3A_143 : i32
      %add3A_145 = arith.constant 3840 : i32
      %add3A_146 = arith.addi %add3A_145, %mul3A_144 : i32
      %get3A_147 = arith.index_cast %add3A_146 : i32 to index
      %get3A_148 = tpu.vector_load %arg7[%get3A_147] {strides = array<i32>} : memref<10240xf32, #tpu.memory_space<vmem>>, vector<16xf32>,
      %add3A_149 = arith.addf %add3A_142, %get3A_148 : vector<16xf32>
      %mul3A_150 = arith.constant 16 : i32
      %mul3A_151 = arith.muli %scan3A_99, %mul3A_150 : i32
      %add3A_152 = arith.constant 4480 : i32
      %add3A_153 = arith.addi %add3A_152, %mul3A_151 : i32
      %get3A_154 = arith.index_cast %add3A_153 : i32 to index
      %get3A_155 = tpu.vector_load %arg7[%get3A_154] {strides = array<i32>} : memref<10240xf32, #tpu.memory_space<vmem>>, vector<16xf32>,
      %add3A_156 = arith.addf %add3A_149, %get3A_155 : vector<16xf32>
      %mul3A_157 = arith.constant 16 : i32
      %mul3A_158 = arith.muli %scan3A_99, %mul3A_157 : i32
      %add3A_159 = arith.constant 5120 : i32
      %add3A_160 = arith.addi %add3A_159, %mul3A_158 : i32
      %get3A_161 = arith.index_cast %add3A_160 : i32 to index
      %get3A_162 = tpu.vector_load %arg7[%get3A_161] {strides = array<i32>} : memref<10240xf32, #tpu.memory_space<vmem>>, vector<16xf32>,
      %add3A_163 = arith.addf %add3A_156, %get3A_162 : vector<16xf32>
      %mul3A_164 = arith.constant 16 : i32
      %mul3A_165 = arith.muli %scan3A_99, %mul3A_164 : i32
      %add3A_166 = arith.constant 5760 : i32
      %add3A_167 = arith.addi %add3A_166, %mul3A_165 : i32
      %get3A_168 = arith.index_cast %add3A_167 : i32 to index
      %get3A_169 = tpu.vector_load %arg7[%get3A_168] {strides = array<i32>} : memref<10240xf32, #tpu.memory_space<vmem>>, vector<16xf32>,
      %add3A_170 = arith.addf %add3A_163, %get3A_169 : vector<16xf32>
      %mul3A_171 = arith.constant 16 : i32
      %mul3A_172 = arith.muli %scan3A_99, %mul3A_171 : i32
      %add3A_173 = arith.constant 6400 : i32
      %add3A_174 = arith.addi %add3A_173, %mul3A_172 : i32
      %get3A_175 = arith.index_cast %add3A_174 : i32 to index
      %get3A_176 = tpu.vector_load %arg7[%get3A_175] {strides = array<i32>} : memref<10240xf32, #tpu.memory_space<vmem>>, vector<16xf32>,
      %add3A_177 = arith.addf %add3A_170, %get3A_176 : vector<16xf32>
      %mul3A_178 = arith.constant 16 : i32
      %mul3A_179 = arith.muli %scan3A_99, %mul3A_178 : i32
      %add3A_180 = arith.constant 7040 : i32
      %add3A_181 = arith.addi %add3A_180, %mul3A_179 : i32
      %get3A_182 = arith.index_cast %add3A_181 : i32 to index
      %get3A_183 = tpu.vector_load %arg7[%get3A_182] {strides = array<i32>} : memref<10240xf32, #tpu.memory_space<vmem>>, vector<16xf32>,
      %add3A_184 = arith.addf %add3A_177, %get3A_183 : vector<16xf32>
      %mul3A_185 = arith.constant 16 : i32
      %mul3A_186 = arith.muli %scan3A_99, %mul3A_185 : i32
      %add3A_187 = arith.constant 7680 : i32
      %add3A_188 = arith.addi %add3A_187, %mul3A_186 : i32
      %get3A_189 = arith.index_cast %add3A_188 : i32 to index
      %get3A_190 = tpu.vector_load %arg7[%get3A_189] {strides = array<i32>} : memref<10240xf32, #tpu.memory_space<vmem>>, vector<16xf32>,
      %add3A_191 = arith.addf %add3A_184, %get3A_190 : vector<16xf32>
      %mul3A_192 = arith.constant 16 : i32
      %mul3A_193 = arith.muli %scan3A_99, %mul3A_192 : i32
      %add3A_194 = arith.constant 8320 : i32
      %add3A_195 = arith.addi %add3A_194, %mul3A_193 : i32
      %get3A_196 = arith.index_cast %add3A_195 : i32 to index
      %get3A_197 = tpu.vector_load %arg7[%get3A_196] {strides = array<i32>} : memref<10240xf32, #tpu.memory_space<vmem>>, vector<16xf32>,
      %add3A_198 = arith.addf %add3A_191, %get3A_197 : vector<16xf32>
      %mul3A_199 = arith.constant 16 : i32
      %mul3A_200 = arith.muli %scan3A_99, %mul3A_199 : i32
      %add3A_201 = arith.constant 8960 : i32
      %add3A_202 = arith.addi %add3A_201, %mul3A_200 : i32
      %get3A_203 = arith.index_cast %add3A_202 : i32 to index
      %get3A_204 = tpu.vector_load %arg7[%get3A_203] {strides = array<i32>} : memref<10240xf32, #tpu.memory_space<vmem>>, vector<16xf32>,
      %add3A_205 = arith.addf %add3A_198, %get3A_204 : vector<16xf32>
      %mul3A_206 = arith.constant 16 : i32
      %mul3A_207 = arith.muli %scan3A_99, %mul3A_206 : i32
      %add3A_208 = arith.constant 9600 : i32
      %add3A_209 = arith.addi %add3A_208, %mul3A_207 : i32
      %get3A_210 = arith.index_cast %add3A_209 : i32 to index
      %get3A_211 = tpu.vector_load %arg7[%get3A_210] {strides = array<i32>} : memref<10240xf32, #tpu.memory_space<vmem>>, vector<16xf32>,
      %add3A_212 = arith.addf %add3A_205, %get3A_211 : vector<16xf32>
      %mul3A_213 = arith.constant 16 : i32
      %mul3A_214 = arith.muli %scan3A_99, %mul3A_213 : i32
      %swap3A = arith.index_cast %mul3A_214 : i32 to index
      %swap3A_215 = tpu.vector_load %arg8[%swap3A] {strides = array<i32>} : memref<640xf32, #tpu.memory_space<vmem>>, vector<16xf32>,
      tpu.vector_store %arg8[%swap3A], %add3A_212 {strides = array<i32>} : memref<640xf32, #tpu.memory_space<vmem>>, vector<16xf32>,
    }
    %scan3A_92 = arith.constant 40 : i32
    %lt3A = arith.constant 15 : i32
    %lt3A_93 = arith.cmpi slt, %arg1, %lt3A : i32
    %convert_element_type3A = arith.extui %lt3A_93 : i1 to i32
    %cond3A = arith.constant 0 : i32
    %cond3A_94 = arith.cmpi ne, %convert_element_type3A, %cond3A : i32
    scf.if %cond3A_94 {
      %mul3A_99 = arith.constant 10000 : i32
      %mul3A_100 = arith.muli %arg0, %mul3A_99 : i32
      %mul3A_101 = arith.constant 640 : i32
      %mul3A_102 = arith.muli %arg1, %mul3A_101 : i32
      %add3A_103 = arith.addi %mul3A_100, %mul3A_102 : i32
      "tpu.region"() ({
        %run_scoped3A = tpu.sem_alloc : memref<!tpu.dma_semaphore, #tpu.memory_space<semaphore_mem>>
        %dma_start3A = arith.constant 0 : i32
        %dma_start3A_104 = tpu.memref_slice %arg8[%dma_start3A] : memref<640xf32, #tpu.memory_space<vmem>> -> memref<640xf32, #tpu.memory_space<vmem>>
        %dma_start3A_105 = tpu.memref_slice %arg3[%add3A_103] : memref<20000xf32, #tpu.memory_space<hbm>> -> memref<640xf32, #tpu.memory_space<hbm>>
        %dma_start3A_106 = tpu.memref_slice %arg3[%add3A_103] : memref<20000xf32, #tpu.memory_space<hbm>> -> memref<640xf32, #tpu.memory_space<hbm>>
        %dma_start3A_107 = arith.constant 0 : i32
        %dma_start3A_108 = tpu.memref_slice %arg8[%dma_start3A_107] : memref<640xf32, #tpu.memory_space<vmem>> -> memref<640xf32, #tpu.memory_space<vmem>>
        tpu.enqueue_dma source(%dma_start3A_108 : memref<640xf32, #tpu.memory_space<vmem>>) target(%dma_start3A_106 : memref<640xf32, #tpu.memory_space<hbm>>) target_semaphore(%run_scoped3A : memref<!tpu.dma_semaphore, #tpu.memory_space<semaphore_mem>>)
        %dma_wait3A = arith.constant 0 : i32
        %dma_wait3A_109 = tpu.memref_slice %arg8[%dma_wait3A] : memref<640xf32, #tpu.memory_space<vmem>> -> memref<640xf32, #tpu.memory_space<vmem>>
        %dma_wait3A_110 = tpu.memref_slice %arg3[%add3A_103] : memref<20000xf32, #tpu.memory_space<hbm>> -> memref<640xf32, #tpu.memory_space<hbm>>
        %dma_wait3A_111 = tpu.memref_slice %arg3[%add3A_103] : memref<20000xf32, #tpu.memory_space<hbm>> -> memref<640xf32, #tpu.memory_space<hbm>>
        %dma_wait3A_112 = arith.constant 0 : i32
        %dma_wait3A_113 = tpu.memref_slice %arg8[%dma_wait3A_112] : memref<640xf32, #tpu.memory_space<vmem>> -> memref<640xf32, #tpu.memory_space<vmem>>
        tpu.wait_dma2 semaphore(%run_scoped3A : memref<!tpu.dma_semaphore, #tpu.memory_space<semaphore_mem>>) src(%dma_wait3A_113 : memref<640xf32, #tpu.memory_space<vmem>>) dst(%dma_wait3A_111 : memref<640xf32, #tpu.memory_space<hbm>>)
        tpu.yield
      }) : () -> ()
    } else {
    }
    %eq3A = arith.constant 15 : i32
    %eq3A_95 = arith.cmpi eq, %arg1, %eq3A : i32
    %convert_element_type3A_96 = arith.extui %eq3A_95 : i1 to i32
    %cond3A_97 = arith.constant 0 : i32
    %cond3A_98 = arith.cmpi ne, %convert_element_type3A_96, %cond3A_97 : i32
    scf.if %cond3A_98 {
      %mul3A_99 = arith.constant 10000 : i32
      %mul3A_100 = arith.muli %arg0, %mul3A_99 : i32
      %add3A_101 = arith.constant 9600 : i32
      %add3A_102 = arith.addi %mul3A_100, %add3A_101 : i32
      "tpu.region"() ({
        %run_scoped3A = tpu.sem_alloc : memref<!tpu.dma_semaphore, #tpu.memory_space<semaphore_mem>>
        %dma_start3A = arith.constant 0 : i32
        %dma_start3A_103 = tpu.memref_slice %arg8[%dma_start3A] : memref<640xf32, #tpu.memory_space<vmem>> -> memref<400xf32, #tpu.memory_space<vmem>>
        %dma_start3A_104 = tpu.memref_slice %arg3[%add3A_102] : memref<20000xf32, #tpu.memory_space<hbm>> -> memref<400xf32, #tpu.memory_space<hbm>>
        %dma_start3A_105 = tpu.memref_slice %arg3[%add3A_102] : memref<20000xf32, #tpu.memory_space<hbm>> -> memref<400xf32, #tpu.memory_space<hbm>>
        %dma_start3A_106 = arith.constant 0 : i32
        %dma_start3A_107 = tpu.memref_slice %arg8[%dma_start3A_106] : memref<640xf32, #tpu.memory_space<vmem>> -> memref<400xf32, #tpu.memory_space<vmem>>
        tpu.enqueue_dma source(%dma_start3A_107 : memref<400xf32, #tpu.memory_space<vmem>>) target(%dma_start3A_105 : memref<400xf32, #tpu.memory_space<hbm>>) target_semaphore(%run_scoped3A : memref<!tpu.dma_semaphore, #tpu.memory_space<semaphore_mem>>)
        %dma_wait3A = arith.constant 0 : i32
        %dma_wait3A_108 = tpu.memref_slice %arg8[%dma_wait3A] : memref<640xf32, #tpu.memory_space<vmem>> -> memref<400xf32, #tpu.memory_space<vmem>>
        %dma_wait3A_109 = tpu.memref_slice %arg3[%add3A_102] : memref<20000xf32, #tpu.memory_space<hbm>> -> memref<400xf32, #tpu.memory_space<hbm>>
        %dma_wait3A_110 = tpu.memref_slice %arg3[%add3A_102] : memref<20000xf32, #tpu.memory_space<hbm>> -> memref<400xf32, #tpu.memory_space<hbm>>
        %dma_wait3A_111 = arith.constant 0 : i32
        %dma_wait3A_112 = tpu.memref_slice %arg8[%dma_wait3A_111] : memref<640xf32, #tpu.memory_space<vmem>> -> memref<400xf32, #tpu.memory_space<vmem>>
        tpu.wait_dma2 semaphore(%run_scoped3A : memref<!tpu.dma_semaphore, #tpu.memory_space<semaphore_mem>>) src(%dma_wait3A_112 : memref<400xf32, #tpu.memory_space<vmem>>) dst(%dma_wait3A_110 : memref<400xf32, #tpu.memory_space<hbm>>)
        tpu.yield
      }) : () -> ()
    } else {
    }
    return
  }
}

#map = affine_map<(d0, d1) -> (0, 0)>
#map1 = affine_map<(d0, d1) -> (0, 0, 0)>
module attributes {stable_mosaic.version = 14 : i64} {
  func.func @body(%arg0: i32, %arg1: i32, %arg2: memref<10000x128xf32, #tpu.memory_space<hbm>>, %arg3: memref<4096x80xi32, #tpu.memory_space<hbm>>, %arg4: memref<4096x80xi32, #tpu.memory_space<hbm>>, %arg5: memref<632x128xf32, #tpu.memory_space<hbm>>, %arg6: memref<2x10000x128xf32, #tpu.memory_space<hbm>>, %arg7: memref<10112x128xf32, #tpu.memory_space<vmem_shared>>, %arg8: memref<2x8x80xi32, #tpu.memory_space<vmem>>, %arg9: memref<2x8x80xi32, #tpu.memory_space<vmem>>, %arg10: memref<4x80x128xf32, #tpu.memory_space<vmem>>, %arg11: memref<!tpu.dma_semaphore, #tpu.memory_space<semaphore_mem>>, %arg12: memref<!tpu.dma_semaphore, #tpu.memory_space<semaphore_mem>>, %arg13: memref<!tpu.dma_semaphore, #tpu.memory_space<semaphore_mem>>, %arg14: memref<!tpu.dma_semaphore, #tpu.memory_space<semaphore_mem>>, %arg15: memref<!tpu.dma_semaphore, #tpu.memory_space<semaphore_mem>>, %arg16: memref<!tpu.dma_semaphore, #tpu.memory_space<semaphore_mem>>, %arg17: memref<!tpu.dma_semaphore, #tpu.memory_space<semaphore_mem>>, %arg18: memref<!tpu.dma_semaphore, #tpu.memory_space<semaphore_mem>>, %arg19: memref<!tpu.dma_semaphore, #tpu.memory_space<semaphore_mem>>) attributes {dimension_semantics = [#tpu.dimension_semantics<core_parallel>, #tpu.dimension_semantics<subcore_parallel>], iteration_bounds = array<i64: 2, 16>, scalar_prefetch = 0 : i64, scratch_operands = 13 : i64, tpu.core_type = #tpu.core_type<sc_vector_subcore>, window_params = [{transform_indices = #map}, {transform_indices = #map}, {transform_indices = #map}, {transform_indices = #map}, {transform_indices = #map1}]} {
    %mul3A = arith.constant 16 : i32
    %mul3A_0 = arith.muli %arg0, %mul3A : i32
    %add3A = arith.addi %mul3A_0, %arg1 : i32
    %mul3A_1 = arith.constant 632 : i32
    %mul3A_2 = arith.muli %arg1, %mul3A_1 : i32
    "tpu.region"() ({
      %run_scoped3A = tpu.sem_alloc : memref<!tpu.dma_semaphore, #tpu.memory_space<semaphore_mem>>
      %dma_start3A_177 = arith.constant 0 : i32
      %dma_start3A_178 = tpu.memref_slice %arg7[%mul3A_2, %dma_start3A_177] : memref<10112x128xf32, #tpu.memory_space<vmem_shared>> -> memref<632x128xf32, #tpu.memory_space<vmem_shared>>
      tpu.enqueue_dma source(%arg5 : memref<632x128xf32, #tpu.memory_space<hbm>>) target(%dma_start3A_178 : memref<632x128xf32, #tpu.memory_space<vmem_shared>>) target_semaphore(%run_scoped3A : memref<!tpu.dma_semaphore, #tpu.memory_space<semaphore_mem>>)
      %dma_wait3A_179 = arith.constant 0 : i32
      %dma_wait3A_180 = tpu.memref_slice %arg7[%mul3A_2, %dma_wait3A_179] : memref<10112x128xf32, #tpu.memory_space<vmem_shared>> -> memref<632x128xf32, #tpu.memory_space<vmem_shared>>
      tpu.wait_dma2 semaphore(%run_scoped3A : memref<!tpu.dma_semaphore, #tpu.memory_space<semaphore_mem>>) src(%arg5 : memref<632x128xf32, #tpu.memory_space<hbm>>) dst(%dma_wait3A_180 : memref<632x128xf32, #tpu.memory_space<vmem_shared>>)
      tpu.yield
    }) : () -> ()
    %barrier3A = arith.constant 0 : index
    tpu.barrier barrier_id(%barrier3A)
    %mul3A_3 = arith.constant 128 : i32
    %mul3A_4 = arith.muli %add3A, %mul3A_3 : i32
    %add3A_5 = arith.constant 0 : i32
    %add3A_6 = arith.addi %mul3A_4, %add3A_5 : i32
    %dma_start3A = arith.constant 0 : i32
    %dma_start3A_7 = arith.constant 0 : i32
    %dma_start3A_8 = arith.constant 0 : i32
    %dma_start3A_9 = tpu.memref_slice %arg8[%dma_start3A, %dma_start3A_7, %dma_start3A_8] : memref<2x8x80xi32, #tpu.memory_space<vmem>> -> memref<1x8x80xi32, #tpu.memory_space<vmem>>
    %dma_start3A_10 = tpu.memref_squeeze %dma_start3A_9 : memref<1x8x80xi32, #tpu.memory_space<vmem>> -> memref<8x80xi32, #tpu.memory_space<vmem>>
    %dma_start3A_11 = arith.constant 0 : i32
    %dma_start3A_12 = tpu.memref_slice %arg3[%add3A_6, %dma_start3A_11] : memref<4096x80xi32, #tpu.memory_space<hbm>> -> memref<8x80xi32, #tpu.memory_space<hbm>>
    %dma_start3A_13 = arith.constant 0 : i32
    %dma_start3A_14 = arith.constant 0 : i32
    %dma_start3A_15 = tpu.memref_slice %arg8[%dma_start3A, %dma_start3A_13, %dma_start3A_14] : memref<2x8x80xi32, #tpu.memory_space<vmem>> -> memref<1x8x80xi32, #tpu.memory_space<vmem>>
    %dma_start3A_16 = tpu.memref_squeeze %dma_start3A_15 : memref<1x8x80xi32, #tpu.memory_space<vmem>> -> memref<8x80xi32, #tpu.memory_space<vmem>>
    %dma_start3A_17 = arith.constant 0 : i32
    %dma_start3A_18 = tpu.memref_slice %arg3[%add3A_6, %dma_start3A_17] : memref<4096x80xi32, #tpu.memory_space<hbm>> -> memref<8x80xi32, #tpu.memory_space<hbm>>
    tpu.enqueue_dma source(%dma_start3A_18 : memref<8x80xi32, #tpu.memory_space<hbm>>) target(%dma_start3A_16 : memref<8x80xi32, #tpu.memory_space<vmem>>) target_semaphore(%arg19 : memref<!tpu.dma_semaphore, #tpu.memory_space<semaphore_mem>>)
    %mul3A_19 = arith.constant 128 : i32
    %mul3A_20 = arith.muli %add3A, %mul3A_19 : i32
    %add3A_21 = arith.constant 0 : i32
    %add3A_22 = arith.addi %mul3A_20, %add3A_21 : i32
    %dma_start3A_23 = arith.constant 0 : i32
    %dma_start3A_24 = arith.constant 0 : i32
    %dma_start3A_25 = arith.constant 0 : i32
    %dma_start3A_26 = tpu.memref_slice %arg9[%dma_start3A_23, %dma_start3A_24, %dma_start3A_25] : memref<2x8x80xi32, #tpu.memory_space<vmem>> -> memref<1x8x80xi32, #tpu.memory_space<vmem>>
    %dma_start3A_27 = tpu.memref_squeeze %dma_start3A_26 : memref<1x8x80xi32, #tpu.memory_space<vmem>> -> memref<8x80xi32, #tpu.memory_space<vmem>>
    %dma_start3A_28 = arith.constant 0 : i32
    %dma_start3A_29 = tpu.memref_slice %arg4[%add3A_22, %dma_start3A_28] : memref<4096x80xi32, #tpu.memory_space<hbm>> -> memref<8x80xi32, #tpu.memory_space<hbm>>
    %dma_start3A_30 = arith.constant 0 : i32
    %dma_start3A_31 = arith.constant 0 : i32
    %dma_start3A_32 = tpu.memref_slice %arg9[%dma_start3A_23, %dma_start3A_30, %dma_start3A_31] : memref<2x8x80xi32, #tpu.memory_space<vmem>> -> memref<1x8x80xi32, #tpu.memory_space<vmem>>
    %dma_start3A_33 = tpu.memref_squeeze %dma_start3A_32 : memref<1x8x80xi32, #tpu.memory_space<vmem>> -> memref<8x80xi32, #tpu.memory_space<vmem>>
    %dma_start3A_34 = arith.constant 0 : i32
    %dma_start3A_35 = tpu.memref_slice %arg4[%add3A_22, %dma_start3A_34] : memref<4096x80xi32, #tpu.memory_space<hbm>> -> memref<8x80xi32, #tpu.memory_space<hbm>>
    tpu.enqueue_dma source(%dma_start3A_35 : memref<8x80xi32, #tpu.memory_space<hbm>>) target(%dma_start3A_33 : memref<8x80xi32, #tpu.memory_space<vmem>>) target_semaphore(%arg19 : memref<!tpu.dma_semaphore, #tpu.memory_space<semaphore_mem>>)
    %dma_wait3A = arith.constant 0 : i32
    %dma_wait3A_36 = arith.constant 0 : i32
    %dma_wait3A_37 = arith.constant 0 : i32
    %dma_wait3A_38 = tpu.memref_slice %arg8[%dma_wait3A, %dma_wait3A_36, %dma_wait3A_37] : memref<2x8x80xi32, #tpu.memory_space<vmem>> -> memref<1x8x80xi32, #tpu.memory_space<vmem>>
    %dma_wait3A_39 = tpu.memref_squeeze %dma_wait3A_38 : memref<1x8x80xi32, #tpu.memory_space<vmem>> -> memref<8x80xi32, #tpu.memory_space<vmem>>
    %dma_wait3A_40 = arith.constant 0 : i32
    %dma_wait3A_41 = arith.constant 0 : i32
    %dma_wait3A_42 = tpu.memref_slice %arg3[%dma_wait3A_40, %dma_wait3A_41] : memref<4096x80xi32, #tpu.memory_space<hbm>> -> memref<8x80xi32, #tpu.memory_space<hbm>>
    %dma_wait3A_43 = arith.constant 0 : i32
    %dma_wait3A_44 = arith.constant 0 : i32
    %dma_wait3A_45 = tpu.memref_slice %arg8[%dma_wait3A, %dma_wait3A_43, %dma_wait3A_44] : memref<2x8x80xi32, #tpu.memory_space<vmem>> -> memref<1x8x80xi32, #tpu.memory_space<vmem>>
    %dma_wait3A_46 = tpu.memref_squeeze %dma_wait3A_45 : memref<1x8x80xi32, #tpu.memory_space<vmem>> -> memref<8x80xi32, #tpu.memory_space<vmem>>
    %dma_wait3A_47 = arith.constant 0 : i32
    %dma_wait3A_48 = arith.constant 0 : i32
    %dma_wait3A_49 = tpu.memref_slice %arg3[%dma_wait3A_47, %dma_wait3A_48] : memref<4096x80xi32, #tpu.memory_space<hbm>> -> memref<8x80xi32, #tpu.memory_space<hbm>>
    tpu.wait_dma2 semaphore(%arg19 : memref<!tpu.dma_semaphore, #tpu.memory_space<semaphore_mem>>) src(%dma_wait3A_49 : memref<8x80xi32, #tpu.memory_space<hbm>>) dst(%dma_wait3A_46 : memref<8x80xi32, #tpu.memory_space<vmem>>)
    %dma_wait3A_50 = arith.constant 0 : i32
    %dma_wait3A_51 = arith.constant 0 : i32
    %dma_wait3A_52 = arith.constant 0 : i32
    %dma_wait3A_53 = tpu.memref_slice %arg9[%dma_wait3A_50, %dma_wait3A_51, %dma_wait3A_52] : memref<2x8x80xi32, #tpu.memory_space<vmem>> -> memref<1x8x80xi32, #tpu.memory_space<vmem>>
    %dma_wait3A_54 = tpu.memref_squeeze %dma_wait3A_53 : memref<1x8x80xi32, #tpu.memory_space<vmem>> -> memref<8x80xi32, #tpu.memory_space<vmem>>
    %dma_wait3A_55 = arith.constant 0 : i32
    %dma_wait3A_56 = arith.constant 0 : i32
    %dma_wait3A_57 = tpu.memref_slice %arg4[%dma_wait3A_55, %dma_wait3A_56] : memref<4096x80xi32, #tpu.memory_space<hbm>> -> memref<8x80xi32, #tpu.memory_space<hbm>>
    %dma_wait3A_58 = arith.constant 0 : i32
    %dma_wait3A_59 = arith.constant 0 : i32
    %dma_wait3A_60 = tpu.memref_slice %arg9[%dma_wait3A_50, %dma_wait3A_58, %dma_wait3A_59] : memref<2x8x80xi32, #tpu.memory_space<vmem>> -> memref<1x8x80xi32, #tpu.memory_space<vmem>>
    %dma_wait3A_61 = tpu.memref_squeeze %dma_wait3A_60 : memref<1x8x80xi32, #tpu.memory_space<vmem>> -> memref<8x80xi32, #tpu.memory_space<vmem>>
    %dma_wait3A_62 = arith.constant 0 : i32
    %dma_wait3A_63 = arith.constant 0 : i32
    %dma_wait3A_64 = tpu.memref_slice %arg4[%dma_wait3A_62, %dma_wait3A_63] : memref<4096x80xi32, #tpu.memory_space<hbm>> -> memref<8x80xi32, #tpu.memory_space<hbm>>
    tpu.wait_dma2 semaphore(%arg19 : memref<!tpu.dma_semaphore, #tpu.memory_space<semaphore_mem>>) src(%dma_wait3A_64 : memref<8x80xi32, #tpu.memory_space<hbm>>) dst(%dma_wait3A_61 : memref<8x80xi32, #tpu.memory_space<vmem>>)
    %mul3A_65 = arith.constant 128 : i32
    %mul3A_66 = arith.muli %add3A, %mul3A_65 : i32
    %add3A_67 = arith.constant 8 : i32
    %add3A_68 = arith.addi %mul3A_66, %add3A_67 : i32
    %dma_start3A_69 = arith.constant 1 : i32
    %dma_start3A_70 = arith.constant 0 : i32
    %dma_start3A_71 = arith.constant 0 : i32
    %dma_start3A_72 = tpu.memref_slice %arg8[%dma_start3A_69, %dma_start3A_70, %dma_start3A_71] : memref<2x8x80xi32, #tpu.memory_space<vmem>> -> memref<1x8x80xi32, #tpu.memory_space<vmem>>
    %dma_start3A_73 = tpu.memref_squeeze %dma_start3A_72 : memref<1x8x80xi32, #tpu.memory_space<vmem>> -> memref<8x80xi32, #tpu.memory_space<vmem>>
    %dma_start3A_74 = arith.constant 0 : i32
    %dma_start3A_75 = tpu.memref_slice %arg3[%add3A_68, %dma_start3A_74] : memref<4096x80xi32, #tpu.memory_space<hbm>> -> memref<8x80xi32, #tpu.memory_space<hbm>>
    %dma_start3A_76 = arith.constant 0 : i32
    %dma_start3A_77 = arith.constant 0 : i32
    %dma_start3A_78 = tpu.memref_slice %arg8[%dma_start3A_69, %dma_start3A_76, %dma_start3A_77] : memref<2x8x80xi32, #tpu.memory_space<vmem>> -> memref<1x8x80xi32, #tpu.memory_space<vmem>>
    %dma_start3A_79 = tpu.memref_squeeze %dma_start3A_78 : memref<1x8x80xi32, #tpu.memory_space<vmem>> -> memref<8x80xi32, #tpu.memory_space<vmem>>
    %dma_start3A_80 = arith.constant 0 : i32
    %dma_start3A_81 = tpu.memref_slice %arg3[%add3A_68, %dma_start3A_80] : memref<4096x80xi32, #tpu.memory_space<hbm>> -> memref<8x80xi32, #tpu.memory_space<hbm>>
    tpu.enqueue_dma source(%dma_start3A_81 : memref<8x80xi32, #tpu.memory_space<hbm>>) target(%dma_start3A_79 : memref<8x80xi32, #tpu.memory_space<vmem>>) target_semaphore(%arg19 : memref<!tpu.dma_semaphore, #tpu.memory_space<semaphore_mem>>)
    %mul3A_82 = arith.constant 128 : i32
    %mul3A_83 = arith.muli %add3A, %mul3A_82 : i32
    %add3A_84 = arith.constant 8 : i32
    %add3A_85 = arith.addi %mul3A_83, %add3A_84 : i32
    %dma_start3A_86 = arith.constant 1 : i32
    %dma_start3A_87 = arith.constant 0 : i32
    %dma_start3A_88 = arith.constant 0 : i32
    %dma_start3A_89 = tpu.memref_slice %arg9[%dma_start3A_86, %dma_start3A_87, %dma_start3A_88] : memref<2x8x80xi32, #tpu.memory_space<vmem>> -> memref<1x8x80xi32, #tpu.memory_space<vmem>>
    %dma_start3A_90 = tpu.memref_squeeze %dma_start3A_89 : memref<1x8x80xi32, #tpu.memory_space<vmem>> -> memref<8x80xi32, #tpu.memory_space<vmem>>
    %dma_start3A_91 = arith.constant 0 : i32
    %dma_start3A_92 = tpu.memref_slice %arg4[%add3A_85, %dma_start3A_91] : memref<4096x80xi32, #tpu.memory_space<hbm>> -> memref<8x80xi32, #tpu.memory_space<hbm>>
    %dma_start3A_93 = arith.constant 0 : i32
    %dma_start3A_94 = arith.constant 0 : i32
    %dma_start3A_95 = tpu.memref_slice %arg9[%dma_start3A_86, %dma_start3A_93, %dma_start3A_94] : memref<2x8x80xi32, #tpu.memory_space<vmem>> -> memref<1x8x80xi32, #tpu.memory_space<vmem>>
    %dma_start3A_96 = tpu.memref_squeeze %dma_start3A_95 : memref<1x8x80xi32, #tpu.memory_space<vmem>> -> memref<8x80xi32, #tpu.memory_space<vmem>>
    %dma_start3A_97 = arith.constant 0 : i32
    %dma_start3A_98 = tpu.memref_slice %arg4[%add3A_85, %dma_start3A_97] : memref<4096x80xi32, #tpu.memory_space<hbm>> -> memref<8x80xi32, #tpu.memory_space<hbm>>
    tpu.enqueue_dma source(%dma_start3A_98 : memref<8x80xi32, #tpu.memory_space<hbm>>) target(%dma_start3A_96 : memref<8x80xi32, #tpu.memory_space<vmem>>) target_semaphore(%arg19 : memref<!tpu.dma_semaphore, #tpu.memory_space<semaphore_mem>>)
    %dma_start3A_99 = arith.constant 0 : i32
    %dma_start3A_100 = arith.constant 0 : i32
    %dma_start3A_101 = arith.constant 0 : i32
    %dma_start3A_102 = arith.constant 0 : i32
    %dma_start3A_103 = arith.constant 0 : i32
    %dma_start3A_104 = tpu.memref_slice %arg10[%dma_start3A_101, %dma_start3A_102, %dma_start3A_103] : memref<4x80x128xf32, #tpu.memory_space<vmem>> -> memref<1x80x128xf32, #tpu.memory_space<vmem>>
    %dma_start3A_105 = tpu.memref_squeeze %dma_start3A_104 : memref<1x80x128xf32, #tpu.memory_space<vmem>> -> memref<80x128xf32, #tpu.memory_space<vmem>>
    %dma_start3A_106 = arith.constant 0 : i32
    %dma_start3A_107 = arith.constant 0 : i32
    %dma_start3A_108 = tpu.memref_slice %arg8[%dma_start3A_99, %dma_start3A_106, %dma_start3A_107] : memref<2x8x80xi32, #tpu.memory_space<vmem>> -> memref<1x8x80xi32, #tpu.memory_space<vmem>>
    %dma_start3A_109 = tpu.memref_squeeze %dma_start3A_108 : memref<1x8x80xi32, #tpu.memory_space<vmem>> -> memref<8x80xi32, #tpu.memory_space<vmem>>
    %dma_start3A_110 = arith.constant 0 : i32
    %dma_start3A_111 = tpu.memref_slice %dma_start3A_109[%dma_start3A_100, %dma_start3A_110] : memref<8x80xi32, #tpu.memory_space<vmem>> -> memref<1x80xi32, #tpu.memory_space<vmem>>
    %dma_start3A_112 = tpu.memref_squeeze %dma_start3A_111 : memref<1x80xi32, #tpu.memory_space<vmem>> -> memref<80xi32, #tpu.memory_space<vmem>>
    %dma_start3A_113 = arith.constant 0 : i32
    %dma_start3A_114 = arith.constant 0 : i32
    %dma_start3A_115 = tpu.memref_slice %arg2[%dma_start3A_113, %dma_start3A_114] : memref<10000x128xf32, #tpu.memory_space<hbm>> -> memref<10000x128xf32, #tpu.memory_space<hbm>>
    tpu.enqueue_indirect_dma source(%dma_start3A_115 : memref<10000x128xf32, #tpu.memory_space<hbm>>) target(%dma_start3A_105 : memref<80x128xf32, #tpu.memory_space<vmem>>) offsets(%dma_start3A_112 : memref<80xi32, #tpu.memory_space<vmem>>) semaphore(%arg11 : memref<!tpu.dma_semaphore, #tpu.memory_space<semaphore_mem>>)
    %dma_start3A_116 = arith.constant 0 : i32
    %dma_start3A_117 = arith.constant 1 : i32
    %dma_start3A_118 = arith.constant 1 : i32
    %dma_start3A_119 = arith.constant 0 : i32
    %dma_start3A_120 = arith.constant 0 : i32
    %dma_start3A_121 = tpu.memref_slice %arg10[%dma_start3A_118, %dma_start3A_119, %dma_start3A_120] : memref<4x80x128xf32, #tpu.memory_space<vmem>> -> memref<1x80x128xf32, #tpu.memory_space<vmem>>
    %dma_start3A_122 = tpu.memref_squeeze %dma_start3A_121 : memref<1x80x128xf32, #tpu.memory_space<vmem>> -> memref<80x128xf32, #tpu.memory_space<vmem>>
    %dma_start3A_123 = arith.constant 0 : i32
    %dma_start3A_124 = arith.constant 0 : i32
    %dma_start3A_125 = tpu.memref_slice %arg8[%dma_start3A_116, %dma_start3A_123, %dma_start3A_124] : memref<2x8x80xi32, #tpu.memory_space<vmem>> -> memref<1x8x80xi32, #tpu.memory_space<vmem>>
    %dma_start3A_126 = tpu.memref_squeeze %dma_start3A_125 : memref<1x8x80xi32, #tpu.memory_space<vmem>> -> memref<8x80xi32, #tpu.memory_space<vmem>>
    %dma_start3A_127 = arith.constant 0 : i32
    %dma_start3A_128 = tpu.memref_slice %dma_start3A_126[%dma_start3A_117, %dma_start3A_127] : memref<8x80xi32, #tpu.memory_space<vmem>> -> memref<1x80xi32, #tpu.memory_space<vmem>>
    %dma_start3A_129 = tpu.memref_squeeze %dma_start3A_128 : memref<1x80xi32, #tpu.memory_space<vmem>> -> memref<80xi32, #tpu.memory_space<vmem>>
    %dma_start3A_130 = arith.constant 0 : i32
    %dma_start3A_131 = arith.constant 0 : i32
    %dma_start3A_132 = tpu.memref_slice %arg2[%dma_start3A_130, %dma_start3A_131] : memref<10000x128xf32, #tpu.memory_space<hbm>> -> memref<10000x128xf32, #tpu.memory_space<hbm>>
    tpu.enqueue_indirect_dma source(%dma_start3A_132 : memref<10000x128xf32, #tpu.memory_space<hbm>>) target(%dma_start3A_122 : memref<80x128xf32, #tpu.memory_space<vmem>>) offsets(%dma_start3A_129 : memref<80xi32, #tpu.memory_space<vmem>>) semaphore(%arg12 : memref<!tpu.dma_semaphore, #tpu.memory_space<semaphore_mem>>)
    %dma_start3A_133 = arith.constant 0 : i32
    %dma_start3A_134 = arith.constant 2 : i32
    %dma_start3A_135 = arith.constant 2 : i32
    %dma_start3A_136 = arith.constant 0 : i32
    %dma_start3A_137 = arith.constant 0 : i32
    %dma_start3A_138 = tpu.memref_slice %arg10[%dma_start3A_135, %dma_start3A_136, %dma_start3A_137] : memref<4x80x128xf32, #tpu.memory_space<vmem>> -> memref<1x80x128xf32, #tpu.memory_space<vmem>>
    %dma_start3A_139 = tpu.memref_squeeze %dma_start3A_138 : memref<1x80x128xf32, #tpu.memory_space<vmem>> -> memref<80x128xf32, #tpu.memory_space<vmem>>
    %dma_start3A_140 = arith.constant 0 : i32
    %dma_start3A_141 = arith.constant 0 : i32
    %dma_start3A_142 = tpu.memref_slice %arg8[%dma_start3A_133, %dma_start3A_140, %dma_start3A_141] : memref<2x8x80xi32, #tpu.memory_space<vmem>> -> memref<1x8x80xi32, #tpu.memory_space<vmem>>
    %dma_start3A_143 = tpu.memref_squeeze %dma_start3A_142 : memref<1x8x80xi32, #tpu.memory_space<vmem>> -> memref<8x80xi32, #tpu.memory_space<vmem>>
    %dma_start3A_144 = arith.constant 0 : i32
    %dma_start3A_145 = tpu.memref_slice %dma_start3A_143[%dma_start3A_134, %dma_start3A_144] : memref<8x80xi32, #tpu.memory_space<vmem>> -> memref<1x80xi32, #tpu.memory_space<vmem>>
    %dma_start3A_146 = tpu.memref_squeeze %dma_start3A_145 : memref<1x80xi32, #tpu.memory_space<vmem>> -> memref<80xi32, #tpu.memory_space<vmem>>
    %dma_start3A_147 = arith.constant 0 : i32
    %dma_start3A_148 = arith.constant 0 : i32
    %dma_start3A_149 = tpu.memref_slice %arg2[%dma_start3A_147, %dma_start3A_148] : memref<10000x128xf32, #tpu.memory_space<hbm>> -> memref<10000x128xf32, #tpu.memory_space<hbm>>
    tpu.enqueue_indirect_dma source(%dma_start3A_149 : memref<10000x128xf32, #tpu.memory_space<hbm>>) target(%dma_start3A_139 : memref<80x128xf32, #tpu.memory_space<vmem>>) offsets(%dma_start3A_146 : memref<80xi32, #tpu.memory_space<vmem>>) semaphore(%arg13 : memref<!tpu.dma_semaphore, #tpu.memory_space<semaphore_mem>>)
    %scan3A = arith.constant 0 : i32
    %scan3A_150 = arith.constant 0 : i32
    %scan3A_151 = arith.constant 16 : i32
    %scan3A_152 = arith.addi %scan3A_150, %scan3A_151 : i32
    %scan3A_153 = arith.constant 1 : i32
    scf.for %scan3A_177 = %scan3A_150 to %scan3A_152 step %scan3A_153  : i32 {
      %rem3A = arith.constant 2 : i32
      %rem3A_178 = arith.remsi %scan3A_177, %rem3A : i32
      %sub3A = arith.constant 1 : i32
      %sub3A_179 = arith.subi %sub3A, %rem3A_178 : i32
      %mul3A_180 = arith.constant 8 : i32
      %mul3A_181 = arith.muli %scan3A_177, %mul3A_180 : i32
      %add3A_182 = arith.constant 0 : i32
      %add3A_183 = arith.addi %mul3A_181, %add3A_182 : i32
      %dma_wait3A_184 = arith.constant 0 : i32
      %dma_wait3A_185 = arith.constant 0 : i32
      %dma_wait3A_186 = arith.constant 0 : i32
      %dma_wait3A_187 = tpu.memref_slice %arg10[%dma_wait3A_184, %dma_wait3A_185, %dma_wait3A_186] : memref<4x80x128xf32, #tpu.memory_space<vmem>> -> memref<1x80x128xf32, #tpu.memory_space<vmem>>
      %dma_wait3A_188 = tpu.memref_squeeze %dma_wait3A_187 : memref<1x80x128xf32, #tpu.memory_space<vmem>> -> memref<80x128xf32, #tpu.memory_space<vmem>>
      %dma_wait3A_189 = arith.constant 0 : i32
      %dma_wait3A_190 = arith.constant 0 : i32
      %dma_wait3A_191 = tpu.memref_slice %arg2[%dma_wait3A_189, %dma_wait3A_190] : memref<10000x128xf32, #tpu.memory_space<hbm>> -> memref<80x128xf32, #tpu.memory_space<hbm>>
      %dma_wait3A_192 = arith.constant 0 : i32
      %dma_wait3A_193 = arith.constant 0 : i32
      %dma_wait3A_194 = tpu.memref_slice %arg10[%dma_wait3A_184, %dma_wait3A_192, %dma_wait3A_193] : memref<4x80x128xf32, #tpu.memory_space<vmem>> -> memref<1x80x128xf32, #tpu.memory_space<vmem>>
      %dma_wait3A_195 = tpu.memref_squeeze %dma_wait3A_194 : memref<1x80x128xf32, #tpu.memory_space<vmem>> -> memref<80x128xf32, #tpu.memory_space<vmem>>
      %dma_wait3A_196 = arith.constant 0 : i32
      %dma_wait3A_197 = arith.constant 0 : i32
      %dma_wait3A_198 = tpu.memref_slice %arg2[%dma_wait3A_196, %dma_wait3A_197] : memref<10000x128xf32, #tpu.memory_space<hbm>> -> memref<80x128xf32, #tpu.memory_space<hbm>>
      tpu.wait_dma2 semaphore(%arg11 : memref<!tpu.dma_semaphore, #tpu.memory_space<semaphore_mem>>) src(%dma_wait3A_198 : memref<80x128xf32, #tpu.memory_space<hbm>>) dst(%dma_wait3A_195 : memref<80x128xf32, #tpu.memory_space<vmem>>)
      %dma_start3A_199 = arith.constant 0 : i32
      %dma_start3A_200 = arith.constant 0 : i32
      %dma_start3A_201 = arith.constant 0 : i32
      %dma_start3A_202 = arith.constant 0 : i32
      %dma_start3A_203 = tpu.memref_slice %arg10[%dma_start3A_199, %dma_start3A_201, %dma_start3A_202] : memref<4x80x128xf32, #tpu.memory_space<vmem>> -> memref<1x80x128xf32, #tpu.memory_space<vmem>>
      %dma_start3A_204 = tpu.memref_squeeze %dma_start3A_203 : memref<1x80x128xf32, #tpu.memory_space<vmem>> -> memref<80x128xf32, #tpu.memory_space<vmem>>
      %dma_start3A_205 = arith.constant 0 : i32
      %dma_start3A_206 = arith.constant 0 : i32
      %dma_start3A_207 = tpu.memref_slice %arg9[%rem3A_178, %dma_start3A_205, %dma_start3A_206] : memref<2x8x80xi32, #tpu.memory_space<vmem>> -> memref<1x8x80xi32, #tpu.memory_space<vmem>>
      %dma_start3A_208 = tpu.memref_squeeze %dma_start3A_207 : memref<1x8x80xi32, #tpu.memory_space<vmem>> -> memref<8x80xi32, #tpu.memory_space<vmem>>
      %dma_start3A_209 = arith.constant 0 : i32
      %dma_start3A_210 = tpu.memref_slice %dma_start3A_208[%dma_start3A_200, %dma_start3A_209] : memref<8x80xi32, #tpu.memory_space<vmem>> -> memref<1x80xi32, #tpu.memory_space<vmem>>
      %dma_start3A_211 = tpu.memref_squeeze %dma_start3A_210 : memref<1x80xi32, #tpu.memory_space<vmem>> -> memref<80xi32, #tpu.memory_space<vmem>>
      %dma_start3A_212 = arith.constant 0 : i32
      %dma_start3A_213 = arith.constant 0 : i32
      %dma_start3A_214 = tpu.memref_slice %arg7[%dma_start3A_212, %dma_start3A_213] : memref<10112x128xf32, #tpu.memory_space<vmem_shared>> -> memref<10112x128xf32, #tpu.memory_space<vmem_shared>>
      tpu.enqueue_indirect_dma source(%dma_start3A_204 : memref<80x128xf32, #tpu.memory_space<vmem>>) target(%dma_start3A_214 : memref<10112x128xf32, #tpu.memory_space<vmem_shared>>) offsets(%dma_start3A_211 : memref<80xi32, #tpu.memory_space<vmem>>) semaphore(%arg15 : memref<!tpu.dma_semaphore, #tpu.memory_space<semaphore_mem>>) {add = true}
      %ge3A = arith.constant 1 : i32
      %ge3A_215 = arith.cmpi sge, %add3A_183, %ge3A : i32
      %convert_element_type3A_216 = arith.extui %ge3A_215 : i1 to i32
      %cond3A_217 = arith.constant 0 : i32
      %cond3A_218 = arith.cmpi ne, %convert_element_type3A_216, %cond3A_217 : i32
      scf.if %cond3A_218 {
        %dma_wait3A_571 = arith.constant 3 : i32
        %dma_wait3A_572 = arith.constant 0 : i32
        %dma_wait3A_573 = arith.constant 0 : i32
        %dma_wait3A_574 = tpu.memref_slice %arg10[%dma_wait3A_571, %dma_wait3A_572, %dma_wait3A_573] : memref<4x80x128xf32, #tpu.memory_space<vmem>> -> memref<1x80x128xf32, #tpu.memory_space<vmem>>
        %dma_wait3A_575 = tpu.memref_squeeze %dma_wait3A_574 : memref<1x80x128xf32, #tpu.memory_space<vmem>> -> memref<80x128xf32, #tpu.memory_space<vmem>>
        %dma_wait3A_576 = arith.constant 0 : i32
        %dma_wait3A_577 = arith.constant 0 : i32
        %dma_wait3A_578 = tpu.memref_slice %arg2[%dma_wait3A_576, %dma_wait3A_577] : memref<10000x128xf32, #tpu.memory_space<hbm>> -> memref<80x128xf32, #tpu.memory_space<hbm>>
        %dma_wait3A_579 = arith.constant 0 : i32
        %dma_wait3A_580 = arith.constant 0 : i32
        %dma_wait3A_581 = tpu.memref_slice %arg10[%dma_wait3A_571, %dma_wait3A_579, %dma_wait3A_580] : memref<4x80x128xf32, #tpu.memory_space<vmem>> -> memref<1x80x128xf32, #tpu.memory_space<vmem>>
        %dma_wait3A_582 = tpu.memref_squeeze %dma_wait3A_581 : memref<1x80x128xf32, #tpu.memory_space<vmem>> -> memref<80x128xf32, #tpu.memory_space<vmem>>
        %dma_wait3A_583 = arith.constant 0 : i32
        %dma_wait3A_584 = arith.constant 0 : i32
        %dma_wait3A_585 = tpu.memref_slice %arg2[%dma_wait3A_583, %dma_wait3A_584] : memref<10000x128xf32, #tpu.memory_space<hbm>> -> memref<80x128xf32, #tpu.memory_space<hbm>>
        tpu.wait_dma2 semaphore(%arg18 : memref<!tpu.dma_semaphore, #tpu.memory_space<semaphore_mem>>) src(%dma_wait3A_585 : memref<80x128xf32, #tpu.memory_space<hbm>>) dst(%dma_wait3A_582 : memref<80x128xf32, #tpu.memory_space<vmem>>)
      } else {
      }
      %ge3A_219 = arith.constant 1 : i32
      %ge3A_220 = arith.cmpi sge, %scan3A_177, %ge3A_219 : i32
      %add3A_221 = arith.constant 1 : i32
      %add3A_222 = arith.addi %scan3A_177, %add3A_221 : i32
      %lt3A_223 = arith.constant 16 : i32
      %lt3A_224 = arith.cmpi slt, %add3A_222, %lt3A_223 : i32
      %and3A = arith.andi %ge3A_220, %lt3A_224 : i1
      %convert_element_type3A_225 = arith.extui %and3A : i1 to i32
      %cond3A_226 = arith.constant 0 : i32
      %cond3A_227 = arith.cmpi ne, %convert_element_type3A_225, %cond3A_226 : i32
      scf.if %cond3A_227 {
        %add3A_571 = arith.constant 1 : i32
        %add3A_572 = arith.addi %scan3A_177, %add3A_571 : i32
        %mul3A_573 = arith.constant 128 : i32
        %mul3A_574 = arith.muli %add3A, %mul3A_573 : i32
        %mul3A_575 = arith.constant 8 : i32
        %mul3A_576 = arith.muli %add3A_572, %mul3A_575 : i32
        %add3A_577 = arith.addi %mul3A_574, %mul3A_576 : i32
        %dma_start3A_578 = arith.constant 0 : i32
        %dma_start3A_579 = arith.constant 0 : i32
        %dma_start3A_580 = tpu.memref_slice %arg8[%sub3A_179, %dma_start3A_578, %dma_start3A_579] : memref<2x8x80xi32, #tpu.memory_space<vmem>> -> memref<1x8x80xi32, #tpu.memory_space<vmem>>
        %dma_start3A_581 = tpu.memref_squeeze %dma_start3A_580 : memref<1x8x80xi32, #tpu.memory_space<vmem>> -> memref<8x80xi32, #tpu.memory_space<vmem>>
        %dma_start3A_582 = arith.constant 0 : i32
        %dma_start3A_583 = tpu.memref_slice %arg3[%add3A_577, %dma_start3A_582] : memref<4096x80xi32, #tpu.memory_space<hbm>> -> memref<8x80xi32, #tpu.memory_space<hbm>>
        %dma_start3A_584 = arith.constant 0 : i32
        %dma_start3A_585 = arith.constant 0 : i32
        %dma_start3A_586 = tpu.memref_slice %arg8[%sub3A_179, %dma_start3A_584, %dma_start3A_585] : memref<2x8x80xi32, #tpu.memory_space<vmem>> -> memref<1x8x80xi32, #tpu.memory_space<vmem>>
        %dma_start3A_587 = tpu.memref_squeeze %dma_start3A_586 : memref<1x8x80xi32, #tpu.memory_space<vmem>> -> memref<8x80xi32, #tpu.memory_space<vmem>>
        %dma_start3A_588 = arith.constant 0 : i32
        %dma_start3A_589 = tpu.memref_slice %arg3[%add3A_577, %dma_start3A_588] : memref<4096x80xi32, #tpu.memory_space<hbm>> -> memref<8x80xi32, #tpu.memory_space<hbm>>
        tpu.enqueue_dma source(%dma_start3A_589 : memref<8x80xi32, #tpu.memory_space<hbm>>) target(%dma_start3A_587 : memref<8x80xi32, #tpu.memory_space<vmem>>) target_semaphore(%arg19 : memref<!tpu.dma_semaphore, #tpu.memory_space<semaphore_mem>>)
        %mul3A_590 = arith.constant 128 : i32
        %mul3A_591 = arith.muli %add3A, %mul3A_590 : i32
        %mul3A_592 = arith.constant 8 : i32
        %mul3A_593 = arith.muli %add3A_572, %mul3A_592 : i32
        %add3A_594 = arith.addi %mul3A_591, %mul3A_593 : i32
        %dma_start3A_595 = arith.constant 0 : i32
        %dma_start3A_596 = arith.constant 0 : i32
        %dma_start3A_597 = tpu.memref_slice %arg9[%sub3A_179, %dma_start3A_595, %dma_start3A_596] : memref<2x8x80xi32, #tpu.memory_space<vmem>> -> memref<1x8x80xi32, #tpu.memory_space<vmem>>
        %dma_start3A_598 = tpu.memref_squeeze %dma_start3A_597 : memref<1x8x80xi32, #tpu.memory_space<vmem>> -> memref<8x80xi32, #tpu.memory_space<vmem>>
        %dma_start3A_599 = arith.constant 0 : i32
        %dma_start3A_600 = tpu.memref_slice %arg4[%add3A_594, %dma_start3A_599] : memref<4096x80xi32, #tpu.memory_space<hbm>> -> memref<8x80xi32, #tpu.memory_space<hbm>>
        %dma_start3A_601 = arith.constant 0 : i32
        %dma_start3A_602 = arith.constant 0 : i32
        %dma_start3A_603 = tpu.memref_slice %arg9[%sub3A_179, %dma_start3A_601, %dma_start3A_602] : memref<2x8x80xi32, #tpu.memory_space<vmem>> -> memref<1x8x80xi32, #tpu.memory_space<vmem>>
        %dma_start3A_604 = tpu.memref_squeeze %dma_start3A_603 : memref<1x8x80xi32, #tpu.memory_space<vmem>> -> memref<8x80xi32, #tpu.memory_space<vmem>>
        %dma_start3A_605 = arith.constant 0 : i32
        %dma_start3A_606 = tpu.memref_slice %arg4[%add3A_594, %dma_start3A_605] : memref<4096x80xi32, #tpu.memory_space<hbm>> -> memref<8x80xi32, #tpu.memory_space<hbm>>
        tpu.enqueue_dma source(%dma_start3A_606 : memref<8x80xi32, #tpu.memory_space<hbm>>) target(%dma_start3A_604 : memref<8x80xi32, #tpu.memory_space<vmem>>) target_semaphore(%arg19 : memref<!tpu.dma_semaphore, #tpu.memory_space<semaphore_mem>>)
      } else {
      }
      %add3A_228 = arith.constant 3 : i32
      %add3A_229 = arith.addi %add3A_183, %add3A_228 : i32
      %lt3A_230 = arith.constant 128 : i32
      %lt3A_231 = arith.cmpi slt, %add3A_229, %lt3A_230 : i32
      %convert_element_type3A_232 = arith.extui %lt3A_231 : i1 to i32
      %cond3A_233 = arith.constant 0 : i32
      %cond3A_234 = arith.cmpi ne, %convert_element_type3A_232, %cond3A_233 : i32
      scf.if %cond3A_234 {
        %dma_start3A_571 = arith.constant 3 : i32
        %dma_start3A_572 = arith.constant 3 : i32
        %dma_start3A_573 = arith.constant 0 : i32
        %dma_start3A_574 = arith.constant 0 : i32
        %dma_start3A_575 = tpu.memref_slice %arg10[%dma_start3A_572, %dma_start3A_573, %dma_start3A_574] : memref<4x80x128xf32, #tpu.memory_space<vmem>> -> memref<1x80x128xf32, #tpu.memory_space<vmem>>
        %dma_start3A_576 = tpu.memref_squeeze %dma_start3A_575 : memref<1x80x128xf32, #tpu.memory_space<vmem>> -> memref<80x128xf32, #tpu.memory_space<vmem>>
        %dma_start3A_577 = arith.constant 0 : i32
        %dma_start3A_578 = arith.constant 0 : i32
        %dma_start3A_579 = tpu.memref_slice %arg8[%rem3A_178, %dma_start3A_577, %dma_start3A_578] : memref<2x8x80xi32, #tpu.memory_space<vmem>> -> memref<1x8x80xi32, #tpu.memory_space<vmem>>
        %dma_start3A_580 = tpu.memref_squeeze %dma_start3A_579 : memref<1x8x80xi32, #tpu.memory_space<vmem>> -> memref<8x80xi32, #tpu.memory_space<vmem>>
        %dma_start3A_581 = arith.constant 0 : i32
        %dma_start3A_582 = tpu.memref_slice %dma_start3A_580[%dma_start3A_571, %dma_start3A_581] : memref<8x80xi32, #tpu.memory_space<vmem>> -> memref<1x80xi32, #tpu.memory_space<vmem>>
        %dma_start3A_583 = tpu.memref_squeeze %dma_start3A_582 : memref<1x80xi32, #tpu.memory_space<vmem>> -> memref<80xi32, #tpu.memory_space<vmem>>
        %dma_start3A_584 = arith.constant 0 : i32
        %dma_start3A_585 = arith.constant 0 : i32
        %dma_start3A_586 = tpu.memref_slice %arg2[%dma_start3A_584, %dma_start3A_585] : memref<10000x128xf32, #tpu.memory_space<hbm>> -> memref<10000x128xf32, #tpu.memory_space<hbm>>
        tpu.enqueue_indirect_dma source(%dma_start3A_586 : memref<10000x128xf32, #tpu.memory_space<hbm>>) target(%dma_start3A_576 : memref<80x128xf32, #tpu.memory_space<vmem>>) offsets(%dma_start3A_583 : memref<80xi32, #tpu.memory_space<vmem>>) semaphore(%arg14 : memref<!tpu.dma_semaphore, #tpu.memory_space<semaphore_mem>>)
      } else {
      }
      %mul3A_235 = arith.constant 8 : i32
      %mul3A_236 = arith.muli %scan3A_177, %mul3A_235 : i32
      %add3A_237 = arith.constant 1 : i32
      %add3A_238 = arith.addi %mul3A_236, %add3A_237 : i32
      %dma_wait3A_239 = arith.constant 1 : i32
      %dma_wait3A_240 = arith.constant 0 : i32
      %dma_wait3A_241 = arith.constant 0 : i32
      %dma_wait3A_242 = tpu.memref_slice %arg10[%dma_wait3A_239, %dma_wait3A_240, %dma_wait3A_241] : memref<4x80x128xf32, #tpu.memory_space<vmem>> -> memref<1x80x128xf32, #tpu.memory_space<vmem>>
      %dma_wait3A_243 = tpu.memref_squeeze %dma_wait3A_242 : memref<1x80x128xf32, #tpu.memory_space<vmem>> -> memref<80x128xf32, #tpu.memory_space<vmem>>
      %dma_wait3A_244 = arith.constant 0 : i32
      %dma_wait3A_245 = arith.constant 0 : i32
      %dma_wait3A_246 = tpu.memref_slice %arg2[%dma_wait3A_244, %dma_wait3A_245] : memref<10000x128xf32, #tpu.memory_space<hbm>> -> memref<80x128xf32, #tpu.memory_space<hbm>>
      %dma_wait3A_247 = arith.constant 0 : i32
      %dma_wait3A_248 = arith.constant 0 : i32
      %dma_wait3A_249 = tpu.memref_slice %arg10[%dma_wait3A_239, %dma_wait3A_247, %dma_wait3A_248] : memref<4x80x128xf32, #tpu.memory_space<vmem>> -> memref<1x80x128xf32, #tpu.memory_space<vmem>>
      %dma_wait3A_250 = tpu.memref_squeeze %dma_wait3A_249 : memref<1x80x128xf32, #tpu.memory_space<vmem>> -> memref<80x128xf32, #tpu.memory_space<vmem>>
      %dma_wait3A_251 = arith.constant 0 : i32
      %dma_wait3A_252 = arith.constant 0 : i32
      %dma_wait3A_253 = tpu.memref_slice %arg2[%dma_wait3A_251, %dma_wait3A_252] : memref<10000x128xf32, #tpu.memory_space<hbm>> -> memref<80x128xf32, #tpu.memory_space<hbm>>
      tpu.wait_dma2 semaphore(%arg12 : memref<!tpu.dma_semaphore, #tpu.memory_space<semaphore_mem>>) src(%dma_wait3A_253 : memref<80x128xf32, #tpu.memory_space<hbm>>) dst(%dma_wait3A_250 : memref<80x128xf32, #tpu.memory_space<vmem>>)
      %dma_start3A_254 = arith.constant 1 : i32
      %dma_start3A_255 = arith.constant 1 : i32
      %dma_start3A_256 = arith.constant 0 : i32
      %dma_start3A_257 = arith.constant 0 : i32
      %dma_start3A_258 = tpu.memref_slice %arg10[%dma_start3A_254, %dma_start3A_256, %dma_start3A_257] : memref<4x80x128xf32, #tpu.memory_space<vmem>> -> memref<1x80x128xf32, #tpu.memory_space<vmem>>
      %dma_start3A_259 = tpu.memref_squeeze %dma_start3A_258 : memref<1x80x128xf32, #tpu.memory_space<vmem>> -> memref<80x128xf32, #tpu.memory_space<vmem>>
      %dma_start3A_260 = arith.constant 0 : i32
      %dma_start3A_261 = arith.constant 0 : i32
      %dma_start3A_262 = tpu.memref_slice %arg9[%rem3A_178, %dma_start3A_260, %dma_start3A_261] : memref<2x8x80xi32, #tpu.memory_space<vmem>> -> memref<1x8x80xi32, #tpu.memory_space<vmem>>
      %dma_start3A_263 = tpu.memref_squeeze %dma_start3A_262 : memref<1x8x80xi32, #tpu.memory_space<vmem>> -> memref<8x80xi32, #tpu.memory_space<vmem>>
      %dma_start3A_264 = arith.constant 0 : i32
      %dma_start3A_265 = tpu.memref_slice %dma_start3A_263[%dma_start3A_255, %dma_start3A_264] : memref<8x80xi32, #tpu.memory_space<vmem>> -> memref<1x80xi32, #tpu.memory_space<vmem>>
      %dma_start3A_266 = tpu.memref_squeeze %dma_start3A_265 : memref<1x80xi32, #tpu.memory_space<vmem>> -> memref<80xi32, #tpu.memory_space<vmem>>
      %dma_start3A_267 = arith.constant 0 : i32
      %dma_start3A_268 = arith.constant 0 : i32
      %dma_start3A_269 = tpu.memref_slice %arg7[%dma_start3A_267, %dma_start3A_268] : memref<10112x128xf32, #tpu.memory_space<vmem_shared>> -> memref<10112x128xf32, #tpu.memory_space<vmem_shared>>
      tpu.enqueue_indirect_dma source(%dma_start3A_259 : memref<80x128xf32, #tpu.memory_space<vmem>>) target(%dma_start3A_269 : memref<10112x128xf32, #tpu.memory_space<vmem_shared>>) offsets(%dma_start3A_266 : memref<80xi32, #tpu.memory_space<vmem>>) semaphore(%arg16 : memref<!tpu.dma_semaphore, #tpu.memory_space<semaphore_mem>>) {add = true}
      %ge3A_270 = arith.constant 1 : i32
      %ge3A_271 = arith.cmpi sge, %add3A_238, %ge3A_270 : i32
      %convert_element_type3A_272 = arith.extui %ge3A_271 : i1 to i32
      %cond3A_273 = arith.constant 0 : i32
      %cond3A_274 = arith.cmpi ne, %convert_element_type3A_272, %cond3A_273 : i32
      scf.if %cond3A_274 {
        %dma_wait3A_571 = arith.constant 0 : i32
        %dma_wait3A_572 = arith.constant 0 : i32
        %dma_wait3A_573 = arith.constant 0 : i32
        %dma_wait3A_574 = tpu.memref_slice %arg10[%dma_wait3A_571, %dma_wait3A_572, %dma_wait3A_573] : memref<4x80x128xf32, #tpu.memory_space<vmem>> -> memref<1x80x128xf32, #tpu.memory_space<vmem>>
        %dma_wait3A_575 = tpu.memref_squeeze %dma_wait3A_574 : memref<1x80x128xf32, #tpu.memory_space<vmem>> -> memref<80x128xf32, #tpu.memory_space<vmem>>
        %dma_wait3A_576 = arith.constant 0 : i32
        %dma_wait3A_577 = arith.constant 0 : i32
        %dma_wait3A_578 = tpu.memref_slice %arg2[%dma_wait3A_576, %dma_wait3A_577] : memref<10000x128xf32, #tpu.memory_space<hbm>> -> memref<80x128xf32, #tpu.memory_space<hbm>>
        %dma_wait3A_579 = arith.constant 0 : i32
        %dma_wait3A_580 = arith.constant 0 : i32
        %dma_wait3A_581 = tpu.memref_slice %arg10[%dma_wait3A_571, %dma_wait3A_579, %dma_wait3A_580] : memref<4x80x128xf32, #tpu.memory_space<vmem>> -> memref<1x80x128xf32, #tpu.memory_space<vmem>>
        %dma_wait3A_582 = tpu.memref_squeeze %dma_wait3A_581 : memref<1x80x128xf32, #tpu.memory_space<vmem>> -> memref<80x128xf32, #tpu.memory_space<vmem>>
        %dma_wait3A_583 = arith.constant 0 : i32
        %dma_wait3A_584 = arith.constant 0 : i32
        %dma_wait3A_585 = tpu.memref_slice %arg2[%dma_wait3A_583, %dma_wait3A_584] : memref<10000x128xf32, #tpu.memory_space<hbm>> -> memref<80x128xf32, #tpu.memory_space<hbm>>
        tpu.wait_dma2 semaphore(%arg15 : memref<!tpu.dma_semaphore, #tpu.memory_space<semaphore_mem>>) src(%dma_wait3A_585 : memref<80x128xf32, #tpu.memory_space<hbm>>) dst(%dma_wait3A_582 : memref<80x128xf32, #tpu.memory_space<vmem>>)
      } else {
      }
      %add3A_275 = arith.constant 3 : i32
      %add3A_276 = arith.addi %add3A_238, %add3A_275 : i32
      %lt3A_277 = arith.constant 128 : i32
      %lt3A_278 = arith.cmpi slt, %add3A_276, %lt3A_277 : i32
      %convert_element_type3A_279 = arith.extui %lt3A_278 : i1 to i32
      %cond3A_280 = arith.constant 0 : i32
      %cond3A_281 = arith.cmpi ne, %convert_element_type3A_279, %cond3A_280 : i32
      scf.if %cond3A_281 {
        %dma_start3A_571 = arith.constant 4 : i32
        %dma_start3A_572 = arith.constant 0 : i32
        %dma_start3A_573 = arith.constant 0 : i32
        %dma_start3A_574 = arith.constant 0 : i32
        %dma_start3A_575 = tpu.memref_slice %arg10[%dma_start3A_572, %dma_start3A_573, %dma_start3A_574] : memref<4x80x128xf32, #tpu.memory_space<vmem>> -> memref<1x80x128xf32, #tpu.memory_space<vmem>>
        %dma_start3A_576 = tpu.memref_squeeze %dma_start3A_575 : memref<1x80x128xf32, #tpu.memory_space<vmem>> -> memref<80x128xf32, #tpu.memory_space<vmem>>
        %dma_start3A_577 = arith.constant 0 : i32
        %dma_start3A_578 = arith.constant 0 : i32
        %dma_start3A_579 = tpu.memref_slice %arg8[%rem3A_178, %dma_start3A_577, %dma_start3A_578] : memref<2x8x80xi32, #tpu.memory_space<vmem>> -> memref<1x8x80xi32, #tpu.memory_space<vmem>>
        %dma_start3A_580 = tpu.memref_squeeze %dma_start3A_579 : memref<1x8x80xi32, #tpu.memory_space<vmem>> -> memref<8x80xi32, #tpu.memory_space<vmem>>
        %dma_start3A_581 = arith.constant 0 : i32
        %dma_start3A_582 = tpu.memref_slice %dma_start3A_580[%dma_start3A_571, %dma_start3A_581] : memref<8x80xi32, #tpu.memory_space<vmem>> -> memref<1x80xi32, #tpu.memory_space<vmem>>
        %dma_start3A_583 = tpu.memref_squeeze %dma_start3A_582 : memref<1x80xi32, #tpu.memory_space<vmem>> -> memref<80xi32, #tpu.memory_space<vmem>>
        %dma_start3A_584 = arith.constant 0 : i32
        %dma_start3A_585 = arith.constant 0 : i32
        %dma_start3A_586 = tpu.memref_slice %arg2[%dma_start3A_584, %dma_start3A_585] : memref<10000x128xf32, #tpu.memory_space<hbm>> -> memref<10000x128xf32, #tpu.memory_space<hbm>>
        tpu.enqueue_indirect_dma source(%dma_start3A_586 : memref<10000x128xf32, #tpu.memory_space<hbm>>) target(%dma_start3A_576 : memref<80x128xf32, #tpu.memory_space<vmem>>) offsets(%dma_start3A_583 : memref<80xi32, #tpu.memory_space<vmem>>) semaphore(%arg11 : memref<!tpu.dma_semaphore, #tpu.memory_space<semaphore_mem>>)
      } else {
      }
      %mul3A_282 = arith.constant 8 : i32
      %mul3A_283 = arith.muli %scan3A_177, %mul3A_282 : i32
      %add3A_284 = arith.constant 2 : i32
      %add3A_285 = arith.addi %mul3A_283, %add3A_284 : i32
      %dma_wait3A_286 = arith.constant 2 : i32
      %dma_wait3A_287 = arith.constant 0 : i32
      %dma_wait3A_288 = arith.constant 0 : i32
      %dma_wait3A_289 = tpu.memref_slice %arg10[%dma_wait3A_286, %dma_wait3A_287, %dma_wait3A_288] : memref<4x80x128xf32, #tpu.memory_space<vmem>> -> memref<1x80x128xf32, #tpu.memory_space<vmem>>
      %dma_wait3A_290 = tpu.memref_squeeze %dma_wait3A_289 : memref<1x80x128xf32, #tpu.memory_space<vmem>> -> memref<80x128xf32, #tpu.memory_space<vmem>>
      %dma_wait3A_291 = arith.constant 0 : i32
      %dma_wait3A_292 = arith.constant 0 : i32
      %dma_wait3A_293 = tpu.memref_slice %arg2[%dma_wait3A_291, %dma_wait3A_292] : memref<10000x128xf32, #tpu.memory_space<hbm>> -> memref<80x128xf32, #tpu.memory_space<hbm>>
      %dma_wait3A_294 = arith.constant 0 : i32
      %dma_wait3A_295 = arith.constant 0 : i32
      %dma_wait3A_296 = tpu.memref_slice %arg10[%dma_wait3A_286, %dma_wait3A_294, %dma_wait3A_295] : memref<4x80x128xf32, #tpu.memory_space<vmem>> -> memref<1x80x128xf32, #tpu.memory_space<vmem>>
      %dma_wait3A_297 = tpu.memref_squeeze %dma_wait3A_296 : memref<1x80x128xf32, #tpu.memory_space<vmem>> -> memref<80x128xf32, #tpu.memory_space<vmem>>
      %dma_wait3A_298 = arith.constant 0 : i32
      %dma_wait3A_299 = arith.constant 0 : i32
      %dma_wait3A_300 = tpu.memref_slice %arg2[%dma_wait3A_298, %dma_wait3A_299] : memref<10000x128xf32, #tpu.memory_space<hbm>> -> memref<80x128xf32, #tpu.memory_space<hbm>>
      tpu.wait_dma2 semaphore(%arg13 : memref<!tpu.dma_semaphore, #tpu.memory_space<semaphore_mem>>) src(%dma_wait3A_300 : memref<80x128xf32, #tpu.memory_space<hbm>>) dst(%dma_wait3A_297 : memref<80x128xf32, #tpu.memory_space<vmem>>)
      %dma_start3A_301 = arith.constant 2 : i32
      %dma_start3A_302 = arith.constant 2 : i32
      %dma_start3A_303 = arith.constant 0 : i32
      %dma_start3A_304 = arith.constant 0 : i32
      %dma_start3A_305 = tpu.memref_slice %arg10[%dma_start3A_301, %dma_start3A_303, %dma_start3A_304] : memref<4x80x128xf32, #tpu.memory_space<vmem>> -> memref<1x80x128xf32, #tpu.memory_space<vmem>>
      %dma_start3A_306 = tpu.memref_squeeze %dma_start3A_305 : memref<1x80x128xf32, #tpu.memory_space<vmem>> -> memref<80x128xf32, #tpu.memory_space<vmem>>
      %dma_start3A_307 = arith.constant 0 : i32
      %dma_start3A_308 = arith.constant 0 : i32
      %dma_start3A_309 = tpu.memref_slice %arg9[%rem3A_178, %dma_start3A_307, %dma_start3A_308] : memref<2x8x80xi32, #tpu.memory_space<vmem>> -> memref<1x8x80xi32, #tpu.memory_space<vmem>>
      %dma_start3A_310 = tpu.memref_squeeze %dma_start3A_309 : memref<1x8x80xi32, #tpu.memory_space<vmem>> -> memref<8x80xi32, #tpu.memory_space<vmem>>
      %dma_start3A_311 = arith.constant 0 : i32
      %dma_start3A_312 = tpu.memref_slice %dma_start3A_310[%dma_start3A_302, %dma_start3A_311] : memref<8x80xi32, #tpu.memory_space<vmem>> -> memref<1x80xi32, #tpu.memory_space<vmem>>
      %dma_start3A_313 = tpu.memref_squeeze %dma_start3A_312 : memref<1x80xi32, #tpu.memory_space<vmem>> -> memref<80xi32, #tpu.memory_space<vmem>>
      %dma_start3A_314 = arith.constant 0 : i32
      %dma_start3A_315 = arith.constant 0 : i32
      %dma_start3A_316 = tpu.memref_slice %arg7[%dma_start3A_314, %dma_start3A_315] : memref<10112x128xf32, #tpu.memory_space<vmem_shared>> -> memref<10112x128xf32, #tpu.memory_space<vmem_shared>>
      tpu.enqueue_indirect_dma source(%dma_start3A_306 : memref<80x128xf32, #tpu.memory_space<vmem>>) target(%dma_start3A_316 : memref<10112x128xf32, #tpu.memory_space<vmem_shared>>) offsets(%dma_start3A_313 : memref<80xi32, #tpu.memory_space<vmem>>) semaphore(%arg17 : memref<!tpu.dma_semaphore, #tpu.memory_space<semaphore_mem>>) {add = true}
      %ge3A_317 = arith.constant 1 : i32
      %ge3A_318 = arith.cmpi sge, %add3A_285, %ge3A_317 : i32
      %convert_element_type3A_319 = arith.extui %ge3A_318 : i1 to i32
      %cond3A_320 = arith.constant 0 : i32
      %cond3A_321 = arith.cmpi ne, %convert_element_type3A_319, %cond3A_320 : i32
      scf.if %cond3A_321 {
        %dma_wait3A_571 = arith.constant 1 : i32
        %dma_wait3A_572 = arith.constant 0 : i32
        %dma_wait3A_573 = arith.constant 0 : i32
        %dma_wait3A_574 = tpu.memref_slice %arg10[%dma_wait3A_571, %dma_wait3A_572, %dma_wait3A_573] : memref<4x80x128xf32, #tpu.memory_space<vmem>> -> memref<1x80x128xf32, #tpu.memory_space<vmem>>
        %dma_wait3A_575 = tpu.memref_squeeze %dma_wait3A_574 : memref<1x80x128xf32, #tpu.memory_space<vmem>> -> memref<80x128xf32, #tpu.memory_space<vmem>>
        %dma_wait3A_576 = arith.constant 0 : i32
        %dma_wait3A_577 = arith.constant 0 : i32
        %dma_wait3A_578 = tpu.memref_slice %arg2[%dma_wait3A_576, %dma_wait3A_577] : memref<10000x128xf32, #tpu.memory_space<hbm>> -> memref<80x128xf32, #tpu.memory_space<hbm>>
        %dma_wait3A_579 = arith.constant 0 : i32
        %dma_wait3A_580 = arith.constant 0 : i32
        %dma_wait3A_581 = tpu.memref_slice %arg10[%dma_wait3A_571, %dma_wait3A_579, %dma_wait3A_580] : memref<4x80x128xf32, #tpu.memory_space<vmem>> -> memref<1x80x128xf32, #tpu.memory_space<vmem>>
        %dma_wait3A_582 = tpu.memref_squeeze %dma_wait3A_581 : memref<1x80x128xf32, #tpu.memory_space<vmem>> -> memref<80x128xf32, #tpu.memory_space<vmem>>
        %dma_wait3A_583 = arith.constant 0 : i32
        %dma_wait3A_584 = arith.constant 0 : i32
        %dma_wait3A_585 = tpu.memref_slice %arg2[%dma_wait3A_583, %dma_wait3A_584] : memref<10000x128xf32, #tpu.memory_space<hbm>> -> memref<80x128xf32, #tpu.memory_space<hbm>>
        tpu.wait_dma2 semaphore(%arg16 : memref<!tpu.dma_semaphore, #tpu.memory_space<semaphore_mem>>) src(%dma_wait3A_585 : memref<80x128xf32, #tpu.memory_space<hbm>>) dst(%dma_wait3A_582 : memref<80x128xf32, #tpu.memory_space<vmem>>)
      } else {
      }
      %add3A_322 = arith.constant 3 : i32
      %add3A_323 = arith.addi %add3A_285, %add3A_322 : i32
      %lt3A_324 = arith.constant 128 : i32
      %lt3A_325 = arith.cmpi slt, %add3A_323, %lt3A_324 : i32
      %convert_element_type3A_326 = arith.extui %lt3A_325 : i1 to i32
      %cond3A_327 = arith.constant 0 : i32
      %cond3A_328 = arith.cmpi ne, %convert_element_type3A_326, %cond3A_327 : i32
      scf.if %cond3A_328 {
        %dma_start3A_571 = arith.constant 5 : i32
        %dma_start3A_572 = arith.constant 1 : i32
        %dma_start3A_573 = arith.constant 0 : i32
        %dma_start3A_574 = arith.constant 0 : i32
        %dma_start3A_575 = tpu.memref_slice %arg10[%dma_start3A_572, %dma_start3A_573, %dma_start3A_574] : memref<4x80x128xf32, #tpu.memory_space<vmem>> -> memref<1x80x128xf32, #tpu.memory_space<vmem>>
        %dma_start3A_576 = tpu.memref_squeeze %dma_start3A_575 : memref<1x80x128xf32, #tpu.memory_space<vmem>> -> memref<80x128xf32, #tpu.memory_space<vmem>>
        %dma_start3A_577 = arith.constant 0 : i32
        %dma_start3A_578 = arith.constant 0 : i32
        %dma_start3A_579 = tpu.memref_slice %arg8[%rem3A_178, %dma_start3A_577, %dma_start3A_578] : memref<2x8x80xi32, #tpu.memory_space<vmem>> -> memref<1x8x80xi32, #tpu.memory_space<vmem>>
        %dma_start3A_580 = tpu.memref_squeeze %dma_start3A_579 : memref<1x8x80xi32, #tpu.memory_space<vmem>> -> memref<8x80xi32, #tpu.memory_space<vmem>>
        %dma_start3A_581 = arith.constant 0 : i32
        %dma_start3A_582 = tpu.memref_slice %dma_start3A_580[%dma_start3A_571, %dma_start3A_581] : memref<8x80xi32, #tpu.memory_space<vmem>> -> memref<1x80xi32, #tpu.memory_space<vmem>>
        %dma_start3A_583 = tpu.memref_squeeze %dma_start3A_582 : memref<1x80xi32, #tpu.memory_space<vmem>> -> memref<80xi32, #tpu.memory_space<vmem>>
        %dma_start3A_584 = arith.constant 0 : i32
        %dma_start3A_585 = arith.constant 0 : i32
        %dma_start3A_586 = tpu.memref_slice %arg2[%dma_start3A_584, %dma_start3A_585] : memref<10000x128xf32, #tpu.memory_space<hbm>> -> memref<10000x128xf32, #tpu.memory_space<hbm>>
        tpu.enqueue_indirect_dma source(%dma_start3A_586 : memref<10000x128xf32, #tpu.memory_space<hbm>>) target(%dma_start3A_576 : memref<80x128xf32, #tpu.memory_space<vmem>>) offsets(%dma_start3A_583 : memref<80xi32, #tpu.memory_space<vmem>>) semaphore(%arg12 : memref<!tpu.dma_semaphore, #tpu.memory_space<semaphore_mem>>)
      } else {
      }
      %mul3A_329 = arith.constant 8 : i32
      %mul3A_330 = arith.muli %scan3A_177, %mul3A_329 : i32
      %add3A_331 = arith.constant 3 : i32
      %add3A_332 = arith.addi %mul3A_330, %add3A_331 : i32
      %dma_wait3A_333 = arith.constant 3 : i32
      %dma_wait3A_334 = arith.constant 0 : i32
      %dma_wait3A_335 = arith.constant 0 : i32
      %dma_wait3A_336 = tpu.memref_slice %arg10[%dma_wait3A_333, %dma_wait3A_334, %dma_wait3A_335] : memref<4x80x128xf32, #tpu.memory_space<vmem>> -> memref<1x80x128xf32, #tpu.memory_space<vmem>>
      %dma_wait3A_337 = tpu.memref_squeeze %dma_wait3A_336 : memref<1x80x128xf32, #tpu.memory_space<vmem>> -> memref<80x128xf32, #tpu.memory_space<vmem>>
      %dma_wait3A_338 = arith.constant 0 : i32
      %dma_wait3A_339 = arith.constant 0 : i32
      %dma_wait3A_340 = tpu.memref_slice %arg2[%dma_wait3A_338, %dma_wait3A_339] : memref<10000x128xf32, #tpu.memory_space<hbm>> -> memref<80x128xf32, #tpu.memory_space<hbm>>
      %dma_wait3A_341 = arith.constant 0 : i32
      %dma_wait3A_342 = arith.constant 0 : i32
      %dma_wait3A_343 = tpu.memref_slice %arg10[%dma_wait3A_333, %dma_wait3A_341, %dma_wait3A_342] : memref<4x80x128xf32, #tpu.memory_space<vmem>> -> memref<1x80x128xf32, #tpu.memory_space<vmem>>
      %dma_wait3A_344 = tpu.memref_squeeze %dma_wait3A_343 : memref<1x80x128xf32, #tpu.memory_space<vmem>> -> memref<80x128xf32, #tpu.memory_space<vmem>>
      %dma_wait3A_345 = arith.constant 0 : i32
      %dma_wait3A_346 = arith.constant 0 : i32
      %dma_wait3A_347 = tpu.memref_slice %arg2[%dma_wait3A_345, %dma_wait3A_346] : memref<10000x128xf32, #tpu.memory_space<hbm>> -> memref<80x128xf32, #tpu.memory_space<hbm>>
      tpu.wait_dma2 semaphore(%arg14 : memref<!tpu.dma_semaphore, #tpu.memory_space<semaphore_mem>>) src(%dma_wait3A_347 : memref<80x128xf32, #tpu.memory_space<hbm>>) dst(%dma_wait3A_344 : memref<80x128xf32, #tpu.memory_space<vmem>>)
      %dma_start3A_348 = arith.constant 3 : i32
      %dma_start3A_349 = arith.constant 3 : i32
      %dma_start3A_350 = arith.constant 0 : i32
      %dma_start3A_351 = arith.constant 0 : i32
      %dma_start3A_352 = tpu.memref_slice %arg10[%dma_start3A_348, %dma_start3A_350, %dma_start3A_351] : memref<4x80x128xf32, #tpu.memory_space<vmem>> -> memref<1x80x128xf32, #tpu.memory_space<vmem>>
      %dma_start3A_353 = tpu.memref_squeeze %dma_start3A_352 : memref<1x80x128xf32, #tpu.memory_space<vmem>> -> memref<80x128xf32, #tpu.memory_space<vmem>>
      %dma_start3A_354 = arith.constant 0 : i32
      %dma_start3A_355 = arith.constant 0 : i32
      %dma_start3A_356 = tpu.memref_slice %arg9[%rem3A_178, %dma_start3A_354, %dma_start3A_355] : memref<2x8x80xi32, #tpu.memory_space<vmem>> -> memref<1x8x80xi32, #tpu.memory_space<vmem>>
      %dma_start3A_357 = tpu.memref_squeeze %dma_start3A_356 : memref<1x8x80xi32, #tpu.memory_space<vmem>> -> memref<8x80xi32, #tpu.memory_space<vmem>>
      %dma_start3A_358 = arith.constant 0 : i32
      %dma_start3A_359 = tpu.memref_slice %dma_start3A_357[%dma_start3A_349, %dma_start3A_358] : memref<8x80xi32, #tpu.memory_space<vmem>> -> memref<1x80xi32, #tpu.memory_space<vmem>>
      %dma_start3A_360 = tpu.memref_squeeze %dma_start3A_359 : memref<1x80xi32, #tpu.memory_space<vmem>> -> memref<80xi32, #tpu.memory_space<vmem>>
      %dma_start3A_361 = arith.constant 0 : i32
      %dma_start3A_362 = arith.constant 0 : i32
      %dma_start3A_363 = tpu.memref_slice %arg7[%dma_start3A_361, %dma_start3A_362] : memref<10112x128xf32, #tpu.memory_space<vmem_shared>> -> memref<10112x128xf32, #tpu.memory_space<vmem_shared>>
      tpu.enqueue_indirect_dma source(%dma_start3A_353 : memref<80x128xf32, #tpu.memory_space<vmem>>) target(%dma_start3A_363 : memref<10112x128xf32, #tpu.memory_space<vmem_shared>>) offsets(%dma_start3A_360 : memref<80xi32, #tpu.memory_space<vmem>>) semaphore(%arg18 : memref<!tpu.dma_semaphore, #tpu.memory_space<semaphore_mem>>) {add = true}
      %ge3A_364 = arith.constant 1 : i32
      %ge3A_365 = arith.cmpi sge, %add3A_332, %ge3A_364 : i32
      %convert_element_type3A_366 = arith.extui %ge3A_365 : i1 to i32
      %cond3A_367 = arith.constant 0 : i32
      %cond3A_368 = arith.cmpi ne, %convert_element_type3A_366, %cond3A_367 : i32
      scf.if %cond3A_368 {
        %dma_wait3A_571 = arith.constant 2 : i32
        %dma_wait3A_572 = arith.constant 0 : i32
        %dma_wait3A_573 = arith.constant 0 : i32
        %dma_wait3A_574 = tpu.memref_slice %arg10[%dma_wait3A_571, %dma_wait3A_572, %dma_wait3A_573] : memref<4x80x128xf32, #tpu.memory_space<vmem>> -> memref<1x80x128xf32, #tpu.memory_space<vmem>>
        %dma_wait3A_575 = tpu.memref_squeeze %dma_wait3A_574 : memref<1x80x128xf32, #tpu.memory_space<vmem>> -> memref<80x128xf32, #tpu.memory_space<vmem>>
        %dma_wait3A_576 = arith.constant 0 : i32
        %dma_wait3A_577 = arith.constant 0 : i32
        %dma_wait3A_578 = tpu.memref_slice %arg2[%dma_wait3A_576, %dma_wait3A_577] : memref<10000x128xf32, #tpu.memory_space<hbm>> -> memref<80x128xf32, #tpu.memory_space<hbm>>
        %dma_wait3A_579 = arith.constant 0 : i32
        %dma_wait3A_580 = arith.constant 0 : i32
        %dma_wait3A_581 = tpu.memref_slice %arg10[%dma_wait3A_571, %dma_wait3A_579, %dma_wait3A_580] : memref<4x80x128xf32, #tpu.memory_space<vmem>> -> memref<1x80x128xf32, #tpu.memory_space<vmem>>
        %dma_wait3A_582 = tpu.memref_squeeze %dma_wait3A_581 : memref<1x80x128xf32, #tpu.memory_space<vmem>> -> memref<80x128xf32, #tpu.memory_space<vmem>>
        %dma_wait3A_583 = arith.constant 0 : i32
        %dma_wait3A_584 = arith.constant 0 : i32
        %dma_wait3A_585 = tpu.memref_slice %arg2[%dma_wait3A_583, %dma_wait3A_584] : memref<10000x128xf32, #tpu.memory_space<hbm>> -> memref<80x128xf32, #tpu.memory_space<hbm>>
        tpu.wait_dma2 semaphore(%arg17 : memref<!tpu.dma_semaphore, #tpu.memory_space<semaphore_mem>>) src(%dma_wait3A_585 : memref<80x128xf32, #tpu.memory_space<hbm>>) dst(%dma_wait3A_582 : memref<80x128xf32, #tpu.memory_space<vmem>>)
      } else {
      }
      %add3A_369 = arith.constant 3 : i32
      %add3A_370 = arith.addi %add3A_332, %add3A_369 : i32
      %lt3A_371 = arith.constant 128 : i32
      %lt3A_372 = arith.cmpi slt, %add3A_370, %lt3A_371 : i32
      %convert_element_type3A_373 = arith.extui %lt3A_372 : i1 to i32
      %cond3A_374 = arith.constant 0 : i32
      %cond3A_375 = arith.cmpi ne, %convert_element_type3A_373, %cond3A_374 : i32
      scf.if %cond3A_375 {
        %dma_start3A_571 = arith.constant 6 : i32
        %dma_start3A_572 = arith.constant 2 : i32
        %dma_start3A_573 = arith.constant 0 : i32
        %dma_start3A_574 = arith.constant 0 : i32
        %dma_start3A_575 = tpu.memref_slice %arg10[%dma_start3A_572, %dma_start3A_573, %dma_start3A_574] : memref<4x80x128xf32, #tpu.memory_space<vmem>> -> memref<1x80x128xf32, #tpu.memory_space<vmem>>
        %dma_start3A_576 = tpu.memref_squeeze %dma_start3A_575 : memref<1x80x128xf32, #tpu.memory_space<vmem>> -> memref<80x128xf32, #tpu.memory_space<vmem>>
        %dma_start3A_577 = arith.constant 0 : i32
        %dma_start3A_578 = arith.constant 0 : i32
        %dma_start3A_579 = tpu.memref_slice %arg8[%rem3A_178, %dma_start3A_577, %dma_start3A_578] : memref<2x8x80xi32, #tpu.memory_space<vmem>> -> memref<1x8x80xi32, #tpu.memory_space<vmem>>
        %dma_start3A_580 = tpu.memref_squeeze %dma_start3A_579 : memref<1x8x80xi32, #tpu.memory_space<vmem>> -> memref<8x80xi32, #tpu.memory_space<vmem>>
        %dma_start3A_581 = arith.constant 0 : i32
        %dma_start3A_582 = tpu.memref_slice %dma_start3A_580[%dma_start3A_571, %dma_start3A_581] : memref<8x80xi32, #tpu.memory_space<vmem>> -> memref<1x80xi32, #tpu.memory_space<vmem>>
        %dma_start3A_583 = tpu.memref_squeeze %dma_start3A_582 : memref<1x80xi32, #tpu.memory_space<vmem>> -> memref<80xi32, #tpu.memory_space<vmem>>
        %dma_start3A_584 = arith.constant 0 : i32
        %dma_start3A_585 = arith.constant 0 : i32
        %dma_start3A_586 = tpu.memref_slice %arg2[%dma_start3A_584, %dma_start3A_585] : memref<10000x128xf32, #tpu.memory_space<hbm>> -> memref<10000x128xf32, #tpu.memory_space<hbm>>
        tpu.enqueue_indirect_dma source(%dma_start3A_586 : memref<10000x128xf32, #tpu.memory_space<hbm>>) target(%dma_start3A_576 : memref<80x128xf32, #tpu.memory_space<vmem>>) offsets(%dma_start3A_583 : memref<80xi32, #tpu.memory_space<vmem>>) semaphore(%arg13 : memref<!tpu.dma_semaphore, #tpu.memory_space<semaphore_mem>>)
      } else {
      }
      %mul3A_376 = arith.constant 8 : i32
      %mul3A_377 = arith.muli %scan3A_177, %mul3A_376 : i32
      %add3A_378 = arith.constant 4 : i32
      %add3A_379 = arith.addi %mul3A_377, %add3A_378 : i32
      %dma_wait3A_380 = arith.constant 0 : i32
      %dma_wait3A_381 = arith.constant 0 : i32
      %dma_wait3A_382 = arith.constant 0 : i32
      %dma_wait3A_383 = tpu.memref_slice %arg10[%dma_wait3A_380, %dma_wait3A_381, %dma_wait3A_382] : memref<4x80x128xf32, #tpu.memory_space<vmem>> -> memref<1x80x128xf32, #tpu.memory_space<vmem>>
      %dma_wait3A_384 = tpu.memref_squeeze %dma_wait3A_383 : memref<1x80x128xf32, #tpu.memory_space<vmem>> -> memref<80x128xf32, #tpu.memory_space<vmem>>
      %dma_wait3A_385 = arith.constant 0 : i32
      %dma_wait3A_386 = arith.constant 0 : i32
      %dma_wait3A_387 = tpu.memref_slice %arg2[%dma_wait3A_385, %dma_wait3A_386] : memref<10000x128xf32, #tpu.memory_space<hbm>> -> memref<80x128xf32, #tpu.memory_space<hbm>>
      %dma_wait3A_388 = arith.constant 0 : i32
      %dma_wait3A_389 = arith.constant 0 : i32
      %dma_wait3A_390 = tpu.memref_slice %arg10[%dma_wait3A_380, %dma_wait3A_388, %dma_wait3A_389] : memref<4x80x128xf32, #tpu.memory_space<vmem>> -> memref<1x80x128xf32, #tpu.memory_space<vmem>>
      %dma_wait3A_391 = tpu.memref_squeeze %dma_wait3A_390 : memref<1x80x128xf32, #tpu.memory_space<vmem>> -> memref<80x128xf32, #tpu.memory_space<vmem>>
      %dma_wait3A_392 = arith.constant 0 : i32
      %dma_wait3A_393 = arith.constant 0 : i32
      %dma_wait3A_394 = tpu.memref_slice %arg2[%dma_wait3A_392, %dma_wait3A_393] : memref<10000x128xf32, #tpu.memory_space<hbm>> -> memref<80x128xf32, #tpu.memory_space<hbm>>
      tpu.wait_dma2 semaphore(%arg11 : memref<!tpu.dma_semaphore, #tpu.memory_space<semaphore_mem>>) src(%dma_wait3A_394 : memref<80x128xf32, #tpu.memory_space<hbm>>) dst(%dma_wait3A_391 : memref<80x128xf32, #tpu.memory_space<vmem>>)
      %dma_start3A_395 = arith.constant 0 : i32
      %dma_start3A_396 = arith.constant 4 : i32
      %dma_start3A_397 = arith.constant 0 : i32
      %dma_start3A_398 = arith.constant 0 : i32
      %dma_start3A_399 = tpu.memref_slice %arg10[%dma_start3A_395, %dma_start3A_397, %dma_start3A_398] : memref<4x80x128xf32, #tpu.memory_space<vmem>> -> memref<1x80x128xf32, #tpu.memory_space<vmem>>
      %dma_start3A_400 = tpu.memref_squeeze %dma_start3A_399 : memref<1x80x128xf32, #tpu.memory_space<vmem>> -> memref<80x128xf32, #tpu.memory_space<vmem>>
      %dma_start3A_401 = arith.constant 0 : i32
      %dma_start3A_402 = arith.constant 0 : i32
      %dma_start3A_403 = tpu.memref_slice %arg9[%rem3A_178, %dma_start3A_401, %dma_start3A_402] : memref<2x8x80xi32, #tpu.memory_space<vmem>> -> memref<1x8x80xi32, #tpu.memory_space<vmem>>
      %dma_start3A_404 = tpu.memref_squeeze %dma_start3A_403 : memref<1x8x80xi32, #tpu.memory_space<vmem>> -> memref<8x80xi32, #tpu.memory_space<vmem>>
      %dma_start3A_405 = arith.constant 0 : i32
      %dma_start3A_406 = tpu.memref_slice %dma_start3A_404[%dma_start3A_396, %dma_start3A_405] : memref<8x80xi32, #tpu.memory_space<vmem>> -> memref<1x80xi32, #tpu.memory_space<vmem>>
      %dma_start3A_407 = tpu.memref_squeeze %dma_start3A_406 : memref<1x80xi32, #tpu.memory_space<vmem>> -> memref<80xi32, #tpu.memory_space<vmem>>
      %dma_start3A_408 = arith.constant 0 : i32
      %dma_start3A_409 = arith.constant 0 : i32
      %dma_start3A_410 = tpu.memref_slice %arg7[%dma_start3A_408, %dma_start3A_409] : memref<10112x128xf32, #tpu.memory_space<vmem_shared>> -> memref<10112x128xf32, #tpu.memory_space<vmem_shared>>
      tpu.enqueue_indirect_dma source(%dma_start3A_400 : memref<80x128xf32, #tpu.memory_space<vmem>>) target(%dma_start3A_410 : memref<10112x128xf32, #tpu.memory_space<vmem_shared>>) offsets(%dma_start3A_407 : memref<80xi32, #tpu.memory_space<vmem>>) semaphore(%arg15 : memref<!tpu.dma_semaphore, #tpu.memory_space<semaphore_mem>>) {add = true}
      %ge3A_411 = arith.constant 1 : i32
      %ge3A_412 = arith.cmpi sge, %add3A_379, %ge3A_411 : i32
      %convert_element_type3A_413 = arith.extui %ge3A_412 : i1 to i32
      %cond3A_414 = arith.constant 0 : i32
      %cond3A_415 = arith.cmpi ne, %convert_element_type3A_413, %cond3A_414 : i32
      scf.if %cond3A_415 {
        %dma_wait3A_571 = arith.constant 3 : i32
        %dma_wait3A_572 = arith.constant 0 : i32
        %dma_wait3A_573 = arith.constant 0 : i32
        %dma_wait3A_574 = tpu.memref_slice %arg10[%dma_wait3A_571, %dma_wait3A_572, %dma_wait3A_573] : memref<4x80x128xf32, #tpu.memory_space<vmem>> -> memref<1x80x128xf32, #tpu.memory_space<vmem>>
        %dma_wait3A_575 = tpu.memref_squeeze %dma_wait3A_574 : memref<1x80x128xf32, #tpu.memory_space<vmem>> -> memref<80x128xf32, #tpu.memory_space<vmem>>
        %dma_wait3A_576 = arith.constant 0 : i32
        %dma_wait3A_577 = arith.constant 0 : i32
        %dma_wait3A_578 = tpu.memref_slice %arg2[%dma_wait3A_576, %dma_wait3A_577] : memref<10000x128xf32, #tpu.memory_space<hbm>> -> memref<80x128xf32, #tpu.memory_space<hbm>>
        %dma_wait3A_579 = arith.constant 0 : i32
        %dma_wait3A_580 = arith.constant 0 : i32
        %dma_wait3A_581 = tpu.memref_slice %arg10[%dma_wait3A_571, %dma_wait3A_579, %dma_wait3A_580] : memref<4x80x128xf32, #tpu.memory_space<vmem>> -> memref<1x80x128xf32, #tpu.memory_space<vmem>>
        %dma_wait3A_582 = tpu.memref_squeeze %dma_wait3A_581 : memref<1x80x128xf32, #tpu.memory_space<vmem>> -> memref<80x128xf32, #tpu.memory_space<vmem>>
        %dma_wait3A_583 = arith.constant 0 : i32
        %dma_wait3A_584 = arith.constant 0 : i32
        %dma_wait3A_585 = tpu.memref_slice %arg2[%dma_wait3A_583, %dma_wait3A_584] : memref<10000x128xf32, #tpu.memory_space<hbm>> -> memref<80x128xf32, #tpu.memory_space<hbm>>
        tpu.wait_dma2 semaphore(%arg18 : memref<!tpu.dma_semaphore, #tpu.memory_space<semaphore_mem>>) src(%dma_wait3A_585 : memref<80x128xf32, #tpu.memory_space<hbm>>) dst(%dma_wait3A_582 : memref<80x128xf32, #tpu.memory_space<vmem>>)
      } else {
      }
      %add3A_416 = arith.constant 3 : i32
      %add3A_417 = arith.addi %add3A_379, %add3A_416 : i32
      %lt3A_418 = arith.constant 128 : i32
      %lt3A_419 = arith.cmpi slt, %add3A_417, %lt3A_418 : i32
      %convert_element_type3A_420 = arith.extui %lt3A_419 : i1 to i32
      %cond3A_421 = arith.constant 0 : i32
      %cond3A_422 = arith.cmpi ne, %convert_element_type3A_420, %cond3A_421 : i32
      scf.if %cond3A_422 {
        %dma_start3A_571 = arith.constant 7 : i32
        %dma_start3A_572 = arith.constant 3 : i32
        %dma_start3A_573 = arith.constant 0 : i32
        %dma_start3A_574 = arith.constant 0 : i32
        %dma_start3A_575 = tpu.memref_slice %arg10[%dma_start3A_572, %dma_start3A_573, %dma_start3A_574] : memref<4x80x128xf32, #tpu.memory_space<vmem>> -> memref<1x80x128xf32, #tpu.memory_space<vmem>>
        %dma_start3A_576 = tpu.memref_squeeze %dma_start3A_575 : memref<1x80x128xf32, #tpu.memory_space<vmem>> -> memref<80x128xf32, #tpu.memory_space<vmem>>
        %dma_start3A_577 = arith.constant 0 : i32
        %dma_start3A_578 = arith.constant 0 : i32
        %dma_start3A_579 = tpu.memref_slice %arg8[%rem3A_178, %dma_start3A_577, %dma_start3A_578] : memref<2x8x80xi32, #tpu.memory_space<vmem>> -> memref<1x8x80xi32, #tpu.memory_space<vmem>>
        %dma_start3A_580 = tpu.memref_squeeze %dma_start3A_579 : memref<1x8x80xi32, #tpu.memory_space<vmem>> -> memref<8x80xi32, #tpu.memory_space<vmem>>
        %dma_start3A_581 = arith.constant 0 : i32
        %dma_start3A_582 = tpu.memref_slice %dma_start3A_580[%dma_start3A_571, %dma_start3A_581] : memref<8x80xi32, #tpu.memory_space<vmem>> -> memref<1x80xi32, #tpu.memory_space<vmem>>
        %dma_start3A_583 = tpu.memref_squeeze %dma_start3A_582 : memref<1x80xi32, #tpu.memory_space<vmem>> -> memref<80xi32, #tpu.memory_space<vmem>>
        %dma_start3A_584 = arith.constant 0 : i32
        %dma_start3A_585 = arith.constant 0 : i32
        %dma_start3A_586 = tpu.memref_slice %arg2[%dma_start3A_584, %dma_start3A_585] : memref<10000x128xf32, #tpu.memory_space<hbm>> -> memref<10000x128xf32, #tpu.memory_space<hbm>>
        tpu.enqueue_indirect_dma source(%dma_start3A_586 : memref<10000x128xf32, #tpu.memory_space<hbm>>) target(%dma_start3A_576 : memref<80x128xf32, #tpu.memory_space<vmem>>) offsets(%dma_start3A_583 : memref<80xi32, #tpu.memory_space<vmem>>) semaphore(%arg14 : memref<!tpu.dma_semaphore, #tpu.memory_space<semaphore_mem>>)
      } else {
      }
      %mul3A_423 = arith.constant 8 : i32
      %mul3A_424 = arith.muli %scan3A_177, %mul3A_423 : i32
      %add3A_425 = arith.constant 5 : i32
      %add3A_426 = arith.addi %mul3A_424, %add3A_425 : i32
      %dma_wait3A_427 = arith.constant 1 : i32
      %dma_wait3A_428 = arith.constant 0 : i32
      %dma_wait3A_429 = arith.constant 0 : i32
      %dma_wait3A_430 = tpu.memref_slice %arg10[%dma_wait3A_427, %dma_wait3A_428, %dma_wait3A_429] : memref<4x80x128xf32, #tpu.memory_space<vmem>> -> memref<1x80x128xf32, #tpu.memory_space<vmem>>
      %dma_wait3A_431 = tpu.memref_squeeze %dma_wait3A_430 : memref<1x80x128xf32, #tpu.memory_space<vmem>> -> memref<80x128xf32, #tpu.memory_space<vmem>>
      %dma_wait3A_432 = arith.constant 0 : i32
      %dma_wait3A_433 = arith.constant 0 : i32
      %dma_wait3A_434 = tpu.memref_slice %arg2[%dma_wait3A_432, %dma_wait3A_433] : memref<10000x128xf32, #tpu.memory_space<hbm>> -> memref<80x128xf32, #tpu.memory_space<hbm>>
      %dma_wait3A_435 = arith.constant 0 : i32
      %dma_wait3A_436 = arith.constant 0 : i32
      %dma_wait3A_437 = tpu.memref_slice %arg10[%dma_wait3A_427, %dma_wait3A_435, %dma_wait3A_436] : memref<4x80x128xf32, #tpu.memory_space<vmem>> -> memref<1x80x128xf32, #tpu.memory_space<vmem>>
      %dma_wait3A_438 = tpu.memref_squeeze %dma_wait3A_437 : memref<1x80x128xf32, #tpu.memory_space<vmem>> -> memref<80x128xf32, #tpu.memory_space<vmem>>
      %dma_wait3A_439 = arith.constant 0 : i32
      %dma_wait3A_440 = arith.constant 0 : i32
      %dma_wait3A_441 = tpu.memref_slice %arg2[%dma_wait3A_439, %dma_wait3A_440] : memref<10000x128xf32, #tpu.memory_space<hbm>> -> memref<80x128xf32, #tpu.memory_space<hbm>>
      tpu.wait_dma2 semaphore(%arg12 : memref<!tpu.dma_semaphore, #tpu.memory_space<semaphore_mem>>) src(%dma_wait3A_441 : memref<80x128xf32, #tpu.memory_space<hbm>>) dst(%dma_wait3A_438 : memref<80x128xf32, #tpu.memory_space<vmem>>)
      %dma_start3A_442 = arith.constant 1 : i32
      %dma_start3A_443 = arith.constant 5 : i32
      %dma_start3A_444 = arith.constant 0 : i32
      %dma_start3A_445 = arith.constant 0 : i32
      %dma_start3A_446 = tpu.memref_slice %arg10[%dma_start3A_442, %dma_start3A_444, %dma_start3A_445] : memref<4x80x128xf32, #tpu.memory_space<vmem>> -> memref<1x80x128xf32, #tpu.memory_space<vmem>>
      %dma_start3A_447 = tpu.memref_squeeze %dma_start3A_446 : memref<1x80x128xf32, #tpu.memory_space<vmem>> -> memref<80x128xf32, #tpu.memory_space<vmem>>
      %dma_start3A_448 = arith.constant 0 : i32
      %dma_start3A_449 = arith.constant 0 : i32
      %dma_start3A_450 = tpu.memref_slice %arg9[%rem3A_178, %dma_start3A_448, %dma_start3A_449] : memref<2x8x80xi32, #tpu.memory_space<vmem>> -> memref<1x8x80xi32, #tpu.memory_space<vmem>>
      %dma_start3A_451 = tpu.memref_squeeze %dma_start3A_450 : memref<1x8x80xi32, #tpu.memory_space<vmem>> -> memref<8x80xi32, #tpu.memory_space<vmem>>
      %dma_start3A_452 = arith.constant 0 : i32
      %dma_start3A_453 = tpu.memref_slice %dma_start3A_451[%dma_start3A_443, %dma_start3A_452] : memref<8x80xi32, #tpu.memory_space<vmem>> -> memref<1x80xi32, #tpu.memory_space<vmem>>
      %dma_start3A_454 = tpu.memref_squeeze %dma_start3A_453 : memref<1x80xi32, #tpu.memory_space<vmem>> -> memref<80xi32, #tpu.memory_space<vmem>>
      %dma_start3A_455 = arith.constant 0 : i32
      %dma_start3A_456 = arith.constant 0 : i32
      %dma_start3A_457 = tpu.memref_slice %arg7[%dma_start3A_455, %dma_start3A_456] : memref<10112x128xf32, #tpu.memory_space<vmem_shared>> -> memref<10112x128xf32, #tpu.memory_space<vmem_shared>>
      tpu.enqueue_indirect_dma source(%dma_start3A_447 : memref<80x128xf32, #tpu.memory_space<vmem>>) target(%dma_start3A_457 : memref<10112x128xf32, #tpu.memory_space<vmem_shared>>) offsets(%dma_start3A_454 : memref<80xi32, #tpu.memory_space<vmem>>) semaphore(%arg16 : memref<!tpu.dma_semaphore, #tpu.memory_space<semaphore_mem>>) {add = true}
      %ge3A_458 = arith.constant 1 : i32
      %ge3A_459 = arith.cmpi sge, %add3A_426, %ge3A_458 : i32
      %convert_element_type3A_460 = arith.extui %ge3A_459 : i1 to i32
      %cond3A_461 = arith.constant 0 : i32
      %cond3A_462 = arith.cmpi ne, %convert_element_type3A_460, %cond3A_461 : i32
      scf.if %cond3A_462 {
        %dma_wait3A_571 = arith.constant 0 : i32
        %dma_wait3A_572 = arith.constant 0 : i32
        %dma_wait3A_573 = arith.constant 0 : i32
        %dma_wait3A_574 = tpu.memref_slice %arg10[%dma_wait3A_571, %dma_wait3A_572, %dma_wait3A_573] : memref<4x80x128xf32, #tpu.memory_space<vmem>> -> memref<1x80x128xf32, #tpu.memory_space<vmem>>
        %dma_wait3A_575 = tpu.memref_squeeze %dma_wait3A_574 : memref<1x80x128xf32, #tpu.memory_space<vmem>> -> memref<80x128xf32, #tpu.memory_space<vmem>>
        %dma_wait3A_576 = arith.constant 0 : i32
        %dma_wait3A_577 = arith.constant 0 : i32
        %dma_wait3A_578 = tpu.memref_slice %arg2[%dma_wait3A_576, %dma_wait3A_577] : memref<10000x128xf32, #tpu.memory_space<hbm>> -> memref<80x128xf32, #tpu.memory_space<hbm>>
        %dma_wait3A_579 = arith.constant 0 : i32
        %dma_wait3A_580 = arith.constant 0 : i32
        %dma_wait3A_581 = tpu.memref_slice %arg10[%dma_wait3A_571, %dma_wait3A_579, %dma_wait3A_580] : memref<4x80x128xf32, #tpu.memory_space<vmem>> -> memref<1x80x128xf32, #tpu.memory_space<vmem>>
        %dma_wait3A_582 = tpu.memref_squeeze %dma_wait3A_581 : memref<1x80x128xf32, #tpu.memory_space<vmem>> -> memref<80x128xf32, #tpu.memory_space<vmem>>
        %dma_wait3A_583 = arith.constant 0 : i32
        %dma_wait3A_584 = arith.constant 0 : i32
        %dma_wait3A_585 = tpu.memref_slice %arg2[%dma_wait3A_583, %dma_wait3A_584] : memref<10000x128xf32, #tpu.memory_space<hbm>> -> memref<80x128xf32, #tpu.memory_space<hbm>>
        tpu.wait_dma2 semaphore(%arg15 : memref<!tpu.dma_semaphore, #tpu.memory_space<semaphore_mem>>) src(%dma_wait3A_585 : memref<80x128xf32, #tpu.memory_space<hbm>>) dst(%dma_wait3A_582 : memref<80x128xf32, #tpu.memory_space<vmem>>)
      } else {
      }
      %add3A_463 = arith.constant 1 : i32
      %add3A_464 = arith.addi %scan3A_177, %add3A_463 : i32
      %lt3A_465 = arith.constant 16 : i32
      %lt3A_466 = arith.cmpi slt, %add3A_464, %lt3A_465 : i32
      %convert_element_type3A_467 = arith.extui %lt3A_466 : i1 to i32
      %cond3A_468 = arith.constant 0 : i32
      %cond3A_469 = arith.cmpi ne, %convert_element_type3A_467, %cond3A_468 : i32
      scf.if %cond3A_469 {
        %dma_wait3A_571 = arith.constant 0 : i32
        %dma_wait3A_572 = arith.constant 0 : i32
        %dma_wait3A_573 = tpu.memref_slice %arg8[%sub3A_179, %dma_wait3A_571, %dma_wait3A_572] : memref<2x8x80xi32, #tpu.memory_space<vmem>> -> memref<1x8x80xi32, #tpu.memory_space<vmem>>
        %dma_wait3A_574 = tpu.memref_squeeze %dma_wait3A_573 : memref<1x8x80xi32, #tpu.memory_space<vmem>> -> memref<8x80xi32, #tpu.memory_space<vmem>>
        %dma_wait3A_575 = arith.constant 0 : i32
        %dma_wait3A_576 = arith.constant 0 : i32
        %dma_wait3A_577 = tpu.memref_slice %arg3[%dma_wait3A_575, %dma_wait3A_576] : memref<4096x80xi32, #tpu.memory_space<hbm>> -> memref<8x80xi32, #tpu.memory_space<hbm>>
        %dma_wait3A_578 = arith.constant 0 : i32
        %dma_wait3A_579 = arith.constant 0 : i32
        %dma_wait3A_580 = tpu.memref_slice %arg8[%sub3A_179, %dma_wait3A_578, %dma_wait3A_579] : memref<2x8x80xi32, #tpu.memory_space<vmem>> -> memref<1x8x80xi32, #tpu.memory_space<vmem>>
        %dma_wait3A_581 = tpu.memref_squeeze %dma_wait3A_580 : memref<1x8x80xi32, #tpu.memory_space<vmem>> -> memref<8x80xi32, #tpu.memory_space<vmem>>
        %dma_wait3A_582 = arith.constant 0 : i32
        %dma_wait3A_583 = arith.constant 0 : i32
        %dma_wait3A_584 = tpu.memref_slice %arg3[%dma_wait3A_582, %dma_wait3A_583] : memref<4096x80xi32, #tpu.memory_space<hbm>> -> memref<8x80xi32, #tpu.memory_space<hbm>>
        tpu.wait_dma2 semaphore(%arg19 : memref<!tpu.dma_semaphore, #tpu.memory_space<semaphore_mem>>) src(%dma_wait3A_584 : memref<8x80xi32, #tpu.memory_space<hbm>>) dst(%dma_wait3A_581 : memref<8x80xi32, #tpu.memory_space<vmem>>)
        %dma_wait3A_585 = arith.constant 0 : i32
        %dma_wait3A_586 = arith.constant 0 : i32
        %dma_wait3A_587 = tpu.memref_slice %arg9[%sub3A_179, %dma_wait3A_585, %dma_wait3A_586] : memref<2x8x80xi32, #tpu.memory_space<vmem>> -> memref<1x8x80xi32, #tpu.memory_space<vmem>>
        %dma_wait3A_588 = tpu.memref_squeeze %dma_wait3A_587 : memref<1x8x80xi32, #tpu.memory_space<vmem>> -> memref<8x80xi32, #tpu.memory_space<vmem>>
        %dma_wait3A_589 = arith.constant 0 : i32
        %dma_wait3A_590 = arith.constant 0 : i32
        %dma_wait3A_591 = tpu.memref_slice %arg4[%dma_wait3A_589, %dma_wait3A_590] : memref<4096x80xi32, #tpu.memory_space<hbm>> -> memref<8x80xi32, #tpu.memory_space<hbm>>
        %dma_wait3A_592 = arith.constant 0 : i32
        %dma_wait3A_593 = arith.constant 0 : i32
        %dma_wait3A_594 = tpu.memref_slice %arg9[%sub3A_179, %dma_wait3A_592, %dma_wait3A_593] : memref<2x8x80xi32, #tpu.memory_space<vmem>> -> memref<1x8x80xi32, #tpu.memory_space<vmem>>
        %dma_wait3A_595 = tpu.memref_squeeze %dma_wait3A_594 : memref<1x8x80xi32, #tpu.memory_space<vmem>> -> memref<8x80xi32, #tpu.memory_space<vmem>>
        %dma_wait3A_596 = arith.constant 0 : i32
        %dma_wait3A_597 = arith.constant 0 : i32
        %dma_wait3A_598 = tpu.memref_slice %arg4[%dma_wait3A_596, %dma_wait3A_597] : memref<4096x80xi32, #tpu.memory_space<hbm>> -> memref<8x80xi32, #tpu.memory_space<hbm>>
        tpu.wait_dma2 semaphore(%arg19 : memref<!tpu.dma_semaphore, #tpu.memory_space<semaphore_mem>>) src(%dma_wait3A_598 : memref<8x80xi32, #tpu.memory_space<hbm>>) dst(%dma_wait3A_595 : memref<8x80xi32, #tpu.memory_space<vmem>>)
      } else {
      }
      %add3A_470 = arith.constant 3 : i32
      %add3A_471 = arith.addi %add3A_426, %add3A_470 : i32
      %lt3A_472 = arith.constant 128 : i32
      %lt3A_473 = arith.cmpi slt, %add3A_471, %lt3A_472 : i32
      %convert_element_type3A_474 = arith.extui %lt3A_473 : i1 to i32
      %cond3A_475 = arith.constant 0 : i32
      %cond3A_476 = arith.cmpi ne, %convert_element_type3A_474, %cond3A_475 : i32
      scf.if %cond3A_476 {
        %dma_start3A_571 = arith.constant 0 : i32
        %dma_start3A_572 = arith.constant 0 : i32
        %dma_start3A_573 = arith.constant 0 : i32
        %dma_start3A_574 = arith.constant 0 : i32
        %dma_start3A_575 = tpu.memref_slice %arg10[%dma_start3A_572, %dma_start3A_573, %dma_start3A_574] : memref<4x80x128xf32, #tpu.memory_space<vmem>> -> memref<1x80x128xf32, #tpu.memory_space<vmem>>
        %dma_start3A_576 = tpu.memref_squeeze %dma_start3A_575 : memref<1x80x128xf32, #tpu.memory_space<vmem>> -> memref<80x128xf32, #tpu.memory_space<vmem>>
        %dma_start3A_577 = arith.constant 0 : i32
        %dma_start3A_578 = arith.constant 0 : i32
        %dma_start3A_579 = tpu.memref_slice %arg8[%sub3A_179, %dma_start3A_577, %dma_start3A_578] : memref<2x8x80xi32, #tpu.memory_space<vmem>> -> memref<1x8x80xi32, #tpu.memory_space<vmem>>
        %dma_start3A_580 = tpu.memref_squeeze %dma_start3A_579 : memref<1x8x80xi32, #tpu.memory_space<vmem>> -> memref<8x80xi32, #tpu.memory_space<vmem>>
        %dma_start3A_581 = arith.constant 0 : i32
        %dma_start3A_582 = tpu.memref_slice %dma_start3A_580[%dma_start3A_571, %dma_start3A_581] : memref<8x80xi32, #tpu.memory_space<vmem>> -> memref<1x80xi32, #tpu.memory_space<vmem>>
        %dma_start3A_583 = tpu.memref_squeeze %dma_start3A_582 : memref<1x80xi32, #tpu.memory_space<vmem>> -> memref<80xi32, #tpu.memory_space<vmem>>
        %dma_start3A_584 = arith.constant 0 : i32
        %dma_start3A_585 = arith.constant 0 : i32
        %dma_start3A_586 = tpu.memref_slice %arg2[%dma_start3A_584, %dma_start3A_585] : memref<10000x128xf32, #tpu.memory_space<hbm>> -> memref<10000x128xf32, #tpu.memory_space<hbm>>
        tpu.enqueue_indirect_dma source(%dma_start3A_586 : memref<10000x128xf32, #tpu.memory_space<hbm>>) target(%dma_start3A_576 : memref<80x128xf32, #tpu.memory_space<vmem>>) offsets(%dma_start3A_583 : memref<80xi32, #tpu.memory_space<vmem>>) semaphore(%arg11 : memref<!tpu.dma_semaphore, #tpu.memory_space<semaphore_mem>>)
      } else {
      }
      %mul3A_477 = arith.constant 8 : i32
      %mul3A_478 = arith.muli %scan3A_177, %mul3A_477 : i32
      %add3A_479 = arith.constant 6 : i32
      %add3A_480 = arith.addi %mul3A_478, %add3A_479 : i32
      %dma_wait3A_481 = arith.constant 2 : i32
      %dma_wait3A_482 = arith.constant 0 : i32
      %dma_wait3A_483 = arith.constant 0 : i32
      %dma_wait3A_484 = tpu.memref_slice %arg10[%dma_wait3A_481, %dma_wait3A_482, %dma_wait3A_483] : memref<4x80x128xf32, #tpu.memory_space<vmem>> -> memref<1x80x128xf32, #tpu.memory_space<vmem>>
      %dma_wait3A_485 = tpu.memref_squeeze %dma_wait3A_484 : memref<1x80x128xf32, #tpu.memory_space<vmem>> -> memref<80x128xf32, #tpu.memory_space<vmem>>
      %dma_wait3A_486 = arith.constant 0 : i32
      %dma_wait3A_487 = arith.constant 0 : i32
      %dma_wait3A_488 = tpu.memref_slice %arg2[%dma_wait3A_486, %dma_wait3A_487] : memref<10000x128xf32, #tpu.memory_space<hbm>> -> memref<80x128xf32, #tpu.memory_space<hbm>>
      %dma_wait3A_489 = arith.constant 0 : i32
      %dma_wait3A_490 = arith.constant 0 : i32
      %dma_wait3A_491 = tpu.memref_slice %arg10[%dma_wait3A_481, %dma_wait3A_489, %dma_wait3A_490] : memref<4x80x128xf32, #tpu.memory_space<vmem>> -> memref<1x80x128xf32, #tpu.memory_space<vmem>>
      %dma_wait3A_492 = tpu.memref_squeeze %dma_wait3A_491 : memref<1x80x128xf32, #tpu.memory_space<vmem>> -> memref<80x128xf32, #tpu.memory_space<vmem>>
      %dma_wait3A_493 = arith.constant 0 : i32
      %dma_wait3A_494 = arith.constant 0 : i32
      %dma_wait3A_495 = tpu.memref_slice %arg2[%dma_wait3A_493, %dma_wait3A_494] : memref<10000x128xf32, #tpu.memory_space<hbm>> -> memref<80x128xf32, #tpu.memory_space<hbm>>
      tpu.wait_dma2 semaphore(%arg13 : memref<!tpu.dma_semaphore, #tpu.memory_space<semaphore_mem>>) src(%dma_wait3A_495 : memref<80x128xf32, #tpu.memory_space<hbm>>) dst(%dma_wait3A_492 : memref<80x128xf32, #tpu.memory_space<vmem>>)
      %dma_start3A_496 = arith.constant 2 : i32
      %dma_start3A_497 = arith.constant 6 : i32
      %dma_start3A_498 = arith.constant 0 : i32
      %dma_start3A_499 = arith.constant 0 : i32
      %dma_start3A_500 = tpu.memref_slice %arg10[%dma_start3A_496, %dma_start3A_498, %dma_start3A_499] : memref<4x80x128xf32, #tpu.memory_space<vmem>> -> memref<1x80x128xf32, #tpu.memory_space<vmem>>
      %dma_start3A_501 = tpu.memref_squeeze %dma_start3A_500 : memref<1x80x128xf32, #tpu.memory_space<vmem>> -> memref<80x128xf32, #tpu.memory_space<vmem>>
      %dma_start3A_502 = arith.constant 0 : i32
      %dma_start3A_503 = arith.constant 0 : i32
      %dma_start3A_504 = tpu.memref_slice %arg9[%rem3A_178, %dma_start3A_502, %dma_start3A_503] : memref<2x8x80xi32, #tpu.memory_space<vmem>> -> memref<1x8x80xi32, #tpu.memory_space<vmem>>
      %dma_start3A_505 = tpu.memref_squeeze %dma_start3A_504 : memref<1x8x80xi32, #tpu.memory_space<vmem>> -> memref<8x80xi32, #tpu.memory_space<vmem>>
      %dma_start3A_506 = arith.constant 0 : i32
      %dma_start3A_507 = tpu.memref_slice %dma_start3A_505[%dma_start3A_497, %dma_start3A_506] : memref<8x80xi32, #tpu.memory_space<vmem>> -> memref<1x80xi32, #tpu.memory_space<vmem>>
      %dma_start3A_508 = tpu.memref_squeeze %dma_start3A_507 : memref<1x80xi32, #tpu.memory_space<vmem>> -> memref<80xi32, #tpu.memory_space<vmem>>
      %dma_start3A_509 = arith.constant 0 : i32
      %dma_start3A_510 = arith.constant 0 : i32
      %dma_start3A_511 = tpu.memref_slice %arg7[%dma_start3A_509, %dma_start3A_510] : memref<10112x128xf32, #tpu.memory_space<vmem_shared>> -> memref<10112x128xf32, #tpu.memory_space<vmem_shared>>
      tpu.enqueue_indirect_dma source(%dma_start3A_501 : memref<80x128xf32, #tpu.memory_space<vmem>>) target(%dma_start3A_511 : memref<10112x128xf32, #tpu.memory_space<vmem_shared>>) offsets(%dma_start3A_508 : memref<80xi32, #tpu.memory_space<vmem>>) semaphore(%arg17 : memref<!tpu.dma_semaphore, #tpu.memory_space<semaphore_mem>>) {add = true}
      %ge3A_512 = arith.constant 1 : i32
      %ge3A_513 = arith.cmpi sge, %add3A_480, %ge3A_512 : i32
      %convert_element_type3A_514 = arith.extui %ge3A_513 : i1 to i32
      %cond3A_515 = arith.constant 0 : i32
      %cond3A_516 = arith.cmpi ne, %convert_element_type3A_514, %cond3A_515 : i32
      scf.if %cond3A_516 {
        %dma_wait3A_571 = arith.constant 1 : i32
        %dma_wait3A_572 = arith.constant 0 : i32
        %dma_wait3A_573 = arith.constant 0 : i32
        %dma_wait3A_574 = tpu.memref_slice %arg10[%dma_wait3A_571, %dma_wait3A_572, %dma_wait3A_573] : memref<4x80x128xf32, #tpu.memory_space<vmem>> -> memref<1x80x128xf32, #tpu.memory_space<vmem>>
        %dma_wait3A_575 = tpu.memref_squeeze %dma_wait3A_574 : memref<1x80x128xf32, #tpu.memory_space<vmem>> -> memref<80x128xf32, #tpu.memory_space<vmem>>
        %dma_wait3A_576 = arith.constant 0 : i32
        %dma_wait3A_577 = arith.constant 0 : i32
        %dma_wait3A_578 = tpu.memref_slice %arg2[%dma_wait3A_576, %dma_wait3A_577] : memref<10000x128xf32, #tpu.memory_space<hbm>> -> memref<80x128xf32, #tpu.memory_space<hbm>>
        %dma_wait3A_579 = arith.constant 0 : i32
        %dma_wait3A_580 = arith.constant 0 : i32
        %dma_wait3A_581 = tpu.memref_slice %arg10[%dma_wait3A_571, %dma_wait3A_579, %dma_wait3A_580] : memref<4x80x128xf32, #tpu.memory_space<vmem>> -> memref<1x80x128xf32, #tpu.memory_space<vmem>>
        %dma_wait3A_582 = tpu.memref_squeeze %dma_wait3A_581 : memref<1x80x128xf32, #tpu.memory_space<vmem>> -> memref<80x128xf32, #tpu.memory_space<vmem>>
        %dma_wait3A_583 = arith.constant 0 : i32
        %dma_wait3A_584 = arith.constant 0 : i32
        %dma_wait3A_585 = tpu.memref_slice %arg2[%dma_wait3A_583, %dma_wait3A_584] : memref<10000x128xf32, #tpu.memory_space<hbm>> -> memref<80x128xf32, #tpu.memory_space<hbm>>
        tpu.wait_dma2 semaphore(%arg16 : memref<!tpu.dma_semaphore, #tpu.memory_space<semaphore_mem>>) src(%dma_wait3A_585 : memref<80x128xf32, #tpu.memory_space<hbm>>) dst(%dma_wait3A_582 : memref<80x128xf32, #tpu.memory_space<vmem>>)
      } else {
      }
      %add3A_517 = arith.constant 3 : i32
      %add3A_518 = arith.addi %add3A_480, %add3A_517 : i32
      %lt3A_519 = arith.constant 128 : i32
      %lt3A_520 = arith.cmpi slt, %add3A_518, %lt3A_519 : i32
      %convert_element_type3A_521 = arith.extui %lt3A_520 : i1 to i32
      %cond3A_522 = arith.constant 0 : i32
      %cond3A_523 = arith.cmpi ne, %convert_element_type3A_521, %cond3A_522 : i32
      scf.if %cond3A_523 {
        %dma_start3A_571 = arith.constant 1 : i32
        %dma_start3A_572 = arith.constant 1 : i32
        %dma_start3A_573 = arith.constant 0 : i32
        %dma_start3A_574 = arith.constant 0 : i32
        %dma_start3A_575 = tpu.memref_slice %arg10[%dma_start3A_572, %dma_start3A_573, %dma_start3A_574] : memref<4x80x128xf32, #tpu.memory_space<vmem>> -> memref<1x80x128xf32, #tpu.memory_space<vmem>>
        %dma_start3A_576 = tpu.memref_squeeze %dma_start3A_575 : memref<1x80x128xf32, #tpu.memory_space<vmem>> -> memref<80x128xf32, #tpu.memory_space<vmem>>
        %dma_start3A_577 = arith.constant 0 : i32
        %dma_start3A_578 = arith.constant 0 : i32
        %dma_start3A_579 = tpu.memref_slice %arg8[%sub3A_179, %dma_start3A_577, %dma_start3A_578] : memref<2x8x80xi32, #tpu.memory_space<vmem>> -> memref<1x8x80xi32, #tpu.memory_space<vmem>>
        %dma_start3A_580 = tpu.memref_squeeze %dma_start3A_579 : memref<1x8x80xi32, #tpu.memory_space<vmem>> -> memref<8x80xi32, #tpu.memory_space<vmem>>
        %dma_start3A_581 = arith.constant 0 : i32
        %dma_start3A_582 = tpu.memref_slice %dma_start3A_580[%dma_start3A_571, %dma_start3A_581] : memref<8x80xi32, #tpu.memory_space<vmem>> -> memref<1x80xi32, #tpu.memory_space<vmem>>
        %dma_start3A_583 = tpu.memref_squeeze %dma_start3A_582 : memref<1x80xi32, #tpu.memory_space<vmem>> -> memref<80xi32, #tpu.memory_space<vmem>>
        %dma_start3A_584 = arith.constant 0 : i32
        %dma_start3A_585 = arith.constant 0 : i32
        %dma_start3A_586 = tpu.memref_slice %arg2[%dma_start3A_584, %dma_start3A_585] : memref<10000x128xf32, #tpu.memory_space<hbm>> -> memref<10000x128xf32, #tpu.memory_space<hbm>>
        tpu.enqueue_indirect_dma source(%dma_start3A_586 : memref<10000x128xf32, #tpu.memory_space<hbm>>) target(%dma_start3A_576 : memref<80x128xf32, #tpu.memory_space<vmem>>) offsets(%dma_start3A_583 : memref<80xi32, #tpu.memory_space<vmem>>) semaphore(%arg12 : memref<!tpu.dma_semaphore, #tpu.memory_space<semaphore_mem>>)
      } else {
      }
      %mul3A_524 = arith.constant 8 : i32
      %mul3A_525 = arith.muli %scan3A_177, %mul3A_524 : i32
      %add3A_526 = arith.constant 7 : i32
      %add3A_527 = arith.addi %mul3A_525, %add3A_526 : i32
      %dma_wait3A_528 = arith.constant 3 : i32
      %dma_wait3A_529 = arith.constant 0 : i32
      %dma_wait3A_530 = arith.constant 0 : i32
      %dma_wait3A_531 = tpu.memref_slice %arg10[%dma_wait3A_528, %dma_wait3A_529, %dma_wait3A_530] : memref<4x80x128xf32, #tpu.memory_space<vmem>> -> memref<1x80x128xf32, #tpu.memory_space<vmem>>
      %dma_wait3A_532 = tpu.memref_squeeze %dma_wait3A_531 : memref<1x80x128xf32, #tpu.memory_space<vmem>> -> memref<80x128xf32, #tpu.memory_space<vmem>>
      %dma_wait3A_533 = arith.constant 0 : i32
      %dma_wait3A_534 = arith.constant 0 : i32
      %dma_wait3A_535 = tpu.memref_slice %arg2[%dma_wait3A_533, %dma_wait3A_534] : memref<10000x128xf32, #tpu.memory_space<hbm>> -> memref<80x128xf32, #tpu.memory_space<hbm>>
      %dma_wait3A_536 = arith.constant 0 : i32
      %dma_wait3A_537 = arith.constant 0 : i32
      %dma_wait3A_538 = tpu.memref_slice %arg10[%dma_wait3A_528, %dma_wait3A_536, %dma_wait3A_537] : memref<4x80x128xf32, #tpu.memory_space<vmem>> -> memref<1x80x128xf32, #tpu.memory_space<vmem>>
      %dma_wait3A_539 = tpu.memref_squeeze %dma_wait3A_538 : memref<1x80x128xf32, #tpu.memory_space<vmem>> -> memref<80x128xf32, #tpu.memory_space<vmem>>
      %dma_wait3A_540 = arith.constant 0 : i32
      %dma_wait3A_541 = arith.constant 0 : i32
      %dma_wait3A_542 = tpu.memref_slice %arg2[%dma_wait3A_540, %dma_wait3A_541] : memref<10000x128xf32, #tpu.memory_space<hbm>> -> memref<80x128xf32, #tpu.memory_space<hbm>>
      tpu.wait_dma2 semaphore(%arg14 : memref<!tpu.dma_semaphore, #tpu.memory_space<semaphore_mem>>) src(%dma_wait3A_542 : memref<80x128xf32, #tpu.memory_space<hbm>>) dst(%dma_wait3A_539 : memref<80x128xf32, #tpu.memory_space<vmem>>)
      %dma_start3A_543 = arith.constant 3 : i32
      %dma_start3A_544 = arith.constant 7 : i32
      %dma_start3A_545 = arith.constant 0 : i32
      %dma_start3A_546 = arith.constant 0 : i32
      %dma_start3A_547 = tpu.memref_slice %arg10[%dma_start3A_543, %dma_start3A_545, %dma_start3A_546] : memref<4x80x128xf32, #tpu.memory_space<vmem>> -> memref<1x80x128xf32, #tpu.memory_space<vmem>>
      %dma_start3A_548 = tpu.memref_squeeze %dma_start3A_547 : memref<1x80x128xf32, #tpu.memory_space<vmem>> -> memref<80x128xf32, #tpu.memory_space<vmem>>
      %dma_start3A_549 = arith.constant 0 : i32
      %dma_start3A_550 = arith.constant 0 : i32
      %dma_start3A_551 = tpu.memref_slice %arg9[%rem3A_178, %dma_start3A_549, %dma_start3A_550] : memref<2x8x80xi32, #tpu.memory_space<vmem>> -> memref<1x8x80xi32, #tpu.memory_space<vmem>>
      %dma_start3A_552 = tpu.memref_squeeze %dma_start3A_551 : memref<1x8x80xi32, #tpu.memory_space<vmem>> -> memref<8x80xi32, #tpu.memory_space<vmem>>
      %dma_start3A_553 = arith.constant 0 : i32
      %dma_start3A_554 = tpu.memref_slice %dma_start3A_552[%dma_start3A_544, %dma_start3A_553] : memref<8x80xi32, #tpu.memory_space<vmem>> -> memref<1x80xi32, #tpu.memory_space<vmem>>
      %dma_start3A_555 = tpu.memref_squeeze %dma_start3A_554 : memref<1x80xi32, #tpu.memory_space<vmem>> -> memref<80xi32, #tpu.memory_space<vmem>>
      %dma_start3A_556 = arith.constant 0 : i32
      %dma_start3A_557 = arith.constant 0 : i32
      %dma_start3A_558 = tpu.memref_slice %arg7[%dma_start3A_556, %dma_start3A_557] : memref<10112x128xf32, #tpu.memory_space<vmem_shared>> -> memref<10112x128xf32, #tpu.memory_space<vmem_shared>>
      tpu.enqueue_indirect_dma source(%dma_start3A_548 : memref<80x128xf32, #tpu.memory_space<vmem>>) target(%dma_start3A_558 : memref<10112x128xf32, #tpu.memory_space<vmem_shared>>) offsets(%dma_start3A_555 : memref<80xi32, #tpu.memory_space<vmem>>) semaphore(%arg18 : memref<!tpu.dma_semaphore, #tpu.memory_space<semaphore_mem>>) {add = true}
      %ge3A_559 = arith.constant 1 : i32
      %ge3A_560 = arith.cmpi sge, %add3A_527, %ge3A_559 : i32
      %convert_element_type3A_561 = arith.extui %ge3A_560 : i1 to i32
      %cond3A_562 = arith.constant 0 : i32
      %cond3A_563 = arith.cmpi ne, %convert_element_type3A_561, %cond3A_562 : i32
      scf.if %cond3A_563 {
        %dma_wait3A_571 = arith.constant 2 : i32
        %dma_wait3A_572 = arith.constant 0 : i32
        %dma_wait3A_573 = arith.constant 0 : i32
        %dma_wait3A_574 = tpu.memref_slice %arg10[%dma_wait3A_571, %dma_wait3A_572, %dma_wait3A_573] : memref<4x80x128xf32, #tpu.memory_space<vmem>> -> memref<1x80x128xf32, #tpu.memory_space<vmem>>
        %dma_wait3A_575 = tpu.memref_squeeze %dma_wait3A_574 : memref<1x80x128xf32, #tpu.memory_space<vmem>> -> memref<80x128xf32, #tpu.memory_space<vmem>>
        %dma_wait3A_576 = arith.constant 0 : i32
        %dma_wait3A_577 = arith.constant 0 : i32
        %dma_wait3A_578 = tpu.memref_slice %arg2[%dma_wait3A_576, %dma_wait3A_577] : memref<10000x128xf32, #tpu.memory_space<hbm>> -> memref<80x128xf32, #tpu.memory_space<hbm>>
        %dma_wait3A_579 = arith.constant 0 : i32
        %dma_wait3A_580 = arith.constant 0 : i32
        %dma_wait3A_581 = tpu.memref_slice %arg10[%dma_wait3A_571, %dma_wait3A_579, %dma_wait3A_580] : memref<4x80x128xf32, #tpu.memory_space<vmem>> -> memref<1x80x128xf32, #tpu.memory_space<vmem>>
        %dma_wait3A_582 = tpu.memref_squeeze %dma_wait3A_581 : memref<1x80x128xf32, #tpu.memory_space<vmem>> -> memref<80x128xf32, #tpu.memory_space<vmem>>
        %dma_wait3A_583 = arith.constant 0 : i32
        %dma_wait3A_584 = arith.constant 0 : i32
        %dma_wait3A_585 = tpu.memref_slice %arg2[%dma_wait3A_583, %dma_wait3A_584] : memref<10000x128xf32, #tpu.memory_space<hbm>> -> memref<80x128xf32, #tpu.memory_space<hbm>>
        tpu.wait_dma2 semaphore(%arg17 : memref<!tpu.dma_semaphore, #tpu.memory_space<semaphore_mem>>) src(%dma_wait3A_585 : memref<80x128xf32, #tpu.memory_space<hbm>>) dst(%dma_wait3A_582 : memref<80x128xf32, #tpu.memory_space<vmem>>)
      } else {
      }
      %add3A_564 = arith.constant 3 : i32
      %add3A_565 = arith.addi %add3A_527, %add3A_564 : i32
      %lt3A_566 = arith.constant 128 : i32
      %lt3A_567 = arith.cmpi slt, %add3A_565, %lt3A_566 : i32
      %convert_element_type3A_568 = arith.extui %lt3A_567 : i1 to i32
      %cond3A_569 = arith.constant 0 : i32
      %cond3A_570 = arith.cmpi ne, %convert_element_type3A_568, %cond3A_569 : i32
      scf.if %cond3A_570 {
        %dma_start3A_571 = arith.constant 2 : i32
        %dma_start3A_572 = arith.constant 2 : i32
        %dma_start3A_573 = arith.constant 0 : i32
        %dma_start3A_574 = arith.constant 0 : i32
        %dma_start3A_575 = tpu.memref_slice %arg10[%dma_start3A_572, %dma_start3A_573, %dma_start3A_574] : memref<4x80x128xf32, #tpu.memory_space<vmem>> -> memref<1x80x128xf32, #tpu.memory_space<vmem>>
        %dma_start3A_576 = tpu.memref_squeeze %dma_start3A_575 : memref<1x80x128xf32, #tpu.memory_space<vmem>> -> memref<80x128xf32, #tpu.memory_space<vmem>>
        %dma_start3A_577 = arith.constant 0 : i32
        %dma_start3A_578 = arith.constant 0 : i32
        %dma_start3A_579 = tpu.memref_slice %arg8[%sub3A_179, %dma_start3A_577, %dma_start3A_578] : memref<2x8x80xi32, #tpu.memory_space<vmem>> -> memref<1x8x80xi32, #tpu.memory_space<vmem>>
        %dma_start3A_580 = tpu.memref_squeeze %dma_start3A_579 : memref<1x8x80xi32, #tpu.memory_space<vmem>> -> memref<8x80xi32, #tpu.memory_space<vmem>>
        %dma_start3A_581 = arith.constant 0 : i32
        %dma_start3A_582 = tpu.memref_slice %dma_start3A_580[%dma_start3A_571, %dma_start3A_581] : memref<8x80xi32, #tpu.memory_space<vmem>> -> memref<1x80xi32, #tpu.memory_space<vmem>>
        %dma_start3A_583 = tpu.memref_squeeze %dma_start3A_582 : memref<1x80xi32, #tpu.memory_space<vmem>> -> memref<80xi32, #tpu.memory_space<vmem>>
        %dma_start3A_584 = arith.constant 0 : i32
        %dma_start3A_585 = arith.constant 0 : i32
        %dma_start3A_586 = tpu.memref_slice %arg2[%dma_start3A_584, %dma_start3A_585] : memref<10000x128xf32, #tpu.memory_space<hbm>> -> memref<10000x128xf32, #tpu.memory_space<hbm>>
        tpu.enqueue_indirect_dma source(%dma_start3A_586 : memref<10000x128xf32, #tpu.memory_space<hbm>>) target(%dma_start3A_576 : memref<80x128xf32, #tpu.memory_space<vmem>>) offsets(%dma_start3A_583 : memref<80xi32, #tpu.memory_space<vmem>>) semaphore(%arg13 : memref<!tpu.dma_semaphore, #tpu.memory_space<semaphore_mem>>)
      } else {
      }
    }
    %scan3A_154 = arith.constant 16 : i32
    %dma_wait3A_155 = arith.constant 3 : i32
    %dma_wait3A_156 = arith.constant 0 : i32
    %dma_wait3A_157 = arith.constant 0 : i32
    %dma_wait3A_158 = tpu.memref_slice %arg10[%dma_wait3A_155, %dma_wait3A_156, %dma_wait3A_157] : memref<4x80x128xf32, #tpu.memory_space<vmem>> -> memref<1x80x128xf32, #tpu.memory_space<vmem>>
    %dma_wait3A_159 = tpu.memref_squeeze %dma_wait3A_158 : memref<1x80x128xf32, #tpu.memory_space<vmem>> -> memref<80x128xf32, #tpu.memory_space<vmem>>
    %dma_wait3A_160 = arith.constant 0 : i32
    %dma_wait3A_161 = arith.constant 0 : i32
    %dma_wait3A_162 = tpu.memref_slice %arg2[%dma_wait3A_160, %dma_wait3A_161] : memref<10000x128xf32, #tpu.memory_space<hbm>> -> memref<80x128xf32, #tpu.memory_space<hbm>>
    %dma_wait3A_163 = arith.constant 0 : i32
    %dma_wait3A_164 = arith.constant 0 : i32
    %dma_wait3A_165 = tpu.memref_slice %arg10[%dma_wait3A_155, %dma_wait3A_163, %dma_wait3A_164] : memref<4x80x128xf32, #tpu.memory_space<vmem>> -> memref<1x80x128xf32, #tpu.memory_space<vmem>>
    %dma_wait3A_166 = tpu.memref_squeeze %dma_wait3A_165 : memref<1x80x128xf32, #tpu.memory_space<vmem>> -> memref<80x128xf32, #tpu.memory_space<vmem>>
    %dma_wait3A_167 = arith.constant 0 : i32
    %dma_wait3A_168 = arith.constant 0 : i32
    %dma_wait3A_169 = tpu.memref_slice %arg2[%dma_wait3A_167, %dma_wait3A_168] : memref<10000x128xf32, #tpu.memory_space<hbm>> -> memref<80x128xf32, #tpu.memory_space<hbm>>
    tpu.wait_dma2 semaphore(%arg18 : memref<!tpu.dma_semaphore, #tpu.memory_space<semaphore_mem>>) src(%dma_wait3A_169 : memref<80x128xf32, #tpu.memory_space<hbm>>) dst(%dma_wait3A_166 : memref<80x128xf32, #tpu.memory_space<vmem>>)
    %barrier3A_170 = arith.constant 0 : index
    tpu.barrier barrier_id(%barrier3A_170)
    %lt3A = arith.constant 15 : i32
    %lt3A_171 = arith.cmpi slt, %arg1, %lt3A : i32
    %convert_element_type3A = arith.extui %lt3A_171 : i1 to i32
    %cond3A = arith.constant 0 : i32
    %cond3A_172 = arith.cmpi ne, %convert_element_type3A, %cond3A : i32
    scf.if %cond3A_172 {
      %mul3A_177 = arith.constant 632 : i32
      %mul3A_178 = arith.muli %arg1, %mul3A_177 : i32
      %mul3A_179 = arith.constant 632 : i32
      %mul3A_180 = arith.muli %arg1, %mul3A_179 : i32
      "tpu.region"() ({
        %run_scoped3A = tpu.sem_alloc : memref<!tpu.dma_semaphore, #tpu.memory_space<semaphore_mem>>
        %dma_start3A_181 = arith.constant 0 : i32
        %dma_start3A_182 = arith.constant 0 : i32
        %dma_start3A_183 = tpu.memref_slice %arg6[%arg0, %dma_start3A_181, %dma_start3A_182] : memref<2x10000x128xf32, #tpu.memory_space<hbm>> -> memref<1x10000x128xf32, #tpu.memory_space<hbm>>
        %dma_start3A_184 = tpu.memref_squeeze %dma_start3A_183 : memref<1x10000x128xf32, #tpu.memory_space<hbm>> -> memref<10000x128xf32, #tpu.memory_space<hbm>>
        %dma_start3A_185 = arith.constant 0 : i32
        %dma_start3A_186 = tpu.memref_slice %dma_start3A_184[%mul3A_180, %dma_start3A_185] : memref<10000x128xf32, #tpu.memory_space<hbm>> -> memref<632x128xf32, #tpu.memory_space<hbm>>
        %dma_start3A_187 = arith.constant 0 : i32
        %dma_start3A_188 = tpu.memref_slice %arg7[%mul3A_178, %dma_start3A_187] : memref<10112x128xf32, #tpu.memory_space<vmem_shared>> -> memref<632x128xf32, #tpu.memory_space<vmem_shared>>
        tpu.enqueue_dma source(%dma_start3A_188 : memref<632x128xf32, #tpu.memory_space<vmem_shared>>) target(%dma_start3A_186 : memref<632x128xf32, #tpu.memory_space<hbm>>) target_semaphore(%run_scoped3A : memref<!tpu.dma_semaphore, #tpu.memory_space<semaphore_mem>>)
        %dma_wait3A_189 = arith.constant 0 : i32
        %dma_wait3A_190 = arith.constant 0 : i32
        %dma_wait3A_191 = tpu.memref_slice %arg6[%arg0, %dma_wait3A_189, %dma_wait3A_190] : memref<2x10000x128xf32, #tpu.memory_space<hbm>> -> memref<1x10000x128xf32, #tpu.memory_space<hbm>>
        %dma_wait3A_192 = tpu.memref_squeeze %dma_wait3A_191 : memref<1x10000x128xf32, #tpu.memory_space<hbm>> -> memref<10000x128xf32, #tpu.memory_space<hbm>>
        %dma_wait3A_193 = arith.constant 0 : i32
        %dma_wait3A_194 = tpu.memref_slice %dma_wait3A_192[%mul3A_180, %dma_wait3A_193] : memref<10000x128xf32, #tpu.memory_space<hbm>> -> memref<632x128xf32, #tpu.memory_space<hbm>>
        %dma_wait3A_195 = arith.constant 0 : i32
        %dma_wait3A_196 = tpu.memref_slice %arg7[%mul3A_178, %dma_wait3A_195] : memref<10112x128xf32, #tpu.memory_space<vmem_shared>> -> memref<632x128xf32, #tpu.memory_space<vmem_shared>>
        tpu.wait_dma2 semaphore(%run_scoped3A : memref<!tpu.dma_semaphore, #tpu.memory_space<semaphore_mem>>) src(%dma_wait3A_196 : memref<632x128xf32, #tpu.memory_space<vmem_shared>>) dst(%dma_wait3A_194 : memref<632x128xf32, #tpu.memory_space<hbm>>)
        tpu.yield
      }) : () -> ()
    } else {
    }
    %eq3A = arith.constant 15 : i32
    %eq3A_173 = arith.cmpi eq, %arg1, %eq3A : i32
    %convert_element_type3A_174 = arith.extui %eq3A_173 : i1 to i32
    %cond3A_175 = arith.constant 0 : i32
    %cond3A_176 = arith.cmpi ne, %convert_element_type3A_174, %cond3A_175 : i32
    scf.if %cond3A_176 {
      "tpu.region"() ({
        %run_scoped3A = tpu.sem_alloc : memref<!tpu.dma_semaphore, #tpu.memory_space<semaphore_mem>>
        %dma_start3A_177 = arith.constant 0 : i32
        %dma_start3A_178 = arith.constant 0 : i32
        %dma_start3A_179 = tpu.memref_slice %arg6[%arg0, %dma_start3A_177, %dma_start3A_178] : memref<2x10000x128xf32, #tpu.memory_space<hbm>> -> memref<1x10000x128xf32, #tpu.memory_space<hbm>>
        %dma_start3A_180 = tpu.memref_squeeze %dma_start3A_179 : memref<1x10000x128xf32, #tpu.memory_space<hbm>> -> memref<10000x128xf32, #tpu.memory_space<hbm>>
        %dma_start3A_181 = arith.constant 9480 : i32
        %dma_start3A_182 = arith.constant 0 : i32
        %dma_start3A_183 = tpu.memref_slice %dma_start3A_180[%dma_start3A_181, %dma_start3A_182] : memref<10000x128xf32, #tpu.memory_space<hbm>> -> memref<520x128xf32, #tpu.memory_space<hbm>>
        %dma_start3A_184 = arith.constant 9480 : i32
        %dma_start3A_185 = arith.constant 0 : i32
        %dma_start3A_186 = tpu.memref_slice %arg7[%dma_start3A_184, %dma_start3A_185] : memref<10112x128xf32, #tpu.memory_space<vmem_shared>> -> memref<520x128xf32, #tpu.memory_space<vmem_shared>>
        tpu.enqueue_dma source(%dma_start3A_186 : memref<520x128xf32, #tpu.memory_space<vmem_shared>>) target(%dma_start3A_183 : memref<520x128xf32, #tpu.memory_space<hbm>>) target_semaphore(%run_scoped3A : memref<!tpu.dma_semaphore, #tpu.memory_space<semaphore_mem>>)
        %dma_wait3A_187 = arith.constant 0 : i32
        %dma_wait3A_188 = arith.constant 0 : i32
        %dma_wait3A_189 = tpu.memref_slice %arg6[%arg0, %dma_wait3A_187, %dma_wait3A_188] : memref<2x10000x128xf32, #tpu.memory_space<hbm>> -> memref<1x10000x128xf32, #tpu.memory_space<hbm>>
        %dma_wait3A_190 = tpu.memref_squeeze %dma_wait3A_189 : memref<1x10000x128xf32, #tpu.memory_space<hbm>> -> memref<10000x128xf32, #tpu.memory_space<hbm>>
        %dma_wait3A_191 = arith.constant 9480 : i32
        %dma_wait3A_192 = arith.constant 0 : i32
        %dma_wait3A_193 = tpu.memref_slice %dma_wait3A_190[%dma_wait3A_191, %dma_wait3A_192] : memref<10000x128xf32, #tpu.memory_space<hbm>> -> memref<520x128xf32, #tpu.memory_space<hbm>>
        %dma_wait3A_194 = arith.constant 9480 : i32
        %dma_wait3A_195 = arith.constant 0 : i32
        %dma_wait3A_196 = tpu.memref_slice %arg7[%dma_wait3A_194, %dma_wait3A_195] : memref<10112x128xf32, #tpu.memory_space<vmem_shared>> -> memref<520x128xf32, #tpu.memory_space<vmem_shared>>
        tpu.wait_dma2 semaphore(%run_scoped3A : memref<!tpu.dma_semaphore, #tpu.memory_space<semaphore_mem>>) src(%dma_wait3A_196 : memref<520x128xf32, #tpu.memory_space<vmem_shared>>) dst(%dma_wait3A_193 : memref<520x128xf32, #tpu.memory_space<hbm>>)
        tpu.yield
      }) : () -> ()
    } else {
    }
    return
  }
}

#map = affine_map<(d0, d1) -> (0, 0)>
#map1 = affine_map<(d0, d1) -> (0, 0, 0)>
module attributes {stable_mosaic.version = 14 : i64} {
  func.func @body(%arg0: i32, %arg1: i32, %arg2: memref<10000x128xf32, #tpu.memory_space<hbm>>, %arg3: memref<4096x80xi32, #tpu.memory_space<hbm>>, %arg4: memref<4096x80xi32, #tpu.memory_space<hbm>>, %arg5: memref<632x128xf32, #tpu.memory_space<hbm>>, %arg6: memref<2x10000x128xf32, #tpu.memory_space<hbm>>, %arg7: memref<10112x128xf32, #tpu.memory_space<vmem_shared>>, %arg8: memref<2x8x80xi32, #tpu.memory_space<vmem>>, %arg9: memref<2x8x80xi32, #tpu.memory_space<vmem>>, %arg10: memref<4x80x128xf32, #tpu.memory_space<vmem>>, %arg11: memref<!tpu.dma_semaphore, #tpu.memory_space<semaphore_mem>>, %arg12: memref<!tpu.dma_semaphore, #tpu.memory_space<semaphore_mem>>, %arg13: memref<!tpu.dma_semaphore, #tpu.memory_space<semaphore_mem>>, %arg14: memref<!tpu.dma_semaphore, #tpu.memory_space<semaphore_mem>>, %arg15: memref<!tpu.dma_semaphore, #tpu.memory_space<semaphore_mem>>, %arg16: memref<!tpu.dma_semaphore, #tpu.memory_space<semaphore_mem>>, %arg17: memref<!tpu.dma_semaphore, #tpu.memory_space<semaphore_mem>>, %arg18: memref<!tpu.dma_semaphore, #tpu.memory_space<semaphore_mem>>, %arg19: memref<!tpu.dma_semaphore, #tpu.memory_space<semaphore_mem>>) attributes {dimension_semantics = [#tpu.dimension_semantics<core_parallel>, #tpu.dimension_semantics<subcore_parallel>], iteration_bounds = array<i64: 2, 16>, scalar_prefetch = 0 : i64, scratch_operands = 13 : i64, tpu.core_type = #tpu.core_type<sc_vector_subcore>, window_params = [{transform_indices = #map}, {transform_indices = #map}, {transform_indices = #map}, {transform_indices = #map}, {transform_indices = #map1}]} {
    %mul3A = arith.constant 16 : i32
    %mul3A_0 = arith.muli %arg0, %mul3A : i32
    %add3A = arith.addi %mul3A_0, %arg1 : i32
    %mul3A_1 = arith.constant 632 : i32
    %mul3A_2 = arith.muli %arg1, %mul3A_1 : i32
    "tpu.region"() ({
      %run_scoped3A = tpu.sem_alloc : memref<!tpu.dma_semaphore, #tpu.memory_space<semaphore_mem>>
      %dma_start3A_177 = arith.constant 0 : i32
      %dma_start3A_178 = tpu.memref_slice %arg7[%mul3A_2, %dma_start3A_177] : memref<10112x128xf32, #tpu.memory_space<vmem_shared>> -> memref<632x128xf32, #tpu.memory_space<vmem_shared>>
      tpu.enqueue_dma source(%arg5 : memref<632x128xf32, #tpu.memory_space<hbm>>) target(%dma_start3A_178 : memref<632x128xf32, #tpu.memory_space<vmem_shared>>) target_semaphore(%run_scoped3A : memref<!tpu.dma_semaphore, #tpu.memory_space<semaphore_mem>>)
      %dma_wait3A_179 = arith.constant 0 : i32
      %dma_wait3A_180 = tpu.memref_slice %arg7[%mul3A_2, %dma_wait3A_179] : memref<10112x128xf32, #tpu.memory_space<vmem_shared>> -> memref<632x128xf32, #tpu.memory_space<vmem_shared>>
      tpu.wait_dma2 semaphore(%run_scoped3A : memref<!tpu.dma_semaphore, #tpu.memory_space<semaphore_mem>>) src(%arg5 : memref<632x128xf32, #tpu.memory_space<hbm>>) dst(%dma_wait3A_180 : memref<632x128xf32, #tpu.memory_space<vmem_shared>>)
      tpu.yield
    }) : () -> ()
    %barrier3A = arith.constant 0 : index
    tpu.barrier barrier_id(%barrier3A)
    %mul3A_3 = arith.constant 128 : i32
    %mul3A_4 = arith.muli %add3A, %mul3A_3 : i32
    %add3A_5 = arith.constant 0 : i32
    %add3A_6 = arith.addi %mul3A_4, %add3A_5 : i32
    %dma_start3A = arith.constant 0 : i32
    %dma_start3A_7 = arith.constant 0 : i32
    %dma_start3A_8 = arith.constant 0 : i32
    %dma_start3A_9 = tpu.memref_slice %arg8[%dma_start3A, %dma_start3A_7, %dma_start3A_8] : memref<2x8x80xi32, #tpu.memory_space<vmem>> -> memref<1x8x80xi32, #tpu.memory_space<vmem>>
    %dma_start3A_10 = tpu.memref_squeeze %dma_start3A_9 : memref<1x8x80xi32, #tpu.memory_space<vmem>> -> memref<8x80xi32, #tpu.memory_space<vmem>>
    %dma_start3A_11 = arith.constant 0 : i32
    %dma_start3A_12 = tpu.memref_slice %arg3[%add3A_6, %dma_start3A_11] : memref<4096x80xi32, #tpu.memory_space<hbm>> -> memref<8x80xi32, #tpu.memory_space<hbm>>
    %dma_start3A_13 = arith.constant 0 : i32
    %dma_start3A_14 = arith.constant 0 : i32
    %dma_start3A_15 = tpu.memref_slice %arg8[%dma_start3A, %dma_start3A_13, %dma_start3A_14] : memref<2x8x80xi32, #tpu.memory_space<vmem>> -> memref<1x8x80xi32, #tpu.memory_space<vmem>>
    %dma_start3A_16 = tpu.memref_squeeze %dma_start3A_15 : memref<1x8x80xi32, #tpu.memory_space<vmem>> -> memref<8x80xi32, #tpu.memory_space<vmem>>
    %dma_start3A_17 = arith.constant 0 : i32
    %dma_start3A_18 = tpu.memref_slice %arg3[%add3A_6, %dma_start3A_17] : memref<4096x80xi32, #tpu.memory_space<hbm>> -> memref<8x80xi32, #tpu.memory_space<hbm>>
    tpu.enqueue_dma source(%dma_start3A_18 : memref<8x80xi32, #tpu.memory_space<hbm>>) target(%dma_start3A_16 : memref<8x80xi32, #tpu.memory_space<vmem>>) target_semaphore(%arg19 : memref<!tpu.dma_semaphore, #tpu.memory_space<semaphore_mem>>)
    %mul3A_19 = arith.constant 128 : i32
    %mul3A_20 = arith.muli %add3A, %mul3A_19 : i32
    %add3A_21 = arith.constant 0 : i32
    %add3A_22 = arith.addi %mul3A_20, %add3A_21 : i32
    %dma_start3A_23 = arith.constant 0 : i32
    %dma_start3A_24 = arith.constant 0 : i32
    %dma_start3A_25 = arith.constant 0 : i32
    %dma_start3A_26 = tpu.memref_slice %arg9[%dma_start3A_23, %dma_start3A_24, %dma_start3A_25] : memref<2x8x80xi32, #tpu.memory_space<vmem>> -> memref<1x8x80xi32, #tpu.memory_space<vmem>>
    %dma_start3A_27 = tpu.memref_squeeze %dma_start3A_26 : memref<1x8x80xi32, #tpu.memory_space<vmem>> -> memref<8x80xi32, #tpu.memory_space<vmem>>
    %dma_start3A_28 = arith.constant 0 : i32
    %dma_start3A_29 = tpu.memref_slice %arg4[%add3A_22, %dma_start3A_28] : memref<4096x80xi32, #tpu.memory_space<hbm>> -> memref<8x80xi32, #tpu.memory_space<hbm>>
    %dma_start3A_30 = arith.constant 0 : i32
    %dma_start3A_31 = arith.constant 0 : i32
    %dma_start3A_32 = tpu.memref_slice %arg9[%dma_start3A_23, %dma_start3A_30, %dma_start3A_31] : memref<2x8x80xi32, #tpu.memory_space<vmem>> -> memref<1x8x80xi32, #tpu.memory_space<vmem>>
    %dma_start3A_33 = tpu.memref_squeeze %dma_start3A_32 : memref<1x8x80xi32, #tpu.memory_space<vmem>> -> memref<8x80xi32, #tpu.memory_space<vmem>>
    %dma_start3A_34 = arith.constant 0 : i32
    %dma_start3A_35 = tpu.memref_slice %arg4[%add3A_22, %dma_start3A_34] : memref<4096x80xi32, #tpu.memory_space<hbm>> -> memref<8x80xi32, #tpu.memory_space<hbm>>
    tpu.enqueue_dma source(%dma_start3A_35 : memref<8x80xi32, #tpu.memory_space<hbm>>) target(%dma_start3A_33 : memref<8x80xi32, #tpu.memory_space<vmem>>) target_semaphore(%arg19 : memref<!tpu.dma_semaphore, #tpu.memory_space<semaphore_mem>>)
    %dma_wait3A = arith.constant 0 : i32
    %dma_wait3A_36 = arith.constant 0 : i32
    %dma_wait3A_37 = arith.constant 0 : i32
    %dma_wait3A_38 = tpu.memref_slice %arg8[%dma_wait3A, %dma_wait3A_36, %dma_wait3A_37] : memref<2x8x80xi32, #tpu.memory_space<vmem>> -> memref<1x8x80xi32, #tpu.memory_space<vmem>>
    %dma_wait3A_39 = tpu.memref_squeeze %dma_wait3A_38 : memref<1x8x80xi32, #tpu.memory_space<vmem>> -> memref<8x80xi32, #tpu.memory_space<vmem>>
    %dma_wait3A_40 = arith.constant 0 : i32
    %dma_wait3A_41 = arith.constant 0 : i32
    %dma_wait3A_42 = tpu.memref_slice %arg3[%dma_wait3A_40, %dma_wait3A_41] : memref<4096x80xi32, #tpu.memory_space<hbm>> -> memref<8x80xi32, #tpu.memory_space<hbm>>
    %dma_wait3A_43 = arith.constant 0 : i32
    %dma_wait3A_44 = arith.constant 0 : i32
    %dma_wait3A_45 = tpu.memref_slice %arg8[%dma_wait3A, %dma_wait3A_43, %dma_wait3A_44] : memref<2x8x80xi32, #tpu.memory_space<vmem>> -> memref<1x8x80xi32, #tpu.memory_space<vmem>>
    %dma_wait3A_46 = tpu.memref_squeeze %dma_wait3A_45 : memref<1x8x80xi32, #tpu.memory_space<vmem>> -> memref<8x80xi32, #tpu.memory_space<vmem>>
    %dma_wait3A_47 = arith.constant 0 : i32
    %dma_wait3A_48 = arith.constant 0 : i32
    %dma_wait3A_49 = tpu.memref_slice %arg3[%dma_wait3A_47, %dma_wait3A_48] : memref<4096x80xi32, #tpu.memory_space<hbm>> -> memref<8x80xi32, #tpu.memory_space<hbm>>
    tpu.wait_dma2 semaphore(%arg19 : memref<!tpu.dma_semaphore, #tpu.memory_space<semaphore_mem>>) src(%dma_wait3A_49 : memref<8x80xi32, #tpu.memory_space<hbm>>) dst(%dma_wait3A_46 : memref<8x80xi32, #tpu.memory_space<vmem>>)
    %dma_wait3A_50 = arith.constant 0 : i32
    %dma_wait3A_51 = arith.constant 0 : i32
    %dma_wait3A_52 = arith.constant 0 : i32
    %dma_wait3A_53 = tpu.memref_slice %arg9[%dma_wait3A_50, %dma_wait3A_51, %dma_wait3A_52] : memref<2x8x80xi32, #tpu.memory_space<vmem>> -> memref<1x8x80xi32, #tpu.memory_space<vmem>>
    %dma_wait3A_54 = tpu.memref_squeeze %dma_wait3A_53 : memref<1x8x80xi32, #tpu.memory_space<vmem>> -> memref<8x80xi32, #tpu.memory_space<vmem>>
    %dma_wait3A_55 = arith.constant 0 : i32
    %dma_wait3A_56 = arith.constant 0 : i32
    %dma_wait3A_57 = tpu.memref_slice %arg4[%dma_wait3A_55, %dma_wait3A_56] : memref<4096x80xi32, #tpu.memory_space<hbm>> -> memref<8x80xi32, #tpu.memory_space<hbm>>
    %dma_wait3A_58 = arith.constant 0 : i32
    %dma_wait3A_59 = arith.constant 0 : i32
    %dma_wait3A_60 = tpu.memref_slice %arg9[%dma_wait3A_50, %dma_wait3A_58, %dma_wait3A_59] : memref<2x8x80xi32, #tpu.memory_space<vmem>> -> memref<1x8x80xi32, #tpu.memory_space<vmem>>
    %dma_wait3A_61 = tpu.memref_squeeze %dma_wait3A_60 : memref<1x8x80xi32, #tpu.memory_space<vmem>> -> memref<8x80xi32, #tpu.memory_space<vmem>>
    %dma_wait3A_62 = arith.constant 0 : i32
    %dma_wait3A_63 = arith.constant 0 : i32
    %dma_wait3A_64 = tpu.memref_slice %arg4[%dma_wait3A_62, %dma_wait3A_63] : memref<4096x80xi32, #tpu.memory_space<hbm>> -> memref<8x80xi32, #tpu.memory_space<hbm>>
    tpu.wait_dma2 semaphore(%arg19 : memref<!tpu.dma_semaphore, #tpu.memory_space<semaphore_mem>>) src(%dma_wait3A_64 : memref<8x80xi32, #tpu.memory_space<hbm>>) dst(%dma_wait3A_61 : memref<8x80xi32, #tpu.memory_space<vmem>>)
    %mul3A_65 = arith.constant 128 : i32
    %mul3A_66 = arith.muli %add3A, %mul3A_65 : i32
    %add3A_67 = arith.constant 8 : i32
    %add3A_68 = arith.addi %mul3A_66, %add3A_67 : i32
    %dma_start3A_69 = arith.constant 1 : i32
    %dma_start3A_70 = arith.constant 0 : i32
    %dma_start3A_71 = arith.constant 0 : i32
    %dma_start3A_72 = tpu.memref_slice %arg8[%dma_start3A_69, %dma_start3A_70, %dma_start3A_71] : memref<2x8x80xi32, #tpu.memory_space<vmem>> -> memref<1x8x80xi32, #tpu.memory_space<vmem>>
    %dma_start3A_73 = tpu.memref_squeeze %dma_start3A_72 : memref<1x8x80xi32, #tpu.memory_space<vmem>> -> memref<8x80xi32, #tpu.memory_space<vmem>>
    %dma_start3A_74 = arith.constant 0 : i32
    %dma_start3A_75 = tpu.memref_slice %arg3[%add3A_68, %dma_start3A_74] : memref<4096x80xi32, #tpu.memory_space<hbm>> -> memref<8x80xi32, #tpu.memory_space<hbm>>
    %dma_start3A_76 = arith.constant 0 : i32
    %dma_start3A_77 = arith.constant 0 : i32
    %dma_start3A_78 = tpu.memref_slice %arg8[%dma_start3A_69, %dma_start3A_76, %dma_start3A_77] : memref<2x8x80xi32, #tpu.memory_space<vmem>> -> memref<1x8x80xi32, #tpu.memory_space<vmem>>
    %dma_start3A_79 = tpu.memref_squeeze %dma_start3A_78 : memref<1x8x80xi32, #tpu.memory_space<vmem>> -> memref<8x80xi32, #tpu.memory_space<vmem>>
    %dma_start3A_80 = arith.constant 0 : i32
    %dma_start3A_81 = tpu.memref_slice %arg3[%add3A_68, %dma_start3A_80] : memref<4096x80xi32, #tpu.memory_space<hbm>> -> memref<8x80xi32, #tpu.memory_space<hbm>>
    tpu.enqueue_dma source(%dma_start3A_81 : memref<8x80xi32, #tpu.memory_space<hbm>>) target(%dma_start3A_79 : memref<8x80xi32, #tpu.memory_space<vmem>>) target_semaphore(%arg19 : memref<!tpu.dma_semaphore, #tpu.memory_space<semaphore_mem>>)
    %mul3A_82 = arith.constant 128 : i32
    %mul3A_83 = arith.muli %add3A, %mul3A_82 : i32
    %add3A_84 = arith.constant 8 : i32
    %add3A_85 = arith.addi %mul3A_83, %add3A_84 : i32
    %dma_start3A_86 = arith.constant 1 : i32
    %dma_start3A_87 = arith.constant 0 : i32
    %dma_start3A_88 = arith.constant 0 : i32
    %dma_start3A_89 = tpu.memref_slice %arg9[%dma_start3A_86, %dma_start3A_87, %dma_start3A_88] : memref<2x8x80xi32, #tpu.memory_space<vmem>> -> memref<1x8x80xi32, #tpu.memory_space<vmem>>
    %dma_start3A_90 = tpu.memref_squeeze %dma_start3A_89 : memref<1x8x80xi32, #tpu.memory_space<vmem>> -> memref<8x80xi32, #tpu.memory_space<vmem>>
    %dma_start3A_91 = arith.constant 0 : i32
    %dma_start3A_92 = tpu.memref_slice %arg4[%add3A_85, %dma_start3A_91] : memref<4096x80xi32, #tpu.memory_space<hbm>> -> memref<8x80xi32, #tpu.memory_space<hbm>>
    %dma_start3A_93 = arith.constant 0 : i32
    %dma_start3A_94 = arith.constant 0 : i32
    %dma_start3A_95 = tpu.memref_slice %arg9[%dma_start3A_86, %dma_start3A_93, %dma_start3A_94] : memref<2x8x80xi32, #tpu.memory_space<vmem>> -> memref<1x8x80xi32, #tpu.memory_space<vmem>>
    %dma_start3A_96 = tpu.memref_squeeze %dma_start3A_95 : memref<1x8x80xi32, #tpu.memory_space<vmem>> -> memref<8x80xi32, #tpu.memory_space<vmem>>
    %dma_start3A_97 = arith.constant 0 : i32
    %dma_start3A_98 = tpu.memref_slice %arg4[%add3A_85, %dma_start3A_97] : memref<4096x80xi32, #tpu.memory_space<hbm>> -> memref<8x80xi32, #tpu.memory_space<hbm>>
    tpu.enqueue_dma source(%dma_start3A_98 : memref<8x80xi32, #tpu.memory_space<hbm>>) target(%dma_start3A_96 : memref<8x80xi32, #tpu.memory_space<vmem>>) target_semaphore(%arg19 : memref<!tpu.dma_semaphore, #tpu.memory_space<semaphore_mem>>)
    %dma_start3A_99 = arith.constant 0 : i32
    %dma_start3A_100 = arith.constant 0 : i32
    %dma_start3A_101 = arith.constant 0 : i32
    %dma_start3A_102 = arith.constant 0 : i32
    %dma_start3A_103 = arith.constant 0 : i32
    %dma_start3A_104 = tpu.memref_slice %arg10[%dma_start3A_101, %dma_start3A_102, %dma_start3A_103] : memref<4x80x128xf32, #tpu.memory_space<vmem>> -> memref<1x80x128xf32, #tpu.memory_space<vmem>>
    %dma_start3A_105 = tpu.memref_squeeze %dma_start3A_104 : memref<1x80x128xf32, #tpu.memory_space<vmem>> -> memref<80x128xf32, #tpu.memory_space<vmem>>
    %dma_start3A_106 = arith.constant 0 : i32
    %dma_start3A_107 = arith.constant 0 : i32
    %dma_start3A_108 = tpu.memref_slice %arg8[%dma_start3A_99, %dma_start3A_106, %dma_start3A_107] : memref<2x8x80xi32, #tpu.memory_space<vmem>> -> memref<1x8x80xi32, #tpu.memory_space<vmem>>
    %dma_start3A_109 = tpu.memref_squeeze %dma_start3A_108 : memref<1x8x80xi32, #tpu.memory_space<vmem>> -> memref<8x80xi32, #tpu.memory_space<vmem>>
    %dma_start3A_110 = arith.constant 0 : i32
    %dma_start3A_111 = tpu.memref_slice %dma_start3A_109[%dma_start3A_100, %dma_start3A_110] : memref<8x80xi32, #tpu.memory_space<vmem>> -> memref<1x80xi32, #tpu.memory_space<vmem>>
    %dma_start3A_112 = tpu.memref_squeeze %dma_start3A_111 : memref<1x80xi32, #tpu.memory_space<vmem>> -> memref<80xi32, #tpu.memory_space<vmem>>
    %dma_start3A_113 = arith.constant 0 : i32
    %dma_start3A_114 = arith.constant 0 : i32
    %dma_start3A_115 = tpu.memref_slice %arg2[%dma_start3A_113, %dma_start3A_114] : memref<10000x128xf32, #tpu.memory_space<hbm>> -> memref<10000x128xf32, #tpu.memory_space<hbm>>
    tpu.enqueue_indirect_dma source(%dma_start3A_115 : memref<10000x128xf32, #tpu.memory_space<hbm>>) target(%dma_start3A_105 : memref<80x128xf32, #tpu.memory_space<vmem>>) offsets(%dma_start3A_112 : memref<80xi32, #tpu.memory_space<vmem>>) semaphore(%arg11 : memref<!tpu.dma_semaphore, #tpu.memory_space<semaphore_mem>>)
    %dma_start3A_116 = arith.constant 0 : i32
    %dma_start3A_117 = arith.constant 1 : i32
    %dma_start3A_118 = arith.constant 1 : i32
    %dma_start3A_119 = arith.constant 0 : i32
    %dma_start3A_120 = arith.constant 0 : i32
    %dma_start3A_121 = tpu.memref_slice %arg10[%dma_start3A_118, %dma_start3A_119, %dma_start3A_120] : memref<4x80x128xf32, #tpu.memory_space<vmem>> -> memref<1x80x128xf32, #tpu.memory_space<vmem>>
    %dma_start3A_122 = tpu.memref_squeeze %dma_start3A_121 : memref<1x80x128xf32, #tpu.memory_space<vmem>> -> memref<80x128xf32, #tpu.memory_space<vmem>>
    %dma_start3A_123 = arith.constant 0 : i32
    %dma_start3A_124 = arith.constant 0 : i32
    %dma_start3A_125 = tpu.memref_slice %arg8[%dma_start3A_116, %dma_start3A_123, %dma_start3A_124] : memref<2x8x80xi32, #tpu.memory_space<vmem>> -> memref<1x8x80xi32, #tpu.memory_space<vmem>>
    %dma_start3A_126 = tpu.memref_squeeze %dma_start3A_125 : memref<1x8x80xi32, #tpu.memory_space<vmem>> -> memref<8x80xi32, #tpu.memory_space<vmem>>
    %dma_start3A_127 = arith.constant 0 : i32
    %dma_start3A_128 = tpu.memref_slice %dma_start3A_126[%dma_start3A_117, %dma_start3A_127] : memref<8x80xi32, #tpu.memory_space<vmem>> -> memref<1x80xi32, #tpu.memory_space<vmem>>
    %dma_start3A_129 = tpu.memref_squeeze %dma_start3A_128 : memref<1x80xi32, #tpu.memory_space<vmem>> -> memref<80xi32, #tpu.memory_space<vmem>>
    %dma_start3A_130 = arith.constant 0 : i32
    %dma_start3A_131 = arith.constant 0 : i32
    %dma_start3A_132 = tpu.memref_slice %arg2[%dma_start3A_130, %dma_start3A_131] : memref<10000x128xf32, #tpu.memory_space<hbm>> -> memref<10000x128xf32, #tpu.memory_space<hbm>>
    tpu.enqueue_indirect_dma source(%dma_start3A_132 : memref<10000x128xf32, #tpu.memory_space<hbm>>) target(%dma_start3A_122 : memref<80x128xf32, #tpu.memory_space<vmem>>) offsets(%dma_start3A_129 : memref<80xi32, #tpu.memory_space<vmem>>) semaphore(%arg12 : memref<!tpu.dma_semaphore, #tpu.memory_space<semaphore_mem>>)
    %dma_start3A_133 = arith.constant 0 : i32
    %dma_start3A_134 = arith.constant 2 : i32
    %dma_start3A_135 = arith.constant 2 : i32
    %dma_start3A_136 = arith.constant 0 : i32
    %dma_start3A_137 = arith.constant 0 : i32
    %dma_start3A_138 = tpu.memref_slice %arg10[%dma_start3A_135, %dma_start3A_136, %dma_start3A_137] : memref<4x80x128xf32, #tpu.memory_space<vmem>> -> memref<1x80x128xf32, #tpu.memory_space<vmem>>
    %dma_start3A_139 = tpu.memref_squeeze %dma_start3A_138 : memref<1x80x128xf32, #tpu.memory_space<vmem>> -> memref<80x128xf32, #tpu.memory_space<vmem>>
    %dma_start3A_140 = arith.constant 0 : i32
    %dma_start3A_141 = arith.constant 0 : i32
    %dma_start3A_142 = tpu.memref_slice %arg8[%dma_start3A_133, %dma_start3A_140, %dma_start3A_141] : memref<2x8x80xi32, #tpu.memory_space<vmem>> -> memref<1x8x80xi32, #tpu.memory_space<vmem>>
    %dma_start3A_143 = tpu.memref_squeeze %dma_start3A_142 : memref<1x8x80xi32, #tpu.memory_space<vmem>> -> memref<8x80xi32, #tpu.memory_space<vmem>>
    %dma_start3A_144 = arith.constant 0 : i32
    %dma_start3A_145 = tpu.memref_slice %dma_start3A_143[%dma_start3A_134, %dma_start3A_144] : memref<8x80xi32, #tpu.memory_space<vmem>> -> memref<1x80xi32, #tpu.memory_space<vmem>>
    %dma_start3A_146 = tpu.memref_squeeze %dma_start3A_145 : memref<1x80xi32, #tpu.memory_space<vmem>> -> memref<80xi32, #tpu.memory_space<vmem>>
    %dma_start3A_147 = arith.constant 0 : i32
    %dma_start3A_148 = arith.constant 0 : i32
    %dma_start3A_149 = tpu.memref_slice %arg2[%dma_start3A_147, %dma_start3A_148] : memref<10000x128xf32, #tpu.memory_space<hbm>> -> memref<10000x128xf32, #tpu.memory_space<hbm>>
    tpu.enqueue_indirect_dma source(%dma_start3A_149 : memref<10000x128xf32, #tpu.memory_space<hbm>>) target(%dma_start3A_139 : memref<80x128xf32, #tpu.memory_space<vmem>>) offsets(%dma_start3A_146 : memref<80xi32, #tpu.memory_space<vmem>>) semaphore(%arg13 : memref<!tpu.dma_semaphore, #tpu.memory_space<semaphore_mem>>)
    %scan3A = arith.constant 0 : i32
    %scan3A_150 = arith.constant 0 : i32
    %scan3A_151 = arith.constant 16 : i32
    %scan3A_152 = arith.addi %scan3A_150, %scan3A_151 : i32
    %scan3A_153 = arith.constant 1 : i32
    scf.for %scan3A_177 = %scan3A_150 to %scan3A_152 step %scan3A_153  : i32 {
      %rem3A = arith.constant 2 : i32
      %rem3A_178 = arith.remsi %scan3A_177, %rem3A : i32
      %sub3A = arith.constant 1 : i32
      %sub3A_179 = arith.subi %sub3A, %rem3A_178 : i32
      %mul3A_180 = arith.constant 8 : i32
      %mul3A_181 = arith.muli %scan3A_177, %mul3A_180 : i32
      %add3A_182 = arith.constant 0 : i32
      %add3A_183 = arith.addi %mul3A_181, %add3A_182 : i32
      %dma_wait3A_184 = arith.constant 0 : i32
      %dma_wait3A_185 = arith.constant 0 : i32
      %dma_wait3A_186 = arith.constant 0 : i32
      %dma_wait3A_187 = tpu.memref_slice %arg10[%dma_wait3A_184, %dma_wait3A_185, %dma_wait3A_186] : memref<4x80x128xf32, #tpu.memory_space<vmem>> -> memref<1x80x128xf32, #tpu.memory_space<vmem>>
      %dma_wait3A_188 = tpu.memref_squeeze %dma_wait3A_187 : memref<1x80x128xf32, #tpu.memory_space<vmem>> -> memref<80x128xf32, #tpu.memory_space<vmem>>
      %dma_wait3A_189 = arith.constant 0 : i32
      %dma_wait3A_190 = arith.constant 0 : i32
      %dma_wait3A_191 = tpu.memref_slice %arg2[%dma_wait3A_189, %dma_wait3A_190] : memref<10000x128xf32, #tpu.memory_space<hbm>> -> memref<80x128xf32, #tpu.memory_space<hbm>>
      %dma_wait3A_192 = arith.constant 0 : i32
      %dma_wait3A_193 = arith.constant 0 : i32
      %dma_wait3A_194 = tpu.memref_slice %arg10[%dma_wait3A_184, %dma_wait3A_192, %dma_wait3A_193] : memref<4x80x128xf32, #tpu.memory_space<vmem>> -> memref<1x80x128xf32, #tpu.memory_space<vmem>>
      %dma_wait3A_195 = tpu.memref_squeeze %dma_wait3A_194 : memref<1x80x128xf32, #tpu.memory_space<vmem>> -> memref<80x128xf32, #tpu.memory_space<vmem>>
      %dma_wait3A_196 = arith.constant 0 : i32
      %dma_wait3A_197 = arith.constant 0 : i32
      %dma_wait3A_198 = tpu.memref_slice %arg2[%dma_wait3A_196, %dma_wait3A_197] : memref<10000x128xf32, #tpu.memory_space<hbm>> -> memref<80x128xf32, #tpu.memory_space<hbm>>
      tpu.wait_dma2 semaphore(%arg11 : memref<!tpu.dma_semaphore, #tpu.memory_space<semaphore_mem>>) src(%dma_wait3A_198 : memref<80x128xf32, #tpu.memory_space<hbm>>) dst(%dma_wait3A_195 : memref<80x128xf32, #tpu.memory_space<vmem>>)
      %dma_start3A_199 = arith.constant 0 : i32
      %dma_start3A_200 = arith.constant 0 : i32
      %dma_start3A_201 = arith.constant 0 : i32
      %dma_start3A_202 = arith.constant 0 : i32
      %dma_start3A_203 = tpu.memref_slice %arg10[%dma_start3A_199, %dma_start3A_201, %dma_start3A_202] : memref<4x80x128xf32, #tpu.memory_space<vmem>> -> memref<1x80x128xf32, #tpu.memory_space<vmem>>
      %dma_start3A_204 = tpu.memref_squeeze %dma_start3A_203 : memref<1x80x128xf32, #tpu.memory_space<vmem>> -> memref<80x128xf32, #tpu.memory_space<vmem>>
      %dma_start3A_205 = arith.constant 0 : i32
      %dma_start3A_206 = arith.constant 0 : i32
      %dma_start3A_207 = tpu.memref_slice %arg9[%rem3A_178, %dma_start3A_205, %dma_start3A_206] : memref<2x8x80xi32, #tpu.memory_space<vmem>> -> memref<1x8x80xi32, #tpu.memory_space<vmem>>
      %dma_start3A_208 = tpu.memref_squeeze %dma_start3A_207 : memref<1x8x80xi32, #tpu.memory_space<vmem>> -> memref<8x80xi32, #tpu.memory_space<vmem>>
      %dma_start3A_209 = arith.constant 0 : i32
      %dma_start3A_210 = tpu.memref_slice %dma_start3A_208[%dma_start3A_200, %dma_start3A_209] : memref<8x80xi32, #tpu.memory_space<vmem>> -> memref<1x80xi32, #tpu.memory_space<vmem>>
      %dma_start3A_211 = tpu.memref_squeeze %dma_start3A_210 : memref<1x80xi32, #tpu.memory_space<vmem>> -> memref<80xi32, #tpu.memory_space<vmem>>
      %dma_start3A_212 = arith.constant 0 : i32
      %dma_start3A_213 = arith.constant 0 : i32
      %dma_start3A_214 = tpu.memref_slice %arg7[%dma_start3A_212, %dma_start3A_213] : memref<10112x128xf32, #tpu.memory_space<vmem_shared>> -> memref<10112x128xf32, #tpu.memory_space<vmem_shared>>
      tpu.enqueue_indirect_dma source(%dma_start3A_204 : memref<80x128xf32, #tpu.memory_space<vmem>>) target(%dma_start3A_214 : memref<10112x128xf32, #tpu.memory_space<vmem_shared>>) offsets(%dma_start3A_211 : memref<80xi32, #tpu.memory_space<vmem>>) semaphore(%arg15 : memref<!tpu.dma_semaphore, #tpu.memory_space<semaphore_mem>>) {add = true}
      %ge3A = arith.constant 1 : i32
      %ge3A_215 = arith.cmpi sge, %add3A_183, %ge3A : i32
      %convert_element_type3A_216 = arith.extui %ge3A_215 : i1 to i32
      %cond3A_217 = arith.constant 0 : i32
      %cond3A_218 = arith.cmpi ne, %convert_element_type3A_216, %cond3A_217 : i32
      scf.if %cond3A_218 {
        %dma_wait3A_571 = arith.constant 3 : i32
        %dma_wait3A_572 = arith.constant 0 : i32
        %dma_wait3A_573 = arith.constant 0 : i32
        %dma_wait3A_574 = tpu.memref_slice %arg10[%dma_wait3A_571, %dma_wait3A_572, %dma_wait3A_573] : memref<4x80x128xf32, #tpu.memory_space<vmem>> -> memref<1x80x128xf32, #tpu.memory_space<vmem>>
        %dma_wait3A_575 = tpu.memref_squeeze %dma_wait3A_574 : memref<1x80x128xf32, #tpu.memory_space<vmem>> -> memref<80x128xf32, #tpu.memory_space<vmem>>
        %dma_wait3A_576 = arith.constant 0 : i32
        %dma_wait3A_577 = arith.constant 0 : i32
        %dma_wait3A_578 = tpu.memref_slice %arg2[%dma_wait3A_576, %dma_wait3A_577] : memref<10000x128xf32, #tpu.memory_space<hbm>> -> memref<80x128xf32, #tpu.memory_space<hbm>>
        %dma_wait3A_579 = arith.constant 0 : i32
        %dma_wait3A_580 = arith.constant 0 : i32
        %dma_wait3A_581 = tpu.memref_slice %arg10[%dma_wait3A_571, %dma_wait3A_579, %dma_wait3A_580] : memref<4x80x128xf32, #tpu.memory_space<vmem>> -> memref<1x80x128xf32, #tpu.memory_space<vmem>>
        %dma_wait3A_582 = tpu.memref_squeeze %dma_wait3A_581 : memref<1x80x128xf32, #tpu.memory_space<vmem>> -> memref<80x128xf32, #tpu.memory_space<vmem>>
        %dma_wait3A_583 = arith.constant 0 : i32
        %dma_wait3A_584 = arith.constant 0 : i32
        %dma_wait3A_585 = tpu.memref_slice %arg2[%dma_wait3A_583, %dma_wait3A_584] : memref<10000x128xf32, #tpu.memory_space<hbm>> -> memref<80x128xf32, #tpu.memory_space<hbm>>
        tpu.wait_dma2 semaphore(%arg18 : memref<!tpu.dma_semaphore, #tpu.memory_space<semaphore_mem>>) src(%dma_wait3A_585 : memref<80x128xf32, #tpu.memory_space<hbm>>) dst(%dma_wait3A_582 : memref<80x128xf32, #tpu.memory_space<vmem>>)
      } else {
      }
      %ge3A_219 = arith.constant 1 : i32
      %ge3A_220 = arith.cmpi sge, %scan3A_177, %ge3A_219 : i32
      %add3A_221 = arith.constant 1 : i32
      %add3A_222 = arith.addi %scan3A_177, %add3A_221 : i32
      %lt3A_223 = arith.constant 16 : i32
      %lt3A_224 = arith.cmpi slt, %add3A_222, %lt3A_223 : i32
      %and3A = arith.andi %ge3A_220, %lt3A_224 : i1
      %convert_element_type3A_225 = arith.extui %and3A : i1 to i32
      %cond3A_226 = arith.constant 0 : i32
      %cond3A_227 = arith.cmpi ne, %convert_element_type3A_225, %cond3A_226 : i32
      scf.if %cond3A_227 {
        %add3A_571 = arith.constant 1 : i32
        %add3A_572 = arith.addi %scan3A_177, %add3A_571 : i32
        %mul3A_573 = arith.constant 128 : i32
        %mul3A_574 = arith.muli %add3A, %mul3A_573 : i32
        %mul3A_575 = arith.constant 8 : i32
        %mul3A_576 = arith.muli %add3A_572, %mul3A_575 : i32
        %add3A_577 = arith.addi %mul3A_574, %mul3A_576 : i32
        %dma_start3A_578 = arith.constant 0 : i32
        %dma_start3A_579 = arith.constant 0 : i32
        %dma_start3A_580 = tpu.memref_slice %arg8[%sub3A_179, %dma_start3A_578, %dma_start3A_579] : memref<2x8x80xi32, #tpu.memory_space<vmem>> -> memref<1x8x80xi32, #tpu.memory_space<vmem>>
        %dma_start3A_581 = tpu.memref_squeeze %dma_start3A_580 : memref<1x8x80xi32, #tpu.memory_space<vmem>> -> memref<8x80xi32, #tpu.memory_space<vmem>>
        %dma_start3A_582 = arith.constant 0 : i32
        %dma_start3A_583 = tpu.memref_slice %arg3[%add3A_577, %dma_start3A_582] : memref<4096x80xi32, #tpu.memory_space<hbm>> -> memref<8x80xi32, #tpu.memory_space<hbm>>
        %dma_start3A_584 = arith.constant 0 : i32
        %dma_start3A_585 = arith.constant 0 : i32
        %dma_start3A_586 = tpu.memref_slice %arg8[%sub3A_179, %dma_start3A_584, %dma_start3A_585] : memref<2x8x80xi32, #tpu.memory_space<vmem>> -> memref<1x8x80xi32, #tpu.memory_space<vmem>>
        %dma_start3A_587 = tpu.memref_squeeze %dma_start3A_586 : memref<1x8x80xi32, #tpu.memory_space<vmem>> -> memref<8x80xi32, #tpu.memory_space<vmem>>
        %dma_start3A_588 = arith.constant 0 : i32
        %dma_start3A_589 = tpu.memref_slice %arg3[%add3A_577, %dma_start3A_588] : memref<4096x80xi32, #tpu.memory_space<hbm>> -> memref<8x80xi32, #tpu.memory_space<hbm>>
        tpu.enqueue_dma source(%dma_start3A_589 : memref<8x80xi32, #tpu.memory_space<hbm>>) target(%dma_start3A_587 : memref<8x80xi32, #tpu.memory_space<vmem>>) target_semaphore(%arg19 : memref<!tpu.dma_semaphore, #tpu.memory_space<semaphore_mem>>)
        %mul3A_590 = arith.constant 128 : i32
        %mul3A_591 = arith.muli %add3A, %mul3A_590 : i32
        %mul3A_592 = arith.constant 8 : i32
        %mul3A_593 = arith.muli %add3A_572, %mul3A_592 : i32
        %add3A_594 = arith.addi %mul3A_591, %mul3A_593 : i32
        %dma_start3A_595 = arith.constant 0 : i32
        %dma_start3A_596 = arith.constant 0 : i32
        %dma_start3A_597 = tpu.memref_slice %arg9[%sub3A_179, %dma_start3A_595, %dma_start3A_596] : memref<2x8x80xi32, #tpu.memory_space<vmem>> -> memref<1x8x80xi32, #tpu.memory_space<vmem>>
        %dma_start3A_598 = tpu.memref_squeeze %dma_start3A_597 : memref<1x8x80xi32, #tpu.memory_space<vmem>> -> memref<8x80xi32, #tpu.memory_space<vmem>>
        %dma_start3A_599 = arith.constant 0 : i32
        %dma_start3A_600 = tpu.memref_slice %arg4[%add3A_594, %dma_start3A_599] : memref<4096x80xi32, #tpu.memory_space<hbm>> -> memref<8x80xi32, #tpu.memory_space<hbm>>
        %dma_start3A_601 = arith.constant 0 : i32
        %dma_start3A_602 = arith.constant 0 : i32
        %dma_start3A_603 = tpu.memref_slice %arg9[%sub3A_179, %dma_start3A_601, %dma_start3A_602] : memref<2x8x80xi32, #tpu.memory_space<vmem>> -> memref<1x8x80xi32, #tpu.memory_space<vmem>>
        %dma_start3A_604 = tpu.memref_squeeze %dma_start3A_603 : memref<1x8x80xi32, #tpu.memory_space<vmem>> -> memref<8x80xi32, #tpu.memory_space<vmem>>
        %dma_start3A_605 = arith.constant 0 : i32
        %dma_start3A_606 = tpu.memref_slice %arg4[%add3A_594, %dma_start3A_605] : memref<4096x80xi32, #tpu.memory_space<hbm>> -> memref<8x80xi32, #tpu.memory_space<hbm>>
        tpu.enqueue_dma source(%dma_start3A_606 : memref<8x80xi32, #tpu.memory_space<hbm>>) target(%dma_start3A_604 : memref<8x80xi32, #tpu.memory_space<vmem>>) target_semaphore(%arg19 : memref<!tpu.dma_semaphore, #tpu.memory_space<semaphore_mem>>)
      } else {
      }
      %add3A_228 = arith.constant 3 : i32
      %add3A_229 = arith.addi %add3A_183, %add3A_228 : i32
      %lt3A_230 = arith.constant 128 : i32
      %lt3A_231 = arith.cmpi slt, %add3A_229, %lt3A_230 : i32
      %convert_element_type3A_232 = arith.extui %lt3A_231 : i1 to i32
      %cond3A_233 = arith.constant 0 : i32
      %cond3A_234 = arith.cmpi ne, %convert_element_type3A_232, %cond3A_233 : i32
      scf.if %cond3A_234 {
        %dma_start3A_571 = arith.constant 3 : i32
        %dma_start3A_572 = arith.constant 3 : i32
        %dma_start3A_573 = arith.constant 0 : i32
        %dma_start3A_574 = arith.constant 0 : i32
        %dma_start3A_575 = tpu.memref_slice %arg10[%dma_start3A_572, %dma_start3A_573, %dma_start3A_574] : memref<4x80x128xf32, #tpu.memory_space<vmem>> -> memref<1x80x128xf32, #tpu.memory_space<vmem>>
        %dma_start3A_576 = tpu.memref_squeeze %dma_start3A_575 : memref<1x80x128xf32, #tpu.memory_space<vmem>> -> memref<80x128xf32, #tpu.memory_space<vmem>>
        %dma_start3A_577 = arith.constant 0 : i32
        %dma_start3A_578 = arith.constant 0 : i32
        %dma_start3A_579 = tpu.memref_slice %arg8[%rem3A_178, %dma_start3A_577, %dma_start3A_578] : memref<2x8x80xi32, #tpu.memory_space<vmem>> -> memref<1x8x80xi32, #tpu.memory_space<vmem>>
        %dma_start3A_580 = tpu.memref_squeeze %dma_start3A_579 : memref<1x8x80xi32, #tpu.memory_space<vmem>> -> memref<8x80xi32, #tpu.memory_space<vmem>>
        %dma_start3A_581 = arith.constant 0 : i32
        %dma_start3A_582 = tpu.memref_slice %dma_start3A_580[%dma_start3A_571, %dma_start3A_581] : memref<8x80xi32, #tpu.memory_space<vmem>> -> memref<1x80xi32, #tpu.memory_space<vmem>>
        %dma_start3A_583 = tpu.memref_squeeze %dma_start3A_582 : memref<1x80xi32, #tpu.memory_space<vmem>> -> memref<80xi32, #tpu.memory_space<vmem>>
        %dma_start3A_584 = arith.constant 0 : i32
        %dma_start3A_585 = arith.constant 0 : i32
        %dma_start3A_586 = tpu.memref_slice %arg2[%dma_start3A_584, %dma_start3A_585] : memref<10000x128xf32, #tpu.memory_space<hbm>> -> memref<10000x128xf32, #tpu.memory_space<hbm>>
        tpu.enqueue_indirect_dma source(%dma_start3A_586 : memref<10000x128xf32, #tpu.memory_space<hbm>>) target(%dma_start3A_576 : memref<80x128xf32, #tpu.memory_space<vmem>>) offsets(%dma_start3A_583 : memref<80xi32, #tpu.memory_space<vmem>>) semaphore(%arg14 : memref<!tpu.dma_semaphore, #tpu.memory_space<semaphore_mem>>)
      } else {
      }
      %mul3A_235 = arith.constant 8 : i32
      %mul3A_236 = arith.muli %scan3A_177, %mul3A_235 : i32
      %add3A_237 = arith.constant 1 : i32
      %add3A_238 = arith.addi %mul3A_236, %add3A_237 : i32
      %dma_wait3A_239 = arith.constant 1 : i32
      %dma_wait3A_240 = arith.constant 0 : i32
      %dma_wait3A_241 = arith.constant 0 : i32
      %dma_wait3A_242 = tpu.memref_slice %arg10[%dma_wait3A_239, %dma_wait3A_240, %dma_wait3A_241] : memref<4x80x128xf32, #tpu.memory_space<vmem>> -> memref<1x80x128xf32, #tpu.memory_space<vmem>>
      %dma_wait3A_243 = tpu.memref_squeeze %dma_wait3A_242 : memref<1x80x128xf32, #tpu.memory_space<vmem>> -> memref<80x128xf32, #tpu.memory_space<vmem>>
      %dma_wait3A_244 = arith.constant 0 : i32
      %dma_wait3A_245 = arith.constant 0 : i32
      %dma_wait3A_246 = tpu.memref_slice %arg2[%dma_wait3A_244, %dma_wait3A_245] : memref<10000x128xf32, #tpu.memory_space<hbm>> -> memref<80x128xf32, #tpu.memory_space<hbm>>
      %dma_wait3A_247 = arith.constant 0 : i32
      %dma_wait3A_248 = arith.constant 0 : i32
      %dma_wait3A_249 = tpu.memref_slice %arg10[%dma_wait3A_239, %dma_wait3A_247, %dma_wait3A_248] : memref<4x80x128xf32, #tpu.memory_space<vmem>> -> memref<1x80x128xf32, #tpu.memory_space<vmem>>
      %dma_wait3A_250 = tpu.memref_squeeze %dma_wait3A_249 : memref<1x80x128xf32, #tpu.memory_space<vmem>> -> memref<80x128xf32, #tpu.memory_space<vmem>>
      %dma_wait3A_251 = arith.constant 0 : i32
      %dma_wait3A_252 = arith.constant 0 : i32
      %dma_wait3A_253 = tpu.memref_slice %arg2[%dma_wait3A_251, %dma_wait3A_252] : memref<10000x128xf32, #tpu.memory_space<hbm>> -> memref<80x128xf32, #tpu.memory_space<hbm>>
      tpu.wait_dma2 semaphore(%arg12 : memref<!tpu.dma_semaphore, #tpu.memory_space<semaphore_mem>>) src(%dma_wait3A_253 : memref<80x128xf32, #tpu.memory_space<hbm>>) dst(%dma_wait3A_250 : memref<80x128xf32, #tpu.memory_space<vmem>>)
      %dma_start3A_254 = arith.constant 1 : i32
      %dma_start3A_255 = arith.constant 1 : i32
      %dma_start3A_256 = arith.constant 0 : i32
      %dma_start3A_257 = arith.constant 0 : i32
      %dma_start3A_258 = tpu.memref_slice %arg10[%dma_start3A_254, %dma_start3A_256, %dma_start3A_257] : memref<4x80x128xf32, #tpu.memory_space<vmem>> -> memref<1x80x128xf32, #tpu.memory_space<vmem>>
      %dma_start3A_259 = tpu.memref_squeeze %dma_start3A_258 : memref<1x80x128xf32, #tpu.memory_space<vmem>> -> memref<80x128xf32, #tpu.memory_space<vmem>>
      %dma_start3A_260 = arith.constant 0 : i32
      %dma_start3A_261 = arith.constant 0 : i32
      %dma_start3A_262 = tpu.memref_slice %arg9[%rem3A_178, %dma_start3A_260, %dma_start3A_261] : memref<2x8x80xi32, #tpu.memory_space<vmem>> -> memref<1x8x80xi32, #tpu.memory_space<vmem>>
      %dma_start3A_263 = tpu.memref_squeeze %dma_start3A_262 : memref<1x8x80xi32, #tpu.memory_space<vmem>> -> memref<8x80xi32, #tpu.memory_space<vmem>>
      %dma_start3A_264 = arith.constant 0 : i32
      %dma_start3A_265 = tpu.memref_slice %dma_start3A_263[%dma_start3A_255, %dma_start3A_264] : memref<8x80xi32, #tpu.memory_space<vmem>> -> memref<1x80xi32, #tpu.memory_space<vmem>>
      %dma_start3A_266 = tpu.memref_squeeze %dma_start3A_265 : memref<1x80xi32, #tpu.memory_space<vmem>> -> memref<80xi32, #tpu.memory_space<vmem>>
      %dma_start3A_267 = arith.constant 0 : i32
      %dma_start3A_268 = arith.constant 0 : i32
      %dma_start3A_269 = tpu.memref_slice %arg7[%dma_start3A_267, %dma_start3A_268] : memref<10112x128xf32, #tpu.memory_space<vmem_shared>> -> memref<10112x128xf32, #tpu.memory_space<vmem_shared>>
      tpu.enqueue_indirect_dma source(%dma_start3A_259 : memref<80x128xf32, #tpu.memory_space<vmem>>) target(%dma_start3A_269 : memref<10112x128xf32, #tpu.memory_space<vmem_shared>>) offsets(%dma_start3A_266 : memref<80xi32, #tpu.memory_space<vmem>>) semaphore(%arg16 : memref<!tpu.dma_semaphore, #tpu.memory_space<semaphore_mem>>) {add = true}
      %ge3A_270 = arith.constant 1 : i32
      %ge3A_271 = arith.cmpi sge, %add3A_238, %ge3A_270 : i32
      %convert_element_type3A_272 = arith.extui %ge3A_271 : i1 to i32
      %cond3A_273 = arith.constant 0 : i32
      %cond3A_274 = arith.cmpi ne, %convert_element_type3A_272, %cond3A_273 : i32
      scf.if %cond3A_274 {
        %dma_wait3A_571 = arith.constant 0 : i32
        %dma_wait3A_572 = arith.constant 0 : i32
        %dma_wait3A_573 = arith.constant 0 : i32
        %dma_wait3A_574 = tpu.memref_slice %arg10[%dma_wait3A_571, %dma_wait3A_572, %dma_wait3A_573] : memref<4x80x128xf32, #tpu.memory_space<vmem>> -> memref<1x80x128xf32, #tpu.memory_space<vmem>>
        %dma_wait3A_575 = tpu.memref_squeeze %dma_wait3A_574 : memref<1x80x128xf32, #tpu.memory_space<vmem>> -> memref<80x128xf32, #tpu.memory_space<vmem>>
        %dma_wait3A_576 = arith.constant 0 : i32
        %dma_wait3A_577 = arith.constant 0 : i32
        %dma_wait3A_578 = tpu.memref_slice %arg2[%dma_wait3A_576, %dma_wait3A_577] : memref<10000x128xf32, #tpu.memory_space<hbm>> -> memref<80x128xf32, #tpu.memory_space<hbm>>
        %dma_wait3A_579 = arith.constant 0 : i32
        %dma_wait3A_580 = arith.constant 0 : i32
        %dma_wait3A_581 = tpu.memref_slice %arg10[%dma_wait3A_571, %dma_wait3A_579, %dma_wait3A_580] : memref<4x80x128xf32, #tpu.memory_space<vmem>> -> memref<1x80x128xf32, #tpu.memory_space<vmem>>
        %dma_wait3A_582 = tpu.memref_squeeze %dma_wait3A_581 : memref<1x80x128xf32, #tpu.memory_space<vmem>> -> memref<80x128xf32, #tpu.memory_space<vmem>>
        %dma_wait3A_583 = arith.constant 0 : i32
        %dma_wait3A_584 = arith.constant 0 : i32
        %dma_wait3A_585 = tpu.memref_slice %arg2[%dma_wait3A_583, %dma_wait3A_584] : memref<10000x128xf32, #tpu.memory_space<hbm>> -> memref<80x128xf32, #tpu.memory_space<hbm>>
        tpu.wait_dma2 semaphore(%arg15 : memref<!tpu.dma_semaphore, #tpu.memory_space<semaphore_mem>>) src(%dma_wait3A_585 : memref<80x128xf32, #tpu.memory_space<hbm>>) dst(%dma_wait3A_582 : memref<80x128xf32, #tpu.memory_space<vmem>>)
      } else {
      }
      %add3A_275 = arith.constant 3 : i32
      %add3A_276 = arith.addi %add3A_238, %add3A_275 : i32
      %lt3A_277 = arith.constant 128 : i32
      %lt3A_278 = arith.cmpi slt, %add3A_276, %lt3A_277 : i32
      %convert_element_type3A_279 = arith.extui %lt3A_278 : i1 to i32
      %cond3A_280 = arith.constant 0 : i32
      %cond3A_281 = arith.cmpi ne, %convert_element_type3A_279, %cond3A_280 : i32
      scf.if %cond3A_281 {
        %dma_start3A_571 = arith.constant 4 : i32
        %dma_start3A_572 = arith.constant 0 : i32
        %dma_start3A_573 = arith.constant 0 : i32
        %dma_start3A_574 = arith.constant 0 : i32
        %dma_start3A_575 = tpu.memref_slice %arg10[%dma_start3A_572, %dma_start3A_573, %dma_start3A_574] : memref<4x80x128xf32, #tpu.memory_space<vmem>> -> memref<1x80x128xf32, #tpu.memory_space<vmem>>
        %dma_start3A_576 = tpu.memref_squeeze %dma_start3A_575 : memref<1x80x128xf32, #tpu.memory_space<vmem>> -> memref<80x128xf32, #tpu.memory_space<vmem>>
        %dma_start3A_577 = arith.constant 0 : i32
        %dma_start3A_578 = arith.constant 0 : i32
        %dma_start3A_579 = tpu.memref_slice %arg8[%rem3A_178, %dma_start3A_577, %dma_start3A_578] : memref<2x8x80xi32, #tpu.memory_space<vmem>> -> memref<1x8x80xi32, #tpu.memory_space<vmem>>
        %dma_start3A_580 = tpu.memref_squeeze %dma_start3A_579 : memref<1x8x80xi32, #tpu.memory_space<vmem>> -> memref<8x80xi32, #tpu.memory_space<vmem>>
        %dma_start3A_581 = arith.constant 0 : i32
        %dma_start3A_582 = tpu.memref_slice %dma_start3A_580[%dma_start3A_571, %dma_start3A_581] : memref<8x80xi32, #tpu.memory_space<vmem>> -> memref<1x80xi32, #tpu.memory_space<vmem>>
        %dma_start3A_583 = tpu.memref_squeeze %dma_start3A_582 : memref<1x80xi32, #tpu.memory_space<vmem>> -> memref<80xi32, #tpu.memory_space<vmem>>
        %dma_start3A_584 = arith.constant 0 : i32
        %dma_start3A_585 = arith.constant 0 : i32
        %dma_start3A_586 = tpu.memref_slice %arg2[%dma_start3A_584, %dma_start3A_585] : memref<10000x128xf32, #tpu.memory_space<hbm>> -> memref<10000x128xf32, #tpu.memory_space<hbm>>
        tpu.enqueue_indirect_dma source(%dma_start3A_586 : memref<10000x128xf32, #tpu.memory_space<hbm>>) target(%dma_start3A_576 : memref<80x128xf32, #tpu.memory_space<vmem>>) offsets(%dma_start3A_583 : memref<80xi32, #tpu.memory_space<vmem>>) semaphore(%arg11 : memref<!tpu.dma_semaphore, #tpu.memory_space<semaphore_mem>>)
      } else {
      }
      %mul3A_282 = arith.constant 8 : i32
      %mul3A_283 = arith.muli %scan3A_177, %mul3A_282 : i32
      %add3A_284 = arith.constant 2 : i32
      %add3A_285 = arith.addi %mul3A_283, %add3A_284 : i32
      %dma_wait3A_286 = arith.constant 2 : i32
      %dma_wait3A_287 = arith.constant 0 : i32
      %dma_wait3A_288 = arith.constant 0 : i32
      %dma_wait3A_289 = tpu.memref_slice %arg10[%dma_wait3A_286, %dma_wait3A_287, %dma_wait3A_288] : memref<4x80x128xf32, #tpu.memory_space<vmem>> -> memref<1x80x128xf32, #tpu.memory_space<vmem>>
      %dma_wait3A_290 = tpu.memref_squeeze %dma_wait3A_289 : memref<1x80x128xf32, #tpu.memory_space<vmem>> -> memref<80x128xf32, #tpu.memory_space<vmem>>
      %dma_wait3A_291 = arith.constant 0 : i32
      %dma_wait3A_292 = arith.constant 0 : i32
      %dma_wait3A_293 = tpu.memref_slice %arg2[%dma_wait3A_291, %dma_wait3A_292] : memref<10000x128xf32, #tpu.memory_space<hbm>> -> memref<80x128xf32, #tpu.memory_space<hbm>>
      %dma_wait3A_294 = arith.constant 0 : i32
      %dma_wait3A_295 = arith.constant 0 : i32
      %dma_wait3A_296 = tpu.memref_slice %arg10[%dma_wait3A_286, %dma_wait3A_294, %dma_wait3A_295] : memref<4x80x128xf32, #tpu.memory_space<vmem>> -> memref<1x80x128xf32, #tpu.memory_space<vmem>>
      %dma_wait3A_297 = tpu.memref_squeeze %dma_wait3A_296 : memref<1x80x128xf32, #tpu.memory_space<vmem>> -> memref<80x128xf32, #tpu.memory_space<vmem>>
      %dma_wait3A_298 = arith.constant 0 : i32
      %dma_wait3A_299 = arith.constant 0 : i32
      %dma_wait3A_300 = tpu.memref_slice %arg2[%dma_wait3A_298, %dma_wait3A_299] : memref<10000x128xf32, #tpu.memory_space<hbm>> -> memref<80x128xf32, #tpu.memory_space<hbm>>
      tpu.wait_dma2 semaphore(%arg13 : memref<!tpu.dma_semaphore, #tpu.memory_space<semaphore_mem>>) src(%dma_wait3A_300 : memref<80x128xf32, #tpu.memory_space<hbm>>) dst(%dma_wait3A_297 : memref<80x128xf32, #tpu.memory_space<vmem>>)
      %dma_start3A_301 = arith.constant 2 : i32
      %dma_start3A_302 = arith.constant 2 : i32
      %dma_start3A_303 = arith.constant 0 : i32
      %dma_start3A_304 = arith.constant 0 : i32
      %dma_start3A_305 = tpu.memref_slice %arg10[%dma_start3A_301, %dma_start3A_303, %dma_start3A_304] : memref<4x80x128xf32, #tpu.memory_space<vmem>> -> memref<1x80x128xf32, #tpu.memory_space<vmem>>
      %dma_start3A_306 = tpu.memref_squeeze %dma_start3A_305 : memref<1x80x128xf32, #tpu.memory_space<vmem>> -> memref<80x128xf32, #tpu.memory_space<vmem>>
      %dma_start3A_307 = arith.constant 0 : i32
      %dma_start3A_308 = arith.constant 0 : i32
      %dma_start3A_309 = tpu.memref_slice %arg9[%rem3A_178, %dma_start3A_307, %dma_start3A_308] : memref<2x8x80xi32, #tpu.memory_space<vmem>> -> memref<1x8x80xi32, #tpu.memory_space<vmem>>
      %dma_start3A_310 = tpu.memref_squeeze %dma_start3A_309 : memref<1x8x80xi32, #tpu.memory_space<vmem>> -> memref<8x80xi32, #tpu.memory_space<vmem>>
      %dma_start3A_311 = arith.constant 0 : i32
      %dma_start3A_312 = tpu.memref_slice %dma_start3A_310[%dma_start3A_302, %dma_start3A_311] : memref<8x80xi32, #tpu.memory_space<vmem>> -> memref<1x80xi32, #tpu.memory_space<vmem>>
      %dma_start3A_313 = tpu.memref_squeeze %dma_start3A_312 : memref<1x80xi32, #tpu.memory_space<vmem>> -> memref<80xi32, #tpu.memory_space<vmem>>
      %dma_start3A_314 = arith.constant 0 : i32
      %dma_start3A_315 = arith.constant 0 : i32
      %dma_start3A_316 = tpu.memref_slice %arg7[%dma_start3A_314, %dma_start3A_315] : memref<10112x128xf32, #tpu.memory_space<vmem_shared>> -> memref<10112x128xf32, #tpu.memory_space<vmem_shared>>
      tpu.enqueue_indirect_dma source(%dma_start3A_306 : memref<80x128xf32, #tpu.memory_space<vmem>>) target(%dma_start3A_316 : memref<10112x128xf32, #tpu.memory_space<vmem_shared>>) offsets(%dma_start3A_313 : memref<80xi32, #tpu.memory_space<vmem>>) semaphore(%arg17 : memref<!tpu.dma_semaphore, #tpu.memory_space<semaphore_mem>>) {add = true}
      %ge3A_317 = arith.constant 1 : i32
      %ge3A_318 = arith.cmpi sge, %add3A_285, %ge3A_317 : i32
      %convert_element_type3A_319 = arith.extui %ge3A_318 : i1 to i32
      %cond3A_320 = arith.constant 0 : i32
      %cond3A_321 = arith.cmpi ne, %convert_element_type3A_319, %cond3A_320 : i32
      scf.if %cond3A_321 {
        %dma_wait3A_571 = arith.constant 1 : i32
        %dma_wait3A_572 = arith.constant 0 : i32
        %dma_wait3A_573 = arith.constant 0 : i32
        %dma_wait3A_574 = tpu.memref_slice %arg10[%dma_wait3A_571, %dma_wait3A_572, %dma_wait3A_573] : memref<4x80x128xf32, #tpu.memory_space<vmem>> -> memref<1x80x128xf32, #tpu.memory_space<vmem>>
        %dma_wait3A_575 = tpu.memref_squeeze %dma_wait3A_574 : memref<1x80x128xf32, #tpu.memory_space<vmem>> -> memref<80x128xf32, #tpu.memory_space<vmem>>
        %dma_wait3A_576 = arith.constant 0 : i32
        %dma_wait3A_577 = arith.constant 0 : i32
        %dma_wait3A_578 = tpu.memref_slice %arg2[%dma_wait3A_576, %dma_wait3A_577] : memref<10000x128xf32, #tpu.memory_space<hbm>> -> memref<80x128xf32, #tpu.memory_space<hbm>>
        %dma_wait3A_579 = arith.constant 0 : i32
        %dma_wait3A_580 = arith.constant 0 : i32
        %dma_wait3A_581 = tpu.memref_slice %arg10[%dma_wait3A_571, %dma_wait3A_579, %dma_wait3A_580] : memref<4x80x128xf32, #tpu.memory_space<vmem>> -> memref<1x80x128xf32, #tpu.memory_space<vmem>>
        %dma_wait3A_582 = tpu.memref_squeeze %dma_wait3A_581 : memref<1x80x128xf32, #tpu.memory_space<vmem>> -> memref<80x128xf32, #tpu.memory_space<vmem>>
        %dma_wait3A_583 = arith.constant 0 : i32
        %dma_wait3A_584 = arith.constant 0 : i32
        %dma_wait3A_585 = tpu.memref_slice %arg2[%dma_wait3A_583, %dma_wait3A_584] : memref<10000x128xf32, #tpu.memory_space<hbm>> -> memref<80x128xf32, #tpu.memory_space<hbm>>
        tpu.wait_dma2 semaphore(%arg16 : memref<!tpu.dma_semaphore, #tpu.memory_space<semaphore_mem>>) src(%dma_wait3A_585 : memref<80x128xf32, #tpu.memory_space<hbm>>) dst(%dma_wait3A_582 : memref<80x128xf32, #tpu.memory_space<vmem>>)
      } else {
      }
      %add3A_322 = arith.constant 3 : i32
      %add3A_323 = arith.addi %add3A_285, %add3A_322 : i32
      %lt3A_324 = arith.constant 128 : i32
      %lt3A_325 = arith.cmpi slt, %add3A_323, %lt3A_324 : i32
      %convert_element_type3A_326 = arith.extui %lt3A_325 : i1 to i32
      %cond3A_327 = arith.constant 0 : i32
      %cond3A_328 = arith.cmpi ne, %convert_element_type3A_326, %cond3A_327 : i32
      scf.if %cond3A_328 {
        %dma_start3A_571 = arith.constant 5 : i32
        %dma_start3A_572 = arith.constant 1 : i32
        %dma_start3A_573 = arith.constant 0 : i32
        %dma_start3A_574 = arith.constant 0 : i32
        %dma_start3A_575 = tpu.memref_slice %arg10[%dma_start3A_572, %dma_start3A_573, %dma_start3A_574] : memref<4x80x128xf32, #tpu.memory_space<vmem>> -> memref<1x80x128xf32, #tpu.memory_space<vmem>>
        %dma_start3A_576 = tpu.memref_squeeze %dma_start3A_575 : memref<1x80x128xf32, #tpu.memory_space<vmem>> -> memref<80x128xf32, #tpu.memory_space<vmem>>
        %dma_start3A_577 = arith.constant 0 : i32
        %dma_start3A_578 = arith.constant 0 : i32
        %dma_start3A_579 = tpu.memref_slice %arg8[%rem3A_178, %dma_start3A_577, %dma_start3A_578] : memref<2x8x80xi32, #tpu.memory_space<vmem>> -> memref<1x8x80xi32, #tpu.memory_space<vmem>>
        %dma_start3A_580 = tpu.memref_squeeze %dma_start3A_579 : memref<1x8x80xi32, #tpu.memory_space<vmem>> -> memref<8x80xi32, #tpu.memory_space<vmem>>
        %dma_start3A_581 = arith.constant 0 : i32
        %dma_start3A_582 = tpu.memref_slice %dma_start3A_580[%dma_start3A_571, %dma_start3A_581] : memref<8x80xi32, #tpu.memory_space<vmem>> -> memref<1x80xi32, #tpu.memory_space<vmem>>
        %dma_start3A_583 = tpu.memref_squeeze %dma_start3A_582 : memref<1x80xi32, #tpu.memory_space<vmem>> -> memref<80xi32, #tpu.memory_space<vmem>>
        %dma_start3A_584 = arith.constant 0 : i32
        %dma_start3A_585 = arith.constant 0 : i32
        %dma_start3A_586 = tpu.memref_slice %arg2[%dma_start3A_584, %dma_start3A_585] : memref<10000x128xf32, #tpu.memory_space<hbm>> -> memref<10000x128xf32, #tpu.memory_space<hbm>>
        tpu.enqueue_indirect_dma source(%dma_start3A_586 : memref<10000x128xf32, #tpu.memory_space<hbm>>) target(%dma_start3A_576 : memref<80x128xf32, #tpu.memory_space<vmem>>) offsets(%dma_start3A_583 : memref<80xi32, #tpu.memory_space<vmem>>) semaphore(%arg12 : memref<!tpu.dma_semaphore, #tpu.memory_space<semaphore_mem>>)
      } else {
      }
      %mul3A_329 = arith.constant 8 : i32
      %mul3A_330 = arith.muli %scan3A_177, %mul3A_329 : i32
      %add3A_331 = arith.constant 3 : i32
      %add3A_332 = arith.addi %mul3A_330, %add3A_331 : i32
      %dma_wait3A_333 = arith.constant 3 : i32
      %dma_wait3A_334 = arith.constant 0 : i32
      %dma_wait3A_335 = arith.constant 0 : i32
      %dma_wait3A_336 = tpu.memref_slice %arg10[%dma_wait3A_333, %dma_wait3A_334, %dma_wait3A_335] : memref<4x80x128xf32, #tpu.memory_space<vmem>> -> memref<1x80x128xf32, #tpu.memory_space<vmem>>
      %dma_wait3A_337 = tpu.memref_squeeze %dma_wait3A_336 : memref<1x80x128xf32, #tpu.memory_space<vmem>> -> memref<80x128xf32, #tpu.memory_space<vmem>>
      %dma_wait3A_338 = arith.constant 0 : i32
      %dma_wait3A_339 = arith.constant 0 : i32
      %dma_wait3A_340 = tpu.memref_slice %arg2[%dma_wait3A_338, %dma_wait3A_339] : memref<10000x128xf32, #tpu.memory_space<hbm>> -> memref<80x128xf32, #tpu.memory_space<hbm>>
      %dma_wait3A_341 = arith.constant 0 : i32
      %dma_wait3A_342 = arith.constant 0 : i32
      %dma_wait3A_343 = tpu.memref_slice %arg10[%dma_wait3A_333, %dma_wait3A_341, %dma_wait3A_342] : memref<4x80x128xf32, #tpu.memory_space<vmem>> -> memref<1x80x128xf32, #tpu.memory_space<vmem>>
      %dma_wait3A_344 = tpu.memref_squeeze %dma_wait3A_343 : memref<1x80x128xf32, #tpu.memory_space<vmem>> -> memref<80x128xf32, #tpu.memory_space<vmem>>
      %dma_wait3A_345 = arith.constant 0 : i32
      %dma_wait3A_346 = arith.constant 0 : i32
      %dma_wait3A_347 = tpu.memref_slice %arg2[%dma_wait3A_345, %dma_wait3A_346] : memref<10000x128xf32, #tpu.memory_space<hbm>> -> memref<80x128xf32, #tpu.memory_space<hbm>>
      tpu.wait_dma2 semaphore(%arg14 : memref<!tpu.dma_semaphore, #tpu.memory_space<semaphore_mem>>) src(%dma_wait3A_347 : memref<80x128xf32, #tpu.memory_space<hbm>>) dst(%dma_wait3A_344 : memref<80x128xf32, #tpu.memory_space<vmem>>)
      %dma_start3A_348 = arith.constant 3 : i32
      %dma_start3A_349 = arith.constant 3 : i32
      %dma_start3A_350 = arith.constant 0 : i32
      %dma_start3A_351 = arith.constant 0 : i32
      %dma_start3A_352 = tpu.memref_slice %arg10[%dma_start3A_348, %dma_start3A_350, %dma_start3A_351] : memref<4x80x128xf32, #tpu.memory_space<vmem>> -> memref<1x80x128xf32, #tpu.memory_space<vmem>>
      %dma_start3A_353 = tpu.memref_squeeze %dma_start3A_352 : memref<1x80x128xf32, #tpu.memory_space<vmem>> -> memref<80x128xf32, #tpu.memory_space<vmem>>
      %dma_start3A_354 = arith.constant 0 : i32
      %dma_start3A_355 = arith.constant 0 : i32
      %dma_start3A_356 = tpu.memref_slice %arg9[%rem3A_178, %dma_start3A_354, %dma_start3A_355] : memref<2x8x80xi32, #tpu.memory_space<vmem>> -> memref<1x8x80xi32, #tpu.memory_space<vmem>>
      %dma_start3A_357 = tpu.memref_squeeze %dma_start3A_356 : memref<1x8x80xi32, #tpu.memory_space<vmem>> -> memref<8x80xi32, #tpu.memory_space<vmem>>
      %dma_start3A_358 = arith.constant 0 : i32
      %dma_start3A_359 = tpu.memref_slice %dma_start3A_357[%dma_start3A_349, %dma_start3A_358] : memref<8x80xi32, #tpu.memory_space<vmem>> -> memref<1x80xi32, #tpu.memory_space<vmem>>
      %dma_start3A_360 = tpu.memref_squeeze %dma_start3A_359 : memref<1x80xi32, #tpu.memory_space<vmem>> -> memref<80xi32, #tpu.memory_space<vmem>>
      %dma_start3A_361 = arith.constant 0 : i32
      %dma_start3A_362 = arith.constant 0 : i32
      %dma_start3A_363 = tpu.memref_slice %arg7[%dma_start3A_361, %dma_start3A_362] : memref<10112x128xf32, #tpu.memory_space<vmem_shared>> -> memref<10112x128xf32, #tpu.memory_space<vmem_shared>>
      tpu.enqueue_indirect_dma source(%dma_start3A_353 : memref<80x128xf32, #tpu.memory_space<vmem>>) target(%dma_start3A_363 : memref<10112x128xf32, #tpu.memory_space<vmem_shared>>) offsets(%dma_start3A_360 : memref<80xi32, #tpu.memory_space<vmem>>) semaphore(%arg18 : memref<!tpu.dma_semaphore, #tpu.memory_space<semaphore_mem>>) {add = true}
      %ge3A_364 = arith.constant 1 : i32
      %ge3A_365 = arith.cmpi sge, %add3A_332, %ge3A_364 : i32
      %convert_element_type3A_366 = arith.extui %ge3A_365 : i1 to i32
      %cond3A_367 = arith.constant 0 : i32
      %cond3A_368 = arith.cmpi ne, %convert_element_type3A_366, %cond3A_367 : i32
      scf.if %cond3A_368 {
        %dma_wait3A_571 = arith.constant 2 : i32
        %dma_wait3A_572 = arith.constant 0 : i32
        %dma_wait3A_573 = arith.constant 0 : i32
        %dma_wait3A_574 = tpu.memref_slice %arg10[%dma_wait3A_571, %dma_wait3A_572, %dma_wait3A_573] : memref<4x80x128xf32, #tpu.memory_space<vmem>> -> memref<1x80x128xf32, #tpu.memory_space<vmem>>
        %dma_wait3A_575 = tpu.memref_squeeze %dma_wait3A_574 : memref<1x80x128xf32, #tpu.memory_space<vmem>> -> memref<80x128xf32, #tpu.memory_space<vmem>>
        %dma_wait3A_576 = arith.constant 0 : i32
        %dma_wait3A_577 = arith.constant 0 : i32
        %dma_wait3A_578 = tpu.memref_slice %arg2[%dma_wait3A_576, %dma_wait3A_577] : memref<10000x128xf32, #tpu.memory_space<hbm>> -> memref<80x128xf32, #tpu.memory_space<hbm>>
        %dma_wait3A_579 = arith.constant 0 : i32
        %dma_wait3A_580 = arith.constant 0 : i32
        %dma_wait3A_581 = tpu.memref_slice %arg10[%dma_wait3A_571, %dma_wait3A_579, %dma_wait3A_580] : memref<4x80x128xf32, #tpu.memory_space<vmem>> -> memref<1x80x128xf32, #tpu.memory_space<vmem>>
        %dma_wait3A_582 = tpu.memref_squeeze %dma_wait3A_581 : memref<1x80x128xf32, #tpu.memory_space<vmem>> -> memref<80x128xf32, #tpu.memory_space<vmem>>
        %dma_wait3A_583 = arith.constant 0 : i32
        %dma_wait3A_584 = arith.constant 0 : i32
        %dma_wait3A_585 = tpu.memref_slice %arg2[%dma_wait3A_583, %dma_wait3A_584] : memref<10000x128xf32, #tpu.memory_space<hbm>> -> memref<80x128xf32, #tpu.memory_space<hbm>>
        tpu.wait_dma2 semaphore(%arg17 : memref<!tpu.dma_semaphore, #tpu.memory_space<semaphore_mem>>) src(%dma_wait3A_585 : memref<80x128xf32, #tpu.memory_space<hbm>>) dst(%dma_wait3A_582 : memref<80x128xf32, #tpu.memory_space<vmem>>)
      } else {
      }
      %add3A_369 = arith.constant 3 : i32
      %add3A_370 = arith.addi %add3A_332, %add3A_369 : i32
      %lt3A_371 = arith.constant 128 : i32
      %lt3A_372 = arith.cmpi slt, %add3A_370, %lt3A_371 : i32
      %convert_element_type3A_373 = arith.extui %lt3A_372 : i1 to i32
      %cond3A_374 = arith.constant 0 : i32
      %cond3A_375 = arith.cmpi ne, %convert_element_type3A_373, %cond3A_374 : i32
      scf.if %cond3A_375 {
        %dma_start3A_571 = arith.constant 6 : i32
        %dma_start3A_572 = arith.constant 2 : i32
        %dma_start3A_573 = arith.constant 0 : i32
        %dma_start3A_574 = arith.constant 0 : i32
        %dma_start3A_575 = tpu.memref_slice %arg10[%dma_start3A_572, %dma_start3A_573, %dma_start3A_574] : memref<4x80x128xf32, #tpu.memory_space<vmem>> -> memref<1x80x128xf32, #tpu.memory_space<vmem>>
        %dma_start3A_576 = tpu.memref_squeeze %dma_start3A_575 : memref<1x80x128xf32, #tpu.memory_space<vmem>> -> memref<80x128xf32, #tpu.memory_space<vmem>>
        %dma_start3A_577 = arith.constant 0 : i32
        %dma_start3A_578 = arith.constant 0 : i32
        %dma_start3A_579 = tpu.memref_slice %arg8[%rem3A_178, %dma_start3A_577, %dma_start3A_578] : memref<2x8x80xi32, #tpu.memory_space<vmem>> -> memref<1x8x80xi32, #tpu.memory_space<vmem>>
        %dma_start3A_580 = tpu.memref_squeeze %dma_start3A_579 : memref<1x8x80xi32, #tpu.memory_space<vmem>> -> memref<8x80xi32, #tpu.memory_space<vmem>>
        %dma_start3A_581 = arith.constant 0 : i32
        %dma_start3A_582 = tpu.memref_slice %dma_start3A_580[%dma_start3A_571, %dma_start3A_581] : memref<8x80xi32, #tpu.memory_space<vmem>> -> memref<1x80xi32, #tpu.memory_space<vmem>>
        %dma_start3A_583 = tpu.memref_squeeze %dma_start3A_582 : memref<1x80xi32, #tpu.memory_space<vmem>> -> memref<80xi32, #tpu.memory_space<vmem>>
        %dma_start3A_584 = arith.constant 0 : i32
        %dma_start3A_585 = arith.constant 0 : i32
        %dma_start3A_586 = tpu.memref_slice %arg2[%dma_start3A_584, %dma_start3A_585] : memref<10000x128xf32, #tpu.memory_space<hbm>> -> memref<10000x128xf32, #tpu.memory_space<hbm>>
        tpu.enqueue_indirect_dma source(%dma_start3A_586 : memref<10000x128xf32, #tpu.memory_space<hbm>>) target(%dma_start3A_576 : memref<80x128xf32, #tpu.memory_space<vmem>>) offsets(%dma_start3A_583 : memref<80xi32, #tpu.memory_space<vmem>>) semaphore(%arg13 : memref<!tpu.dma_semaphore, #tpu.memory_space<semaphore_mem>>)
      } else {
      }
      %mul3A_376 = arith.constant 8 : i32
      %mul3A_377 = arith.muli %scan3A_177, %mul3A_376 : i32
      %add3A_378 = arith.constant 4 : i32
      %add3A_379 = arith.addi %mul3A_377, %add3A_378 : i32
      %dma_wait3A_380 = arith.constant 0 : i32
      %dma_wait3A_381 = arith.constant 0 : i32
      %dma_wait3A_382 = arith.constant 0 : i32
      %dma_wait3A_383 = tpu.memref_slice %arg10[%dma_wait3A_380, %dma_wait3A_381, %dma_wait3A_382] : memref<4x80x128xf32, #tpu.memory_space<vmem>> -> memref<1x80x128xf32, #tpu.memory_space<vmem>>
      %dma_wait3A_384 = tpu.memref_squeeze %dma_wait3A_383 : memref<1x80x128xf32, #tpu.memory_space<vmem>> -> memref<80x128xf32, #tpu.memory_space<vmem>>
      %dma_wait3A_385 = arith.constant 0 : i32
      %dma_wait3A_386 = arith.constant 0 : i32
      %dma_wait3A_387 = tpu.memref_slice %arg2[%dma_wait3A_385, %dma_wait3A_386] : memref<10000x128xf32, #tpu.memory_space<hbm>> -> memref<80x128xf32, #tpu.memory_space<hbm>>
      %dma_wait3A_388 = arith.constant 0 : i32
      %dma_wait3A_389 = arith.constant 0 : i32
      %dma_wait3A_390 = tpu.memref_slice %arg10[%dma_wait3A_380, %dma_wait3A_388, %dma_wait3A_389] : memref<4x80x128xf32, #tpu.memory_space<vmem>> -> memref<1x80x128xf32, #tpu.memory_space<vmem>>
      %dma_wait3A_391 = tpu.memref_squeeze %dma_wait3A_390 : memref<1x80x128xf32, #tpu.memory_space<vmem>> -> memref<80x128xf32, #tpu.memory_space<vmem>>
      %dma_wait3A_392 = arith.constant 0 : i32
      %dma_wait3A_393 = arith.constant 0 : i32
      %dma_wait3A_394 = tpu.memref_slice %arg2[%dma_wait3A_392, %dma_wait3A_393] : memref<10000x128xf32, #tpu.memory_space<hbm>> -> memref<80x128xf32, #tpu.memory_space<hbm>>
      tpu.wait_dma2 semaphore(%arg11 : memref<!tpu.dma_semaphore, #tpu.memory_space<semaphore_mem>>) src(%dma_wait3A_394 : memref<80x128xf32, #tpu.memory_space<hbm>>) dst(%dma_wait3A_391 : memref<80x128xf32, #tpu.memory_space<vmem>>)
      %dma_start3A_395 = arith.constant 0 : i32
      %dma_start3A_396 = arith.constant 4 : i32
      %dma_start3A_397 = arith.constant 0 : i32
      %dma_start3A_398 = arith.constant 0 : i32
      %dma_start3A_399 = tpu.memref_slice %arg10[%dma_start3A_395, %dma_start3A_397, %dma_start3A_398] : memref<4x80x128xf32, #tpu.memory_space<vmem>> -> memref<1x80x128xf32, #tpu.memory_space<vmem>>
      %dma_start3A_400 = tpu.memref_squeeze %dma_start3A_399 : memref<1x80x128xf32, #tpu.memory_space<vmem>> -> memref<80x128xf32, #tpu.memory_space<vmem>>
      %dma_start3A_401 = arith.constant 0 : i32
      %dma_start3A_402 = arith.constant 0 : i32
      %dma_start3A_403 = tpu.memref_slice %arg9[%rem3A_178, %dma_start3A_401, %dma_start3A_402] : memref<2x8x80xi32, #tpu.memory_space<vmem>> -> memref<1x8x80xi32, #tpu.memory_space<vmem>>
      %dma_start3A_404 = tpu.memref_squeeze %dma_start3A_403 : memref<1x8x80xi32, #tpu.memory_space<vmem>> -> memref<8x80xi32, #tpu.memory_space<vmem>>
      %dma_start3A_405 = arith.constant 0 : i32
      %dma_start3A_406 = tpu.memref_slice %dma_start3A_404[%dma_start3A_396, %dma_start3A_405] : memref<8x80xi32, #tpu.memory_space<vmem>> -> memref<1x80xi32, #tpu.memory_space<vmem>>
      %dma_start3A_407 = tpu.memref_squeeze %dma_start3A_406 : memref<1x80xi32, #tpu.memory_space<vmem>> -> memref<80xi32, #tpu.memory_space<vmem>>
      %dma_start3A_408 = arith.constant 0 : i32
      %dma_start3A_409 = arith.constant 0 : i32
      %dma_start3A_410 = tpu.memref_slice %arg7[%dma_start3A_408, %dma_start3A_409] : memref<10112x128xf32, #tpu.memory_space<vmem_shared>> -> memref<10112x128xf32, #tpu.memory_space<vmem_shared>>
      tpu.enqueue_indirect_dma source(%dma_start3A_400 : memref<80x128xf32, #tpu.memory_space<vmem>>) target(%dma_start3A_410 : memref<10112x128xf32, #tpu.memory_space<vmem_shared>>) offsets(%dma_start3A_407 : memref<80xi32, #tpu.memory_space<vmem>>) semaphore(%arg15 : memref<!tpu.dma_semaphore, #tpu.memory_space<semaphore_mem>>) {add = true}
      %ge3A_411 = arith.constant 1 : i32
      %ge3A_412 = arith.cmpi sge, %add3A_379, %ge3A_411 : i32
      %convert_element_type3A_413 = arith.extui %ge3A_412 : i1 to i32
      %cond3A_414 = arith.constant 0 : i32
      %cond3A_415 = arith.cmpi ne, %convert_element_type3A_413, %cond3A_414 : i32
      scf.if %cond3A_415 {
        %dma_wait3A_571 = arith.constant 3 : i32
        %dma_wait3A_572 = arith.constant 0 : i32
        %dma_wait3A_573 = arith.constant 0 : i32
        %dma_wait3A_574 = tpu.memref_slice %arg10[%dma_wait3A_571, %dma_wait3A_572, %dma_wait3A_573] : memref<4x80x128xf32, #tpu.memory_space<vmem>> -> memref<1x80x128xf32, #tpu.memory_space<vmem>>
        %dma_wait3A_575 = tpu.memref_squeeze %dma_wait3A_574 : memref<1x80x128xf32, #tpu.memory_space<vmem>> -> memref<80x128xf32, #tpu.memory_space<vmem>>
        %dma_wait3A_576 = arith.constant 0 : i32
        %dma_wait3A_577 = arith.constant 0 : i32
        %dma_wait3A_578 = tpu.memref_slice %arg2[%dma_wait3A_576, %dma_wait3A_577] : memref<10000x128xf32, #tpu.memory_space<hbm>> -> memref<80x128xf32, #tpu.memory_space<hbm>>
        %dma_wait3A_579 = arith.constant 0 : i32
        %dma_wait3A_580 = arith.constant 0 : i32
        %dma_wait3A_581 = tpu.memref_slice %arg10[%dma_wait3A_571, %dma_wait3A_579, %dma_wait3A_580] : memref<4x80x128xf32, #tpu.memory_space<vmem>> -> memref<1x80x128xf32, #tpu.memory_space<vmem>>
        %dma_wait3A_582 = tpu.memref_squeeze %dma_wait3A_581 : memref<1x80x128xf32, #tpu.memory_space<vmem>> -> memref<80x128xf32, #tpu.memory_space<vmem>>
        %dma_wait3A_583 = arith.constant 0 : i32
        %dma_wait3A_584 = arith.constant 0 : i32
        %dma_wait3A_585 = tpu.memref_slice %arg2[%dma_wait3A_583, %dma_wait3A_584] : memref<10000x128xf32, #tpu.memory_space<hbm>> -> memref<80x128xf32, #tpu.memory_space<hbm>>
        tpu.wait_dma2 semaphore(%arg18 : memref<!tpu.dma_semaphore, #tpu.memory_space<semaphore_mem>>) src(%dma_wait3A_585 : memref<80x128xf32, #tpu.memory_space<hbm>>) dst(%dma_wait3A_582 : memref<80x128xf32, #tpu.memory_space<vmem>>)
      } else {
      }
      %add3A_416 = arith.constant 3 : i32
      %add3A_417 = arith.addi %add3A_379, %add3A_416 : i32
      %lt3A_418 = arith.constant 128 : i32
      %lt3A_419 = arith.cmpi slt, %add3A_417, %lt3A_418 : i32
      %convert_element_type3A_420 = arith.extui %lt3A_419 : i1 to i32
      %cond3A_421 = arith.constant 0 : i32
      %cond3A_422 = arith.cmpi ne, %convert_element_type3A_420, %cond3A_421 : i32
      scf.if %cond3A_422 {
        %dma_start3A_571 = arith.constant 7 : i32
        %dma_start3A_572 = arith.constant 3 : i32
        %dma_start3A_573 = arith.constant 0 : i32
        %dma_start3A_574 = arith.constant 0 : i32
        %dma_start3A_575 = tpu.memref_slice %arg10[%dma_start3A_572, %dma_start3A_573, %dma_start3A_574] : memref<4x80x128xf32, #tpu.memory_space<vmem>> -> memref<1x80x128xf32, #tpu.memory_space<vmem>>
        %dma_start3A_576 = tpu.memref_squeeze %dma_start3A_575 : memref<1x80x128xf32, #tpu.memory_space<vmem>> -> memref<80x128xf32, #tpu.memory_space<vmem>>
        %dma_start3A_577 = arith.constant 0 : i32
        %dma_start3A_578 = arith.constant 0 : i32
        %dma_start3A_579 = tpu.memref_slice %arg8[%rem3A_178, %dma_start3A_577, %dma_start3A_578] : memref<2x8x80xi32, #tpu.memory_space<vmem>> -> memref<1x8x80xi32, #tpu.memory_space<vmem>>
        %dma_start3A_580 = tpu.memref_squeeze %dma_start3A_579 : memref<1x8x80xi32, #tpu.memory_space<vmem>> -> memref<8x80xi32, #tpu.memory_space<vmem>>
        %dma_start3A_581 = arith.constant 0 : i32
        %dma_start3A_582 = tpu.memref_slice %dma_start3A_580[%dma_start3A_571, %dma_start3A_581] : memref<8x80xi32, #tpu.memory_space<vmem>> -> memref<1x80xi32, #tpu.memory_space<vmem>>
        %dma_start3A_583 = tpu.memref_squeeze %dma_start3A_582 : memref<1x80xi32, #tpu.memory_space<vmem>> -> memref<80xi32, #tpu.memory_space<vmem>>
        %dma_start3A_584 = arith.constant 0 : i32
        %dma_start3A_585 = arith.constant 0 : i32
        %dma_start3A_586 = tpu.memref_slice %arg2[%dma_start3A_584, %dma_start3A_585] : memref<10000x128xf32, #tpu.memory_space<hbm>> -> memref<10000x128xf32, #tpu.memory_space<hbm>>
        tpu.enqueue_indirect_dma source(%dma_start3A_586 : memref<10000x128xf32, #tpu.memory_space<hbm>>) target(%dma_start3A_576 : memref<80x128xf32, #tpu.memory_space<vmem>>) offsets(%dma_start3A_583 : memref<80xi32, #tpu.memory_space<vmem>>) semaphore(%arg14 : memref<!tpu.dma_semaphore, #tpu.memory_space<semaphore_mem>>)
      } else {
      }
      %mul3A_423 = arith.constant 8 : i32
      %mul3A_424 = arith.muli %scan3A_177, %mul3A_423 : i32
      %add3A_425 = arith.constant 5 : i32
      %add3A_426 = arith.addi %mul3A_424, %add3A_425 : i32
      %dma_wait3A_427 = arith.constant 1 : i32
      %dma_wait3A_428 = arith.constant 0 : i32
      %dma_wait3A_429 = arith.constant 0 : i32
      %dma_wait3A_430 = tpu.memref_slice %arg10[%dma_wait3A_427, %dma_wait3A_428, %dma_wait3A_429] : memref<4x80x128xf32, #tpu.memory_space<vmem>> -> memref<1x80x128xf32, #tpu.memory_space<vmem>>
      %dma_wait3A_431 = tpu.memref_squeeze %dma_wait3A_430 : memref<1x80x128xf32, #tpu.memory_space<vmem>> -> memref<80x128xf32, #tpu.memory_space<vmem>>
      %dma_wait3A_432 = arith.constant 0 : i32
      %dma_wait3A_433 = arith.constant 0 : i32
      %dma_wait3A_434 = tpu.memref_slice %arg2[%dma_wait3A_432, %dma_wait3A_433] : memref<10000x128xf32, #tpu.memory_space<hbm>> -> memref<80x128xf32, #tpu.memory_space<hbm>>
      %dma_wait3A_435 = arith.constant 0 : i32
      %dma_wait3A_436 = arith.constant 0 : i32
      %dma_wait3A_437 = tpu.memref_slice %arg10[%dma_wait3A_427, %dma_wait3A_435, %dma_wait3A_436] : memref<4x80x128xf32, #tpu.memory_space<vmem>> -> memref<1x80x128xf32, #tpu.memory_space<vmem>>
      %dma_wait3A_438 = tpu.memref_squeeze %dma_wait3A_437 : memref<1x80x128xf32, #tpu.memory_space<vmem>> -> memref<80x128xf32, #tpu.memory_space<vmem>>
      %dma_wait3A_439 = arith.constant 0 : i32
      %dma_wait3A_440 = arith.constant 0 : i32
      %dma_wait3A_441 = tpu.memref_slice %arg2[%dma_wait3A_439, %dma_wait3A_440] : memref<10000x128xf32, #tpu.memory_space<hbm>> -> memref<80x128xf32, #tpu.memory_space<hbm>>
      tpu.wait_dma2 semaphore(%arg12 : memref<!tpu.dma_semaphore, #tpu.memory_space<semaphore_mem>>) src(%dma_wait3A_441 : memref<80x128xf32, #tpu.memory_space<hbm>>) dst(%dma_wait3A_438 : memref<80x128xf32, #tpu.memory_space<vmem>>)
      %dma_start3A_442 = arith.constant 1 : i32
      %dma_start3A_443 = arith.constant 5 : i32
      %dma_start3A_444 = arith.constant 0 : i32
      %dma_start3A_445 = arith.constant 0 : i32
      %dma_start3A_446 = tpu.memref_slice %arg10[%dma_start3A_442, %dma_start3A_444, %dma_start3A_445] : memref<4x80x128xf32, #tpu.memory_space<vmem>> -> memref<1x80x128xf32, #tpu.memory_space<vmem>>
      %dma_start3A_447 = tpu.memref_squeeze %dma_start3A_446 : memref<1x80x128xf32, #tpu.memory_space<vmem>> -> memref<80x128xf32, #tpu.memory_space<vmem>>
      %dma_start3A_448 = arith.constant 0 : i32
      %dma_start3A_449 = arith.constant 0 : i32
      %dma_start3A_450 = tpu.memref_slice %arg9[%rem3A_178, %dma_start3A_448, %dma_start3A_449] : memref<2x8x80xi32, #tpu.memory_space<vmem>> -> memref<1x8x80xi32, #tpu.memory_space<vmem>>
      %dma_start3A_451 = tpu.memref_squeeze %dma_start3A_450 : memref<1x8x80xi32, #tpu.memory_space<vmem>> -> memref<8x80xi32, #tpu.memory_space<vmem>>
      %dma_start3A_452 = arith.constant 0 : i32
      %dma_start3A_453 = tpu.memref_slice %dma_start3A_451[%dma_start3A_443, %dma_start3A_452] : memref<8x80xi32, #tpu.memory_space<vmem>> -> memref<1x80xi32, #tpu.memory_space<vmem>>
      %dma_start3A_454 = tpu.memref_squeeze %dma_start3A_453 : memref<1x80xi32, #tpu.memory_space<vmem>> -> memref<80xi32, #tpu.memory_space<vmem>>
      %dma_start3A_455 = arith.constant 0 : i32
      %dma_start3A_456 = arith.constant 0 : i32
      %dma_start3A_457 = tpu.memref_slice %arg7[%dma_start3A_455, %dma_start3A_456] : memref<10112x128xf32, #tpu.memory_space<vmem_shared>> -> memref<10112x128xf32, #tpu.memory_space<vmem_shared>>
      tpu.enqueue_indirect_dma source(%dma_start3A_447 : memref<80x128xf32, #tpu.memory_space<vmem>>) target(%dma_start3A_457 : memref<10112x128xf32, #tpu.memory_space<vmem_shared>>) offsets(%dma_start3A_454 : memref<80xi32, #tpu.memory_space<vmem>>) semaphore(%arg16 : memref<!tpu.dma_semaphore, #tpu.memory_space<semaphore_mem>>) {add = true}
      %ge3A_458 = arith.constant 1 : i32
      %ge3A_459 = arith.cmpi sge, %add3A_426, %ge3A_458 : i32
      %convert_element_type3A_460 = arith.extui %ge3A_459 : i1 to i32
      %cond3A_461 = arith.constant 0 : i32
      %cond3A_462 = arith.cmpi ne, %convert_element_type3A_460, %cond3A_461 : i32
      scf.if %cond3A_462 {
        %dma_wait3A_571 = arith.constant 0 : i32
        %dma_wait3A_572 = arith.constant 0 : i32
        %dma_wait3A_573 = arith.constant 0 : i32
        %dma_wait3A_574 = tpu.memref_slice %arg10[%dma_wait3A_571, %dma_wait3A_572, %dma_wait3A_573] : memref<4x80x128xf32, #tpu.memory_space<vmem>> -> memref<1x80x128xf32, #tpu.memory_space<vmem>>
        %dma_wait3A_575 = tpu.memref_squeeze %dma_wait3A_574 : memref<1x80x128xf32, #tpu.memory_space<vmem>> -> memref<80x128xf32, #tpu.memory_space<vmem>>
        %dma_wait3A_576 = arith.constant 0 : i32
        %dma_wait3A_577 = arith.constant 0 : i32
        %dma_wait3A_578 = tpu.memref_slice %arg2[%dma_wait3A_576, %dma_wait3A_577] : memref<10000x128xf32, #tpu.memory_space<hbm>> -> memref<80x128xf32, #tpu.memory_space<hbm>>
        %dma_wait3A_579 = arith.constant 0 : i32
        %dma_wait3A_580 = arith.constant 0 : i32
        %dma_wait3A_581 = tpu.memref_slice %arg10[%dma_wait3A_571, %dma_wait3A_579, %dma_wait3A_580] : memref<4x80x128xf32, #tpu.memory_space<vmem>> -> memref<1x80x128xf32, #tpu.memory_space<vmem>>
        %dma_wait3A_582 = tpu.memref_squeeze %dma_wait3A_581 : memref<1x80x128xf32, #tpu.memory_space<vmem>> -> memref<80x128xf32, #tpu.memory_space<vmem>>
        %dma_wait3A_583 = arith.constant 0 : i32
        %dma_wait3A_584 = arith.constant 0 : i32
        %dma_wait3A_585 = tpu.memref_slice %arg2[%dma_wait3A_583, %dma_wait3A_584] : memref<10000x128xf32, #tpu.memory_space<hbm>> -> memref<80x128xf32, #tpu.memory_space<hbm>>
        tpu.wait_dma2 semaphore(%arg15 : memref<!tpu.dma_semaphore, #tpu.memory_space<semaphore_mem>>) src(%dma_wait3A_585 : memref<80x128xf32, #tpu.memory_space<hbm>>) dst(%dma_wait3A_582 : memref<80x128xf32, #tpu.memory_space<vmem>>)
      } else {
      }
      %add3A_463 = arith.constant 1 : i32
      %add3A_464 = arith.addi %scan3A_177, %add3A_463 : i32
      %lt3A_465 = arith.constant 16 : i32
      %lt3A_466 = arith.cmpi slt, %add3A_464, %lt3A_465 : i32
      %convert_element_type3A_467 = arith.extui %lt3A_466 : i1 to i32
      %cond3A_468 = arith.constant 0 : i32
      %cond3A_469 = arith.cmpi ne, %convert_element_type3A_467, %cond3A_468 : i32
      scf.if %cond3A_469 {
        %dma_wait3A_571 = arith.constant 0 : i32
        %dma_wait3A_572 = arith.constant 0 : i32
        %dma_wait3A_573 = tpu.memref_slice %arg8[%sub3A_179, %dma_wait3A_571, %dma_wait3A_572] : memref<2x8x80xi32, #tpu.memory_space<vmem>> -> memref<1x8x80xi32, #tpu.memory_space<vmem>>
        %dma_wait3A_574 = tpu.memref_squeeze %dma_wait3A_573 : memref<1x8x80xi32, #tpu.memory_space<vmem>> -> memref<8x80xi32, #tpu.memory_space<vmem>>
        %dma_wait3A_575 = arith.constant 0 : i32
        %dma_wait3A_576 = arith.constant 0 : i32
        %dma_wait3A_577 = tpu.memref_slice %arg3[%dma_wait3A_575, %dma_wait3A_576] : memref<4096x80xi32, #tpu.memory_space<hbm>> -> memref<8x80xi32, #tpu.memory_space<hbm>>
        %dma_wait3A_578 = arith.constant 0 : i32
        %dma_wait3A_579 = arith.constant 0 : i32
        %dma_wait3A_580 = tpu.memref_slice %arg8[%sub3A_179, %dma_wait3A_578, %dma_wait3A_579] : memref<2x8x80xi32, #tpu.memory_space<vmem>> -> memref<1x8x80xi32, #tpu.memory_space<vmem>>
        %dma_wait3A_581 = tpu.memref_squeeze %dma_wait3A_580 : memref<1x8x80xi32, #tpu.memory_space<vmem>> -> memref<8x80xi32, #tpu.memory_space<vmem>>
        %dma_wait3A_582 = arith.constant 0 : i32
        %dma_wait3A_583 = arith.constant 0 : i32
        %dma_wait3A_584 = tpu.memref_slice %arg3[%dma_wait3A_582, %dma_wait3A_583] : memref<4096x80xi32, #tpu.memory_space<hbm>> -> memref<8x80xi32, #tpu.memory_space<hbm>>
        tpu.wait_dma2 semaphore(%arg19 : memref<!tpu.dma_semaphore, #tpu.memory_space<semaphore_mem>>) src(%dma_wait3A_584 : memref<8x80xi32, #tpu.memory_space<hbm>>) dst(%dma_wait3A_581 : memref<8x80xi32, #tpu.memory_space<vmem>>)
        %dma_wait3A_585 = arith.constant 0 : i32
        %dma_wait3A_586 = arith.constant 0 : i32
        %dma_wait3A_587 = tpu.memref_slice %arg9[%sub3A_179, %dma_wait3A_585, %dma_wait3A_586] : memref<2x8x80xi32, #tpu.memory_space<vmem>> -> memref<1x8x80xi32, #tpu.memory_space<vmem>>
        %dma_wait3A_588 = tpu.memref_squeeze %dma_wait3A_587 : memref<1x8x80xi32, #tpu.memory_space<vmem>> -> memref<8x80xi32, #tpu.memory_space<vmem>>
        %dma_wait3A_589 = arith.constant 0 : i32
        %dma_wait3A_590 = arith.constant 0 : i32
        %dma_wait3A_591 = tpu.memref_slice %arg4[%dma_wait3A_589, %dma_wait3A_590] : memref<4096x80xi32, #tpu.memory_space<hbm>> -> memref<8x80xi32, #tpu.memory_space<hbm>>
        %dma_wait3A_592 = arith.constant 0 : i32
        %dma_wait3A_593 = arith.constant 0 : i32
        %dma_wait3A_594 = tpu.memref_slice %arg9[%sub3A_179, %dma_wait3A_592, %dma_wait3A_593] : memref<2x8x80xi32, #tpu.memory_space<vmem>> -> memref<1x8x80xi32, #tpu.memory_space<vmem>>
        %dma_wait3A_595 = tpu.memref_squeeze %dma_wait3A_594 : memref<1x8x80xi32, #tpu.memory_space<vmem>> -> memref<8x80xi32, #tpu.memory_space<vmem>>
        %dma_wait3A_596 = arith.constant 0 : i32
        %dma_wait3A_597 = arith.constant 0 : i32
        %dma_wait3A_598 = tpu.memref_slice %arg4[%dma_wait3A_596, %dma_wait3A_597] : memref<4096x80xi32, #tpu.memory_space<hbm>> -> memref<8x80xi32, #tpu.memory_space<hbm>>
        tpu.wait_dma2 semaphore(%arg19 : memref<!tpu.dma_semaphore, #tpu.memory_space<semaphore_mem>>) src(%dma_wait3A_598 : memref<8x80xi32, #tpu.memory_space<hbm>>) dst(%dma_wait3A_595 : memref<8x80xi32, #tpu.memory_space<vmem>>)
      } else {
      }
      %add3A_470 = arith.constant 3 : i32
      %add3A_471 = arith.addi %add3A_426, %add3A_470 : i32
      %lt3A_472 = arith.constant 128 : i32
      %lt3A_473 = arith.cmpi slt, %add3A_471, %lt3A_472 : i32
      %convert_element_type3A_474 = arith.extui %lt3A_473 : i1 to i32
      %cond3A_475 = arith.constant 0 : i32
      %cond3A_476 = arith.cmpi ne, %convert_element_type3A_474, %cond3A_475 : i32
      scf.if %cond3A_476 {
        %dma_start3A_571 = arith.constant 0 : i32
        %dma_start3A_572 = arith.constant 0 : i32
        %dma_start3A_573 = arith.constant 0 : i32
        %dma_start3A_574 = arith.constant 0 : i32
        %dma_start3A_575 = tpu.memref_slice %arg10[%dma_start3A_572, %dma_start3A_573, %dma_start3A_574] : memref<4x80x128xf32, #tpu.memory_space<vmem>> -> memref<1x80x128xf32, #tpu.memory_space<vmem>>
        %dma_start3A_576 = tpu.memref_squeeze %dma_start3A_575 : memref<1x80x128xf32, #tpu.memory_space<vmem>> -> memref<80x128xf32, #tpu.memory_space<vmem>>
        %dma_start3A_577 = arith.constant 0 : i32
        %dma_start3A_578 = arith.constant 0 : i32
        %dma_start3A_579 = tpu.memref_slice %arg8[%sub3A_179, %dma_start3A_577, %dma_start3A_578] : memref<2x8x80xi32, #tpu.memory_space<vmem>> -> memref<1x8x80xi32, #tpu.memory_space<vmem>>
        %dma_start3A_580 = tpu.memref_squeeze %dma_start3A_579 : memref<1x8x80xi32, #tpu.memory_space<vmem>> -> memref<8x80xi32, #tpu.memory_space<vmem>>
        %dma_start3A_581 = arith.constant 0 : i32
        %dma_start3A_582 = tpu.memref_slice %dma_start3A_580[%dma_start3A_571, %dma_start3A_581] : memref<8x80xi32, #tpu.memory_space<vmem>> -> memref<1x80xi32, #tpu.memory_space<vmem>>
        %dma_start3A_583 = tpu.memref_squeeze %dma_start3A_582 : memref<1x80xi32, #tpu.memory_space<vmem>> -> memref<80xi32, #tpu.memory_space<vmem>>
        %dma_start3A_584 = arith.constant 0 : i32
        %dma_start3A_585 = arith.constant 0 : i32
        %dma_start3A_586 = tpu.memref_slice %arg2[%dma_start3A_584, %dma_start3A_585] : memref<10000x128xf32, #tpu.memory_space<hbm>> -> memref<10000x128xf32, #tpu.memory_space<hbm>>
        tpu.enqueue_indirect_dma source(%dma_start3A_586 : memref<10000x128xf32, #tpu.memory_space<hbm>>) target(%dma_start3A_576 : memref<80x128xf32, #tpu.memory_space<vmem>>) offsets(%dma_start3A_583 : memref<80xi32, #tpu.memory_space<vmem>>) semaphore(%arg11 : memref<!tpu.dma_semaphore, #tpu.memory_space<semaphore_mem>>)
      } else {
      }
      %mul3A_477 = arith.constant 8 : i32
      %mul3A_478 = arith.muli %scan3A_177, %mul3A_477 : i32
      %add3A_479 = arith.constant 6 : i32
      %add3A_480 = arith.addi %mul3A_478, %add3A_479 : i32
      %dma_wait3A_481 = arith.constant 2 : i32
      %dma_wait3A_482 = arith.constant 0 : i32
      %dma_wait3A_483 = arith.constant 0 : i32
      %dma_wait3A_484 = tpu.memref_slice %arg10[%dma_wait3A_481, %dma_wait3A_482, %dma_wait3A_483] : memref<4x80x128xf32, #tpu.memory_space<vmem>> -> memref<1x80x128xf32, #tpu.memory_space<vmem>>
      %dma_wait3A_485 = tpu.memref_squeeze %dma_wait3A_484 : memref<1x80x128xf32, #tpu.memory_space<vmem>> -> memref<80x128xf32, #tpu.memory_space<vmem>>
      %dma_wait3A_486 = arith.constant 0 : i32
      %dma_wait3A_487 = arith.constant 0 : i32
      %dma_wait3A_488 = tpu.memref_slice %arg2[%dma_wait3A_486, %dma_wait3A_487] : memref<10000x128xf32, #tpu.memory_space<hbm>> -> memref<80x128xf32, #tpu.memory_space<hbm>>
      %dma_wait3A_489 = arith.constant 0 : i32
      %dma_wait3A_490 = arith.constant 0 : i32
      %dma_wait3A_491 = tpu.memref_slice %arg10[%dma_wait3A_481, %dma_wait3A_489, %dma_wait3A_490] : memref<4x80x128xf32, #tpu.memory_space<vmem>> -> memref<1x80x128xf32, #tpu.memory_space<vmem>>
      %dma_wait3A_492 = tpu.memref_squeeze %dma_wait3A_491 : memref<1x80x128xf32, #tpu.memory_space<vmem>> -> memref<80x128xf32, #tpu.memory_space<vmem>>
      %dma_wait3A_493 = arith.constant 0 : i32
      %dma_wait3A_494 = arith.constant 0 : i32
      %dma_wait3A_495 = tpu.memref_slice %arg2[%dma_wait3A_493, %dma_wait3A_494] : memref<10000x128xf32, #tpu.memory_space<hbm>> -> memref<80x128xf32, #tpu.memory_space<hbm>>
      tpu.wait_dma2 semaphore(%arg13 : memref<!tpu.dma_semaphore, #tpu.memory_space<semaphore_mem>>) src(%dma_wait3A_495 : memref<80x128xf32, #tpu.memory_space<hbm>>) dst(%dma_wait3A_492 : memref<80x128xf32, #tpu.memory_space<vmem>>)
      %dma_start3A_496 = arith.constant 2 : i32
      %dma_start3A_497 = arith.constant 6 : i32
      %dma_start3A_498 = arith.constant 0 : i32
      %dma_start3A_499 = arith.constant 0 : i32
      %dma_start3A_500 = tpu.memref_slice %arg10[%dma_start3A_496, %dma_start3A_498, %dma_start3A_499] : memref<4x80x128xf32, #tpu.memory_space<vmem>> -> memref<1x80x128xf32, #tpu.memory_space<vmem>>
      %dma_start3A_501 = tpu.memref_squeeze %dma_start3A_500 : memref<1x80x128xf32, #tpu.memory_space<vmem>> -> memref<80x128xf32, #tpu.memory_space<vmem>>
      %dma_start3A_502 = arith.constant 0 : i32
      %dma_start3A_503 = arith.constant 0 : i32
      %dma_start3A_504 = tpu.memref_slice %arg9[%rem3A_178, %dma_start3A_502, %dma_start3A_503] : memref<2x8x80xi32, #tpu.memory_space<vmem>> -> memref<1x8x80xi32, #tpu.memory_space<vmem>>
      %dma_start3A_505 = tpu.memref_squeeze %dma_start3A_504 : memref<1x8x80xi32, #tpu.memory_space<vmem>> -> memref<8x80xi32, #tpu.memory_space<vmem>>
      %dma_start3A_506 = arith.constant 0 : i32
      %dma_start3A_507 = tpu.memref_slice %dma_start3A_505[%dma_start3A_497, %dma_start3A_506] : memref<8x80xi32, #tpu.memory_space<vmem>> -> memref<1x80xi32, #tpu.memory_space<vmem>>
      %dma_start3A_508 = tpu.memref_squeeze %dma_start3A_507 : memref<1x80xi32, #tpu.memory_space<vmem>> -> memref<80xi32, #tpu.memory_space<vmem>>
      %dma_start3A_509 = arith.constant 0 : i32
      %dma_start3A_510 = arith.constant 0 : i32
      %dma_start3A_511 = tpu.memref_slice %arg7[%dma_start3A_509, %dma_start3A_510] : memref<10112x128xf32, #tpu.memory_space<vmem_shared>> -> memref<10112x128xf32, #tpu.memory_space<vmem_shared>>
      tpu.enqueue_indirect_dma source(%dma_start3A_501 : memref<80x128xf32, #tpu.memory_space<vmem>>) target(%dma_start3A_511 : memref<10112x128xf32, #tpu.memory_space<vmem_shared>>) offsets(%dma_start3A_508 : memref<80xi32, #tpu.memory_space<vmem>>) semaphore(%arg17 : memref<!tpu.dma_semaphore, #tpu.memory_space<semaphore_mem>>) {add = true}
      %ge3A_512 = arith.constant 1 : i32
      %ge3A_513 = arith.cmpi sge, %add3A_480, %ge3A_512 : i32
      %convert_element_type3A_514 = arith.extui %ge3A_513 : i1 to i32
      %cond3A_515 = arith.constant 0 : i32
      %cond3A_516 = arith.cmpi ne, %convert_element_type3A_514, %cond3A_515 : i32
      scf.if %cond3A_516 {
        %dma_wait3A_571 = arith.constant 1 : i32
        %dma_wait3A_572 = arith.constant 0 : i32
        %dma_wait3A_573 = arith.constant 0 : i32
        %dma_wait3A_574 = tpu.memref_slice %arg10[%dma_wait3A_571, %dma_wait3A_572, %dma_wait3A_573] : memref<4x80x128xf32, #tpu.memory_space<vmem>> -> memref<1x80x128xf32, #tpu.memory_space<vmem>>
        %dma_wait3A_575 = tpu.memref_squeeze %dma_wait3A_574 : memref<1x80x128xf32, #tpu.memory_space<vmem>> -> memref<80x128xf32, #tpu.memory_space<vmem>>
        %dma_wait3A_576 = arith.constant 0 : i32
        %dma_wait3A_577 = arith.constant 0 : i32
        %dma_wait3A_578 = tpu.memref_slice %arg2[%dma_wait3A_576, %dma_wait3A_577] : memref<10000x128xf32, #tpu.memory_space<hbm>> -> memref<80x128xf32, #tpu.memory_space<hbm>>
        %dma_wait3A_579 = arith.constant 0 : i32
        %dma_wait3A_580 = arith.constant 0 : i32
        %dma_wait3A_581 = tpu.memref_slice %arg10[%dma_wait3A_571, %dma_wait3A_579, %dma_wait3A_580] : memref<4x80x128xf32, #tpu.memory_space<vmem>> -> memref<1x80x128xf32, #tpu.memory_space<vmem>>
        %dma_wait3A_582 = tpu.memref_squeeze %dma_wait3A_581 : memref<1x80x128xf32, #tpu.memory_space<vmem>> -> memref<80x128xf32, #tpu.memory_space<vmem>>
        %dma_wait3A_583 = arith.constant 0 : i32
        %dma_wait3A_584 = arith.constant 0 : i32
        %dma_wait3A_585 = tpu.memref_slice %arg2[%dma_wait3A_583, %dma_wait3A_584] : memref<10000x128xf32, #tpu.memory_space<hbm>> -> memref<80x128xf32, #tpu.memory_space<hbm>>
        tpu.wait_dma2 semaphore(%arg16 : memref<!tpu.dma_semaphore, #tpu.memory_space<semaphore_mem>>) src(%dma_wait3A_585 : memref<80x128xf32, #tpu.memory_space<hbm>>) dst(%dma_wait3A_582 : memref<80x128xf32, #tpu.memory_space<vmem>>)
      } else {
      }
      %add3A_517 = arith.constant 3 : i32
      %add3A_518 = arith.addi %add3A_480, %add3A_517 : i32
      %lt3A_519 = arith.constant 128 : i32
      %lt3A_520 = arith.cmpi slt, %add3A_518, %lt3A_519 : i32
      %convert_element_type3A_521 = arith.extui %lt3A_520 : i1 to i32
      %cond3A_522 = arith.constant 0 : i32
      %cond3A_523 = arith.cmpi ne, %convert_element_type3A_521, %cond3A_522 : i32
      scf.if %cond3A_523 {
        %dma_start3A_571 = arith.constant 1 : i32
        %dma_start3A_572 = arith.constant 1 : i32
        %dma_start3A_573 = arith.constant 0 : i32
        %dma_start3A_574 = arith.constant 0 : i32
        %dma_start3A_575 = tpu.memref_slice %arg10[%dma_start3A_572, %dma_start3A_573, %dma_start3A_574] : memref<4x80x128xf32, #tpu.memory_space<vmem>> -> memref<1x80x128xf32, #tpu.memory_space<vmem>>
        %dma_start3A_576 = tpu.memref_squeeze %dma_start3A_575 : memref<1x80x128xf32, #tpu.memory_space<vmem>> -> memref<80x128xf32, #tpu.memory_space<vmem>>
        %dma_start3A_577 = arith.constant 0 : i32
        %dma_start3A_578 = arith.constant 0 : i32
        %dma_start3A_579 = tpu.memref_slice %arg8[%sub3A_179, %dma_start3A_577, %dma_start3A_578] : memref<2x8x80xi32, #tpu.memory_space<vmem>> -> memref<1x8x80xi32, #tpu.memory_space<vmem>>
        %dma_start3A_580 = tpu.memref_squeeze %dma_start3A_579 : memref<1x8x80xi32, #tpu.memory_space<vmem>> -> memref<8x80xi32, #tpu.memory_space<vmem>>
        %dma_start3A_581 = arith.constant 0 : i32
        %dma_start3A_582 = tpu.memref_slice %dma_start3A_580[%dma_start3A_571, %dma_start3A_581] : memref<8x80xi32, #tpu.memory_space<vmem>> -> memref<1x80xi32, #tpu.memory_space<vmem>>
        %dma_start3A_583 = tpu.memref_squeeze %dma_start3A_582 : memref<1x80xi32, #tpu.memory_space<vmem>> -> memref<80xi32, #tpu.memory_space<vmem>>
        %dma_start3A_584 = arith.constant 0 : i32
        %dma_start3A_585 = arith.constant 0 : i32
        %dma_start3A_586 = tpu.memref_slice %arg2[%dma_start3A_584, %dma_start3A_585] : memref<10000x128xf32, #tpu.memory_space<hbm>> -> memref<10000x128xf32, #tpu.memory_space<hbm>>
        tpu.enqueue_indirect_dma source(%dma_start3A_586 : memref<10000x128xf32, #tpu.memory_space<hbm>>) target(%dma_start3A_576 : memref<80x128xf32, #tpu.memory_space<vmem>>) offsets(%dma_start3A_583 : memref<80xi32, #tpu.memory_space<vmem>>) semaphore(%arg12 : memref<!tpu.dma_semaphore, #tpu.memory_space<semaphore_mem>>)
      } else {
      }
      %mul3A_524 = arith.constant 8 : i32
      %mul3A_525 = arith.muli %scan3A_177, %mul3A_524 : i32
      %add3A_526 = arith.constant 7 : i32
      %add3A_527 = arith.addi %mul3A_525, %add3A_526 : i32
      %dma_wait3A_528 = arith.constant 3 : i32
      %dma_wait3A_529 = arith.constant 0 : i32
      %dma_wait3A_530 = arith.constant 0 : i32
      %dma_wait3A_531 = tpu.memref_slice %arg10[%dma_wait3A_528, %dma_wait3A_529, %dma_wait3A_530] : memref<4x80x128xf32, #tpu.memory_space<vmem>> -> memref<1x80x128xf32, #tpu.memory_space<vmem>>
      %dma_wait3A_532 = tpu.memref_squeeze %dma_wait3A_531 : memref<1x80x128xf32, #tpu.memory_space<vmem>> -> memref<80x128xf32, #tpu.memory_space<vmem>>
      %dma_wait3A_533 = arith.constant 0 : i32
      %dma_wait3A_534 = arith.constant 0 : i32
      %dma_wait3A_535 = tpu.memref_slice %arg2[%dma_wait3A_533, %dma_wait3A_534] : memref<10000x128xf32, #tpu.memory_space<hbm>> -> memref<80x128xf32, #tpu.memory_space<hbm>>
      %dma_wait3A_536 = arith.constant 0 : i32
      %dma_wait3A_537 = arith.constant 0 : i32
      %dma_wait3A_538 = tpu.memref_slice %arg10[%dma_wait3A_528, %dma_wait3A_536, %dma_wait3A_537] : memref<4x80x128xf32, #tpu.memory_space<vmem>> -> memref<1x80x128xf32, #tpu.memory_space<vmem>>
      %dma_wait3A_539 = tpu.memref_squeeze %dma_wait3A_538 : memref<1x80x128xf32, #tpu.memory_space<vmem>> -> memref<80x128xf32, #tpu.memory_space<vmem>>
      %dma_wait3A_540 = arith.constant 0 : i32
      %dma_wait3A_541 = arith.constant 0 : i32
      %dma_wait3A_542 = tpu.memref_slice %arg2[%dma_wait3A_540, %dma_wait3A_541] : memref<10000x128xf32, #tpu.memory_space<hbm>> -> memref<80x128xf32, #tpu.memory_space<hbm>>
      tpu.wait_dma2 semaphore(%arg14 : memref<!tpu.dma_semaphore, #tpu.memory_space<semaphore_mem>>) src(%dma_wait3A_542 : memref<80x128xf32, #tpu.memory_space<hbm>>) dst(%dma_wait3A_539 : memref<80x128xf32, #tpu.memory_space<vmem>>)
      %dma_start3A_543 = arith.constant 3 : i32
      %dma_start3A_544 = arith.constant 7 : i32
      %dma_start3A_545 = arith.constant 0 : i32
      %dma_start3A_546 = arith.constant 0 : i32
      %dma_start3A_547 = tpu.memref_slice %arg10[%dma_start3A_543, %dma_start3A_545, %dma_start3A_546] : memref<4x80x128xf32, #tpu.memory_space<vmem>> -> memref<1x80x128xf32, #tpu.memory_space<vmem>>
      %dma_start3A_548 = tpu.memref_squeeze %dma_start3A_547 : memref<1x80x128xf32, #tpu.memory_space<vmem>> -> memref<80x128xf32, #tpu.memory_space<vmem>>
      %dma_start3A_549 = arith.constant 0 : i32
      %dma_start3A_550 = arith.constant 0 : i32
      %dma_start3A_551 = tpu.memref_slice %arg9[%rem3A_178, %dma_start3A_549, %dma_start3A_550] : memref<2x8x80xi32, #tpu.memory_space<vmem>> -> memref<1x8x80xi32, #tpu.memory_space<vmem>>
      %dma_start3A_552 = tpu.memref_squeeze %dma_start3A_551 : memref<1x8x80xi32, #tpu.memory_space<vmem>> -> memref<8x80xi32, #tpu.memory_space<vmem>>
      %dma_start3A_553 = arith.constant 0 : i32
      %dma_start3A_554 = tpu.memref_slice %dma_start3A_552[%dma_start3A_544, %dma_start3A_553] : memref<8x80xi32, #tpu.memory_space<vmem>> -> memref<1x80xi32, #tpu.memory_space<vmem>>
      %dma_start3A_555 = tpu.memref_squeeze %dma_start3A_554 : memref<1x80xi32, #tpu.memory_space<vmem>> -> memref<80xi32, #tpu.memory_space<vmem>>
      %dma_start3A_556 = arith.constant 0 : i32
      %dma_start3A_557 = arith.constant 0 : i32
      %dma_start3A_558 = tpu.memref_slice %arg7[%dma_start3A_556, %dma_start3A_557] : memref<10112x128xf32, #tpu.memory_space<vmem_shared>> -> memref<10112x128xf32, #tpu.memory_space<vmem_shared>>
      tpu.enqueue_indirect_dma source(%dma_start3A_548 : memref<80x128xf32, #tpu.memory_space<vmem>>) target(%dma_start3A_558 : memref<10112x128xf32, #tpu.memory_space<vmem_shared>>) offsets(%dma_start3A_555 : memref<80xi32, #tpu.memory_space<vmem>>) semaphore(%arg18 : memref<!tpu.dma_semaphore, #tpu.memory_space<semaphore_mem>>) {add = true}
      %ge3A_559 = arith.constant 1 : i32
      %ge3A_560 = arith.cmpi sge, %add3A_527, %ge3A_559 : i32
      %convert_element_type3A_561 = arith.extui %ge3A_560 : i1 to i32
      %cond3A_562 = arith.constant 0 : i32
      %cond3A_563 = arith.cmpi ne, %convert_element_type3A_561, %cond3A_562 : i32
      scf.if %cond3A_563 {
        %dma_wait3A_571 = arith.constant 2 : i32
        %dma_wait3A_572 = arith.constant 0 : i32
        %dma_wait3A_573 = arith.constant 0 : i32
        %dma_wait3A_574 = tpu.memref_slice %arg10[%dma_wait3A_571, %dma_wait3A_572, %dma_wait3A_573] : memref<4x80x128xf32, #tpu.memory_space<vmem>> -> memref<1x80x128xf32, #tpu.memory_space<vmem>>
        %dma_wait3A_575 = tpu.memref_squeeze %dma_wait3A_574 : memref<1x80x128xf32, #tpu.memory_space<vmem>> -> memref<80x128xf32, #tpu.memory_space<vmem>>
        %dma_wait3A_576 = arith.constant 0 : i32
        %dma_wait3A_577 = arith.constant 0 : i32
        %dma_wait3A_578 = tpu.memref_slice %arg2[%dma_wait3A_576, %dma_wait3A_577] : memref<10000x128xf32, #tpu.memory_space<hbm>> -> memref<80x128xf32, #tpu.memory_space<hbm>>
        %dma_wait3A_579 = arith.constant 0 : i32
        %dma_wait3A_580 = arith.constant 0 : i32
        %dma_wait3A_581 = tpu.memref_slice %arg10[%dma_wait3A_571, %dma_wait3A_579, %dma_wait3A_580] : memref<4x80x128xf32, #tpu.memory_space<vmem>> -> memref<1x80x128xf32, #tpu.memory_space<vmem>>
        %dma_wait3A_582 = tpu.memref_squeeze %dma_wait3A_581 : memref<1x80x128xf32, #tpu.memory_space<vmem>> -> memref<80x128xf32, #tpu.memory_space<vmem>>
        %dma_wait3A_583 = arith.constant 0 : i32
        %dma_wait3A_584 = arith.constant 0 : i32
        %dma_wait3A_585 = tpu.memref_slice %arg2[%dma_wait3A_583, %dma_wait3A_584] : memref<10000x128xf32, #tpu.memory_space<hbm>> -> memref<80x128xf32, #tpu.memory_space<hbm>>
        tpu.wait_dma2 semaphore(%arg17 : memref<!tpu.dma_semaphore, #tpu.memory_space<semaphore_mem>>) src(%dma_wait3A_585 : memref<80x128xf32, #tpu.memory_space<hbm>>) dst(%dma_wait3A_582 : memref<80x128xf32, #tpu.memory_space<vmem>>)
      } else {
      }
      %add3A_564 = arith.constant 3 : i32
      %add3A_565 = arith.addi %add3A_527, %add3A_564 : i32
      %lt3A_566 = arith.constant 128 : i32
      %lt3A_567 = arith.cmpi slt, %add3A_565, %lt3A_566 : i32
      %convert_element_type3A_568 = arith.extui %lt3A_567 : i1 to i32
      %cond3A_569 = arith.constant 0 : i32
      %cond3A_570 = arith.cmpi ne, %convert_element_type3A_568, %cond3A_569 : i32
      scf.if %cond3A_570 {
        %dma_start3A_571 = arith.constant 2 : i32
        %dma_start3A_572 = arith.constant 2 : i32
        %dma_start3A_573 = arith.constant 0 : i32
        %dma_start3A_574 = arith.constant 0 : i32
        %dma_start3A_575 = tpu.memref_slice %arg10[%dma_start3A_572, %dma_start3A_573, %dma_start3A_574] : memref<4x80x128xf32, #tpu.memory_space<vmem>> -> memref<1x80x128xf32, #tpu.memory_space<vmem>>
        %dma_start3A_576 = tpu.memref_squeeze %dma_start3A_575 : memref<1x80x128xf32, #tpu.memory_space<vmem>> -> memref<80x128xf32, #tpu.memory_space<vmem>>
        %dma_start3A_577 = arith.constant 0 : i32
        %dma_start3A_578 = arith.constant 0 : i32
        %dma_start3A_579 = tpu.memref_slice %arg8[%sub3A_179, %dma_start3A_577, %dma_start3A_578] : memref<2x8x80xi32, #tpu.memory_space<vmem>> -> memref<1x8x80xi32, #tpu.memory_space<vmem>>
        %dma_start3A_580 = tpu.memref_squeeze %dma_start3A_579 : memref<1x8x80xi32, #tpu.memory_space<vmem>> -> memref<8x80xi32, #tpu.memory_space<vmem>>
        %dma_start3A_581 = arith.constant 0 : i32
        %dma_start3A_582 = tpu.memref_slice %dma_start3A_580[%dma_start3A_571, %dma_start3A_581] : memref<8x80xi32, #tpu.memory_space<vmem>> -> memref<1x80xi32, #tpu.memory_space<vmem>>
        %dma_start3A_583 = tpu.memref_squeeze %dma_start3A_582 : memref<1x80xi32, #tpu.memory_space<vmem>> -> memref<80xi32, #tpu.memory_space<vmem>>
        %dma_start3A_584 = arith.constant 0 : i32
        %dma_start3A_585 = arith.constant 0 : i32
        %dma_start3A_586 = tpu.memref_slice %arg2[%dma_start3A_584, %dma_start3A_585] : memref<10000x128xf32, #tpu.memory_space<hbm>> -> memref<10000x128xf32, #tpu.memory_space<hbm>>
        tpu.enqueue_indirect_dma source(%dma_start3A_586 : memref<10000x128xf32, #tpu.memory_space<hbm>>) target(%dma_start3A_576 : memref<80x128xf32, #tpu.memory_space<vmem>>) offsets(%dma_start3A_583 : memref<80xi32, #tpu.memory_space<vmem>>) semaphore(%arg13 : memref<!tpu.dma_semaphore, #tpu.memory_space<semaphore_mem>>)
      } else {
      }
    }
    %scan3A_154 = arith.constant 16 : i32
    %dma_wait3A_155 = arith.constant 3 : i32
    %dma_wait3A_156 = arith.constant 0 : i32
    %dma_wait3A_157 = arith.constant 0 : i32
    %dma_wait3A_158 = tpu.memref_slice %arg10[%dma_wait3A_155, %dma_wait3A_156, %dma_wait3A_157] : memref<4x80x128xf32, #tpu.memory_space<vmem>> -> memref<1x80x128xf32, #tpu.memory_space<vmem>>
    %dma_wait3A_159 = tpu.memref_squeeze %dma_wait3A_158 : memref<1x80x128xf32, #tpu.memory_space<vmem>> -> memref<80x128xf32, #tpu.memory_space<vmem>>
    %dma_wait3A_160 = arith.constant 0 : i32
    %dma_wait3A_161 = arith.constant 0 : i32
    %dma_wait3A_162 = tpu.memref_slice %arg2[%dma_wait3A_160, %dma_wait3A_161] : memref<10000x128xf32, #tpu.memory_space<hbm>> -> memref<80x128xf32, #tpu.memory_space<hbm>>
    %dma_wait3A_163 = arith.constant 0 : i32
    %dma_wait3A_164 = arith.constant 0 : i32
    %dma_wait3A_165 = tpu.memref_slice %arg10[%dma_wait3A_155, %dma_wait3A_163, %dma_wait3A_164] : memref<4x80x128xf32, #tpu.memory_space<vmem>> -> memref<1x80x128xf32, #tpu.memory_space<vmem>>
    %dma_wait3A_166 = tpu.memref_squeeze %dma_wait3A_165 : memref<1x80x128xf32, #tpu.memory_space<vmem>> -> memref<80x128xf32, #tpu.memory_space<vmem>>
    %dma_wait3A_167 = arith.constant 0 : i32
    %dma_wait3A_168 = arith.constant 0 : i32
    %dma_wait3A_169 = tpu.memref_slice %arg2[%dma_wait3A_167, %dma_wait3A_168] : memref<10000x128xf32, #tpu.memory_space<hbm>> -> memref<80x128xf32, #tpu.memory_space<hbm>>
    tpu.wait_dma2 semaphore(%arg18 : memref<!tpu.dma_semaphore, #tpu.memory_space<semaphore_mem>>) src(%dma_wait3A_169 : memref<80x128xf32, #tpu.memory_space<hbm>>) dst(%dma_wait3A_166 : memref<80x128xf32, #tpu.memory_space<vmem>>)
    %barrier3A_170 = arith.constant 0 : index
    tpu.barrier barrier_id(%barrier3A_170)
    %lt3A = arith.constant 15 : i32
    %lt3A_171 = arith.cmpi slt, %arg1, %lt3A : i32
    %convert_element_type3A = arith.extui %lt3A_171 : i1 to i32
    %cond3A = arith.constant 0 : i32
    %cond3A_172 = arith.cmpi ne, %convert_element_type3A, %cond3A : i32
    scf.if %cond3A_172 {
      %mul3A_177 = arith.constant 632 : i32
      %mul3A_178 = arith.muli %arg1, %mul3A_177 : i32
      %mul3A_179 = arith.constant 632 : i32
      %mul3A_180 = arith.muli %arg1, %mul3A_179 : i32
      "tpu.region"() ({
        %run_scoped3A = tpu.sem_alloc : memref<!tpu.dma_semaphore, #tpu.memory_space<semaphore_mem>>
        %dma_start3A_181 = arith.constant 0 : i32
        %dma_start3A_182 = arith.constant 0 : i32
        %dma_start3A_183 = tpu.memref_slice %arg6[%arg0, %dma_start3A_181, %dma_start3A_182] : memref<2x10000x128xf32, #tpu.memory_space<hbm>> -> memref<1x10000x128xf32, #tpu.memory_space<hbm>>
        %dma_start3A_184 = tpu.memref_squeeze %dma_start3A_183 : memref<1x10000x128xf32, #tpu.memory_space<hbm>> -> memref<10000x128xf32, #tpu.memory_space<hbm>>
        %dma_start3A_185 = arith.constant 0 : i32
        %dma_start3A_186 = tpu.memref_slice %dma_start3A_184[%mul3A_180, %dma_start3A_185] : memref<10000x128xf32, #tpu.memory_space<hbm>> -> memref<632x128xf32, #tpu.memory_space<hbm>>
        %dma_start3A_187 = arith.constant 0 : i32
        %dma_start3A_188 = tpu.memref_slice %arg7[%mul3A_178, %dma_start3A_187] : memref<10112x128xf32, #tpu.memory_space<vmem_shared>> -> memref<632x128xf32, #tpu.memory_space<vmem_shared>>
        tpu.enqueue_dma source(%dma_start3A_188 : memref<632x128xf32, #tpu.memory_space<vmem_shared>>) target(%dma_start3A_186 : memref<632x128xf32, #tpu.memory_space<hbm>>) target_semaphore(%run_scoped3A : memref<!tpu.dma_semaphore, #tpu.memory_space<semaphore_mem>>)
        %dma_wait3A_189 = arith.constant 0 : i32
        %dma_wait3A_190 = arith.constant 0 : i32
        %dma_wait3A_191 = tpu.memref_slice %arg6[%arg0, %dma_wait3A_189, %dma_wait3A_190] : memref<2x10000x128xf32, #tpu.memory_space<hbm>> -> memref<1x10000x128xf32, #tpu.memory_space<hbm>>
        %dma_wait3A_192 = tpu.memref_squeeze %dma_wait3A_191 : memref<1x10000x128xf32, #tpu.memory_space<hbm>> -> memref<10000x128xf32, #tpu.memory_space<hbm>>
        %dma_wait3A_193 = arith.constant 0 : i32
        %dma_wait3A_194 = tpu.memref_slice %dma_wait3A_192[%mul3A_180, %dma_wait3A_193] : memref<10000x128xf32, #tpu.memory_space<hbm>> -> memref<632x128xf32, #tpu.memory_space<hbm>>
        %dma_wait3A_195 = arith.constant 0 : i32
        %dma_wait3A_196 = tpu.memref_slice %arg7[%mul3A_178, %dma_wait3A_195] : memref<10112x128xf32, #tpu.memory_space<vmem_shared>> -> memref<632x128xf32, #tpu.memory_space<vmem_shared>>
        tpu.wait_dma2 semaphore(%run_scoped3A : memref<!tpu.dma_semaphore, #tpu.memory_space<semaphore_mem>>) src(%dma_wait3A_196 : memref<632x128xf32, #tpu.memory_space<vmem_shared>>) dst(%dma_wait3A_194 : memref<632x128xf32, #tpu.memory_space<hbm>>)
        tpu.yield
      }) : () -> ()
    } else {
    }
    %eq3A = arith.constant 15 : i32
    %eq3A_173 = arith.cmpi eq, %arg1, %eq3A : i32
    %convert_element_type3A_174 = arith.extui %eq3A_173 : i1 to i32
    %cond3A_175 = arith.constant 0 : i32
    %cond3A_176 = arith.cmpi ne, %convert_element_type3A_174, %cond3A_175 : i32
    scf.if %cond3A_176 {
      "tpu.region"() ({
        %run_scoped3A = tpu.sem_alloc : memref<!tpu.dma_semaphore, #tpu.memory_space<semaphore_mem>>
        %dma_start3A_177 = arith.constant 0 : i32
        %dma_start3A_178 = arith.constant 0 : i32
        %dma_start3A_179 = tpu.memref_slice %arg6[%arg0, %dma_start3A_177, %dma_start3A_178] : memref<2x10000x128xf32, #tpu.memory_space<hbm>> -> memref<1x10000x128xf32, #tpu.memory_space<hbm>>
        %dma_start3A_180 = tpu.memref_squeeze %dma_start3A_179 : memref<1x10000x128xf32, #tpu.memory_space<hbm>> -> memref<10000x128xf32, #tpu.memory_space<hbm>>
        %dma_start3A_181 = arith.constant 9480 : i32
        %dma_start3A_182 = arith.constant 0 : i32
        %dma_start3A_183 = tpu.memref_slice %dma_start3A_180[%dma_start3A_181, %dma_start3A_182] : memref<10000x128xf32, #tpu.memory_space<hbm>> -> memref<520x128xf32, #tpu.memory_space<hbm>>
        %dma_start3A_184 = arith.constant 9480 : i32
        %dma_start3A_185 = arith.constant 0 : i32
        %dma_start3A_186 = tpu.memref_slice %arg7[%dma_start3A_184, %dma_start3A_185] : memref<10112x128xf32, #tpu.memory_space<vmem_shared>> -> memref<520x128xf32, #tpu.memory_space<vmem_shared>>
        tpu.enqueue_dma source(%dma_start3A_186 : memref<520x128xf32, #tpu.memory_space<vmem_shared>>) target(%dma_start3A_183 : memref<520x128xf32, #tpu.memory_space<hbm>>) target_semaphore(%run_scoped3A : memref<!tpu.dma_semaphore, #tpu.memory_space<semaphore_mem>>)
        %dma_wait3A_187 = arith.constant 0 : i32
        %dma_wait3A_188 = arith.constant 0 : i32
        %dma_wait3A_189 = tpu.memref_slice %arg6[%arg0, %dma_wait3A_187, %dma_wait3A_188] : memref<2x10000x128xf32, #tpu.memory_space<hbm>> -> memref<1x10000x128xf32, #tpu.memory_space<hbm>>
        %dma_wait3A_190 = tpu.memref_squeeze %dma_wait3A_189 : memref<1x10000x128xf32, #tpu.memory_space<hbm>> -> memref<10000x128xf32, #tpu.memory_space<hbm>>
        %dma_wait3A_191 = arith.constant 9480 : i32
        %dma_wait3A_192 = arith.constant 0 : i32
        %dma_wait3A_193 = tpu.memref_slice %dma_wait3A_190[%dma_wait3A_191, %dma_wait3A_192] : memref<10000x128xf32, #tpu.memory_space<hbm>> -> memref<520x128xf32, #tpu.memory_space<hbm>>
        %dma_wait3A_194 = arith.constant 9480 : i32
        %dma_wait3A_195 = arith.constant 0 : i32
        %dma_wait3A_196 = tpu.memref_slice %arg7[%dma_wait3A_194, %dma_wait3A_195] : memref<10112x128xf32, #tpu.memory_space<vmem_shared>> -> memref<520x128xf32, #tpu.memory_space<vmem_shared>>
        tpu.wait_dma2 semaphore(%run_scoped3A : memref<!tpu.dma_semaphore, #tpu.memory_space<semaphore_mem>>) src(%dma_wait3A_196 : memref<520x128xf32, #tpu.memory_space<vmem_shared>>) dst(%dma_wait3A_193 : memref<520x128xf32, #tpu.memory_space<hbm>>)
        tpu.yield
      }) : () -> ()
    } else {
    }
    return
  }
}

#map = affine_map<(d0, d1) -> (0, 0)>
#map1 = affine_map<(d0, d1) -> (0, 0, 0)>
module attributes {stable_mosaic.version = 14 : i64} {
  func.func @body(%arg0: i32, %arg1: i32, %arg2: memref<10000x128xf32, #tpu.memory_space<hbm>>, %arg3: memref<4096x80xi32, #tpu.memory_space<hbm>>, %arg4: memref<4096x80xi32, #tpu.memory_space<hbm>>, %arg5: memref<632x128xf32, #tpu.memory_space<hbm>>, %arg6: memref<2x10000x128xf32, #tpu.memory_space<hbm>>, %arg7: memref<10112x128xf32, #tpu.memory_space<vmem_shared>>, %arg8: memref<2x8x80xi32, #tpu.memory_space<vmem>>, %arg9: memref<2x8x80xi32, #tpu.memory_space<vmem>>, %arg10: memref<4x80x128xf32, #tpu.memory_space<vmem>>, %arg11: memref<!tpu.dma_semaphore, #tpu.memory_space<semaphore_mem>>, %arg12: memref<!tpu.dma_semaphore, #tpu.memory_space<semaphore_mem>>, %arg13: memref<!tpu.dma_semaphore, #tpu.memory_space<semaphore_mem>>, %arg14: memref<!tpu.dma_semaphore, #tpu.memory_space<semaphore_mem>>, %arg15: memref<!tpu.dma_semaphore, #tpu.memory_space<semaphore_mem>>, %arg16: memref<!tpu.dma_semaphore, #tpu.memory_space<semaphore_mem>>, %arg17: memref<!tpu.dma_semaphore, #tpu.memory_space<semaphore_mem>>, %arg18: memref<!tpu.dma_semaphore, #tpu.memory_space<semaphore_mem>>, %arg19: memref<!tpu.dma_semaphore, #tpu.memory_space<semaphore_mem>>) attributes {dimension_semantics = [#tpu.dimension_semantics<core_parallel>, #tpu.dimension_semantics<subcore_parallel>], iteration_bounds = array<i64: 2, 16>, scalar_prefetch = 0 : i64, scratch_operands = 13 : i64, tpu.core_type = #tpu.core_type<sc_vector_subcore>, window_params = [{transform_indices = #map}, {transform_indices = #map}, {transform_indices = #map}, {transform_indices = #map}, {transform_indices = #map1}]} {
    %mul3A = arith.constant 16 : i32
    %mul3A_0 = arith.muli %arg0, %mul3A : i32
    %add3A = arith.addi %mul3A_0, %arg1 : i32
    %mul3A_1 = arith.constant 632 : i32
    %mul3A_2 = arith.muli %arg1, %mul3A_1 : i32
    "tpu.region"() ({
      %run_scoped3A = tpu.sem_alloc : memref<!tpu.dma_semaphore, #tpu.memory_space<semaphore_mem>>
      %dma_start3A_177 = arith.constant 0 : i32
      %dma_start3A_178 = tpu.memref_slice %arg7[%mul3A_2, %dma_start3A_177] : memref<10112x128xf32, #tpu.memory_space<vmem_shared>> -> memref<632x128xf32, #tpu.memory_space<vmem_shared>>
      tpu.enqueue_dma source(%arg5 : memref<632x128xf32, #tpu.memory_space<hbm>>) target(%dma_start3A_178 : memref<632x128xf32, #tpu.memory_space<vmem_shared>>) target_semaphore(%run_scoped3A : memref<!tpu.dma_semaphore, #tpu.memory_space<semaphore_mem>>)
      %dma_wait3A_179 = arith.constant 0 : i32
      %dma_wait3A_180 = tpu.memref_slice %arg7[%mul3A_2, %dma_wait3A_179] : memref<10112x128xf32, #tpu.memory_space<vmem_shared>> -> memref<632x128xf32, #tpu.memory_space<vmem_shared>>
      tpu.wait_dma2 semaphore(%run_scoped3A : memref<!tpu.dma_semaphore, #tpu.memory_space<semaphore_mem>>) src(%arg5 : memref<632x128xf32, #tpu.memory_space<hbm>>) dst(%dma_wait3A_180 : memref<632x128xf32, #tpu.memory_space<vmem_shared>>)
      tpu.yield
    }) : () -> ()
    %barrier3A = arith.constant 0 : index
    tpu.barrier barrier_id(%barrier3A)
    %mul3A_3 = arith.constant 128 : i32
    %mul3A_4 = arith.muli %add3A, %mul3A_3 : i32
    %add3A_5 = arith.constant 0 : i32
    %add3A_6 = arith.addi %mul3A_4, %add3A_5 : i32
    %dma_start3A = arith.constant 0 : i32
    %dma_start3A_7 = arith.constant 0 : i32
    %dma_start3A_8 = arith.constant 0 : i32
    %dma_start3A_9 = tpu.memref_slice %arg8[%dma_start3A, %dma_start3A_7, %dma_start3A_8] : memref<2x8x80xi32, #tpu.memory_space<vmem>> -> memref<1x8x80xi32, #tpu.memory_space<vmem>>
    %dma_start3A_10 = tpu.memref_squeeze %dma_start3A_9 : memref<1x8x80xi32, #tpu.memory_space<vmem>> -> memref<8x80xi32, #tpu.memory_space<vmem>>
    %dma_start3A_11 = arith.constant 0 : i32
    %dma_start3A_12 = tpu.memref_slice %arg3[%add3A_6, %dma_start3A_11] : memref<4096x80xi32, #tpu.memory_space<hbm>> -> memref<8x80xi32, #tpu.memory_space<hbm>>
    %dma_start3A_13 = arith.constant 0 : i32
    %dma_start3A_14 = arith.constant 0 : i32
    %dma_start3A_15 = tpu.memref_slice %arg8[%dma_start3A, %dma_start3A_13, %dma_start3A_14] : memref<2x8x80xi32, #tpu.memory_space<vmem>> -> memref<1x8x80xi32, #tpu.memory_space<vmem>>
    %dma_start3A_16 = tpu.memref_squeeze %dma_start3A_15 : memref<1x8x80xi32, #tpu.memory_space<vmem>> -> memref<8x80xi32, #tpu.memory_space<vmem>>
    %dma_start3A_17 = arith.constant 0 : i32
    %dma_start3A_18 = tpu.memref_slice %arg3[%add3A_6, %dma_start3A_17] : memref<4096x80xi32, #tpu.memory_space<hbm>> -> memref<8x80xi32, #tpu.memory_space<hbm>>
    tpu.enqueue_dma source(%dma_start3A_18 : memref<8x80xi32, #tpu.memory_space<hbm>>) target(%dma_start3A_16 : memref<8x80xi32, #tpu.memory_space<vmem>>) target_semaphore(%arg19 : memref<!tpu.dma_semaphore, #tpu.memory_space<semaphore_mem>>)
    %mul3A_19 = arith.constant 128 : i32
    %mul3A_20 = arith.muli %add3A, %mul3A_19 : i32
    %add3A_21 = arith.constant 0 : i32
    %add3A_22 = arith.addi %mul3A_20, %add3A_21 : i32
    %dma_start3A_23 = arith.constant 0 : i32
    %dma_start3A_24 = arith.constant 0 : i32
    %dma_start3A_25 = arith.constant 0 : i32
    %dma_start3A_26 = tpu.memref_slice %arg9[%dma_start3A_23, %dma_start3A_24, %dma_start3A_25] : memref<2x8x80xi32, #tpu.memory_space<vmem>> -> memref<1x8x80xi32, #tpu.memory_space<vmem>>
    %dma_start3A_27 = tpu.memref_squeeze %dma_start3A_26 : memref<1x8x80xi32, #tpu.memory_space<vmem>> -> memref<8x80xi32, #tpu.memory_space<vmem>>
    %dma_start3A_28 = arith.constant 0 : i32
    %dma_start3A_29 = tpu.memref_slice %arg4[%add3A_22, %dma_start3A_28] : memref<4096x80xi32, #tpu.memory_space<hbm>> -> memref<8x80xi32, #tpu.memory_space<hbm>>
    %dma_start3A_30 = arith.constant 0 : i32
    %dma_start3A_31 = arith.constant 0 : i32
    %dma_start3A_32 = tpu.memref_slice %arg9[%dma_start3A_23, %dma_start3A_30, %dma_start3A_31] : memref<2x8x80xi32, #tpu.memory_space<vmem>> -> memref<1x8x80xi32, #tpu.memory_space<vmem>>
    %dma_start3A_33 = tpu.memref_squeeze %dma_start3A_32 : memref<1x8x80xi32, #tpu.memory_space<vmem>> -> memref<8x80xi32, #tpu.memory_space<vmem>>
    %dma_start3A_34 = arith.constant 0 : i32
    %dma_start3A_35 = tpu.memref_slice %arg4[%add3A_22, %dma_start3A_34] : memref<4096x80xi32, #tpu.memory_space<hbm>> -> memref<8x80xi32, #tpu.memory_space<hbm>>
    tpu.enqueue_dma source(%dma_start3A_35 : memref<8x80xi32, #tpu.memory_space<hbm>>) target(%dma_start3A_33 : memref<8x80xi32, #tpu.memory_space<vmem>>) target_semaphore(%arg19 : memref<!tpu.dma_semaphore, #tpu.memory_space<semaphore_mem>>)
    %dma_wait3A = arith.constant 0 : i32
    %dma_wait3A_36 = arith.constant 0 : i32
    %dma_wait3A_37 = arith.constant 0 : i32
    %dma_wait3A_38 = tpu.memref_slice %arg8[%dma_wait3A, %dma_wait3A_36, %dma_wait3A_37] : memref<2x8x80xi32, #tpu.memory_space<vmem>> -> memref<1x8x80xi32, #tpu.memory_space<vmem>>
    %dma_wait3A_39 = tpu.memref_squeeze %dma_wait3A_38 : memref<1x8x80xi32, #tpu.memory_space<vmem>> -> memref<8x80xi32, #tpu.memory_space<vmem>>
    %dma_wait3A_40 = arith.constant 0 : i32
    %dma_wait3A_41 = arith.constant 0 : i32
    %dma_wait3A_42 = tpu.memref_slice %arg3[%dma_wait3A_40, %dma_wait3A_41] : memref<4096x80xi32, #tpu.memory_space<hbm>> -> memref<8x80xi32, #tpu.memory_space<hbm>>
    %dma_wait3A_43 = arith.constant 0 : i32
    %dma_wait3A_44 = arith.constant 0 : i32
    %dma_wait3A_45 = tpu.memref_slice %arg8[%dma_wait3A, %dma_wait3A_43, %dma_wait3A_44] : memref<2x8x80xi32, #tpu.memory_space<vmem>> -> memref<1x8x80xi32, #tpu.memory_space<vmem>>
    %dma_wait3A_46 = tpu.memref_squeeze %dma_wait3A_45 : memref<1x8x80xi32, #tpu.memory_space<vmem>> -> memref<8x80xi32, #tpu.memory_space<vmem>>
    %dma_wait3A_47 = arith.constant 0 : i32
    %dma_wait3A_48 = arith.constant 0 : i32
    %dma_wait3A_49 = tpu.memref_slice %arg3[%dma_wait3A_47, %dma_wait3A_48] : memref<4096x80xi32, #tpu.memory_space<hbm>> -> memref<8x80xi32, #tpu.memory_space<hbm>>
    tpu.wait_dma2 semaphore(%arg19 : memref<!tpu.dma_semaphore, #tpu.memory_space<semaphore_mem>>) src(%dma_wait3A_49 : memref<8x80xi32, #tpu.memory_space<hbm>>) dst(%dma_wait3A_46 : memref<8x80xi32, #tpu.memory_space<vmem>>)
    %dma_wait3A_50 = arith.constant 0 : i32
    %dma_wait3A_51 = arith.constant 0 : i32
    %dma_wait3A_52 = arith.constant 0 : i32
    %dma_wait3A_53 = tpu.memref_slice %arg9[%dma_wait3A_50, %dma_wait3A_51, %dma_wait3A_52] : memref<2x8x80xi32, #tpu.memory_space<vmem>> -> memref<1x8x80xi32, #tpu.memory_space<vmem>>
    %dma_wait3A_54 = tpu.memref_squeeze %dma_wait3A_53 : memref<1x8x80xi32, #tpu.memory_space<vmem>> -> memref<8x80xi32, #tpu.memory_space<vmem>>
    %dma_wait3A_55 = arith.constant 0 : i32
    %dma_wait3A_56 = arith.constant 0 : i32
    %dma_wait3A_57 = tpu.memref_slice %arg4[%dma_wait3A_55, %dma_wait3A_56] : memref<4096x80xi32, #tpu.memory_space<hbm>> -> memref<8x80xi32, #tpu.memory_space<hbm>>
    %dma_wait3A_58 = arith.constant 0 : i32
    %dma_wait3A_59 = arith.constant 0 : i32
    %dma_wait3A_60 = tpu.memref_slice %arg9[%dma_wait3A_50, %dma_wait3A_58, %dma_wait3A_59] : memref<2x8x80xi32, #tpu.memory_space<vmem>> -> memref<1x8x80xi32, #tpu.memory_space<vmem>>
    %dma_wait3A_61 = tpu.memref_squeeze %dma_wait3A_60 : memref<1x8x80xi32, #tpu.memory_space<vmem>> -> memref<8x80xi32, #tpu.memory_space<vmem>>
    %dma_wait3A_62 = arith.constant 0 : i32
    %dma_wait3A_63 = arith.constant 0 : i32
    %dma_wait3A_64 = tpu.memref_slice %arg4[%dma_wait3A_62, %dma_wait3A_63] : memref<4096x80xi32, #tpu.memory_space<hbm>> -> memref<8x80xi32, #tpu.memory_space<hbm>>
    tpu.wait_dma2 semaphore(%arg19 : memref<!tpu.dma_semaphore, #tpu.memory_space<semaphore_mem>>) src(%dma_wait3A_64 : memref<8x80xi32, #tpu.memory_space<hbm>>) dst(%dma_wait3A_61 : memref<8x80xi32, #tpu.memory_space<vmem>>)
    %mul3A_65 = arith.constant 128 : i32
    %mul3A_66 = arith.muli %add3A, %mul3A_65 : i32
    %add3A_67 = arith.constant 8 : i32
    %add3A_68 = arith.addi %mul3A_66, %add3A_67 : i32
    %dma_start3A_69 = arith.constant 1 : i32
    %dma_start3A_70 = arith.constant 0 : i32
    %dma_start3A_71 = arith.constant 0 : i32
    %dma_start3A_72 = tpu.memref_slice %arg8[%dma_start3A_69, %dma_start3A_70, %dma_start3A_71] : memref<2x8x80xi32, #tpu.memory_space<vmem>> -> memref<1x8x80xi32, #tpu.memory_space<vmem>>
    %dma_start3A_73 = tpu.memref_squeeze %dma_start3A_72 : memref<1x8x80xi32, #tpu.memory_space<vmem>> -> memref<8x80xi32, #tpu.memory_space<vmem>>
    %dma_start3A_74 = arith.constant 0 : i32
    %dma_start3A_75 = tpu.memref_slice %arg3[%add3A_68, %dma_start3A_74] : memref<4096x80xi32, #tpu.memory_space<hbm>> -> memref<8x80xi32, #tpu.memory_space<hbm>>
    %dma_start3A_76 = arith.constant 0 : i32
    %dma_start3A_77 = arith.constant 0 : i32
    %dma_start3A_78 = tpu.memref_slice %arg8[%dma_start3A_69, %dma_start3A_76, %dma_start3A_77] : memref<2x8x80xi32, #tpu.memory_space<vmem>> -> memref<1x8x80xi32, #tpu.memory_space<vmem>>
    %dma_start3A_79 = tpu.memref_squeeze %dma_start3A_78 : memref<1x8x80xi32, #tpu.memory_space<vmem>> -> memref<8x80xi32, #tpu.memory_space<vmem>>
    %dma_start3A_80 = arith.constant 0 : i32
    %dma_start3A_81 = tpu.memref_slice %arg3[%add3A_68, %dma_start3A_80] : memref<4096x80xi32, #tpu.memory_space<hbm>> -> memref<8x80xi32, #tpu.memory_space<hbm>>
    tpu.enqueue_dma source(%dma_start3A_81 : memref<8x80xi32, #tpu.memory_space<hbm>>) target(%dma_start3A_79 : memref<8x80xi32, #tpu.memory_space<vmem>>) target_semaphore(%arg19 : memref<!tpu.dma_semaphore, #tpu.memory_space<semaphore_mem>>)
    %mul3A_82 = arith.constant 128 : i32
    %mul3A_83 = arith.muli %add3A, %mul3A_82 : i32
    %add3A_84 = arith.constant 8 : i32
    %add3A_85 = arith.addi %mul3A_83, %add3A_84 : i32
    %dma_start3A_86 = arith.constant 1 : i32
    %dma_start3A_87 = arith.constant 0 : i32
    %dma_start3A_88 = arith.constant 0 : i32
    %dma_start3A_89 = tpu.memref_slice %arg9[%dma_start3A_86, %dma_start3A_87, %dma_start3A_88] : memref<2x8x80xi32, #tpu.memory_space<vmem>> -> memref<1x8x80xi32, #tpu.memory_space<vmem>>
    %dma_start3A_90 = tpu.memref_squeeze %dma_start3A_89 : memref<1x8x80xi32, #tpu.memory_space<vmem>> -> memref<8x80xi32, #tpu.memory_space<vmem>>
    %dma_start3A_91 = arith.constant 0 : i32
    %dma_start3A_92 = tpu.memref_slice %arg4[%add3A_85, %dma_start3A_91] : memref<4096x80xi32, #tpu.memory_space<hbm>> -> memref<8x80xi32, #tpu.memory_space<hbm>>
    %dma_start3A_93 = arith.constant 0 : i32
    %dma_start3A_94 = arith.constant 0 : i32
    %dma_start3A_95 = tpu.memref_slice %arg9[%dma_start3A_86, %dma_start3A_93, %dma_start3A_94] : memref<2x8x80xi32, #tpu.memory_space<vmem>> -> memref<1x8x80xi32, #tpu.memory_space<vmem>>
    %dma_start3A_96 = tpu.memref_squeeze %dma_start3A_95 : memref<1x8x80xi32, #tpu.memory_space<vmem>> -> memref<8x80xi32, #tpu.memory_space<vmem>>
    %dma_start3A_97 = arith.constant 0 : i32
    %dma_start3A_98 = tpu.memref_slice %arg4[%add3A_85, %dma_start3A_97] : memref<4096x80xi32, #tpu.memory_space<hbm>> -> memref<8x80xi32, #tpu.memory_space<hbm>>
    tpu.enqueue_dma source(%dma_start3A_98 : memref<8x80xi32, #tpu.memory_space<hbm>>) target(%dma_start3A_96 : memref<8x80xi32, #tpu.memory_space<vmem>>) target_semaphore(%arg19 : memref<!tpu.dma_semaphore, #tpu.memory_space<semaphore_mem>>)
    %dma_start3A_99 = arith.constant 0 : i32
    %dma_start3A_100 = arith.constant 0 : i32
    %dma_start3A_101 = arith.constant 0 : i32
    %dma_start3A_102 = arith.constant 0 : i32
    %dma_start3A_103 = arith.constant 0 : i32
    %dma_start3A_104 = tpu.memref_slice %arg10[%dma_start3A_101, %dma_start3A_102, %dma_start3A_103] : memref<4x80x128xf32, #tpu.memory_space<vmem>> -> memref<1x80x128xf32, #tpu.memory_space<vmem>>
    %dma_start3A_105 = tpu.memref_squeeze %dma_start3A_104 : memref<1x80x128xf32, #tpu.memory_space<vmem>> -> memref<80x128xf32, #tpu.memory_space<vmem>>
    %dma_start3A_106 = arith.constant 0 : i32
    %dma_start3A_107 = arith.constant 0 : i32
    %dma_start3A_108 = tpu.memref_slice %arg8[%dma_start3A_99, %dma_start3A_106, %dma_start3A_107] : memref<2x8x80xi32, #tpu.memory_space<vmem>> -> memref<1x8x80xi32, #tpu.memory_space<vmem>>
    %dma_start3A_109 = tpu.memref_squeeze %dma_start3A_108 : memref<1x8x80xi32, #tpu.memory_space<vmem>> -> memref<8x80xi32, #tpu.memory_space<vmem>>
    %dma_start3A_110 = arith.constant 0 : i32
    %dma_start3A_111 = tpu.memref_slice %dma_start3A_109[%dma_start3A_100, %dma_start3A_110] : memref<8x80xi32, #tpu.memory_space<vmem>> -> memref<1x80xi32, #tpu.memory_space<vmem>>
    %dma_start3A_112 = tpu.memref_squeeze %dma_start3A_111 : memref<1x80xi32, #tpu.memory_space<vmem>> -> memref<80xi32, #tpu.memory_space<vmem>>
    %dma_start3A_113 = arith.constant 0 : i32
    %dma_start3A_114 = arith.constant 0 : i32
    %dma_start3A_115 = tpu.memref_slice %arg2[%dma_start3A_113, %dma_start3A_114] : memref<10000x128xf32, #tpu.memory_space<hbm>> -> memref<10000x128xf32, #tpu.memory_space<hbm>>
    tpu.enqueue_indirect_dma source(%dma_start3A_115 : memref<10000x128xf32, #tpu.memory_space<hbm>>) target(%dma_start3A_105 : memref<80x128xf32, #tpu.memory_space<vmem>>) offsets(%dma_start3A_112 : memref<80xi32, #tpu.memory_space<vmem>>) semaphore(%arg11 : memref<!tpu.dma_semaphore, #tpu.memory_space<semaphore_mem>>)
    %dma_start3A_116 = arith.constant 0 : i32
    %dma_start3A_117 = arith.constant 1 : i32
    %dma_start3A_118 = arith.constant 1 : i32
    %dma_start3A_119 = arith.constant 0 : i32
    %dma_start3A_120 = arith.constant 0 : i32
    %dma_start3A_121 = tpu.memref_slice %arg10[%dma_start3A_118, %dma_start3A_119, %dma_start3A_120] : memref<4x80x128xf32, #tpu.memory_space<vmem>> -> memref<1x80x128xf32, #tpu.memory_space<vmem>>
    %dma_start3A_122 = tpu.memref_squeeze %dma_start3A_121 : memref<1x80x128xf32, #tpu.memory_space<vmem>> -> memref<80x128xf32, #tpu.memory_space<vmem>>
    %dma_start3A_123 = arith.constant 0 : i32
    %dma_start3A_124 = arith.constant 0 : i32
    %dma_start3A_125 = tpu.memref_slice %arg8[%dma_start3A_116, %dma_start3A_123, %dma_start3A_124] : memref<2x8x80xi32, #tpu.memory_space<vmem>> -> memref<1x8x80xi32, #tpu.memory_space<vmem>>
    %dma_start3A_126 = tpu.memref_squeeze %dma_start3A_125 : memref<1x8x80xi32, #tpu.memory_space<vmem>> -> memref<8x80xi32, #tpu.memory_space<vmem>>
    %dma_start3A_127 = arith.constant 0 : i32
    %dma_start3A_128 = tpu.memref_slice %dma_start3A_126[%dma_start3A_117, %dma_start3A_127] : memref<8x80xi32, #tpu.memory_space<vmem>> -> memref<1x80xi32, #tpu.memory_space<vmem>>
    %dma_start3A_129 = tpu.memref_squeeze %dma_start3A_128 : memref<1x80xi32, #tpu.memory_space<vmem>> -> memref<80xi32, #tpu.memory_space<vmem>>
    %dma_start3A_130 = arith.constant 0 : i32
    %dma_start3A_131 = arith.constant 0 : i32
    %dma_start3A_132 = tpu.memref_slice %arg2[%dma_start3A_130, %dma_start3A_131] : memref<10000x128xf32, #tpu.memory_space<hbm>> -> memref<10000x128xf32, #tpu.memory_space<hbm>>
    tpu.enqueue_indirect_dma source(%dma_start3A_132 : memref<10000x128xf32, #tpu.memory_space<hbm>>) target(%dma_start3A_122 : memref<80x128xf32, #tpu.memory_space<vmem>>) offsets(%dma_start3A_129 : memref<80xi32, #tpu.memory_space<vmem>>) semaphore(%arg12 : memref<!tpu.dma_semaphore, #tpu.memory_space<semaphore_mem>>)
    %dma_start3A_133 = arith.constant 0 : i32
    %dma_start3A_134 = arith.constant 2 : i32
    %dma_start3A_135 = arith.constant 2 : i32
    %dma_start3A_136 = arith.constant 0 : i32
    %dma_start3A_137 = arith.constant 0 : i32
    %dma_start3A_138 = tpu.memref_slice %arg10[%dma_start3A_135, %dma_start3A_136, %dma_start3A_137] : memref<4x80x128xf32, #tpu.memory_space<vmem>> -> memref<1x80x128xf32, #tpu.memory_space<vmem>>
    %dma_start3A_139 = tpu.memref_squeeze %dma_start3A_138 : memref<1x80x128xf32, #tpu.memory_space<vmem>> -> memref<80x128xf32, #tpu.memory_space<vmem>>
    %dma_start3A_140 = arith.constant 0 : i32
    %dma_start3A_141 = arith.constant 0 : i32
    %dma_start3A_142 = tpu.memref_slice %arg8[%dma_start3A_133, %dma_start3A_140, %dma_start3A_141] : memref<2x8x80xi32, #tpu.memory_space<vmem>> -> memref<1x8x80xi32, #tpu.memory_space<vmem>>
    %dma_start3A_143 = tpu.memref_squeeze %dma_start3A_142 : memref<1x8x80xi32, #tpu.memory_space<vmem>> -> memref<8x80xi32, #tpu.memory_space<vmem>>
    %dma_start3A_144 = arith.constant 0 : i32
    %dma_start3A_145 = tpu.memref_slice %dma_start3A_143[%dma_start3A_134, %dma_start3A_144] : memref<8x80xi32, #tpu.memory_space<vmem>> -> memref<1x80xi32, #tpu.memory_space<vmem>>
    %dma_start3A_146 = tpu.memref_squeeze %dma_start3A_145 : memref<1x80xi32, #tpu.memory_space<vmem>> -> memref<80xi32, #tpu.memory_space<vmem>>
    %dma_start3A_147 = arith.constant 0 : i32
    %dma_start3A_148 = arith.constant 0 : i32
    %dma_start3A_149 = tpu.memref_slice %arg2[%dma_start3A_147, %dma_start3A_148] : memref<10000x128xf32, #tpu.memory_space<hbm>> -> memref<10000x128xf32, #tpu.memory_space<hbm>>
    tpu.enqueue_indirect_dma source(%dma_start3A_149 : memref<10000x128xf32, #tpu.memory_space<hbm>>) target(%dma_start3A_139 : memref<80x128xf32, #tpu.memory_space<vmem>>) offsets(%dma_start3A_146 : memref<80xi32, #tpu.memory_space<vmem>>) semaphore(%arg13 : memref<!tpu.dma_semaphore, #tpu.memory_space<semaphore_mem>>)
    %scan3A = arith.constant 0 : i32
    %scan3A_150 = arith.constant 0 : i32
    %scan3A_151 = arith.constant 16 : i32
    %scan3A_152 = arith.addi %scan3A_150, %scan3A_151 : i32
    %scan3A_153 = arith.constant 1 : i32
    scf.for %scan3A_177 = %scan3A_150 to %scan3A_152 step %scan3A_153  : i32 {
      %rem3A = arith.constant 2 : i32
      %rem3A_178 = arith.remsi %scan3A_177, %rem3A : i32
      %sub3A = arith.constant 1 : i32
      %sub3A_179 = arith.subi %sub3A, %rem3A_178 : i32
      %mul3A_180 = arith.constant 8 : i32
      %mul3A_181 = arith.muli %scan3A_177, %mul3A_180 : i32
      %add3A_182 = arith.constant 0 : i32
      %add3A_183 = arith.addi %mul3A_181, %add3A_182 : i32
      %dma_wait3A_184 = arith.constant 0 : i32
      %dma_wait3A_185 = arith.constant 0 : i32
      %dma_wait3A_186 = arith.constant 0 : i32
      %dma_wait3A_187 = tpu.memref_slice %arg10[%dma_wait3A_184, %dma_wait3A_185, %dma_wait3A_186] : memref<4x80x128xf32, #tpu.memory_space<vmem>> -> memref<1x80x128xf32, #tpu.memory_space<vmem>>
      %dma_wait3A_188 = tpu.memref_squeeze %dma_wait3A_187 : memref<1x80x128xf32, #tpu.memory_space<vmem>> -> memref<80x128xf32, #tpu.memory_space<vmem>>
      %dma_wait3A_189 = arith.constant 0 : i32
      %dma_wait3A_190 = arith.constant 0 : i32
      %dma_wait3A_191 = tpu.memref_slice %arg2[%dma_wait3A_189, %dma_wait3A_190] : memref<10000x128xf32, #tpu.memory_space<hbm>> -> memref<80x128xf32, #tpu.memory_space<hbm>>
      %dma_wait3A_192 = arith.constant 0 : i32
      %dma_wait3A_193 = arith.constant 0 : i32
      %dma_wait3A_194 = tpu.memref_slice %arg10[%dma_wait3A_184, %dma_wait3A_192, %dma_wait3A_193] : memref<4x80x128xf32, #tpu.memory_space<vmem>> -> memref<1x80x128xf32, #tpu.memory_space<vmem>>
      %dma_wait3A_195 = tpu.memref_squeeze %dma_wait3A_194 : memref<1x80x128xf32, #tpu.memory_space<vmem>> -> memref<80x128xf32, #tpu.memory_space<vmem>>
      %dma_wait3A_196 = arith.constant 0 : i32
      %dma_wait3A_197 = arith.constant 0 : i32
      %dma_wait3A_198 = tpu.memref_slice %arg2[%dma_wait3A_196, %dma_wait3A_197] : memref<10000x128xf32, #tpu.memory_space<hbm>> -> memref<80x128xf32, #tpu.memory_space<hbm>>
      tpu.wait_dma2 semaphore(%arg11 : memref<!tpu.dma_semaphore, #tpu.memory_space<semaphore_mem>>) src(%dma_wait3A_198 : memref<80x128xf32, #tpu.memory_space<hbm>>) dst(%dma_wait3A_195 : memref<80x128xf32, #tpu.memory_space<vmem>>)
      %dma_start3A_199 = arith.constant 0 : i32
      %dma_start3A_200 = arith.constant 0 : i32
      %dma_start3A_201 = arith.constant 0 : i32
      %dma_start3A_202 = arith.constant 0 : i32
      %dma_start3A_203 = tpu.memref_slice %arg10[%dma_start3A_199, %dma_start3A_201, %dma_start3A_202] : memref<4x80x128xf32, #tpu.memory_space<vmem>> -> memref<1x80x128xf32, #tpu.memory_space<vmem>>
      %dma_start3A_204 = tpu.memref_squeeze %dma_start3A_203 : memref<1x80x128xf32, #tpu.memory_space<vmem>> -> memref<80x128xf32, #tpu.memory_space<vmem>>
      %dma_start3A_205 = arith.constant 0 : i32
      %dma_start3A_206 = arith.constant 0 : i32
      %dma_start3A_207 = tpu.memref_slice %arg9[%rem3A_178, %dma_start3A_205, %dma_start3A_206] : memref<2x8x80xi32, #tpu.memory_space<vmem>> -> memref<1x8x80xi32, #tpu.memory_space<vmem>>
      %dma_start3A_208 = tpu.memref_squeeze %dma_start3A_207 : memref<1x8x80xi32, #tpu.memory_space<vmem>> -> memref<8x80xi32, #tpu.memory_space<vmem>>
      %dma_start3A_209 = arith.constant 0 : i32
      %dma_start3A_210 = tpu.memref_slice %dma_start3A_208[%dma_start3A_200, %dma_start3A_209] : memref<8x80xi32, #tpu.memory_space<vmem>> -> memref<1x80xi32, #tpu.memory_space<vmem>>
      %dma_start3A_211 = tpu.memref_squeeze %dma_start3A_210 : memref<1x80xi32, #tpu.memory_space<vmem>> -> memref<80xi32, #tpu.memory_space<vmem>>
      %dma_start3A_212 = arith.constant 0 : i32
      %dma_start3A_213 = arith.constant 0 : i32
      %dma_start3A_214 = tpu.memref_slice %arg7[%dma_start3A_212, %dma_start3A_213] : memref<10112x128xf32, #tpu.memory_space<vmem_shared>> -> memref<10112x128xf32, #tpu.memory_space<vmem_shared>>
      tpu.enqueue_indirect_dma source(%dma_start3A_204 : memref<80x128xf32, #tpu.memory_space<vmem>>) target(%dma_start3A_214 : memref<10112x128xf32, #tpu.memory_space<vmem_shared>>) offsets(%dma_start3A_211 : memref<80xi32, #tpu.memory_space<vmem>>) semaphore(%arg15 : memref<!tpu.dma_semaphore, #tpu.memory_space<semaphore_mem>>) {add = true}
      %ge3A = arith.constant 1 : i32
      %ge3A_215 = arith.cmpi sge, %add3A_183, %ge3A : i32
      %convert_element_type3A_216 = arith.extui %ge3A_215 : i1 to i32
      %cond3A_217 = arith.constant 0 : i32
      %cond3A_218 = arith.cmpi ne, %convert_element_type3A_216, %cond3A_217 : i32
      scf.if %cond3A_218 {
        %dma_wait3A_571 = arith.constant 3 : i32
        %dma_wait3A_572 = arith.constant 0 : i32
        %dma_wait3A_573 = arith.constant 0 : i32
        %dma_wait3A_574 = tpu.memref_slice %arg10[%dma_wait3A_571, %dma_wait3A_572, %dma_wait3A_573] : memref<4x80x128xf32, #tpu.memory_space<vmem>> -> memref<1x80x128xf32, #tpu.memory_space<vmem>>
        %dma_wait3A_575 = tpu.memref_squeeze %dma_wait3A_574 : memref<1x80x128xf32, #tpu.memory_space<vmem>> -> memref<80x128xf32, #tpu.memory_space<vmem>>
        %dma_wait3A_576 = arith.constant 0 : i32
        %dma_wait3A_577 = arith.constant 0 : i32
        %dma_wait3A_578 = tpu.memref_slice %arg2[%dma_wait3A_576, %dma_wait3A_577] : memref<10000x128xf32, #tpu.memory_space<hbm>> -> memref<80x128xf32, #tpu.memory_space<hbm>>
        %dma_wait3A_579 = arith.constant 0 : i32
        %dma_wait3A_580 = arith.constant 0 : i32
        %dma_wait3A_581 = tpu.memref_slice %arg10[%dma_wait3A_571, %dma_wait3A_579, %dma_wait3A_580] : memref<4x80x128xf32, #tpu.memory_space<vmem>> -> memref<1x80x128xf32, #tpu.memory_space<vmem>>
        %dma_wait3A_582 = tpu.memref_squeeze %dma_wait3A_581 : memref<1x80x128xf32, #tpu.memory_space<vmem>> -> memref<80x128xf32, #tpu.memory_space<vmem>>
        %dma_wait3A_583 = arith.constant 0 : i32
        %dma_wait3A_584 = arith.constant 0 : i32
        %dma_wait3A_585 = tpu.memref_slice %arg2[%dma_wait3A_583, %dma_wait3A_584] : memref<10000x128xf32, #tpu.memory_space<hbm>> -> memref<80x128xf32, #tpu.memory_space<hbm>>
        tpu.wait_dma2 semaphore(%arg18 : memref<!tpu.dma_semaphore, #tpu.memory_space<semaphore_mem>>) src(%dma_wait3A_585 : memref<80x128xf32, #tpu.memory_space<hbm>>) dst(%dma_wait3A_582 : memref<80x128xf32, #tpu.memory_space<vmem>>)
      } else {
      }
      %ge3A_219 = arith.constant 1 : i32
      %ge3A_220 = arith.cmpi sge, %scan3A_177, %ge3A_219 : i32
      %add3A_221 = arith.constant 1 : i32
      %add3A_222 = arith.addi %scan3A_177, %add3A_221 : i32
      %lt3A_223 = arith.constant 16 : i32
      %lt3A_224 = arith.cmpi slt, %add3A_222, %lt3A_223 : i32
      %and3A = arith.andi %ge3A_220, %lt3A_224 : i1
      %convert_element_type3A_225 = arith.extui %and3A : i1 to i32
      %cond3A_226 = arith.constant 0 : i32
      %cond3A_227 = arith.cmpi ne, %convert_element_type3A_225, %cond3A_226 : i32
      scf.if %cond3A_227 {
        %add3A_571 = arith.constant 1 : i32
        %add3A_572 = arith.addi %scan3A_177, %add3A_571 : i32
        %mul3A_573 = arith.constant 128 : i32
        %mul3A_574 = arith.muli %add3A, %mul3A_573 : i32
        %mul3A_575 = arith.constant 8 : i32
        %mul3A_576 = arith.muli %add3A_572, %mul3A_575 : i32
        %add3A_577 = arith.addi %mul3A_574, %mul3A_576 : i32
        %dma_start3A_578 = arith.constant 0 : i32
        %dma_start3A_579 = arith.constant 0 : i32
        %dma_start3A_580 = tpu.memref_slice %arg8[%sub3A_179, %dma_start3A_578, %dma_start3A_579] : memref<2x8x80xi32, #tpu.memory_space<vmem>> -> memref<1x8x80xi32, #tpu.memory_space<vmem>>
        %dma_start3A_581 = tpu.memref_squeeze %dma_start3A_580 : memref<1x8x80xi32, #tpu.memory_space<vmem>> -> memref<8x80xi32, #tpu.memory_space<vmem>>
        %dma_start3A_582 = arith.constant 0 : i32
        %dma_start3A_583 = tpu.memref_slice %arg3[%add3A_577, %dma_start3A_582] : memref<4096x80xi32, #tpu.memory_space<hbm>> -> memref<8x80xi32, #tpu.memory_space<hbm>>
        %dma_start3A_584 = arith.constant 0 : i32
        %dma_start3A_585 = arith.constant 0 : i32
        %dma_start3A_586 = tpu.memref_slice %arg8[%sub3A_179, %dma_start3A_584, %dma_start3A_585] : memref<2x8x80xi32, #tpu.memory_space<vmem>> -> memref<1x8x80xi32, #tpu.memory_space<vmem>>
        %dma_start3A_587 = tpu.memref_squeeze %dma_start3A_586 : memref<1x8x80xi32, #tpu.memory_space<vmem>> -> memref<8x80xi32, #tpu.memory_space<vmem>>
        %dma_start3A_588 = arith.constant 0 : i32
        %dma_start3A_589 = tpu.memref_slice %arg3[%add3A_577, %dma_start3A_588] : memref<4096x80xi32, #tpu.memory_space<hbm>> -> memref<8x80xi32, #tpu.memory_space<hbm>>
        tpu.enqueue_dma source(%dma_start3A_589 : memref<8x80xi32, #tpu.memory_space<hbm>>) target(%dma_start3A_587 : memref<8x80xi32, #tpu.memory_space<vmem>>) target_semaphore(%arg19 : memref<!tpu.dma_semaphore, #tpu.memory_space<semaphore_mem>>)
        %mul3A_590 = arith.constant 128 : i32
        %mul3A_591 = arith.muli %add3A, %mul3A_590 : i32
        %mul3A_592 = arith.constant 8 : i32
        %mul3A_593 = arith.muli %add3A_572, %mul3A_592 : i32
        %add3A_594 = arith.addi %mul3A_591, %mul3A_593 : i32
        %dma_start3A_595 = arith.constant 0 : i32
        %dma_start3A_596 = arith.constant 0 : i32
        %dma_start3A_597 = tpu.memref_slice %arg9[%sub3A_179, %dma_start3A_595, %dma_start3A_596] : memref<2x8x80xi32, #tpu.memory_space<vmem>> -> memref<1x8x80xi32, #tpu.memory_space<vmem>>
        %dma_start3A_598 = tpu.memref_squeeze %dma_start3A_597 : memref<1x8x80xi32, #tpu.memory_space<vmem>> -> memref<8x80xi32, #tpu.memory_space<vmem>>
        %dma_start3A_599 = arith.constant 0 : i32
        %dma_start3A_600 = tpu.memref_slice %arg4[%add3A_594, %dma_start3A_599] : memref<4096x80xi32, #tpu.memory_space<hbm>> -> memref<8x80xi32, #tpu.memory_space<hbm>>
        %dma_start3A_601 = arith.constant 0 : i32
        %dma_start3A_602 = arith.constant 0 : i32
        %dma_start3A_603 = tpu.memref_slice %arg9[%sub3A_179, %dma_start3A_601, %dma_start3A_602] : memref<2x8x80xi32, #tpu.memory_space<vmem>> -> memref<1x8x80xi32, #tpu.memory_space<vmem>>
        %dma_start3A_604 = tpu.memref_squeeze %dma_start3A_603 : memref<1x8x80xi32, #tpu.memory_space<vmem>> -> memref<8x80xi32, #tpu.memory_space<vmem>>
        %dma_start3A_605 = arith.constant 0 : i32
        %dma_start3A_606 = tpu.memref_slice %arg4[%add3A_594, %dma_start3A_605] : memref<4096x80xi32, #tpu.memory_space<hbm>> -> memref<8x80xi32, #tpu.memory_space<hbm>>
        tpu.enqueue_dma source(%dma_start3A_606 : memref<8x80xi32, #tpu.memory_space<hbm>>) target(%dma_start3A_604 : memref<8x80xi32, #tpu.memory_space<vmem>>) target_semaphore(%arg19 : memref<!tpu.dma_semaphore, #tpu.memory_space<semaphore_mem>>)
      } else {
      }
      %add3A_228 = arith.constant 3 : i32
      %add3A_229 = arith.addi %add3A_183, %add3A_228 : i32
      %lt3A_230 = arith.constant 128 : i32
      %lt3A_231 = arith.cmpi slt, %add3A_229, %lt3A_230 : i32
      %convert_element_type3A_232 = arith.extui %lt3A_231 : i1 to i32
      %cond3A_233 = arith.constant 0 : i32
      %cond3A_234 = arith.cmpi ne, %convert_element_type3A_232, %cond3A_233 : i32
      scf.if %cond3A_234 {
        %dma_start3A_571 = arith.constant 3 : i32
        %dma_start3A_572 = arith.constant 3 : i32
        %dma_start3A_573 = arith.constant 0 : i32
        %dma_start3A_574 = arith.constant 0 : i32
        %dma_start3A_575 = tpu.memref_slice %arg10[%dma_start3A_572, %dma_start3A_573, %dma_start3A_574] : memref<4x80x128xf32, #tpu.memory_space<vmem>> -> memref<1x80x128xf32, #tpu.memory_space<vmem>>
        %dma_start3A_576 = tpu.memref_squeeze %dma_start3A_575 : memref<1x80x128xf32, #tpu.memory_space<vmem>> -> memref<80x128xf32, #tpu.memory_space<vmem>>
        %dma_start3A_577 = arith.constant 0 : i32
        %dma_start3A_578 = arith.constant 0 : i32
        %dma_start3A_579 = tpu.memref_slice %arg8[%rem3A_178, %dma_start3A_577, %dma_start3A_578] : memref<2x8x80xi32, #tpu.memory_space<vmem>> -> memref<1x8x80xi32, #tpu.memory_space<vmem>>
        %dma_start3A_580 = tpu.memref_squeeze %dma_start3A_579 : memref<1x8x80xi32, #tpu.memory_space<vmem>> -> memref<8x80xi32, #tpu.memory_space<vmem>>
        %dma_start3A_581 = arith.constant 0 : i32
        %dma_start3A_582 = tpu.memref_slice %dma_start3A_580[%dma_start3A_571, %dma_start3A_581] : memref<8x80xi32, #tpu.memory_space<vmem>> -> memref<1x80xi32, #tpu.memory_space<vmem>>
        %dma_start3A_583 = tpu.memref_squeeze %dma_start3A_582 : memref<1x80xi32, #tpu.memory_space<vmem>> -> memref<80xi32, #tpu.memory_space<vmem>>
        %dma_start3A_584 = arith.constant 0 : i32
        %dma_start3A_585 = arith.constant 0 : i32
        %dma_start3A_586 = tpu.memref_slice %arg2[%dma_start3A_584, %dma_start3A_585] : memref<10000x128xf32, #tpu.memory_space<hbm>> -> memref<10000x128xf32, #tpu.memory_space<hbm>>
        tpu.enqueue_indirect_dma source(%dma_start3A_586 : memref<10000x128xf32, #tpu.memory_space<hbm>>) target(%dma_start3A_576 : memref<80x128xf32, #tpu.memory_space<vmem>>) offsets(%dma_start3A_583 : memref<80xi32, #tpu.memory_space<vmem>>) semaphore(%arg14 : memref<!tpu.dma_semaphore, #tpu.memory_space<semaphore_mem>>)
      } else {
      }
      %mul3A_235 = arith.constant 8 : i32
      %mul3A_236 = arith.muli %scan3A_177, %mul3A_235 : i32
      %add3A_237 = arith.constant 1 : i32
      %add3A_238 = arith.addi %mul3A_236, %add3A_237 : i32
      %dma_wait3A_239 = arith.constant 1 : i32
      %dma_wait3A_240 = arith.constant 0 : i32
      %dma_wait3A_241 = arith.constant 0 : i32
      %dma_wait3A_242 = tpu.memref_slice %arg10[%dma_wait3A_239, %dma_wait3A_240, %dma_wait3A_241] : memref<4x80x128xf32, #tpu.memory_space<vmem>> -> memref<1x80x128xf32, #tpu.memory_space<vmem>>
      %dma_wait3A_243 = tpu.memref_squeeze %dma_wait3A_242 : memref<1x80x128xf32, #tpu.memory_space<vmem>> -> memref<80x128xf32, #tpu.memory_space<vmem>>
      %dma_wait3A_244 = arith.constant 0 : i32
      %dma_wait3A_245 = arith.constant 0 : i32
      %dma_wait3A_246 = tpu.memref_slice %arg2[%dma_wait3A_244, %dma_wait3A_245] : memref<10000x128xf32, #tpu.memory_space<hbm>> -> memref<80x128xf32, #tpu.memory_space<hbm>>
      %dma_wait3A_247 = arith.constant 0 : i32
      %dma_wait3A_248 = arith.constant 0 : i32
      %dma_wait3A_249 = tpu.memref_slice %arg10[%dma_wait3A_239, %dma_wait3A_247, %dma_wait3A_248] : memref<4x80x128xf32, #tpu.memory_space<vmem>> -> memref<1x80x128xf32, #tpu.memory_space<vmem>>
      %dma_wait3A_250 = tpu.memref_squeeze %dma_wait3A_249 : memref<1x80x128xf32, #tpu.memory_space<vmem>> -> memref<80x128xf32, #tpu.memory_space<vmem>>
      %dma_wait3A_251 = arith.constant 0 : i32
      %dma_wait3A_252 = arith.constant 0 : i32
      %dma_wait3A_253 = tpu.memref_slice %arg2[%dma_wait3A_251, %dma_wait3A_252] : memref<10000x128xf32, #tpu.memory_space<hbm>> -> memref<80x128xf32, #tpu.memory_space<hbm>>
      tpu.wait_dma2 semaphore(%arg12 : memref<!tpu.dma_semaphore, #tpu.memory_space<semaphore_mem>>) src(%dma_wait3A_253 : memref<80x128xf32, #tpu.memory_space<hbm>>) dst(%dma_wait3A_250 : memref<80x128xf32, #tpu.memory_space<vmem>>)
      %dma_start3A_254 = arith.constant 1 : i32
      %dma_start3A_255 = arith.constant 1 : i32
      %dma_start3A_256 = arith.constant 0 : i32
      %dma_start3A_257 = arith.constant 0 : i32
      %dma_start3A_258 = tpu.memref_slice %arg10[%dma_start3A_254, %dma_start3A_256, %dma_start3A_257] : memref<4x80x128xf32, #tpu.memory_space<vmem>> -> memref<1x80x128xf32, #tpu.memory_space<vmem>>
      %dma_start3A_259 = tpu.memref_squeeze %dma_start3A_258 : memref<1x80x128xf32, #tpu.memory_space<vmem>> -> memref<80x128xf32, #tpu.memory_space<vmem>>
      %dma_start3A_260 = arith.constant 0 : i32
      %dma_start3A_261 = arith.constant 0 : i32
      %dma_start3A_262 = tpu.memref_slice %arg9[%rem3A_178, %dma_start3A_260, %dma_start3A_261] : memref<2x8x80xi32, #tpu.memory_space<vmem>> -> memref<1x8x80xi32, #tpu.memory_space<vmem>>
      %dma_start3A_263 = tpu.memref_squeeze %dma_start3A_262 : memref<1x8x80xi32, #tpu.memory_space<vmem>> -> memref<8x80xi32, #tpu.memory_space<vmem>>
      %dma_start3A_264 = arith.constant 0 : i32
      %dma_start3A_265 = tpu.memref_slice %dma_start3A_263[%dma_start3A_255, %dma_start3A_264] : memref<8x80xi32, #tpu.memory_space<vmem>> -> memref<1x80xi32, #tpu.memory_space<vmem>>
      %dma_start3A_266 = tpu.memref_squeeze %dma_start3A_265 : memref<1x80xi32, #tpu.memory_space<vmem>> -> memref<80xi32, #tpu.memory_space<vmem>>
      %dma_start3A_267 = arith.constant 0 : i32
      %dma_start3A_268 = arith.constant 0 : i32
      %dma_start3A_269 = tpu.memref_slice %arg7[%dma_start3A_267, %dma_start3A_268] : memref<10112x128xf32, #tpu.memory_space<vmem_shared>> -> memref<10112x128xf32, #tpu.memory_space<vmem_shared>>
      tpu.enqueue_indirect_dma source(%dma_start3A_259 : memref<80x128xf32, #tpu.memory_space<vmem>>) target(%dma_start3A_269 : memref<10112x128xf32, #tpu.memory_space<vmem_shared>>) offsets(%dma_start3A_266 : memref<80xi32, #tpu.memory_space<vmem>>) semaphore(%arg16 : memref<!tpu.dma_semaphore, #tpu.memory_space<semaphore_mem>>) {add = true}
      %ge3A_270 = arith.constant 1 : i32
      %ge3A_271 = arith.cmpi sge, %add3A_238, %ge3A_270 : i32
      %convert_element_type3A_272 = arith.extui %ge3A_271 : i1 to i32
      %cond3A_273 = arith.constant 0 : i32
      %cond3A_274 = arith.cmpi ne, %convert_element_type3A_272, %cond3A_273 : i32
      scf.if %cond3A_274 {
        %dma_wait3A_571 = arith.constant 0 : i32
        %dma_wait3A_572 = arith.constant 0 : i32
        %dma_wait3A_573 = arith.constant 0 : i32
        %dma_wait3A_574 = tpu.memref_slice %arg10[%dma_wait3A_571, %dma_wait3A_572, %dma_wait3A_573] : memref<4x80x128xf32, #tpu.memory_space<vmem>> -> memref<1x80x128xf32, #tpu.memory_space<vmem>>
        %dma_wait3A_575 = tpu.memref_squeeze %dma_wait3A_574 : memref<1x80x128xf32, #tpu.memory_space<vmem>> -> memref<80x128xf32, #tpu.memory_space<vmem>>
        %dma_wait3A_576 = arith.constant 0 : i32
        %dma_wait3A_577 = arith.constant 0 : i32
        %dma_wait3A_578 = tpu.memref_slice %arg2[%dma_wait3A_576, %dma_wait3A_577] : memref<10000x128xf32, #tpu.memory_space<hbm>> -> memref<80x128xf32, #tpu.memory_space<hbm>>
        %dma_wait3A_579 = arith.constant 0 : i32
        %dma_wait3A_580 = arith.constant 0 : i32
        %dma_wait3A_581 = tpu.memref_slice %arg10[%dma_wait3A_571, %dma_wait3A_579, %dma_wait3A_580] : memref<4x80x128xf32, #tpu.memory_space<vmem>> -> memref<1x80x128xf32, #tpu.memory_space<vmem>>
        %dma_wait3A_582 = tpu.memref_squeeze %dma_wait3A_581 : memref<1x80x128xf32, #tpu.memory_space<vmem>> -> memref<80x128xf32, #tpu.memory_space<vmem>>
        %dma_wait3A_583 = arith.constant 0 : i32
        %dma_wait3A_584 = arith.constant 0 : i32
        %dma_wait3A_585 = tpu.memref_slice %arg2[%dma_wait3A_583, %dma_wait3A_584] : memref<10000x128xf32, #tpu.memory_space<hbm>> -> memref<80x128xf32, #tpu.memory_space<hbm>>
        tpu.wait_dma2 semaphore(%arg15 : memref<!tpu.dma_semaphore, #tpu.memory_space<semaphore_mem>>) src(%dma_wait3A_585 : memref<80x128xf32, #tpu.memory_space<hbm>>) dst(%dma_wait3A_582 : memref<80x128xf32, #tpu.memory_space<vmem>>)
      } else {
      }
      %add3A_275 = arith.constant 3 : i32
      %add3A_276 = arith.addi %add3A_238, %add3A_275 : i32
      %lt3A_277 = arith.constant 128 : i32
      %lt3A_278 = arith.cmpi slt, %add3A_276, %lt3A_277 : i32
      %convert_element_type3A_279 = arith.extui %lt3A_278 : i1 to i32
      %cond3A_280 = arith.constant 0 : i32
      %cond3A_281 = arith.cmpi ne, %convert_element_type3A_279, %cond3A_280 : i32
      scf.if %cond3A_281 {
        %dma_start3A_571 = arith.constant 4 : i32
        %dma_start3A_572 = arith.constant 0 : i32
        %dma_start3A_573 = arith.constant 0 : i32
        %dma_start3A_574 = arith.constant 0 : i32
        %dma_start3A_575 = tpu.memref_slice %arg10[%dma_start3A_572, %dma_start3A_573, %dma_start3A_574] : memref<4x80x128xf32, #tpu.memory_space<vmem>> -> memref<1x80x128xf32, #tpu.memory_space<vmem>>
        %dma_start3A_576 = tpu.memref_squeeze %dma_start3A_575 : memref<1x80x128xf32, #tpu.memory_space<vmem>> -> memref<80x128xf32, #tpu.memory_space<vmem>>
        %dma_start3A_577 = arith.constant 0 : i32
        %dma_start3A_578 = arith.constant 0 : i32
        %dma_start3A_579 = tpu.memref_slice %arg8[%rem3A_178, %dma_start3A_577, %dma_start3A_578] : memref<2x8x80xi32, #tpu.memory_space<vmem>> -> memref<1x8x80xi32, #tpu.memory_space<vmem>>
        %dma_start3A_580 = tpu.memref_squeeze %dma_start3A_579 : memref<1x8x80xi32, #tpu.memory_space<vmem>> -> memref<8x80xi32, #tpu.memory_space<vmem>>
        %dma_start3A_581 = arith.constant 0 : i32
        %dma_start3A_582 = tpu.memref_slice %dma_start3A_580[%dma_start3A_571, %dma_start3A_581] : memref<8x80xi32, #tpu.memory_space<vmem>> -> memref<1x80xi32, #tpu.memory_space<vmem>>
        %dma_start3A_583 = tpu.memref_squeeze %dma_start3A_582 : memref<1x80xi32, #tpu.memory_space<vmem>> -> memref<80xi32, #tpu.memory_space<vmem>>
        %dma_start3A_584 = arith.constant 0 : i32
        %dma_start3A_585 = arith.constant 0 : i32
        %dma_start3A_586 = tpu.memref_slice %arg2[%dma_start3A_584, %dma_start3A_585] : memref<10000x128xf32, #tpu.memory_space<hbm>> -> memref<10000x128xf32, #tpu.memory_space<hbm>>
        tpu.enqueue_indirect_dma source(%dma_start3A_586 : memref<10000x128xf32, #tpu.memory_space<hbm>>) target(%dma_start3A_576 : memref<80x128xf32, #tpu.memory_space<vmem>>) offsets(%dma_start3A_583 : memref<80xi32, #tpu.memory_space<vmem>>) semaphore(%arg11 : memref<!tpu.dma_semaphore, #tpu.memory_space<semaphore_mem>>)
      } else {
      }
      %mul3A_282 = arith.constant 8 : i32
      %mul3A_283 = arith.muli %scan3A_177, %mul3A_282 : i32
      %add3A_284 = arith.constant 2 : i32
      %add3A_285 = arith.addi %mul3A_283, %add3A_284 : i32
      %dma_wait3A_286 = arith.constant 2 : i32
      %dma_wait3A_287 = arith.constant 0 : i32
      %dma_wait3A_288 = arith.constant 0 : i32
      %dma_wait3A_289 = tpu.memref_slice %arg10[%dma_wait3A_286, %dma_wait3A_287, %dma_wait3A_288] : memref<4x80x128xf32, #tpu.memory_space<vmem>> -> memref<1x80x128xf32, #tpu.memory_space<vmem>>
      %dma_wait3A_290 = tpu.memref_squeeze %dma_wait3A_289 : memref<1x80x128xf32, #tpu.memory_space<vmem>> -> memref<80x128xf32, #tpu.memory_space<vmem>>
      %dma_wait3A_291 = arith.constant 0 : i32
      %dma_wait3A_292 = arith.constant 0 : i32
      %dma_wait3A_293 = tpu.memref_slice %arg2[%dma_wait3A_291, %dma_wait3A_292] : memref<10000x128xf32, #tpu.memory_space<hbm>> -> memref<80x128xf32, #tpu.memory_space<hbm>>
      %dma_wait3A_294 = arith.constant 0 : i32
      %dma_wait3A_295 = arith.constant 0 : i32
      %dma_wait3A_296 = tpu.memref_slice %arg10[%dma_wait3A_286, %dma_wait3A_294, %dma_wait3A_295] : memref<4x80x128xf32, #tpu.memory_space<vmem>> -> memref<1x80x128xf32, #tpu.memory_space<vmem>>
      %dma_wait3A_297 = tpu.memref_squeeze %dma_wait3A_296 : memref<1x80x128xf32, #tpu.memory_space<vmem>> -> memref<80x128xf32, #tpu.memory_space<vmem>>
      %dma_wait3A_298 = arith.constant 0 : i32
      %dma_wait3A_299 = arith.constant 0 : i32
      %dma_wait3A_300 = tpu.memref_slice %arg2[%dma_wait3A_298, %dma_wait3A_299] : memref<10000x128xf32, #tpu.memory_space<hbm>> -> memref<80x128xf32, #tpu.memory_space<hbm>>
      tpu.wait_dma2 semaphore(%arg13 : memref<!tpu.dma_semaphore, #tpu.memory_space<semaphore_mem>>) src(%dma_wait3A_300 : memref<80x128xf32, #tpu.memory_space<hbm>>) dst(%dma_wait3A_297 : memref<80x128xf32, #tpu.memory_space<vmem>>)
      %dma_start3A_301 = arith.constant 2 : i32
      %dma_start3A_302 = arith.constant 2 : i32
      %dma_start3A_303 = arith.constant 0 : i32
      %dma_start3A_304 = arith.constant 0 : i32
      %dma_start3A_305 = tpu.memref_slice %arg10[%dma_start3A_301, %dma_start3A_303, %dma_start3A_304] : memref<4x80x128xf32, #tpu.memory_space<vmem>> -> memref<1x80x128xf32, #tpu.memory_space<vmem>>
      %dma_start3A_306 = tpu.memref_squeeze %dma_start3A_305 : memref<1x80x128xf32, #tpu.memory_space<vmem>> -> memref<80x128xf32, #tpu.memory_space<vmem>>
      %dma_start3A_307 = arith.constant 0 : i32
      %dma_start3A_308 = arith.constant 0 : i32
      %dma_start3A_309 = tpu.memref_slice %arg9[%rem3A_178, %dma_start3A_307, %dma_start3A_308] : memref<2x8x80xi32, #tpu.memory_space<vmem>> -> memref<1x8x80xi32, #tpu.memory_space<vmem>>
      %dma_start3A_310 = tpu.memref_squeeze %dma_start3A_309 : memref<1x8x80xi32, #tpu.memory_space<vmem>> -> memref<8x80xi32, #tpu.memory_space<vmem>>
      %dma_start3A_311 = arith.constant 0 : i32
      %dma_start3A_312 = tpu.memref_slice %dma_start3A_310[%dma_start3A_302, %dma_start3A_311] : memref<8x80xi32, #tpu.memory_space<vmem>> -> memref<1x80xi32, #tpu.memory_space<vmem>>
      %dma_start3A_313 = tpu.memref_squeeze %dma_start3A_312 : memref<1x80xi32, #tpu.memory_space<vmem>> -> memref<80xi32, #tpu.memory_space<vmem>>
      %dma_start3A_314 = arith.constant 0 : i32
      %dma_start3A_315 = arith.constant 0 : i32
      %dma_start3A_316 = tpu.memref_slice %arg7[%dma_start3A_314, %dma_start3A_315] : memref<10112x128xf32, #tpu.memory_space<vmem_shared>> -> memref<10112x128xf32, #tpu.memory_space<vmem_shared>>
      tpu.enqueue_indirect_dma source(%dma_start3A_306 : memref<80x128xf32, #tpu.memory_space<vmem>>) target(%dma_start3A_316 : memref<10112x128xf32, #tpu.memory_space<vmem_shared>>) offsets(%dma_start3A_313 : memref<80xi32, #tpu.memory_space<vmem>>) semaphore(%arg17 : memref<!tpu.dma_semaphore, #tpu.memory_space<semaphore_mem>>) {add = true}
      %ge3A_317 = arith.constant 1 : i32
      %ge3A_318 = arith.cmpi sge, %add3A_285, %ge3A_317 : i32
      %convert_element_type3A_319 = arith.extui %ge3A_318 : i1 to i32
      %cond3A_320 = arith.constant 0 : i32
      %cond3A_321 = arith.cmpi ne, %convert_element_type3A_319, %cond3A_320 : i32
      scf.if %cond3A_321 {
        %dma_wait3A_571 = arith.constant 1 : i32
        %dma_wait3A_572 = arith.constant 0 : i32
        %dma_wait3A_573 = arith.constant 0 : i32
        %dma_wait3A_574 = tpu.memref_slice %arg10[%dma_wait3A_571, %dma_wait3A_572, %dma_wait3A_573] : memref<4x80x128xf32, #tpu.memory_space<vmem>> -> memref<1x80x128xf32, #tpu.memory_space<vmem>>
        %dma_wait3A_575 = tpu.memref_squeeze %dma_wait3A_574 : memref<1x80x128xf32, #tpu.memory_space<vmem>> -> memref<80x128xf32, #tpu.memory_space<vmem>>
        %dma_wait3A_576 = arith.constant 0 : i32
        %dma_wait3A_577 = arith.constant 0 : i32
        %dma_wait3A_578 = tpu.memref_slice %arg2[%dma_wait3A_576, %dma_wait3A_577] : memref<10000x128xf32, #tpu.memory_space<hbm>> -> memref<80x128xf32, #tpu.memory_space<hbm>>
        %dma_wait3A_579 = arith.constant 0 : i32
        %dma_wait3A_580 = arith.constant 0 : i32
        %dma_wait3A_581 = tpu.memref_slice %arg10[%dma_wait3A_571, %dma_wait3A_579, %dma_wait3A_580] : memref<4x80x128xf32, #tpu.memory_space<vmem>> -> memref<1x80x128xf32, #tpu.memory_space<vmem>>
        %dma_wait3A_582 = tpu.memref_squeeze %dma_wait3A_581 : memref<1x80x128xf32, #tpu.memory_space<vmem>> -> memref<80x128xf32, #tpu.memory_space<vmem>>
        %dma_wait3A_583 = arith.constant 0 : i32
        %dma_wait3A_584 = arith.constant 0 : i32
        %dma_wait3A_585 = tpu.memref_slice %arg2[%dma_wait3A_583, %dma_wait3A_584] : memref<10000x128xf32, #tpu.memory_space<hbm>> -> memref<80x128xf32, #tpu.memory_space<hbm>>
        tpu.wait_dma2 semaphore(%arg16 : memref<!tpu.dma_semaphore, #tpu.memory_space<semaphore_mem>>) src(%dma_wait3A_585 : memref<80x128xf32, #tpu.memory_space<hbm>>) dst(%dma_wait3A_582 : memref<80x128xf32, #tpu.memory_space<vmem>>)
      } else {
      }
      %add3A_322 = arith.constant 3 : i32
      %add3A_323 = arith.addi %add3A_285, %add3A_322 : i32
      %lt3A_324 = arith.constant 128 : i32
      %lt3A_325 = arith.cmpi slt, %add3A_323, %lt3A_324 : i32
      %convert_element_type3A_326 = arith.extui %lt3A_325 : i1 to i32
      %cond3A_327 = arith.constant 0 : i32
      %cond3A_328 = arith.cmpi ne, %convert_element_type3A_326, %cond3A_327 : i32
      scf.if %cond3A_328 {
        %dma_start3A_571 = arith.constant 5 : i32
        %dma_start3A_572 = arith.constant 1 : i32
        %dma_start3A_573 = arith.constant 0 : i32
        %dma_start3A_574 = arith.constant 0 : i32
        %dma_start3A_575 = tpu.memref_slice %arg10[%dma_start3A_572, %dma_start3A_573, %dma_start3A_574] : memref<4x80x128xf32, #tpu.memory_space<vmem>> -> memref<1x80x128xf32, #tpu.memory_space<vmem>>
        %dma_start3A_576 = tpu.memref_squeeze %dma_start3A_575 : memref<1x80x128xf32, #tpu.memory_space<vmem>> -> memref<80x128xf32, #tpu.memory_space<vmem>>
        %dma_start3A_577 = arith.constant 0 : i32
        %dma_start3A_578 = arith.constant 0 : i32
        %dma_start3A_579 = tpu.memref_slice %arg8[%rem3A_178, %dma_start3A_577, %dma_start3A_578] : memref<2x8x80xi32, #tpu.memory_space<vmem>> -> memref<1x8x80xi32, #tpu.memory_space<vmem>>
        %dma_start3A_580 = tpu.memref_squeeze %dma_start3A_579 : memref<1x8x80xi32, #tpu.memory_space<vmem>> -> memref<8x80xi32, #tpu.memory_space<vmem>>
        %dma_start3A_581 = arith.constant 0 : i32
        %dma_start3A_582 = tpu.memref_slice %dma_start3A_580[%dma_start3A_571, %dma_start3A_581] : memref<8x80xi32, #tpu.memory_space<vmem>> -> memref<1x80xi32, #tpu.memory_space<vmem>>
        %dma_start3A_583 = tpu.memref_squeeze %dma_start3A_582 : memref<1x80xi32, #tpu.memory_space<vmem>> -> memref<80xi32, #tpu.memory_space<vmem>>
        %dma_start3A_584 = arith.constant 0 : i32
        %dma_start3A_585 = arith.constant 0 : i32
        %dma_start3A_586 = tpu.memref_slice %arg2[%dma_start3A_584, %dma_start3A_585] : memref<10000x128xf32, #tpu.memory_space<hbm>> -> memref<10000x128xf32, #tpu.memory_space<hbm>>
        tpu.enqueue_indirect_dma source(%dma_start3A_586 : memref<10000x128xf32, #tpu.memory_space<hbm>>) target(%dma_start3A_576 : memref<80x128xf32, #tpu.memory_space<vmem>>) offsets(%dma_start3A_583 : memref<80xi32, #tpu.memory_space<vmem>>) semaphore(%arg12 : memref<!tpu.dma_semaphore, #tpu.memory_space<semaphore_mem>>)
      } else {
      }
      %mul3A_329 = arith.constant 8 : i32
      %mul3A_330 = arith.muli %scan3A_177, %mul3A_329 : i32
      %add3A_331 = arith.constant 3 : i32
      %add3A_332 = arith.addi %mul3A_330, %add3A_331 : i32
      %dma_wait3A_333 = arith.constant 3 : i32
      %dma_wait3A_334 = arith.constant 0 : i32
      %dma_wait3A_335 = arith.constant 0 : i32
      %dma_wait3A_336 = tpu.memref_slice %arg10[%dma_wait3A_333, %dma_wait3A_334, %dma_wait3A_335] : memref<4x80x128xf32, #tpu.memory_space<vmem>> -> memref<1x80x128xf32, #tpu.memory_space<vmem>>
      %dma_wait3A_337 = tpu.memref_squeeze %dma_wait3A_336 : memref<1x80x128xf32, #tpu.memory_space<vmem>> -> memref<80x128xf32, #tpu.memory_space<vmem>>
      %dma_wait3A_338 = arith.constant 0 : i32
      %dma_wait3A_339 = arith.constant 0 : i32
      %dma_wait3A_340 = tpu.memref_slice %arg2[%dma_wait3A_338, %dma_wait3A_339] : memref<10000x128xf32, #tpu.memory_space<hbm>> -> memref<80x128xf32, #tpu.memory_space<hbm>>
      %dma_wait3A_341 = arith.constant 0 : i32
      %dma_wait3A_342 = arith.constant 0 : i32
      %dma_wait3A_343 = tpu.memref_slice %arg10[%dma_wait3A_333, %dma_wait3A_341, %dma_wait3A_342] : memref<4x80x128xf32, #tpu.memory_space<vmem>> -> memref<1x80x128xf32, #tpu.memory_space<vmem>>
      %dma_wait3A_344 = tpu.memref_squeeze %dma_wait3A_343 : memref<1x80x128xf32, #tpu.memory_space<vmem>> -> memref<80x128xf32, #tpu.memory_space<vmem>>
      %dma_wait3A_345 = arith.constant 0 : i32
      %dma_wait3A_346 = arith.constant 0 : i32
      %dma_wait3A_347 = tpu.memref_slice %arg2[%dma_wait3A_345, %dma_wait3A_346] : memref<10000x128xf32, #tpu.memory_space<hbm>> -> memref<80x128xf32, #tpu.memory_space<hbm>>
      tpu.wait_dma2 semaphore(%arg14 : memref<!tpu.dma_semaphore, #tpu.memory_space<semaphore_mem>>) src(%dma_wait3A_347 : memref<80x128xf32, #tpu.memory_space<hbm>>) dst(%dma_wait3A_344 : memref<80x128xf32, #tpu.memory_space<vmem>>)
      %dma_start3A_348 = arith.constant 3 : i32
      %dma_start3A_349 = arith.constant 3 : i32
      %dma_start3A_350 = arith.constant 0 : i32
      %dma_start3A_351 = arith.constant 0 : i32
      %dma_start3A_352 = tpu.memref_slice %arg10[%dma_start3A_348, %dma_start3A_350, %dma_start3A_351] : memref<4x80x128xf32, #tpu.memory_space<vmem>> -> memref<1x80x128xf32, #tpu.memory_space<vmem>>
      %dma_start3A_353 = tpu.memref_squeeze %dma_start3A_352 : memref<1x80x128xf32, #tpu.memory_space<vmem>> -> memref<80x128xf32, #tpu.memory_space<vmem>>
      %dma_start3A_354 = arith.constant 0 : i32
      %dma_start3A_355 = arith.constant 0 : i32
      %dma_start3A_356 = tpu.memref_slice %arg9[%rem3A_178, %dma_start3A_354, %dma_start3A_355] : memref<2x8x80xi32, #tpu.memory_space<vmem>> -> memref<1x8x80xi32, #tpu.memory_space<vmem>>
      %dma_start3A_357 = tpu.memref_squeeze %dma_start3A_356 : memref<1x8x80xi32, #tpu.memory_space<vmem>> -> memref<8x80xi32, #tpu.memory_space<vmem>>
      %dma_start3A_358 = arith.constant 0 : i32
      %dma_start3A_359 = tpu.memref_slice %dma_start3A_357[%dma_start3A_349, %dma_start3A_358] : memref<8x80xi32, #tpu.memory_space<vmem>> -> memref<1x80xi32, #tpu.memory_space<vmem>>
      %dma_start3A_360 = tpu.memref_squeeze %dma_start3A_359 : memref<1x80xi32, #tpu.memory_space<vmem>> -> memref<80xi32, #tpu.memory_space<vmem>>
      %dma_start3A_361 = arith.constant 0 : i32
      %dma_start3A_362 = arith.constant 0 : i32
      %dma_start3A_363 = tpu.memref_slice %arg7[%dma_start3A_361, %dma_start3A_362] : memref<10112x128xf32, #tpu.memory_space<vmem_shared>> -> memref<10112x128xf32, #tpu.memory_space<vmem_shared>>
      tpu.enqueue_indirect_dma source(%dma_start3A_353 : memref<80x128xf32, #tpu.memory_space<vmem>>) target(%dma_start3A_363 : memref<10112x128xf32, #tpu.memory_space<vmem_shared>>) offsets(%dma_start3A_360 : memref<80xi32, #tpu.memory_space<vmem>>) semaphore(%arg18 : memref<!tpu.dma_semaphore, #tpu.memory_space<semaphore_mem>>) {add = true}
      %ge3A_364 = arith.constant 1 : i32
      %ge3A_365 = arith.cmpi sge, %add3A_332, %ge3A_364 : i32
      %convert_element_type3A_366 = arith.extui %ge3A_365 : i1 to i32
      %cond3A_367 = arith.constant 0 : i32
      %cond3A_368 = arith.cmpi ne, %convert_element_type3A_366, %cond3A_367 : i32
      scf.if %cond3A_368 {
        %dma_wait3A_571 = arith.constant 2 : i32
        %dma_wait3A_572 = arith.constant 0 : i32
        %dma_wait3A_573 = arith.constant 0 : i32
        %dma_wait3A_574 = tpu.memref_slice %arg10[%dma_wait3A_571, %dma_wait3A_572, %dma_wait3A_573] : memref<4x80x128xf32, #tpu.memory_space<vmem>> -> memref<1x80x128xf32, #tpu.memory_space<vmem>>
        %dma_wait3A_575 = tpu.memref_squeeze %dma_wait3A_574 : memref<1x80x128xf32, #tpu.memory_space<vmem>> -> memref<80x128xf32, #tpu.memory_space<vmem>>
        %dma_wait3A_576 = arith.constant 0 : i32
        %dma_wait3A_577 = arith.constant 0 : i32
        %dma_wait3A_578 = tpu.memref_slice %arg2[%dma_wait3A_576, %dma_wait3A_577] : memref<10000x128xf32, #tpu.memory_space<hbm>> -> memref<80x128xf32, #tpu.memory_space<hbm>>
        %dma_wait3A_579 = arith.constant 0 : i32
        %dma_wait3A_580 = arith.constant 0 : i32
        %dma_wait3A_581 = tpu.memref_slice %arg10[%dma_wait3A_571, %dma_wait3A_579, %dma_wait3A_580] : memref<4x80x128xf32, #tpu.memory_space<vmem>> -> memref<1x80x128xf32, #tpu.memory_space<vmem>>
        %dma_wait3A_582 = tpu.memref_squeeze %dma_wait3A_581 : memref<1x80x128xf32, #tpu.memory_space<vmem>> -> memref<80x128xf32, #tpu.memory_space<vmem>>
        %dma_wait3A_583 = arith.constant 0 : i32
        %dma_wait3A_584 = arith.constant 0 : i32
        %dma_wait3A_585 = tpu.memref_slice %arg2[%dma_wait3A_583, %dma_wait3A_584] : memref<10000x128xf32, #tpu.memory_space<hbm>> -> memref<80x128xf32, #tpu.memory_space<hbm>>
        tpu.wait_dma2 semaphore(%arg17 : memref<!tpu.dma_semaphore, #tpu.memory_space<semaphore_mem>>) src(%dma_wait3A_585 : memref<80x128xf32, #tpu.memory_space<hbm>>) dst(%dma_wait3A_582 : memref<80x128xf32, #tpu.memory_space<vmem>>)
      } else {
      }
      %add3A_369 = arith.constant 3 : i32
      %add3A_370 = arith.addi %add3A_332, %add3A_369 : i32
      %lt3A_371 = arith.constant 128 : i32
      %lt3A_372 = arith.cmpi slt, %add3A_370, %lt3A_371 : i32
      %convert_element_type3A_373 = arith.extui %lt3A_372 : i1 to i32
      %cond3A_374 = arith.constant 0 : i32
      %cond3A_375 = arith.cmpi ne, %convert_element_type3A_373, %cond3A_374 : i32
      scf.if %cond3A_375 {
        %dma_start3A_571 = arith.constant 6 : i32
        %dma_start3A_572 = arith.constant 2 : i32
        %dma_start3A_573 = arith.constant 0 : i32
        %dma_start3A_574 = arith.constant 0 : i32
        %dma_start3A_575 = tpu.memref_slice %arg10[%dma_start3A_572, %dma_start3A_573, %dma_start3A_574] : memref<4x80x128xf32, #tpu.memory_space<vmem>> -> memref<1x80x128xf32, #tpu.memory_space<vmem>>
        %dma_start3A_576 = tpu.memref_squeeze %dma_start3A_575 : memref<1x80x128xf32, #tpu.memory_space<vmem>> -> memref<80x128xf32, #tpu.memory_space<vmem>>
        %dma_start3A_577 = arith.constant 0 : i32
        %dma_start3A_578 = arith.constant 0 : i32
        %dma_start3A_579 = tpu.memref_slice %arg8[%rem3A_178, %dma_start3A_577, %dma_start3A_578] : memref<2x8x80xi32, #tpu.memory_space<vmem>> -> memref<1x8x80xi32, #tpu.memory_space<vmem>>
        %dma_start3A_580 = tpu.memref_squeeze %dma_start3A_579 : memref<1x8x80xi32, #tpu.memory_space<vmem>> -> memref<8x80xi32, #tpu.memory_space<vmem>>
        %dma_start3A_581 = arith.constant 0 : i32
        %dma_start3A_582 = tpu.memref_slice %dma_start3A_580[%dma_start3A_571, %dma_start3A_581] : memref<8x80xi32, #tpu.memory_space<vmem>> -> memref<1x80xi32, #tpu.memory_space<vmem>>
        %dma_start3A_583 = tpu.memref_squeeze %dma_start3A_582 : memref<1x80xi32, #tpu.memory_space<vmem>> -> memref<80xi32, #tpu.memory_space<vmem>>
        %dma_start3A_584 = arith.constant 0 : i32
        %dma_start3A_585 = arith.constant 0 : i32
        %dma_start3A_586 = tpu.memref_slice %arg2[%dma_start3A_584, %dma_start3A_585] : memref<10000x128xf32, #tpu.memory_space<hbm>> -> memref<10000x128xf32, #tpu.memory_space<hbm>>
        tpu.enqueue_indirect_dma source(%dma_start3A_586 : memref<10000x128xf32, #tpu.memory_space<hbm>>) target(%dma_start3A_576 : memref<80x128xf32, #tpu.memory_space<vmem>>) offsets(%dma_start3A_583 : memref<80xi32, #tpu.memory_space<vmem>>) semaphore(%arg13 : memref<!tpu.dma_semaphore, #tpu.memory_space<semaphore_mem>>)
      } else {
      }
      %mul3A_376 = arith.constant 8 : i32
      %mul3A_377 = arith.muli %scan3A_177, %mul3A_376 : i32
      %add3A_378 = arith.constant 4 : i32
      %add3A_379 = arith.addi %mul3A_377, %add3A_378 : i32
      %dma_wait3A_380 = arith.constant 0 : i32
      %dma_wait3A_381 = arith.constant 0 : i32
      %dma_wait3A_382 = arith.constant 0 : i32
      %dma_wait3A_383 = tpu.memref_slice %arg10[%dma_wait3A_380, %dma_wait3A_381, %dma_wait3A_382] : memref<4x80x128xf32, #tpu.memory_space<vmem>> -> memref<1x80x128xf32, #tpu.memory_space<vmem>>
      %dma_wait3A_384 = tpu.memref_squeeze %dma_wait3A_383 : memref<1x80x128xf32, #tpu.memory_space<vmem>> -> memref<80x128xf32, #tpu.memory_space<vmem>>
      %dma_wait3A_385 = arith.constant 0 : i32
      %dma_wait3A_386 = arith.constant 0 : i32
      %dma_wait3A_387 = tpu.memref_slice %arg2[%dma_wait3A_385, %dma_wait3A_386] : memref<10000x128xf32, #tpu.memory_space<hbm>> -> memref<80x128xf32, #tpu.memory_space<hbm>>
      %dma_wait3A_388 = arith.constant 0 : i32
      %dma_wait3A_389 = arith.constant 0 : i32
      %dma_wait3A_390 = tpu.memref_slice %arg10[%dma_wait3A_380, %dma_wait3A_388, %dma_wait3A_389] : memref<4x80x128xf32, #tpu.memory_space<vmem>> -> memref<1x80x128xf32, #tpu.memory_space<vmem>>
      %dma_wait3A_391 = tpu.memref_squeeze %dma_wait3A_390 : memref<1x80x128xf32, #tpu.memory_space<vmem>> -> memref<80x128xf32, #tpu.memory_space<vmem>>
      %dma_wait3A_392 = arith.constant 0 : i32
      %dma_wait3A_393 = arith.constant 0 : i32
      %dma_wait3A_394 = tpu.memref_slice %arg2[%dma_wait3A_392, %dma_wait3A_393] : memref<10000x128xf32, #tpu.memory_space<hbm>> -> memref<80x128xf32, #tpu.memory_space<hbm>>
      tpu.wait_dma2 semaphore(%arg11 : memref<!tpu.dma_semaphore, #tpu.memory_space<semaphore_mem>>) src(%dma_wait3A_394 : memref<80x128xf32, #tpu.memory_space<hbm>>) dst(%dma_wait3A_391 : memref<80x128xf32, #tpu.memory_space<vmem>>)
      %dma_start3A_395 = arith.constant 0 : i32
      %dma_start3A_396 = arith.constant 4 : i32
      %dma_start3A_397 = arith.constant 0 : i32
      %dma_start3A_398 = arith.constant 0 : i32
      %dma_start3A_399 = tpu.memref_slice %arg10[%dma_start3A_395, %dma_start3A_397, %dma_start3A_398] : memref<4x80x128xf32, #tpu.memory_space<vmem>> -> memref<1x80x128xf32, #tpu.memory_space<vmem>>
      %dma_start3A_400 = tpu.memref_squeeze %dma_start3A_399 : memref<1x80x128xf32, #tpu.memory_space<vmem>> -> memref<80x128xf32, #tpu.memory_space<vmem>>
      %dma_start3A_401 = arith.constant 0 : i32
      %dma_start3A_402 = arith.constant 0 : i32
      %dma_start3A_403 = tpu.memref_slice %arg9[%rem3A_178, %dma_start3A_401, %dma_start3A_402] : memref<2x8x80xi32, #tpu.memory_space<vmem>> -> memref<1x8x80xi32, #tpu.memory_space<vmem>>
      %dma_start3A_404 = tpu.memref_squeeze %dma_start3A_403 : memref<1x8x80xi32, #tpu.memory_space<vmem>> -> memref<8x80xi32, #tpu.memory_space<vmem>>
      %dma_start3A_405 = arith.constant 0 : i32
      %dma_start3A_406 = tpu.memref_slice %dma_start3A_404[%dma_start3A_396, %dma_start3A_405] : memref<8x80xi32, #tpu.memory_space<vmem>> -> memref<1x80xi32, #tpu.memory_space<vmem>>
      %dma_start3A_407 = tpu.memref_squeeze %dma_start3A_406 : memref<1x80xi32, #tpu.memory_space<vmem>> -> memref<80xi32, #tpu.memory_space<vmem>>
      %dma_start3A_408 = arith.constant 0 : i32
      %dma_start3A_409 = arith.constant 0 : i32
      %dma_start3A_410 = tpu.memref_slice %arg7[%dma_start3A_408, %dma_start3A_409] : memref<10112x128xf32, #tpu.memory_space<vmem_shared>> -> memref<10112x128xf32, #tpu.memory_space<vmem_shared>>
      tpu.enqueue_indirect_dma source(%dma_start3A_400 : memref<80x128xf32, #tpu.memory_space<vmem>>) target(%dma_start3A_410 : memref<10112x128xf32, #tpu.memory_space<vmem_shared>>) offsets(%dma_start3A_407 : memref<80xi32, #tpu.memory_space<vmem>>) semaphore(%arg15 : memref<!tpu.dma_semaphore, #tpu.memory_space<semaphore_mem>>) {add = true}
      %ge3A_411 = arith.constant 1 : i32
      %ge3A_412 = arith.cmpi sge, %add3A_379, %ge3A_411 : i32
      %convert_element_type3A_413 = arith.extui %ge3A_412 : i1 to i32
      %cond3A_414 = arith.constant 0 : i32
      %cond3A_415 = arith.cmpi ne, %convert_element_type3A_413, %cond3A_414 : i32
      scf.if %cond3A_415 {
        %dma_wait3A_571 = arith.constant 3 : i32
        %dma_wait3A_572 = arith.constant 0 : i32
        %dma_wait3A_573 = arith.constant 0 : i32
        %dma_wait3A_574 = tpu.memref_slice %arg10[%dma_wait3A_571, %dma_wait3A_572, %dma_wait3A_573] : memref<4x80x128xf32, #tpu.memory_space<vmem>> -> memref<1x80x128xf32, #tpu.memory_space<vmem>>
        %dma_wait3A_575 = tpu.memref_squeeze %dma_wait3A_574 : memref<1x80x128xf32, #tpu.memory_space<vmem>> -> memref<80x128xf32, #tpu.memory_space<vmem>>
        %dma_wait3A_576 = arith.constant 0 : i32
        %dma_wait3A_577 = arith.constant 0 : i32
        %dma_wait3A_578 = tpu.memref_slice %arg2[%dma_wait3A_576, %dma_wait3A_577] : memref<10000x128xf32, #tpu.memory_space<hbm>> -> memref<80x128xf32, #tpu.memory_space<hbm>>
        %dma_wait3A_579 = arith.constant 0 : i32
        %dma_wait3A_580 = arith.constant 0 : i32
        %dma_wait3A_581 = tpu.memref_slice %arg10[%dma_wait3A_571, %dma_wait3A_579, %dma_wait3A_580] : memref<4x80x128xf32, #tpu.memory_space<vmem>> -> memref<1x80x128xf32, #tpu.memory_space<vmem>>
        %dma_wait3A_582 = tpu.memref_squeeze %dma_wait3A_581 : memref<1x80x128xf32, #tpu.memory_space<vmem>> -> memref<80x128xf32, #tpu.memory_space<vmem>>
        %dma_wait3A_583 = arith.constant 0 : i32
        %dma_wait3A_584 = arith.constant 0 : i32
        %dma_wait3A_585 = tpu.memref_slice %arg2[%dma_wait3A_583, %dma_wait3A_584] : memref<10000x128xf32, #tpu.memory_space<hbm>> -> memref<80x128xf32, #tpu.memory_space<hbm>>
        tpu.wait_dma2 semaphore(%arg18 : memref<!tpu.dma_semaphore, #tpu.memory_space<semaphore_mem>>) src(%dma_wait3A_585 : memref<80x128xf32, #tpu.memory_space<hbm>>) dst(%dma_wait3A_582 : memref<80x128xf32, #tpu.memory_space<vmem>>)
      } else {
      }
      %add3A_416 = arith.constant 3 : i32
      %add3A_417 = arith.addi %add3A_379, %add3A_416 : i32
      %lt3A_418 = arith.constant 128 : i32
      %lt3A_419 = arith.cmpi slt, %add3A_417, %lt3A_418 : i32
      %convert_element_type3A_420 = arith.extui %lt3A_419 : i1 to i32
      %cond3A_421 = arith.constant 0 : i32
      %cond3A_422 = arith.cmpi ne, %convert_element_type3A_420, %cond3A_421 : i32
      scf.if %cond3A_422 {
        %dma_start3A_571 = arith.constant 7 : i32
        %dma_start3A_572 = arith.constant 3 : i32
        %dma_start3A_573 = arith.constant 0 : i32
        %dma_start3A_574 = arith.constant 0 : i32
        %dma_start3A_575 = tpu.memref_slice %arg10[%dma_start3A_572, %dma_start3A_573, %dma_start3A_574] : memref<4x80x128xf32, #tpu.memory_space<vmem>> -> memref<1x80x128xf32, #tpu.memory_space<vmem>>
        %dma_start3A_576 = tpu.memref_squeeze %dma_start3A_575 : memref<1x80x128xf32, #tpu.memory_space<vmem>> -> memref<80x128xf32, #tpu.memory_space<vmem>>
        %dma_start3A_577 = arith.constant 0 : i32
        %dma_start3A_578 = arith.constant 0 : i32
        %dma_start3A_579 = tpu.memref_slice %arg8[%rem3A_178, %dma_start3A_577, %dma_start3A_578] : memref<2x8x80xi32, #tpu.memory_space<vmem>> -> memref<1x8x80xi32, #tpu.memory_space<vmem>>
        %dma_start3A_580 = tpu.memref_squeeze %dma_start3A_579 : memref<1x8x80xi32, #tpu.memory_space<vmem>> -> memref<8x80xi32, #tpu.memory_space<vmem>>
        %dma_start3A_581 = arith.constant 0 : i32
        %dma_start3A_582 = tpu.memref_slice %dma_start3A_580[%dma_start3A_571, %dma_start3A_581] : memref<8x80xi32, #tpu.memory_space<vmem>> -> memref<1x80xi32, #tpu.memory_space<vmem>>
        %dma_start3A_583 = tpu.memref_squeeze %dma_start3A_582 : memref<1x80xi32, #tpu.memory_space<vmem>> -> memref<80xi32, #tpu.memory_space<vmem>>
        %dma_start3A_584 = arith.constant 0 : i32
        %dma_start3A_585 = arith.constant 0 : i32
        %dma_start3A_586 = tpu.memref_slice %arg2[%dma_start3A_584, %dma_start3A_585] : memref<10000x128xf32, #tpu.memory_space<hbm>> -> memref<10000x128xf32, #tpu.memory_space<hbm>>
        tpu.enqueue_indirect_dma source(%dma_start3A_586 : memref<10000x128xf32, #tpu.memory_space<hbm>>) target(%dma_start3A_576 : memref<80x128xf32, #tpu.memory_space<vmem>>) offsets(%dma_start3A_583 : memref<80xi32, #tpu.memory_space<vmem>>) semaphore(%arg14 : memref<!tpu.dma_semaphore, #tpu.memory_space<semaphore_mem>>)
      } else {
      }
      %mul3A_423 = arith.constant 8 : i32
      %mul3A_424 = arith.muli %scan3A_177, %mul3A_423 : i32
      %add3A_425 = arith.constant 5 : i32
      %add3A_426 = arith.addi %mul3A_424, %add3A_425 : i32
      %dma_wait3A_427 = arith.constant 1 : i32
      %dma_wait3A_428 = arith.constant 0 : i32
      %dma_wait3A_429 = arith.constant 0 : i32
      %dma_wait3A_430 = tpu.memref_slice %arg10[%dma_wait3A_427, %dma_wait3A_428, %dma_wait3A_429] : memref<4x80x128xf32, #tpu.memory_space<vmem>> -> memref<1x80x128xf32, #tpu.memory_space<vmem>>
      %dma_wait3A_431 = tpu.memref_squeeze %dma_wait3A_430 : memref<1x80x128xf32, #tpu.memory_space<vmem>> -> memref<80x128xf32, #tpu.memory_space<vmem>>
      %dma_wait3A_432 = arith.constant 0 : i32
      %dma_wait3A_433 = arith.constant 0 : i32
      %dma_wait3A_434 = tpu.memref_slice %arg2[%dma_wait3A_432, %dma_wait3A_433] : memref<10000x128xf32, #tpu.memory_space<hbm>> -> memref<80x128xf32, #tpu.memory_space<hbm>>
      %dma_wait3A_435 = arith.constant 0 : i32
      %dma_wait3A_436 = arith.constant 0 : i32
      %dma_wait3A_437 = tpu.memref_slice %arg10[%dma_wait3A_427, %dma_wait3A_435, %dma_wait3A_436] : memref<4x80x128xf32, #tpu.memory_space<vmem>> -> memref<1x80x128xf32, #tpu.memory_space<vmem>>
      %dma_wait3A_438 = tpu.memref_squeeze %dma_wait3A_437 : memref<1x80x128xf32, #tpu.memory_space<vmem>> -> memref<80x128xf32, #tpu.memory_space<vmem>>
      %dma_wait3A_439 = arith.constant 0 : i32
      %dma_wait3A_440 = arith.constant 0 : i32
      %dma_wait3A_441 = tpu.memref_slice %arg2[%dma_wait3A_439, %dma_wait3A_440] : memref<10000x128xf32, #tpu.memory_space<hbm>> -> memref<80x128xf32, #tpu.memory_space<hbm>>
      tpu.wait_dma2 semaphore(%arg12 : memref<!tpu.dma_semaphore, #tpu.memory_space<semaphore_mem>>) src(%dma_wait3A_441 : memref<80x128xf32, #tpu.memory_space<hbm>>) dst(%dma_wait3A_438 : memref<80x128xf32, #tpu.memory_space<vmem>>)
      %dma_start3A_442 = arith.constant 1 : i32
      %dma_start3A_443 = arith.constant 5 : i32
      %dma_start3A_444 = arith.constant 0 : i32
      %dma_start3A_445 = arith.constant 0 : i32
      %dma_start3A_446 = tpu.memref_slice %arg10[%dma_start3A_442, %dma_start3A_444, %dma_start3A_445] : memref<4x80x128xf32, #tpu.memory_space<vmem>> -> memref<1x80x128xf32, #tpu.memory_space<vmem>>
      %dma_start3A_447 = tpu.memref_squeeze %dma_start3A_446 : memref<1x80x128xf32, #tpu.memory_space<vmem>> -> memref<80x128xf32, #tpu.memory_space<vmem>>
      %dma_start3A_448 = arith.constant 0 : i32
      %dma_start3A_449 = arith.constant 0 : i32
      %dma_start3A_450 = tpu.memref_slice %arg9[%rem3A_178, %dma_start3A_448, %dma_start3A_449] : memref<2x8x80xi32, #tpu.memory_space<vmem>> -> memref<1x8x80xi32, #tpu.memory_space<vmem>>
      %dma_start3A_451 = tpu.memref_squeeze %dma_start3A_450 : memref<1x8x80xi32, #tpu.memory_space<vmem>> -> memref<8x80xi32, #tpu.memory_space<vmem>>
      %dma_start3A_452 = arith.constant 0 : i32
      %dma_start3A_453 = tpu.memref_slice %dma_start3A_451[%dma_start3A_443, %dma_start3A_452] : memref<8x80xi32, #tpu.memory_space<vmem>> -> memref<1x80xi32, #tpu.memory_space<vmem>>
      %dma_start3A_454 = tpu.memref_squeeze %dma_start3A_453 : memref<1x80xi32, #tpu.memory_space<vmem>> -> memref<80xi32, #tpu.memory_space<vmem>>
      %dma_start3A_455 = arith.constant 0 : i32
      %dma_start3A_456 = arith.constant 0 : i32
      %dma_start3A_457 = tpu.memref_slice %arg7[%dma_start3A_455, %dma_start3A_456] : memref<10112x128xf32, #tpu.memory_space<vmem_shared>> -> memref<10112x128xf32, #tpu.memory_space<vmem_shared>>
      tpu.enqueue_indirect_dma source(%dma_start3A_447 : memref<80x128xf32, #tpu.memory_space<vmem>>) target(%dma_start3A_457 : memref<10112x128xf32, #tpu.memory_space<vmem_shared>>) offsets(%dma_start3A_454 : memref<80xi32, #tpu.memory_space<vmem>>) semaphore(%arg16 : memref<!tpu.dma_semaphore, #tpu.memory_space<semaphore_mem>>) {add = true}
      %ge3A_458 = arith.constant 1 : i32
      %ge3A_459 = arith.cmpi sge, %add3A_426, %ge3A_458 : i32
      %convert_element_type3A_460 = arith.extui %ge3A_459 : i1 to i32
      %cond3A_461 = arith.constant 0 : i32
      %cond3A_462 = arith.cmpi ne, %convert_element_type3A_460, %cond3A_461 : i32
      scf.if %cond3A_462 {
        %dma_wait3A_571 = arith.constant 0 : i32
        %dma_wait3A_572 = arith.constant 0 : i32
        %dma_wait3A_573 = arith.constant 0 : i32
        %dma_wait3A_574 = tpu.memref_slice %arg10[%dma_wait3A_571, %dma_wait3A_572, %dma_wait3A_573] : memref<4x80x128xf32, #tpu.memory_space<vmem>> -> memref<1x80x128xf32, #tpu.memory_space<vmem>>
        %dma_wait3A_575 = tpu.memref_squeeze %dma_wait3A_574 : memref<1x80x128xf32, #tpu.memory_space<vmem>> -> memref<80x128xf32, #tpu.memory_space<vmem>>
        %dma_wait3A_576 = arith.constant 0 : i32
        %dma_wait3A_577 = arith.constant 0 : i32
        %dma_wait3A_578 = tpu.memref_slice %arg2[%dma_wait3A_576, %dma_wait3A_577] : memref<10000x128xf32, #tpu.memory_space<hbm>> -> memref<80x128xf32, #tpu.memory_space<hbm>>
        %dma_wait3A_579 = arith.constant 0 : i32
        %dma_wait3A_580 = arith.constant 0 : i32
        %dma_wait3A_581 = tpu.memref_slice %arg10[%dma_wait3A_571, %dma_wait3A_579, %dma_wait3A_580] : memref<4x80x128xf32, #tpu.memory_space<vmem>> -> memref<1x80x128xf32, #tpu.memory_space<vmem>>
        %dma_wait3A_582 = tpu.memref_squeeze %dma_wait3A_581 : memref<1x80x128xf32, #tpu.memory_space<vmem>> -> memref<80x128xf32, #tpu.memory_space<vmem>>
        %dma_wait3A_583 = arith.constant 0 : i32
        %dma_wait3A_584 = arith.constant 0 : i32
        %dma_wait3A_585 = tpu.memref_slice %arg2[%dma_wait3A_583, %dma_wait3A_584] : memref<10000x128xf32, #tpu.memory_space<hbm>> -> memref<80x128xf32, #tpu.memory_space<hbm>>
        tpu.wait_dma2 semaphore(%arg15 : memref<!tpu.dma_semaphore, #tpu.memory_space<semaphore_mem>>) src(%dma_wait3A_585 : memref<80x128xf32, #tpu.memory_space<hbm>>) dst(%dma_wait3A_582 : memref<80x128xf32, #tpu.memory_space<vmem>>)
      } else {
      }
      %add3A_463 = arith.constant 1 : i32
      %add3A_464 = arith.addi %scan3A_177, %add3A_463 : i32
      %lt3A_465 = arith.constant 16 : i32
      %lt3A_466 = arith.cmpi slt, %add3A_464, %lt3A_465 : i32
      %convert_element_type3A_467 = arith.extui %lt3A_466 : i1 to i32
      %cond3A_468 = arith.constant 0 : i32
      %cond3A_469 = arith.cmpi ne, %convert_element_type3A_467, %cond3A_468 : i32
      scf.if %cond3A_469 {
        %dma_wait3A_571 = arith.constant 0 : i32
        %dma_wait3A_572 = arith.constant 0 : i32
        %dma_wait3A_573 = tpu.memref_slice %arg8[%sub3A_179, %dma_wait3A_571, %dma_wait3A_572] : memref<2x8x80xi32, #tpu.memory_space<vmem>> -> memref<1x8x80xi32, #tpu.memory_space<vmem>>
        %dma_wait3A_574 = tpu.memref_squeeze %dma_wait3A_573 : memref<1x8x80xi32, #tpu.memory_space<vmem>> -> memref<8x80xi32, #tpu.memory_space<vmem>>
        %dma_wait3A_575 = arith.constant 0 : i32
        %dma_wait3A_576 = arith.constant 0 : i32
        %dma_wait3A_577 = tpu.memref_slice %arg3[%dma_wait3A_575, %dma_wait3A_576] : memref<4096x80xi32, #tpu.memory_space<hbm>> -> memref<8x80xi32, #tpu.memory_space<hbm>>
        %dma_wait3A_578 = arith.constant 0 : i32
        %dma_wait3A_579 = arith.constant 0 : i32
        %dma_wait3A_580 = tpu.memref_slice %arg8[%sub3A_179, %dma_wait3A_578, %dma_wait3A_579] : memref<2x8x80xi32, #tpu.memory_space<vmem>> -> memref<1x8x80xi32, #tpu.memory_space<vmem>>
        %dma_wait3A_581 = tpu.memref_squeeze %dma_wait3A_580 : memref<1x8x80xi32, #tpu.memory_space<vmem>> -> memref<8x80xi32, #tpu.memory_space<vmem>>
        %dma_wait3A_582 = arith.constant 0 : i32
        %dma_wait3A_583 = arith.constant 0 : i32
        %dma_wait3A_584 = tpu.memref_slice %arg3[%dma_wait3A_582, %dma_wait3A_583] : memref<4096x80xi32, #tpu.memory_space<hbm>> -> memref<8x80xi32, #tpu.memory_space<hbm>>
        tpu.wait_dma2 semaphore(%arg19 : memref<!tpu.dma_semaphore, #tpu.memory_space<semaphore_mem>>) src(%dma_wait3A_584 : memref<8x80xi32, #tpu.memory_space<hbm>>) dst(%dma_wait3A_581 : memref<8x80xi32, #tpu.memory_space<vmem>>)
        %dma_wait3A_585 = arith.constant 0 : i32
        %dma_wait3A_586 = arith.constant 0 : i32
        %dma_wait3A_587 = tpu.memref_slice %arg9[%sub3A_179, %dma_wait3A_585, %dma_wait3A_586] : memref<2x8x80xi32, #tpu.memory_space<vmem>> -> memref<1x8x80xi32, #tpu.memory_space<vmem>>
        %dma_wait3A_588 = tpu.memref_squeeze %dma_wait3A_587 : memref<1x8x80xi32, #tpu.memory_space<vmem>> -> memref<8x80xi32, #tpu.memory_space<vmem>>
        %dma_wait3A_589 = arith.constant 0 : i32
        %dma_wait3A_590 = arith.constant 0 : i32
        %dma_wait3A_591 = tpu.memref_slice %arg4[%dma_wait3A_589, %dma_wait3A_590] : memref<4096x80xi32, #tpu.memory_space<hbm>> -> memref<8x80xi32, #tpu.memory_space<hbm>>
        %dma_wait3A_592 = arith.constant 0 : i32
        %dma_wait3A_593 = arith.constant 0 : i32
        %dma_wait3A_594 = tpu.memref_slice %arg9[%sub3A_179, %dma_wait3A_592, %dma_wait3A_593] : memref<2x8x80xi32, #tpu.memory_space<vmem>> -> memref<1x8x80xi32, #tpu.memory_space<vmem>>
        %dma_wait3A_595 = tpu.memref_squeeze %dma_wait3A_594 : memref<1x8x80xi32, #tpu.memory_space<vmem>> -> memref<8x80xi32, #tpu.memory_space<vmem>>
        %dma_wait3A_596 = arith.constant 0 : i32
        %dma_wait3A_597 = arith.constant 0 : i32
        %dma_wait3A_598 = tpu.memref_slice %arg4[%dma_wait3A_596, %dma_wait3A_597] : memref<4096x80xi32, #tpu.memory_space<hbm>> -> memref<8x80xi32, #tpu.memory_space<hbm>>
        tpu.wait_dma2 semaphore(%arg19 : memref<!tpu.dma_semaphore, #tpu.memory_space<semaphore_mem>>) src(%dma_wait3A_598 : memref<8x80xi32, #tpu.memory_space<hbm>>) dst(%dma_wait3A_595 : memref<8x80xi32, #tpu.memory_space<vmem>>)
      } else {
      }
      %add3A_470 = arith.constant 3 : i32
      %add3A_471 = arith.addi %add3A_426, %add3A_470 : i32
      %lt3A_472 = arith.constant 128 : i32
      %lt3A_473 = arith.cmpi slt, %add3A_471, %lt3A_472 : i32
      %convert_element_type3A_474 = arith.extui %lt3A_473 : i1 to i32
      %cond3A_475 = arith.constant 0 : i32
      %cond3A_476 = arith.cmpi ne, %convert_element_type3A_474, %cond3A_475 : i32
      scf.if %cond3A_476 {
        %dma_start3A_571 = arith.constant 0 : i32
        %dma_start3A_572 = arith.constant 0 : i32
        %dma_start3A_573 = arith.constant 0 : i32
        %dma_start3A_574 = arith.constant 0 : i32
        %dma_start3A_575 = tpu.memref_slice %arg10[%dma_start3A_572, %dma_start3A_573, %dma_start3A_574] : memref<4x80x128xf32, #tpu.memory_space<vmem>> -> memref<1x80x128xf32, #tpu.memory_space<vmem>>
        %dma_start3A_576 = tpu.memref_squeeze %dma_start3A_575 : memref<1x80x128xf32, #tpu.memory_space<vmem>> -> memref<80x128xf32, #tpu.memory_space<vmem>>
        %dma_start3A_577 = arith.constant 0 : i32
        %dma_start3A_578 = arith.constant 0 : i32
        %dma_start3A_579 = tpu.memref_slice %arg8[%sub3A_179, %dma_start3A_577, %dma_start3A_578] : memref<2x8x80xi32, #tpu.memory_space<vmem>> -> memref<1x8x80xi32, #tpu.memory_space<vmem>>
        %dma_start3A_580 = tpu.memref_squeeze %dma_start3A_579 : memref<1x8x80xi32, #tpu.memory_space<vmem>> -> memref<8x80xi32, #tpu.memory_space<vmem>>
        %dma_start3A_581 = arith.constant 0 : i32
        %dma_start3A_582 = tpu.memref_slice %dma_start3A_580[%dma_start3A_571, %dma_start3A_581] : memref<8x80xi32, #tpu.memory_space<vmem>> -> memref<1x80xi32, #tpu.memory_space<vmem>>
        %dma_start3A_583 = tpu.memref_squeeze %dma_start3A_582 : memref<1x80xi32, #tpu.memory_space<vmem>> -> memref<80xi32, #tpu.memory_space<vmem>>
        %dma_start3A_584 = arith.constant 0 : i32
        %dma_start3A_585 = arith.constant 0 : i32
        %dma_start3A_586 = tpu.memref_slice %arg2[%dma_start3A_584, %dma_start3A_585] : memref<10000x128xf32, #tpu.memory_space<hbm>> -> memref<10000x128xf32, #tpu.memory_space<hbm>>
        tpu.enqueue_indirect_dma source(%dma_start3A_586 : memref<10000x128xf32, #tpu.memory_space<hbm>>) target(%dma_start3A_576 : memref<80x128xf32, #tpu.memory_space<vmem>>) offsets(%dma_start3A_583 : memref<80xi32, #tpu.memory_space<vmem>>) semaphore(%arg11 : memref<!tpu.dma_semaphore, #tpu.memory_space<semaphore_mem>>)
      } else {
      }
      %mul3A_477 = arith.constant 8 : i32
      %mul3A_478 = arith.muli %scan3A_177, %mul3A_477 : i32
      %add3A_479 = arith.constant 6 : i32
      %add3A_480 = arith.addi %mul3A_478, %add3A_479 : i32
      %dma_wait3A_481 = arith.constant 2 : i32
      %dma_wait3A_482 = arith.constant 0 : i32
      %dma_wait3A_483 = arith.constant 0 : i32
      %dma_wait3A_484 = tpu.memref_slice %arg10[%dma_wait3A_481, %dma_wait3A_482, %dma_wait3A_483] : memref<4x80x128xf32, #tpu.memory_space<vmem>> -> memref<1x80x128xf32, #tpu.memory_space<vmem>>
      %dma_wait3A_485 = tpu.memref_squeeze %dma_wait3A_484 : memref<1x80x128xf32, #tpu.memory_space<vmem>> -> memref<80x128xf32, #tpu.memory_space<vmem>>
      %dma_wait3A_486 = arith.constant 0 : i32
      %dma_wait3A_487 = arith.constant 0 : i32
      %dma_wait3A_488 = tpu.memref_slice %arg2[%dma_wait3A_486, %dma_wait3A_487] : memref<10000x128xf32, #tpu.memory_space<hbm>> -> memref<80x128xf32, #tpu.memory_space<hbm>>
      %dma_wait3A_489 = arith.constant 0 : i32
      %dma_wait3A_490 = arith.constant 0 : i32
      %dma_wait3A_491 = tpu.memref_slice %arg10[%dma_wait3A_481, %dma_wait3A_489, %dma_wait3A_490] : memref<4x80x128xf32, #tpu.memory_space<vmem>> -> memref<1x80x128xf32, #tpu.memory_space<vmem>>
      %dma_wait3A_492 = tpu.memref_squeeze %dma_wait3A_491 : memref<1x80x128xf32, #tpu.memory_space<vmem>> -> memref<80x128xf32, #tpu.memory_space<vmem>>
      %dma_wait3A_493 = arith.constant 0 : i32
      %dma_wait3A_494 = arith.constant 0 : i32
      %dma_wait3A_495 = tpu.memref_slice %arg2[%dma_wait3A_493, %dma_wait3A_494] : memref<10000x128xf32, #tpu.memory_space<hbm>> -> memref<80x128xf32, #tpu.memory_space<hbm>>
      tpu.wait_dma2 semaphore(%arg13 : memref<!tpu.dma_semaphore, #tpu.memory_space<semaphore_mem>>) src(%dma_wait3A_495 : memref<80x128xf32, #tpu.memory_space<hbm>>) dst(%dma_wait3A_492 : memref<80x128xf32, #tpu.memory_space<vmem>>)
      %dma_start3A_496 = arith.constant 2 : i32
      %dma_start3A_497 = arith.constant 6 : i32
      %dma_start3A_498 = arith.constant 0 : i32
      %dma_start3A_499 = arith.constant 0 : i32
      %dma_start3A_500 = tpu.memref_slice %arg10[%dma_start3A_496, %dma_start3A_498, %dma_start3A_499] : memref<4x80x128xf32, #tpu.memory_space<vmem>> -> memref<1x80x128xf32, #tpu.memory_space<vmem>>
      %dma_start3A_501 = tpu.memref_squeeze %dma_start3A_500 : memref<1x80x128xf32, #tpu.memory_space<vmem>> -> memref<80x128xf32, #tpu.memory_space<vmem>>
      %dma_start3A_502 = arith.constant 0 : i32
      %dma_start3A_503 = arith.constant 0 : i32
      %dma_start3A_504 = tpu.memref_slice %arg9[%rem3A_178, %dma_start3A_502, %dma_start3A_503] : memref<2x8x80xi32, #tpu.memory_space<vmem>> -> memref<1x8x80xi32, #tpu.memory_space<vmem>>
      %dma_start3A_505 = tpu.memref_squeeze %dma_start3A_504 : memref<1x8x80xi32, #tpu.memory_space<vmem>> -> memref<8x80xi32, #tpu.memory_space<vmem>>
      %dma_start3A_506 = arith.constant 0 : i32
      %dma_start3A_507 = tpu.memref_slice %dma_start3A_505[%dma_start3A_497, %dma_start3A_506] : memref<8x80xi32, #tpu.memory_space<vmem>> -> memref<1x80xi32, #tpu.memory_space<vmem>>
      %dma_start3A_508 = tpu.memref_squeeze %dma_start3A_507 : memref<1x80xi32, #tpu.memory_space<vmem>> -> memref<80xi32, #tpu.memory_space<vmem>>
      %dma_start3A_509 = arith.constant 0 : i32
      %dma_start3A_510 = arith.constant 0 : i32
      %dma_start3A_511 = tpu.memref_slice %arg7[%dma_start3A_509, %dma_start3A_510] : memref<10112x128xf32, #tpu.memory_space<vmem_shared>> -> memref<10112x128xf32, #tpu.memory_space<vmem_shared>>
      tpu.enqueue_indirect_dma source(%dma_start3A_501 : memref<80x128xf32, #tpu.memory_space<vmem>>) target(%dma_start3A_511 : memref<10112x128xf32, #tpu.memory_space<vmem_shared>>) offsets(%dma_start3A_508 : memref<80xi32, #tpu.memory_space<vmem>>) semaphore(%arg17 : memref<!tpu.dma_semaphore, #tpu.memory_space<semaphore_mem>>) {add = true}
      %ge3A_512 = arith.constant 1 : i32
      %ge3A_513 = arith.cmpi sge, %add3A_480, %ge3A_512 : i32
      %convert_element_type3A_514 = arith.extui %ge3A_513 : i1 to i32
      %cond3A_515 = arith.constant 0 : i32
      %cond3A_516 = arith.cmpi ne, %convert_element_type3A_514, %cond3A_515 : i32
      scf.if %cond3A_516 {
        %dma_wait3A_571 = arith.constant 1 : i32
        %dma_wait3A_572 = arith.constant 0 : i32
        %dma_wait3A_573 = arith.constant 0 : i32
        %dma_wait3A_574 = tpu.memref_slice %arg10[%dma_wait3A_571, %dma_wait3A_572, %dma_wait3A_573] : memref<4x80x128xf32, #tpu.memory_space<vmem>> -> memref<1x80x128xf32, #tpu.memory_space<vmem>>
        %dma_wait3A_575 = tpu.memref_squeeze %dma_wait3A_574 : memref<1x80x128xf32, #tpu.memory_space<vmem>> -> memref<80x128xf32, #tpu.memory_space<vmem>>
        %dma_wait3A_576 = arith.constant 0 : i32
        %dma_wait3A_577 = arith.constant 0 : i32
        %dma_wait3A_578 = tpu.memref_slice %arg2[%dma_wait3A_576, %dma_wait3A_577] : memref<10000x128xf32, #tpu.memory_space<hbm>> -> memref<80x128xf32, #tpu.memory_space<hbm>>
        %dma_wait3A_579 = arith.constant 0 : i32
        %dma_wait3A_580 = arith.constant 0 : i32
        %dma_wait3A_581 = tpu.memref_slice %arg10[%dma_wait3A_571, %dma_wait3A_579, %dma_wait3A_580] : memref<4x80x128xf32, #tpu.memory_space<vmem>> -> memref<1x80x128xf32, #tpu.memory_space<vmem>>
        %dma_wait3A_582 = tpu.memref_squeeze %dma_wait3A_581 : memref<1x80x128xf32, #tpu.memory_space<vmem>> -> memref<80x128xf32, #tpu.memory_space<vmem>>
        %dma_wait3A_583 = arith.constant 0 : i32
        %dma_wait3A_584 = arith.constant 0 : i32
        %dma_wait3A_585 = tpu.memref_slice %arg2[%dma_wait3A_583, %dma_wait3A_584] : memref<10000x128xf32, #tpu.memory_space<hbm>> -> memref<80x128xf32, #tpu.memory_space<hbm>>
        tpu.wait_dma2 semaphore(%arg16 : memref<!tpu.dma_semaphore, #tpu.memory_space<semaphore_mem>>) src(%dma_wait3A_585 : memref<80x128xf32, #tpu.memory_space<hbm>>) dst(%dma_wait3A_582 : memref<80x128xf32, #tpu.memory_space<vmem>>)
      } else {
      }
      %add3A_517 = arith.constant 3 : i32
      %add3A_518 = arith.addi %add3A_480, %add3A_517 : i32
      %lt3A_519 = arith.constant 128 : i32
      %lt3A_520 = arith.cmpi slt, %add3A_518, %lt3A_519 : i32
      %convert_element_type3A_521 = arith.extui %lt3A_520 : i1 to i32
      %cond3A_522 = arith.constant 0 : i32
      %cond3A_523 = arith.cmpi ne, %convert_element_type3A_521, %cond3A_522 : i32
      scf.if %cond3A_523 {
        %dma_start3A_571 = arith.constant 1 : i32
        %dma_start3A_572 = arith.constant 1 : i32
        %dma_start3A_573 = arith.constant 0 : i32
        %dma_start3A_574 = arith.constant 0 : i32
        %dma_start3A_575 = tpu.memref_slice %arg10[%dma_start3A_572, %dma_start3A_573, %dma_start3A_574] : memref<4x80x128xf32, #tpu.memory_space<vmem>> -> memref<1x80x128xf32, #tpu.memory_space<vmem>>
        %dma_start3A_576 = tpu.memref_squeeze %dma_start3A_575 : memref<1x80x128xf32, #tpu.memory_space<vmem>> -> memref<80x128xf32, #tpu.memory_space<vmem>>
        %dma_start3A_577 = arith.constant 0 : i32
        %dma_start3A_578 = arith.constant 0 : i32
        %dma_start3A_579 = tpu.memref_slice %arg8[%sub3A_179, %dma_start3A_577, %dma_start3A_578] : memref<2x8x80xi32, #tpu.memory_space<vmem>> -> memref<1x8x80xi32, #tpu.memory_space<vmem>>
        %dma_start3A_580 = tpu.memref_squeeze %dma_start3A_579 : memref<1x8x80xi32, #tpu.memory_space<vmem>> -> memref<8x80xi32, #tpu.memory_space<vmem>>
        %dma_start3A_581 = arith.constant 0 : i32
        %dma_start3A_582 = tpu.memref_slice %dma_start3A_580[%dma_start3A_571, %dma_start3A_581] : memref<8x80xi32, #tpu.memory_space<vmem>> -> memref<1x80xi32, #tpu.memory_space<vmem>>
        %dma_start3A_583 = tpu.memref_squeeze %dma_start3A_582 : memref<1x80xi32, #tpu.memory_space<vmem>> -> memref<80xi32, #tpu.memory_space<vmem>>
        %dma_start3A_584 = arith.constant 0 : i32
        %dma_start3A_585 = arith.constant 0 : i32
        %dma_start3A_586 = tpu.memref_slice %arg2[%dma_start3A_584, %dma_start3A_585] : memref<10000x128xf32, #tpu.memory_space<hbm>> -> memref<10000x128xf32, #tpu.memory_space<hbm>>
        tpu.enqueue_indirect_dma source(%dma_start3A_586 : memref<10000x128xf32, #tpu.memory_space<hbm>>) target(%dma_start3A_576 : memref<80x128xf32, #tpu.memory_space<vmem>>) offsets(%dma_start3A_583 : memref<80xi32, #tpu.memory_space<vmem>>) semaphore(%arg12 : memref<!tpu.dma_semaphore, #tpu.memory_space<semaphore_mem>>)
      } else {
      }
      %mul3A_524 = arith.constant 8 : i32
      %mul3A_525 = arith.muli %scan3A_177, %mul3A_524 : i32
      %add3A_526 = arith.constant 7 : i32
      %add3A_527 = arith.addi %mul3A_525, %add3A_526 : i32
      %dma_wait3A_528 = arith.constant 3 : i32
      %dma_wait3A_529 = arith.constant 0 : i32
      %dma_wait3A_530 = arith.constant 0 : i32
      %dma_wait3A_531 = tpu.memref_slice %arg10[%dma_wait3A_528, %dma_wait3A_529, %dma_wait3A_530] : memref<4x80x128xf32, #tpu.memory_space<vmem>> -> memref<1x80x128xf32, #tpu.memory_space<vmem>>
      %dma_wait3A_532 = tpu.memref_squeeze %dma_wait3A_531 : memref<1x80x128xf32, #tpu.memory_space<vmem>> -> memref<80x128xf32, #tpu.memory_space<vmem>>
      %dma_wait3A_533 = arith.constant 0 : i32
      %dma_wait3A_534 = arith.constant 0 : i32
      %dma_wait3A_535 = tpu.memref_slice %arg2[%dma_wait3A_533, %dma_wait3A_534] : memref<10000x128xf32, #tpu.memory_space<hbm>> -> memref<80x128xf32, #tpu.memory_space<hbm>>
      %dma_wait3A_536 = arith.constant 0 : i32
      %dma_wait3A_537 = arith.constant 0 : i32
      %dma_wait3A_538 = tpu.memref_slice %arg10[%dma_wait3A_528, %dma_wait3A_536, %dma_wait3A_537] : memref<4x80x128xf32, #tpu.memory_space<vmem>> -> memref<1x80x128xf32, #tpu.memory_space<vmem>>
      %dma_wait3A_539 = tpu.memref_squeeze %dma_wait3A_538 : memref<1x80x128xf32, #tpu.memory_space<vmem>> -> memref<80x128xf32, #tpu.memory_space<vmem>>
      %dma_wait3A_540 = arith.constant 0 : i32
      %dma_wait3A_541 = arith.constant 0 : i32
      %dma_wait3A_542 = tpu.memref_slice %arg2[%dma_wait3A_540, %dma_wait3A_541] : memref<10000x128xf32, #tpu.memory_space<hbm>> -> memref<80x128xf32, #tpu.memory_space<hbm>>
      tpu.wait_dma2 semaphore(%arg14 : memref<!tpu.dma_semaphore, #tpu.memory_space<semaphore_mem>>) src(%dma_wait3A_542 : memref<80x128xf32, #tpu.memory_space<hbm>>) dst(%dma_wait3A_539 : memref<80x128xf32, #tpu.memory_space<vmem>>)
      %dma_start3A_543 = arith.constant 3 : i32
      %dma_start3A_544 = arith.constant 7 : i32
      %dma_start3A_545 = arith.constant 0 : i32
      %dma_start3A_546 = arith.constant 0 : i32
      %dma_start3A_547 = tpu.memref_slice %arg10[%dma_start3A_543, %dma_start3A_545, %dma_start3A_546] : memref<4x80x128xf32, #tpu.memory_space<vmem>> -> memref<1x80x128xf32, #tpu.memory_space<vmem>>
      %dma_start3A_548 = tpu.memref_squeeze %dma_start3A_547 : memref<1x80x128xf32, #tpu.memory_space<vmem>> -> memref<80x128xf32, #tpu.memory_space<vmem>>
      %dma_start3A_549 = arith.constant 0 : i32
      %dma_start3A_550 = arith.constant 0 : i32
      %dma_start3A_551 = tpu.memref_slice %arg9[%rem3A_178, %dma_start3A_549, %dma_start3A_550] : memref<2x8x80xi32, #tpu.memory_space<vmem>> -> memref<1x8x80xi32, #tpu.memory_space<vmem>>
      %dma_start3A_552 = tpu.memref_squeeze %dma_start3A_551 : memref<1x8x80xi32, #tpu.memory_space<vmem>> -> memref<8x80xi32, #tpu.memory_space<vmem>>
      %dma_start3A_553 = arith.constant 0 : i32
      %dma_start3A_554 = tpu.memref_slice %dma_start3A_552[%dma_start3A_544, %dma_start3A_553] : memref<8x80xi32, #tpu.memory_space<vmem>> -> memref<1x80xi32, #tpu.memory_space<vmem>>
      %dma_start3A_555 = tpu.memref_squeeze %dma_start3A_554 : memref<1x80xi32, #tpu.memory_space<vmem>> -> memref<80xi32, #tpu.memory_space<vmem>>
      %dma_start3A_556 = arith.constant 0 : i32
      %dma_start3A_557 = arith.constant 0 : i32
      %dma_start3A_558 = tpu.memref_slice %arg7[%dma_start3A_556, %dma_start3A_557] : memref<10112x128xf32, #tpu.memory_space<vmem_shared>> -> memref<10112x128xf32, #tpu.memory_space<vmem_shared>>
      tpu.enqueue_indirect_dma source(%dma_start3A_548 : memref<80x128xf32, #tpu.memory_space<vmem>>) target(%dma_start3A_558 : memref<10112x128xf32, #tpu.memory_space<vmem_shared>>) offsets(%dma_start3A_555 : memref<80xi32, #tpu.memory_space<vmem>>) semaphore(%arg18 : memref<!tpu.dma_semaphore, #tpu.memory_space<semaphore_mem>>) {add = true}
      %ge3A_559 = arith.constant 1 : i32
      %ge3A_560 = arith.cmpi sge, %add3A_527, %ge3A_559 : i32
      %convert_element_type3A_561 = arith.extui %ge3A_560 : i1 to i32
      %cond3A_562 = arith.constant 0 : i32
      %cond3A_563 = arith.cmpi ne, %convert_element_type3A_561, %cond3A_562 : i32
      scf.if %cond3A_563 {
        %dma_wait3A_571 = arith.constant 2 : i32
        %dma_wait3A_572 = arith.constant 0 : i32
        %dma_wait3A_573 = arith.constant 0 : i32
        %dma_wait3A_574 = tpu.memref_slice %arg10[%dma_wait3A_571, %dma_wait3A_572, %dma_wait3A_573] : memref<4x80x128xf32, #tpu.memory_space<vmem>> -> memref<1x80x128xf32, #tpu.memory_space<vmem>>
        %dma_wait3A_575 = tpu.memref_squeeze %dma_wait3A_574 : memref<1x80x128xf32, #tpu.memory_space<vmem>> -> memref<80x128xf32, #tpu.memory_space<vmem>>
        %dma_wait3A_576 = arith.constant 0 : i32
        %dma_wait3A_577 = arith.constant 0 : i32
        %dma_wait3A_578 = tpu.memref_slice %arg2[%dma_wait3A_576, %dma_wait3A_577] : memref<10000x128xf32, #tpu.memory_space<hbm>> -> memref<80x128xf32, #tpu.memory_space<hbm>>
        %dma_wait3A_579 = arith.constant 0 : i32
        %dma_wait3A_580 = arith.constant 0 : i32
        %dma_wait3A_581 = tpu.memref_slice %arg10[%dma_wait3A_571, %dma_wait3A_579, %dma_wait3A_580] : memref<4x80x128xf32, #tpu.memory_space<vmem>> -> memref<1x80x128xf32, #tpu.memory_space<vmem>>
        %dma_wait3A_582 = tpu.memref_squeeze %dma_wait3A_581 : memref<1x80x128xf32, #tpu.memory_space<vmem>> -> memref<80x128xf32, #tpu.memory_space<vmem>>
        %dma_wait3A_583 = arith.constant 0 : i32
        %dma_wait3A_584 = arith.constant 0 : i32
        %dma_wait3A_585 = tpu.memref_slice %arg2[%dma_wait3A_583, %dma_wait3A_584] : memref<10000x128xf32, #tpu.memory_space<hbm>> -> memref<80x128xf32, #tpu.memory_space<hbm>>
        tpu.wait_dma2 semaphore(%arg17 : memref<!tpu.dma_semaphore, #tpu.memory_space<semaphore_mem>>) src(%dma_wait3A_585 : memref<80x128xf32, #tpu.memory_space<hbm>>) dst(%dma_wait3A_582 : memref<80x128xf32, #tpu.memory_space<vmem>>)
      } else {
      }
      %add3A_564 = arith.constant 3 : i32
      %add3A_565 = arith.addi %add3A_527, %add3A_564 : i32
      %lt3A_566 = arith.constant 128 : i32
      %lt3A_567 = arith.cmpi slt, %add3A_565, %lt3A_566 : i32
      %convert_element_type3A_568 = arith.extui %lt3A_567 : i1 to i32
      %cond3A_569 = arith.constant 0 : i32
      %cond3A_570 = arith.cmpi ne, %convert_element_type3A_568, %cond3A_569 : i32
      scf.if %cond3A_570 {
        %dma_start3A_571 = arith.constant 2 : i32
        %dma_start3A_572 = arith.constant 2 : i32
        %dma_start3A_573 = arith.constant 0 : i32
        %dma_start3A_574 = arith.constant 0 : i32
        %dma_start3A_575 = tpu.memref_slice %arg10[%dma_start3A_572, %dma_start3A_573, %dma_start3A_574] : memref<4x80x128xf32, #tpu.memory_space<vmem>> -> memref<1x80x128xf32, #tpu.memory_space<vmem>>
        %dma_start3A_576 = tpu.memref_squeeze %dma_start3A_575 : memref<1x80x128xf32, #tpu.memory_space<vmem>> -> memref<80x128xf32, #tpu.memory_space<vmem>>
        %dma_start3A_577 = arith.constant 0 : i32
        %dma_start3A_578 = arith.constant 0 : i32
        %dma_start3A_579 = tpu.memref_slice %arg8[%sub3A_179, %dma_start3A_577, %dma_start3A_578] : memref<2x8x80xi32, #tpu.memory_space<vmem>> -> memref<1x8x80xi32, #tpu.memory_space<vmem>>
        %dma_start3A_580 = tpu.memref_squeeze %dma_start3A_579 : memref<1x8x80xi32, #tpu.memory_space<vmem>> -> memref<8x80xi32, #tpu.memory_space<vmem>>
        %dma_start3A_581 = arith.constant 0 : i32
        %dma_start3A_582 = tpu.memref_slice %dma_start3A_580[%dma_start3A_571, %dma_start3A_581] : memref<8x80xi32, #tpu.memory_space<vmem>> -> memref<1x80xi32, #tpu.memory_space<vmem>>
        %dma_start3A_583 = tpu.memref_squeeze %dma_start3A_582 : memref<1x80xi32, #tpu.memory_space<vmem>> -> memref<80xi32, #tpu.memory_space<vmem>>
        %dma_start3A_584 = arith.constant 0 : i32
        %dma_start3A_585 = arith.constant 0 : i32
        %dma_start3A_586 = tpu.memref_slice %arg2[%dma_start3A_584, %dma_start3A_585] : memref<10000x128xf32, #tpu.memory_space<hbm>> -> memref<10000x128xf32, #tpu.memory_space<hbm>>
        tpu.enqueue_indirect_dma source(%dma_start3A_586 : memref<10000x128xf32, #tpu.memory_space<hbm>>) target(%dma_start3A_576 : memref<80x128xf32, #tpu.memory_space<vmem>>) offsets(%dma_start3A_583 : memref<80xi32, #tpu.memory_space<vmem>>) semaphore(%arg13 : memref<!tpu.dma_semaphore, #tpu.memory_space<semaphore_mem>>)
      } else {
      }
    }
    %scan3A_154 = arith.constant 16 : i32
    %dma_wait3A_155 = arith.constant 3 : i32
    %dma_wait3A_156 = arith.constant 0 : i32
    %dma_wait3A_157 = arith.constant 0 : i32
    %dma_wait3A_158 = tpu.memref_slice %arg10[%dma_wait3A_155, %dma_wait3A_156, %dma_wait3A_157] : memref<4x80x128xf32, #tpu.memory_space<vmem>> -> memref<1x80x128xf32, #tpu.memory_space<vmem>>
    %dma_wait3A_159 = tpu.memref_squeeze %dma_wait3A_158 : memref<1x80x128xf32, #tpu.memory_space<vmem>> -> memref<80x128xf32, #tpu.memory_space<vmem>>
    %dma_wait3A_160 = arith.constant 0 : i32
    %dma_wait3A_161 = arith.constant 0 : i32
    %dma_wait3A_162 = tpu.memref_slice %arg2[%dma_wait3A_160, %dma_wait3A_161] : memref<10000x128xf32, #tpu.memory_space<hbm>> -> memref<80x128xf32, #tpu.memory_space<hbm>>
    %dma_wait3A_163 = arith.constant 0 : i32
    %dma_wait3A_164 = arith.constant 0 : i32
    %dma_wait3A_165 = tpu.memref_slice %arg10[%dma_wait3A_155, %dma_wait3A_163, %dma_wait3A_164] : memref<4x80x128xf32, #tpu.memory_space<vmem>> -> memref<1x80x128xf32, #tpu.memory_space<vmem>>
    %dma_wait3A_166 = tpu.memref_squeeze %dma_wait3A_165 : memref<1x80x128xf32, #tpu.memory_space<vmem>> -> memref<80x128xf32, #tpu.memory_space<vmem>>
    %dma_wait3A_167 = arith.constant 0 : i32
    %dma_wait3A_168 = arith.constant 0 : i32
    %dma_wait3A_169 = tpu.memref_slice %arg2[%dma_wait3A_167, %dma_wait3A_168] : memref<10000x128xf32, #tpu.memory_space<hbm>> -> memref<80x128xf32, #tpu.memory_space<hbm>>
    tpu.wait_dma2 semaphore(%arg18 : memref<!tpu.dma_semaphore, #tpu.memory_space<semaphore_mem>>) src(%dma_wait3A_169 : memref<80x128xf32, #tpu.memory_space<hbm>>) dst(%dma_wait3A_166 : memref<80x128xf32, #tpu.memory_space<vmem>>)
    %barrier3A_170 = arith.constant 0 : index
    tpu.barrier barrier_id(%barrier3A_170)
    %lt3A = arith.constant 15 : i32
    %lt3A_171 = arith.cmpi slt, %arg1, %lt3A : i32
    %convert_element_type3A = arith.extui %lt3A_171 : i1 to i32
    %cond3A = arith.constant 0 : i32
    %cond3A_172 = arith.cmpi ne, %convert_element_type3A, %cond3A : i32
    scf.if %cond3A_172 {
      %mul3A_177 = arith.constant 632 : i32
      %mul3A_178 = arith.muli %arg1, %mul3A_177 : i32
      %mul3A_179 = arith.constant 632 : i32
      %mul3A_180 = arith.muli %arg1, %mul3A_179 : i32
      "tpu.region"() ({
        %run_scoped3A = tpu.sem_alloc : memref<!tpu.dma_semaphore, #tpu.memory_space<semaphore_mem>>
        %dma_start3A_181 = arith.constant 0 : i32
        %dma_start3A_182 = arith.constant 0 : i32
        %dma_start3A_183 = tpu.memref_slice %arg6[%arg0, %dma_start3A_181, %dma_start3A_182] : memref<2x10000x128xf32, #tpu.memory_space<hbm>> -> memref<1x10000x128xf32, #tpu.memory_space<hbm>>
        %dma_start3A_184 = tpu.memref_squeeze %dma_start3A_183 : memref<1x10000x128xf32, #tpu.memory_space<hbm>> -> memref<10000x128xf32, #tpu.memory_space<hbm>>
        %dma_start3A_185 = arith.constant 0 : i32
        %dma_start3A_186 = tpu.memref_slice %dma_start3A_184[%mul3A_180, %dma_start3A_185] : memref<10000x128xf32, #tpu.memory_space<hbm>> -> memref<632x128xf32, #tpu.memory_space<hbm>>
        %dma_start3A_187 = arith.constant 0 : i32
        %dma_start3A_188 = tpu.memref_slice %arg7[%mul3A_178, %dma_start3A_187] : memref<10112x128xf32, #tpu.memory_space<vmem_shared>> -> memref<632x128xf32, #tpu.memory_space<vmem_shared>>
        tpu.enqueue_dma source(%dma_start3A_188 : memref<632x128xf32, #tpu.memory_space<vmem_shared>>) target(%dma_start3A_186 : memref<632x128xf32, #tpu.memory_space<hbm>>) target_semaphore(%run_scoped3A : memref<!tpu.dma_semaphore, #tpu.memory_space<semaphore_mem>>)
        %dma_wait3A_189 = arith.constant 0 : i32
        %dma_wait3A_190 = arith.constant 0 : i32
        %dma_wait3A_191 = tpu.memref_slice %arg6[%arg0, %dma_wait3A_189, %dma_wait3A_190] : memref<2x10000x128xf32, #tpu.memory_space<hbm>> -> memref<1x10000x128xf32, #tpu.memory_space<hbm>>
        %dma_wait3A_192 = tpu.memref_squeeze %dma_wait3A_191 : memref<1x10000x128xf32, #tpu.memory_space<hbm>> -> memref<10000x128xf32, #tpu.memory_space<hbm>>
        %dma_wait3A_193 = arith.constant 0 : i32
        %dma_wait3A_194 = tpu.memref_slice %dma_wait3A_192[%mul3A_180, %dma_wait3A_193] : memref<10000x128xf32, #tpu.memory_space<hbm>> -> memref<632x128xf32, #tpu.memory_space<hbm>>
        %dma_wait3A_195 = arith.constant 0 : i32
        %dma_wait3A_196 = tpu.memref_slice %arg7[%mul3A_178, %dma_wait3A_195] : memref<10112x128xf32, #tpu.memory_space<vmem_shared>> -> memref<632x128xf32, #tpu.memory_space<vmem_shared>>
        tpu.wait_dma2 semaphore(%run_scoped3A : memref<!tpu.dma_semaphore, #tpu.memory_space<semaphore_mem>>) src(%dma_wait3A_196 : memref<632x128xf32, #tpu.memory_space<vmem_shared>>) dst(%dma_wait3A_194 : memref<632x128xf32, #tpu.memory_space<hbm>>)
        tpu.yield
      }) : () -> ()
    } else {
    }
    %eq3A = arith.constant 15 : i32
    %eq3A_173 = arith.cmpi eq, %arg1, %eq3A : i32
    %convert_element_type3A_174 = arith.extui %eq3A_173 : i1 to i32
    %cond3A_175 = arith.constant 0 : i32
    %cond3A_176 = arith.cmpi ne, %convert_element_type3A_174, %cond3A_175 : i32
    scf.if %cond3A_176 {
      "tpu.region"() ({
        %run_scoped3A = tpu.sem_alloc : memref<!tpu.dma_semaphore, #tpu.memory_space<semaphore_mem>>
        %dma_start3A_177 = arith.constant 0 : i32
        %dma_start3A_178 = arith.constant 0 : i32
        %dma_start3A_179 = tpu.memref_slice %arg6[%arg0, %dma_start3A_177, %dma_start3A_178] : memref<2x10000x128xf32, #tpu.memory_space<hbm>> -> memref<1x10000x128xf32, #tpu.memory_space<hbm>>
        %dma_start3A_180 = tpu.memref_squeeze %dma_start3A_179 : memref<1x10000x128xf32, #tpu.memory_space<hbm>> -> memref<10000x128xf32, #tpu.memory_space<hbm>>
        %dma_start3A_181 = arith.constant 9480 : i32
        %dma_start3A_182 = arith.constant 0 : i32
        %dma_start3A_183 = tpu.memref_slice %dma_start3A_180[%dma_start3A_181, %dma_start3A_182] : memref<10000x128xf32, #tpu.memory_space<hbm>> -> memref<520x128xf32, #tpu.memory_space<hbm>>
        %dma_start3A_184 = arith.constant 9480 : i32
        %dma_start3A_185 = arith.constant 0 : i32
        %dma_start3A_186 = tpu.memref_slice %arg7[%dma_start3A_184, %dma_start3A_185] : memref<10112x128xf32, #tpu.memory_space<vmem_shared>> -> memref<520x128xf32, #tpu.memory_space<vmem_shared>>
        tpu.enqueue_dma source(%dma_start3A_186 : memref<520x128xf32, #tpu.memory_space<vmem_shared>>) target(%dma_start3A_183 : memref<520x128xf32, #tpu.memory_space<hbm>>) target_semaphore(%run_scoped3A : memref<!tpu.dma_semaphore, #tpu.memory_space<semaphore_mem>>)
        %dma_wait3A_187 = arith.constant 0 : i32
        %dma_wait3A_188 = arith.constant 0 : i32
        %dma_wait3A_189 = tpu.memref_slice %arg6[%arg0, %dma_wait3A_187, %dma_wait3A_188] : memref<2x10000x128xf32, #tpu.memory_space<hbm>> -> memref<1x10000x128xf32, #tpu.memory_space<hbm>>
        %dma_wait3A_190 = tpu.memref_squeeze %dma_wait3A_189 : memref<1x10000x128xf32, #tpu.memory_space<hbm>> -> memref<10000x128xf32, #tpu.memory_space<hbm>>
        %dma_wait3A_191 = arith.constant 9480 : i32
        %dma_wait3A_192 = arith.constant 0 : i32
        %dma_wait3A_193 = tpu.memref_slice %dma_wait3A_190[%dma_wait3A_191, %dma_wait3A_192] : memref<10000x128xf32, #tpu.memory_space<hbm>> -> memref<520x128xf32, #tpu.memory_space<hbm>>
        %dma_wait3A_194 = arith.constant 9480 : i32
        %dma_wait3A_195 = arith.constant 0 : i32
        %dma_wait3A_196 = tpu.memref_slice %arg7[%dma_wait3A_194, %dma_wait3A_195] : memref<10112x128xf32, #tpu.memory_space<vmem_shared>> -> memref<520x128xf32, #tpu.memory_space<vmem_shared>>
        tpu.wait_dma2 semaphore(%run_scoped3A : memref<!tpu.dma_semaphore, #tpu.memory_space<semaphore_mem>>) src(%dma_wait3A_196 : memref<520x128xf32, #tpu.memory_space<vmem_shared>>) dst(%dma_wait3A_193 : memref<520x128xf32, #tpu.memory_space<hbm>>)
        tpu.yield
      }) : () -> ()
    } else {
    }
    return
  }
}

module attributes {stable_mosaic.version = 14 : i64} {
  func.func @_sage_body(%arg0: i32, %arg1: memref<2x1000x128xf32, #tpu.memory_space<vmem>>, %arg2: memref<2x1000x1xf32, #tpu.memory_space<vmem>>, %arg3: memref<1000x128xf32, #tpu.memory_space<vmem>>, %arg4: memref<128x128xf32, #tpu.memory_space<vmem>>, %arg5: memref<128x128xf32, #tpu.memory_space<vmem>>, %arg6: memref<1x128xf32, #tpu.memory_space<vmem>>, %arg7: memref<1000x128xf32, #tpu.memory_space<vmem>>) attributes {dimension_semantics = [#tpu.dimension_semantics<arbitrary>], iteration_bounds = array<i64: 10>, scalar_prefetch = 0 : i64, scratch_operands = 0 : i64, tpu.core_type = #tpu.core_type<tc>, window_params = [{transform_indices = @transform_0, window_bounds = array<i64: 2, 1000, 128>}, {transform_indices = @transform_1, window_bounds = array<i64: 2, 1000, 1>}, {transform_indices = @transform_2, window_bounds = array<i64: 1000, 128>}, {pipeline_mode = #tpu.pipeline_mode<synchronous>, transform_indices = @transform_3, window_bounds = array<i64: 128, 128>}, {pipeline_mode = #tpu.pipeline_mode<synchronous>, transform_indices = @transform_4, window_bounds = array<i64: 128, 128>}, {pipeline_mode = #tpu.pipeline_mode<synchronous>, transform_indices = @transform_5, window_bounds = array<i64: 1, 128>}, {transform_indices = @transform_6, window_bounds = array<i64: 1000, 128>}]} {
    %get3A = arith.constant 0 : index
    %get3A_0 = arith.constant 0 : index
    %get3A_1 = arith.constant 0 : index
    %get3A_2 = vector.load %arg2[%get3A, %get3A_0, %get3A_1] : memref<2x1000x1xf32, #tpu.memory_space<vmem>>, vector<1x1000x1xf32>
    %get3A_3 = vector.shape_cast %get3A_2 : vector<1x1000x1xf32> to vector<1000x1xf32>
    %get3A_4 = arith.constant 1 : index
    %get3A_5 = arith.constant 0 : index
    %get3A_6 = arith.constant 0 : index
    %get3A_7 = vector.load %arg2[%get3A_4, %get3A_5, %get3A_6] : memref<2x1000x1xf32, #tpu.memory_space<vmem>>, vector<1x1000x1xf32>
    %get3A_8 = vector.shape_cast %get3A_7 : vector<1x1000x1xf32> to vector<1000x1xf32>
    %add3A = arith.addf %get3A_3, %get3A_8 : vector<1000x1xf32>
    %max3A = arith.constant 1.000000e+00 : f32
    %max3A_9 = vector.broadcast %max3A : f32 to vector<1000x1xf32>
    %max3A_10 = arith.maximumf %add3A, %max3A_9 : vector<1000x1xf32>
    %get3A_11 = arith.constant 0 : index
    %get3A_12 = arith.constant 0 : index
    %get3A_13 = arith.constant 0 : index
    %get3A_14 = vector.load %arg1[%get3A_11, %get3A_12, %get3A_13] : memref<2x1000x128xf32, #tpu.memory_space<vmem>>, vector<1x1000x128xf32>
    %get3A_15 = vector.shape_cast %get3A_14 : vector<1x1000x128xf32> to vector<1000x128xf32>
    %get3A_16 = arith.constant 1 : index
    %get3A_17 = arith.constant 0 : index
    %get3A_18 = arith.constant 0 : index
    %get3A_19 = vector.load %arg1[%get3A_16, %get3A_17, %get3A_18] : memref<2x1000x128xf32, #tpu.memory_space<vmem>>, vector<1x1000x128xf32>
    %get3A_20 = vector.shape_cast %get3A_19 : vector<1x1000x128xf32> to vector<1000x128xf32>
    %add3A_21 = arith.addf %get3A_15, %get3A_20 : vector<1000x128xf32>
    %div3A = vector.broadcast %max3A_10 : vector<1000x1xf32> to vector<1000x128xf32>
    %div3A_22 = arith.divf %add3A_21, %div3A : vector<1000x128xf32>
    %get3A_23 = arith.constant 0 : index
    %get3A_24 = arith.constant 0 : index
    %get3A_25 = vector.load %arg4[%get3A_23, %get3A_24] : memref<128x128xf32, #tpu.memory_space<vmem>>, vector<128x128xf32>
    %dot_general3A = arith.constant dense<0.000000e+00> : vector<1000x128xf32>
    %dot_general3A_26 = tpu.matmul %div3A_22, %get3A_25, %dot_general3A {dimension_numbers = #tpu.dot_dimension_numbers<[1], [0], [0], [1], [0, 0, 1, 1], [], []>, transpose_lhs_hint = false} : vector<1000x128xf32>, vector<128x128xf32>, vector<1000x128xf32> -> vector<1000x128xf32>
    %get3A_27 = arith.constant 0 : index
    %get3A_28 = arith.constant 0 : index
    %get3A_29 = vector.load %arg3[%get3A_27, %get3A_28] : memref<1000x128xf32, #tpu.memory_space<vmem>>, vector<1000x128xf32>
    %get3A_30 = arith.constant 0 : index
    %get3A_31 = arith.constant 0 : index
    %get3A_32 = vector.load %arg5[%get3A_30, %get3A_31] : memref<128x128xf32, #tpu.memory_space<vmem>>, vector<128x128xf32>
    %dot_general3A_33 = arith.constant dense<0.000000e+00> : vector<1000x128xf32>
    %dot_general3A_34 = tpu.matmul %get3A_29, %get3A_32, %dot_general3A_33 {dimension_numbers = #tpu.dot_dimension_numbers<[1], [0], [0], [1], [0, 0, 1, 1], [], []>, transpose_lhs_hint = false} : vector<1000x128xf32>, vector<128x128xf32>, vector<1000x128xf32> -> vector<1000x128xf32>
    %add3A_35 = arith.addf %dot_general3A_26, %dot_general3A_34 : vector<1000x128xf32>
    %get3A_36 = arith.constant 0 : index
    %get3A_37 = arith.constant 0 : index
    %get3A_38 = vector.load %arg6[%get3A_36, %get3A_37] : memref<1x128xf32, #tpu.memory_space<vmem>>, vector<1x128xf32>
    %add3A_39 = vector.broadcast %get3A_38 : vector<1x128xf32> to vector<1000x128xf32>
    %add3A_40 = arith.addf %add3A_35, %add3A_39 : vector<1000x128xf32>
    %max3A_41 = arith.constant 0.000000e+00 : f32
    %max3A_42 = vector.broadcast %max3A_41 : f32 to vector<1000x128xf32>
    %max3A_43 = arith.maximumf %add3A_40, %max3A_42 : vector<1000x128xf32>
    %swap3A = arith.constant 0 : index
    %swap3A_44 = arith.constant 0 : index
    %swap3A_45 = vector.load %arg7[%swap3A, %swap3A_44] : memref<1000x128xf32, #tpu.memory_space<vmem>>, vector<1000x128xf32>
    tpu.vector_store %arg7[%swap3A, %swap3A_44], %max3A_43 {strides = array<i32>} : memref<1000x128xf32, #tpu.memory_space<vmem>>, vector<1000x128xf32>,
    return
  }
  func.func @transform_0(%arg0: i32) -> (i32, i32, i32) {
    %c0_i32 = arith.constant 0 : i32
    %c0_i32_0 = arith.constant 0 : i32
    %c0_i32_1 = arith.constant 0 : i32
    return %c0_i32, %arg0, %c0_i32_0 : i32, i32, i32
  }
  func.func @transform_1(%arg0: i32) -> (i32, i32, i32) {
    %c0_i32 = arith.constant 0 : i32
    %c0_i32_0 = arith.constant 0 : i32
    %c0_i32_1 = arith.constant 0 : i32
    return %c0_i32, %arg0, %c0_i32_0 : i32, i32, i32
  }
  func.func @transform_2(%arg0: i32) -> (i32, i32) {
    %c0_i32 = arith.constant 0 : i32
    %c0_i32_0 = arith.constant 0 : i32
    return %arg0, %c0_i32 : i32, i32
  }
  func.func @transform_3(%arg0: i32) -> (i32, i32) {
    %c0_i32 = arith.constant 0 : i32
    %c0_i32_0 = arith.constant 0 : i32
    %c0_i32_1 = arith.constant 0 : i32
    return %c0_i32, %c0_i32_0 : i32, i32
  }
  func.func @transform_4(%arg0: i32) -> (i32, i32) {
    %c0_i32 = arith.constant 0 : i32
    %c0_i32_0 = arith.constant 0 : i32
    %c0_i32_1 = arith.constant 0 : i32
    return %c0_i32, %c0_i32_0 : i32, i32
  }
  func.func @transform_5(%arg0: i32) -> (i32, i32) {
    %c0_i32 = arith.constant 0 : i32
    %c0_i32_0 = arith.constant 0 : i32
    %c0_i32_1 = arith.constant 0 : i32
    return %c0_i32, %c0_i32_0 : i32, i32
  }
  func.func @transform_6(%arg0: i32) -> (i32, i32) {
    %c0_i32 = arith.constant 0 : i32
    %c0_i32_0 = arith.constant 0 : i32
    return %arg0, %c0_i32 : i32, i32
  }
}

module attributes {stable_mosaic.version = 14 : i64} {
  func.func @_pool_body(%arg0: memref<10000x128xf32, #tpu.memory_space<vmem>>, %arg1: memref<10000x1xi32, #tpu.memory_space<vmem>>, %arg2: memref<128x1xf32, #tpu.memory_space<vmem>>, %arg3: memref<1x1xf32, #tpu.memory_space<vmem>>, %arg4: memref<128x128xf32, #tpu.memory_space<vmem>>, %arg5: memref<1x128xf32, #tpu.memory_space<vmem>>, %arg6: memref<128x10xf32, #tpu.memory_space<vmem>>, %arg7: memref<1x10xf32, #tpu.memory_space<vmem>>, %arg8: memref<64x10xf32, #tpu.memory_space<vmem>>) attributes {dimension_semantics = [], scalar_prefetch = 0 : i64, scratch_operands = 0 : i64, tpu.core_type = #tpu.core_type<tc>} {
    %get3A = arith.constant 0 : index
    %get3A_0 = arith.constant 0 : index
    %get3A_1 = vector.load %arg0[%get3A, %get3A_0] : memref<10000x128xf32, #tpu.memory_space<vmem>>, vector<10000x128xf32>
    %get3A_2 = arith.constant 0 : index
    %get3A_3 = arith.constant 0 : index
    %get3A_4 = vector.load %arg2[%get3A_2, %get3A_3] : memref<128x1xf32, #tpu.memory_space<vmem>>, vector<128x1xf32>
    %dot_general3A = arith.constant dense<0.000000e+00> : vector<10000x1xf32>
    %dot_general3A_5 = tpu.matmul %get3A_1, %get3A_4, %dot_general3A {dimension_numbers = #tpu.dot_dimension_numbers<[1], [0], [0], [1], [0, 0, 1, 1], [], []>, transpose_lhs_hint = false} : vector<10000x128xf32>, vector<128x1xf32>, vector<10000x1xf32> -> vector<10000x1xf32>
    %get3A_6 = arith.constant 0 : index
    %get3A_7 = arith.constant 0 : index
    %get3A_8 = vector.load %arg3[%get3A_6, %get3A_7] : memref<1x1xf32, #tpu.memory_space<vmem>>, vector<1x1xf32>
    %add3A = vector.broadcast %get3A_8 : vector<1x1xf32> to vector<10000x1xf32>
    %add3A_9 = arith.addf %dot_general3A_5, %add3A : vector<10000x1xf32>
    %get3A_10 = arith.constant 0 : index
    %get3A_11 = arith.constant 0 : index
    %get3A_12 = vector.load %arg1[%get3A_10, %get3A_11] : memref<10000x1xi32, #tpu.memory_space<vmem>>, vector<10000x1xi32>
    %iota3A = tpu.iota {dimensions = array<i32: 1>} : vector<1x64xi32>
    %eq3A = vector.broadcast %get3A_12 : vector<10000x1xi32> to vector<10000x64xi32>
    %eq3A_13 = vector.broadcast %iota3A : vector<1x64xi32> to vector<10000x64xi32>
    %eq3A_14 = arith.cmpi eq, %eq3A, %eq3A_13 : vector<10000x64xi32>
    %jit3A = arith.constant 0xFF800000 : f32
    %broadcast_in_dim3A = vector.shape_cast %add3A_9 : vector<10000x1xf32> to vector<10000x1xf32>
    %broadcast_in_dim3A_15 = vector.broadcast %broadcast_in_dim3A : vector<10000x1xf32> to vector<10000x64xf32>
    %broadcast_in_dim3A_16 = vector.broadcast %jit3A : f32 to vector<10000x64xf32>
    %select_n3A = arith.select %eq3A_14, %broadcast_in_dim3A_15, %broadcast_in_dim3A_16 : vector<10000x64xi1>, vector<10000x64xf32>
    %reduce_max3A = arith.constant dense<0xFF800000> : vector<64xf32>
    %reduce_max3A_17 = vector.multi_reduction <maximumf>, %select_n3A, %reduce_max3A [0] : vector<10000x64xf32> to vector<64xf32>
    %broadcast_in_dim3A_18 = vector.shape_cast %reduce_max3A_17 : vector<64xf32> to vector<1x64xf32>
    %is_finite3A = tpu.weird %broadcast_in_dim3A_18 : vector<1x64xf32> -> vector<1x64xi1>
    %is_finite3A_19 = arith.constant dense<true> : vector<1x64xi1>
    %is_finite3A_20 = arith.xori %is_finite3A, %is_finite3A_19 : vector<1x64xi1>
    %jit3A_21 = arith.constant 0.000000e+00 : f32
    %broadcast_in_dim3A_22 = vector.broadcast %jit3A_21 : f32 to vector<1x64xf32>
    %select_n3A_23 = arith.select %is_finite3A_20, %broadcast_in_dim3A_18, %broadcast_in_dim3A_22 : vector<1x64xi1>, vector<1x64xf32>
    %sub3A = vector.broadcast %add3A_9 : vector<10000x1xf32> to vector<10000x64xf32>
    %sub3A_24 = vector.broadcast %select_n3A_23 : vector<1x64xf32> to vector<10000x64xf32>
    %sub3A_25 = arith.subf %sub3A, %sub3A_24 : vector<10000x64xf32>
    %exp3A = math.exp %sub3A_25 : vector<10000x64xf32>
    %jit3A_26 = arith.constant 0.000000e+00 : f32
    %broadcast_in_dim3A_27 = vector.broadcast %jit3A_26 : f32 to vector<10000x64xf32>
    %select_n3A_28 = arith.select %eq3A_14, %exp3A, %broadcast_in_dim3A_27 : vector<10000x64xi1>, vector<10000x64xf32>
    %reduce_sum3A = arith.constant dense<0.000000e+00> : vector<64xf32>
    %reduce_sum3A_29 = vector.multi_reduction <add>, %select_n3A_28, %reduce_sum3A [0] : vector<10000x64xf32> to vector<64xf32>
    %broadcast_in_dim3A_30 = vector.shape_cast %reduce_sum3A_29 : vector<64xf32> to vector<1x64xf32>
    %add3A_31 = arith.constant 1.000000e-16 : f32
    %add3A_32 = vector.broadcast %add3A_31 : f32 to vector<1x64xf32>
    %add3A_33 = arith.addf %broadcast_in_dim3A_30, %add3A_32 : vector<1x64xf32>
    %div3A = vector.broadcast %add3A_33 : vector<1x64xf32> to vector<10000x64xf32>
    %div3A_34 = arith.divf %select_n3A_28, %div3A : vector<10000x64xf32>
    %dot_general3A_35 = arith.constant dense<0.000000e+00> : vector<64x128xf32>
    %dot_general3A_36 = tpu.matmul %div3A_34, %get3A_1, %dot_general3A_35 {dimension_numbers = #tpu.dot_dimension_numbers<[0], [0], [1], [1], [0, 1, 1, 1], [], []>, transpose_lhs_hint = false} : vector<10000x64xf32>, vector<10000x128xf32>, vector<64x128xf32> -> vector<64x128xf32>
    %get3A_37 = arith.constant 0 : index
    %get3A_38 = arith.constant 0 : index
    %get3A_39 = vector.load %arg4[%get3A_37, %get3A_38] : memref<128x128xf32, #tpu.memory_space<vmem>>, vector<128x128xf32>
    %dot_general3A_40 = arith.constant dense<0.000000e+00> : vector<64x128xf32>
    %dot_general3A_41 = tpu.matmul %dot_general3A_36, %get3A_39, %dot_general3A_40 {dimension_numbers = #tpu.dot_dimension_numbers<[1], [0], [0], [1], [0, 0, 1, 1], [], []>, transpose_lhs_hint = false} : vector<64x128xf32>, vector<128x128xf32>, vector<64x128xf32> -> vector<64x128xf32>
    %get3A_42 = arith.constant 0 : index
    %get3A_43 = arith.constant 0 : index
    %get3A_44 = vector.load %arg5[%get3A_42, %get3A_43] : memref<1x128xf32, #tpu.memory_space<vmem>>, vector<1x128xf32>
    %add3A_45 = vector.broadcast %get3A_44 : vector<1x128xf32> to vector<64x128xf32>
    %add3A_46 = arith.addf %dot_general3A_41, %add3A_45 : vector<64x128xf32>
    %max3A = arith.constant 0.000000e+00 : f32
    %max3A_47 = vector.broadcast %max3A : f32 to vector<64x128xf32>
    %max3A_48 = arith.maximumf %add3A_46, %max3A_47 : vector<64x128xf32>
    %get3A_49 = arith.constant 0 : index
    %get3A_50 = arith.constant 0 : index
    %get3A_51 = vector.load %arg6[%get3A_49, %get3A_50] : memref<128x10xf32, #tpu.memory_space<vmem>>, vector<128x10xf32>
    %dot_general3A_52 = arith.constant dense<0.000000e+00> : vector<64x10xf32>
    %dot_general3A_53 = tpu.matmul %max3A_48, %get3A_51, %dot_general3A_52 {dimension_numbers = #tpu.dot_dimension_numbers<[1], [0], [0], [1], [0, 0, 1, 1], [], []>, transpose_lhs_hint = false} : vector<64x128xf32>, vector<128x10xf32>, vector<64x10xf32> -> vector<64x10xf32>
    %get3A_54 = arith.constant 0 : index
    %get3A_55 = arith.constant 0 : index
    %get3A_56 = vector.load %arg7[%get3A_54, %get3A_55] : memref<1x10xf32, #tpu.memory_space<vmem>>, vector<1x10xf32>
    %add3A_57 = vector.broadcast %get3A_56 : vector<1x10xf32> to vector<64x10xf32>
    %add3A_58 = arith.addf %dot_general3A_53, %add3A_57 : vector<64x10xf32>
    %reduce_max3A_59 = arith.constant dense<0xFF800000> : vector<64xf32>
    %reduce_max3A_60 = vector.multi_reduction <maximumf>, %add3A_58, %reduce_max3A_59 [1] : vector<64x10xf32> to vector<64xf32>
    %broadcast_in_dim3A_61 = vector.shape_cast %reduce_max3A_60 : vector<64xf32> to vector<64x1xf32>
    %sub3A_62 = vector.broadcast %broadcast_in_dim3A_61 : vector<64x1xf32> to vector<64x10xf32>
    %sub3A_63 = arith.subf %add3A_58, %sub3A_62 : vector<64x10xf32>
    %exp3A_64 = math.exp %sub3A_63 : vector<64x10xf32>
    %reduce_sum3A_65 = arith.constant dense<0.000000e+00> : vector<64xf32>
    %reduce_sum3A_66 = vector.multi_reduction <add>, %exp3A_64, %reduce_sum3A_65 [1] : vector<64x10xf32> to vector<64xf32>
    %broadcast_in_dim3A_67 = vector.shape_cast %reduce_sum3A_66 : vector<64xf32> to vector<64x1xf32>
    %log3A = math.log %broadcast_in_dim3A_67 : vector<64x1xf32>
    %sub3A_68 = vector.broadcast %log3A : vector<64x1xf32> to vector<64x10xf32>
    %sub3A_69 = arith.subf %sub3A_63, %sub3A_68 : vector<64x10xf32>
    %swap3A = arith.constant 0 : index
    %swap3A_70 = arith.constant 0 : index
    %swap3A_71 = vector.load %arg8[%swap3A, %swap3A_70] : memref<64x10xf32, #tpu.memory_space<vmem>>, vector<64x10xf32>
    tpu.vector_store %arg8[%swap3A, %swap3A_70], %sub3A_69 {strides = array<i32>} : memref<64x10xf32, #tpu.memory_space<vmem>>, vector<64x10xf32>,
    return
  }
}

</mosaic_0001>

<sc_bundles>
// kernel: kernel.10.cloned.1.call-start
scs
__scs_entry_jumppad:
0x0: {  	(pc) =	sbr.rel $0x88, $3  }
0x1: {  	(tag) =	ssettag $0x0;
	lr =	simm.s32 $0x1  }
0x2: {  	[smem:$0x3F8F] =	sst lr;
	_ =	strace $0xD0000000  }
0x3: {  	_ = 	snop  }
0x4: {  	_ = 	snop  }
0x5: {  	_ = 	snop  }
0x6: {  	_ = 	snop  }
0x7: {  	_ = 	snop  }
__scs_overlays_trampoline_lowered:
0x8: {  	[smem:$0x3F9E] =	sst s0  }
0x9: {  	[smem:$0x3F9F] =	sst s1  }
0xa: {  	[smem:$0x3FA0] =	sst s2  }
0xb: {  	[smem:$0x3FA1] =	sst s3  }
0xc: {  	[smem:$0x3FA2] =	sst s4  }
0xd: {  	[smem:$0x3FA3] =	sst s5  }
0xe: {  	[smem:$0x3FA4] =	sst s6  }
0xf: {  	[smem:$0x3FA5] =	sst s7  }
0x10: {  	[smem:$0x3FA6] =	sst s8  }
0x11: {  	[smem:$0x3FA7] =	sst s9;
	s0 =	simm.s32 @!p0 $0x0  }
0x12: {  	s1 =	sld [smem:$0x3F8D];
	s0 =	simm.s32 @p0 $0x1  }
0x13: {  	[smem:$0x3FA8] =	sst s0;
	s0 =	simm.s32 @!p1 $0x0  }
0x14: {  	s2 =	sld [smem:$0x3F8C];
	s0 =	simm.s32 @p1 $0x1  }
0x15: {  	[smem:$0x3FA9] =	sst s0;
	s0 =	simm.s32 @!p2 $0x0  }
0x16: {  	s3 =	sld [smem:$0x3FDB];
	s0 =	simm.s32 @p2 $0x1  }
0x17: {  	s4 =	simm.s32 $0x1BF5;
	[smem:$0x3FAB] =	sst s0  }
0x18: {  	s0 =	sld [smem:$0x3F8E];
	_ =	swait.ge [sflag:s4], $0x0  }
0x19: {  	s7 =	sld [smem:$0x3F8F]  }
0x1a: {  	s8 =	sadd.s32 $0xFFFFE003, lr  }
0x1b: {  	s9 =	sadd.s32 $0xFFFFFEF7, lr;
	s5 =	simm.s32 $0xFFFFFFFF;
	p2 =	slt.u32 s8, $0xFFFFF086  }
0x1c: {  	p1 =	slt.u32 s9, $0xF7A;
	s5 =	simm.s32 @!p2 $0x0  }
0x1d: {  	s5 =	simm.s32 @p1 $0x1;
	p0 =	seq.s32 s7, s2  }
0x1e: {  	s7 =	smul.u32 @!p0 $0xF7A, s2;
	p2 =	seq.s32 @!p0 s5, $0x0  }
0x1f: {  	s9 =	smul.u32 $0xF7A, s1;
	s8 =	simm.s32 @!p0 $0x1BF5;
	p2 =	por !p2, p0  }
0x20: {  	[sflag:s8] =	ssyncset.s32 @!p0 $0xFFFFF086;
	s6 =	sadd.s32 @!p0 s3, s7;
	s7 =	simm.s32 @!p0 $0x108  }
0x21: {  	s3 =	sadd.s32 s3, s9;
	s6 =	sadd.s32 @!p0 $0x88, s6;
	s7 =	simm.s32 @p2 $0x1082  }
0x22: {  	[simem:s7], [sflag:s8] =	dma.local @!p0 [hbm:s6], $0xF7A  }
0x23: {  	s9 =	sor.u32 $0xD0000000, s2;
	s6 =	simm.s32 $0x108;
	_ =	swait.ge @!p0 [sflag:s8], $0x0  }
0x24: {  	s3 =	sadd.s32 $0x88, s3;
	s6 =	simm.s32 @!p1 $0x1082;
	[sflag:s4] =	ssyncset.s32 $0xFFFFF086  }
0x25: {  	[simem:s6], [sflag:s4] =	dma.local [hbm:s3], $0xF7A  }
0x26: {  	[smem:$0x3F8F] =	sst s1;
	(tag) =	ssettag s2;
	_ =	strace s9  }
0x27: {  	s1 =	sld [smem:$0x3F9F]  }
0x28: {  	s2 =	sld [smem:$0x3FA0]  }
0x29: {  	s4 =	sld [smem:$0x3FA2]  }
0x2a: {  	p0 =	seq.s32 s5, $0x0;
	s5 =	sld [smem:$0x3FA3]  }
0x2b: {  	s6 =	sld [smem:$0x3FA4]  }
0x2c: {  	s7 =	sld [smem:$0x3FA5]  }
0x2d: {  	s3 =	simm.s32 $0x108;
	s8 =	sld [smem:$0x3FA6]  }
0x2e: {  	s3 =	simm.s32 @!p0 $0x1082;
	s9 =	sld [smem:$0x3FA7]  }
0x2f: {  	lr =	sadd.s32 s0, s3;
	s0 =	sld [smem:$0x3F9E]  }
0x30: {  	s3 =	sld [smem:$0x3FA1]  }
0x31: {  	[smem:$0x3FAA] =	sst s10  }
0x32: {  	s10 =	sld [smem:$0x3FA8];
	_ =	sdelay $0x3  }
0x33: {  	p0 =	seq.s32 s10, $0x1;
	s10 =	sld [smem:$0x3FAA];
	_ =	sdelay $0x3  }
0x34: {  	[smem:$0x3FAA] =	sst s10  }
0x35: {  	s10 =	sld [smem:$0x3FA9];
	_ =	sdelay $0x3  }
0x36: {  	p1 =	seq.s32 s10, $0x1;
	s10 =	sld [smem:$0x3FAA];
	_ =	sdelay $0x3  }
0x37: {  	[smem:$0x3FAA] =	sst s10  }
0x38: {  	s10 =	sld [smem:$0x3FAB]  }
0x39: {  	_ = 	snop;
	(pc) =	sbr.ind lr, $3  }
0x3a: {  	_ = 	snop  }
0x3b: {  	_ = 	snop  }
0x3c: {  	p2 =	seq.s32 s10, $0x1;
	s10 =	sld [smem:$0x3FAA]  }
0x3d: {  	_ =	shalt  }
0x3e: {  	_ =	shalt  }
0x3f: {  	_ =	shalt  }
0x40: {  	_ =	shalt  }
0x41: {  	_ =	shalt  }
0x42: {  	_ =	shalt  }
0x43: {  	_ =	shalt  }
0x44: {  	_ =	shalt  }
0x45: {  	_ =	shalt  }
0x46: {  	_ =	shalt  }
0x47: {  	_ =	shalt  }
0x48: {  	_ =	shalt  }
0x49: {  	_ =	shalt  }
0x4a: {  	_ =	shalt  }
0x4b: {  	_ =	shalt  }
0x4c: {  	_ =	shalt  }
0x4d: {  	_ =	shalt  }
0x4e: {  	_ =	shalt  }
0x4f: {  	_ =	shalt  }
0x50: {  	_ =	shalt  }
0x51: {  	_ =	shalt  }
0x52: {  	_ =	shalt  }
0x53: {  	_ =	shalt  }
0x54: {  	_ =	shalt  }
0x55: {  	_ =	shalt  }
0x56: {  	_ =	shalt  }
0x57: {  	_ =	shalt  }
0x58: {  	_ =	shalt  }
0x59: {  	_ =	shalt  }
0x5a: {  	_ =	shalt  }
0x5b: {  	_ =	shalt  }
0x5c: {  	_ =	shalt  }
0x5d: {  	_ =	shalt  }
0x5e: {  	_ =	shalt  }
0x5f: {  	_ =	shalt  }
0x60: {  	_ =	shalt  }
0x61: {  	_ =	shalt  }
0x62: {  	_ =	shalt  }
0x63: {  	_ =	shalt  }
0x64: {  	_ =	shalt  }
0x65: {  	_ =	shalt  }
0x66: {  	_ =	shalt  }
0x67: {  	_ =	shalt  }
0x68: {  	_ =	shalt  }
0x69: {  	_ =	shalt  }
0x6a: {  	_ =	shalt  }
0x6b: {  	_ =	shalt  }
0x6c: {  	_ =	shalt  }
0x6d: {  	_ =	shalt  }
0x6e: {  	_ =	shalt  }
0x6f: {  	_ =	shalt  }
0x70: {  	_ =	shalt  }
0x71: {  	_ =	shalt  }
0x72: {  	_ =	shalt  }
0x73: {  	_ =	shalt  }
0x74: {  	_ =	shalt  }
0x75: {  	_ =	shalt  }
0x76: {  	_ =	shalt  }
0x77: {  	_ =	shalt  }
0x78: {  	_ =	shalt  }
0x79: {  	_ =	shalt  }
0x7a: {  	_ =	shalt  }
0x7b: {  	_ =	shalt  }
0x7c: {  	_ =	shalt  }
0x7d: {  	_ =	shalt  }
0x7e: {  	_ =	shalt  }
0x7f: {  	_ =	shalt  }
0x80: {  	_ =	shalt  }
0x81: {  	_ =	shalt  }
0x82: {  	_ =	shalt  }
0x83: {  	_ =	shalt  }
0x84: {  	_ =	shalt  }
0x85: {  	_ =	shalt  }
0x86: {  	_ =	shalt  }
0x87: {  	_ =	shalt  }
.Lfunc_end0:
.L_simem_size_0:
called_computation_lowered:
.L_overlay_start_0:
0x88: {  	s2 =	sld [smem:$0x3FD9]  }
0x89: {  	s3 =	sld [smem:$0x3FFE];
	_ =	sdelay $0x1  }
0x8a: {  	s1 =	srdreg.scid  }
0x8b: {  	s0 =	sand.u32 $0x1, s1  }
0x8c: {  	s16 =	sshll.u32 s0, $0xA;
	s2 =	sadd.s32 s3, s2  }
0x8d: {  	s2 =	sadd.s32 s2, s16  }
0x8e: {  	[smem:$0x3FB6] =	sst s2  }
0x8f: {  	_ = 	snop  }
0x90: {  	(tm) =	ssettm $0x1  }
0x91: {  	s17 =	sld [smem:$0x3FFB];
	_ =	sdelay $0x3  }
0x92: {  	_ =	strace s17  }
0x93: {  	s2 =	sld [smem:$0x3FFC];
	_ =	sdelay $0x3  }
0x94: {  	_ =	strace s2  }
0x95: {  	s2 =	sld [smem:$0x3FFD];
	_ =	sdelay $0x3  }
0x96: {  	_ =	strace s2  }
0x97: {  	_ =	strace $0x8FFFFFFF  }
0x98: {  	s18 =	sld [smem:$0x3FDB];
	_ =	sdelay $0x1  }
0x99: {  	s19 =	simm.s32 $_scs_section_size  }
0x9a: {  	s4 =	simm.s32 $_size__tile_overlayer_lowered;
	s5 =	simm.s32 $_tile_overlayer_lowered  }
0x9b: {  	s22 =	simm.s32 $0x1BFF;
	s21 =	sshll.u32 s5, $0x1;
	s2 =	sadd.s32 s19, s18  }
0x9c: {  	s6 =	simm.s32 $0x0;
	s20 =	sshll.u32 s4, $0x1;
	s4 =	sadd.s32 s21, s2  }
0x9d: {  	[timem:s6], [sflag:s22] =	dma.local [hbm:s4], s20  }
0x9e: {  	_ =	swait.ge [sflag:s22], s20  }
0x9f: {  	s3 =	ssub.s32 $0x0, s20;
	[sflag:s22] =	ssyncset.done $0x0  }
0xa0: {  	[sflag:s22] =	ssyncadd.s32 s3;
	_ =	sdelay $0x1  }
0xa1: {  	s23 =	simm.s32 $0x1B8B  }
0xa2: {  	_ =	swait.ge [sflag:s23], $0x1  }
0xa3: {  	[sflag:s23] =	ssyncset.done $0x0  }
0xa4: {  	s25 =	simm.s32 $0x1B8E;
	s24 =	sld [smem:$0x3FFE];
	[sflag:s23] =	ssyncadd.s32 $0xFFFFFFFF  }
0xa5: {  	s26 =	simm.s32 $execute0_lowered;
	[smem:$0x3FD2] =	sst s25  }
0xa6: {  	s4 =	sshll.u32 s26, $0x1;
	_ =	strace $0x80000046;
	[dreg:$0x1] =	wrdreg $0xFFFFFFFF  }
0xa7: {  	s28 =	simm.s32 $_size_execute0_lowered;
	s2 =	sadd.s32 s2, s4;
	[dreg:$0x0] =	wrdreg $0x0  }
0xa8: {  	s4 =	sshll.u32 s28, $0x1;
	[dreg:$0x2] =	wrdreg s2  }
0xa9: {  	[dreg:$0x3] =	wrdreg s4  }
0xaa: {  	[dreg:$0x4] =	wrdreg $0xC0  }
0xab: {  	_ =	task [dreg:s6], $0x5FFFF  }
0xac: {  	[dreg:$0x1] =	wrdreg $0xFFFFFFFF  }
0xad: {  	[dreg:$0x0] =	wrdreg $0x60  }
0xae: {  	[dreg:$0x2] =	wrdreg s24  }
0xaf: {  	[dreg:$0x3] =	wrdreg $0x0  }
0xb0: {  	[dreg:$0x4] =	wrdreg $0x9  }
0xb1: {  	_ =	task.clear_ibuf [dreg:s6], $0x5FFFF;
	_ =	strace $0x90000046  }
0xb2: {  	s29 =	simm.s32 $0x9;
	_ =	strace $0x80000048  }
0xb3: {  	_ =	swait.ge [sflag:s29], $0x1  }
0xb4: {  	[sflag:s29] =	ssyncadd.s32 $0xFFFFFFFF  }
0xb5: {  	_ =	strace $0x90000048  }
0xb6: {  	_ =	sfence  }
0xb7: {  	s30 =	sld [smem:$0x0];
	_ =	sdelay $0x2  }
0xb8: {  	s31 =	sshll.u32 s1, $0xD;
	s1 =	sshrl.u32 s1, $0x2  }
0xb9: {  	s3 =	sand.u32 $0x4000, s31;
	s1 =	sadd.s32 s1, s30  }
0xba: {  	s0 =	sor.u32 s3, s0;
	s1 =	sshll.u32 s1, $0x11  }
0xbb: {  	s0 =	sor.u32 s1, s0  }
0xbc: {  	s0 =	sadd.s32 $0x8F2B, s0  }
0xbd: {  	[sflag:s0] =	ssyncadd.remote.s32 $0x1  }
0xbe: {  	_ =	sfence.sel $0xFFFF  }
0xbf: {  	[dreg:$0x0] =	wrdreg $0xFFFFFFFF;
	(pc) =	sbr.abs _section_cstart, $3  }
0xc0: {  	[dreg:$0x1] =	wrdreg $0xFFFFFFFF  }
0xc1: {  	_ =	task.clear_ibuf [dreg:s6], $0x2FFFF;
	_ =	strace $0x9FFFFFFF  }
0xc2: {  	(tm) =	ssettm $0x7FFFFFFF  }
0xc3: {  	_ =	shalt  }
tec
execute0_lowered:
.L_overlay_start_1:
0x0: {  	(tag) =	ssettag $0x1  }
0x1: {  	s0 =	srdreg.scid  }
0x2: {  	s1 =	rddreg [dreg:$0x0];
	s24 =	stileid.u32  }
0x3: {  	s5 =	rddreg [dreg:$0x1];
	s3 =	simm.s32 $0x0;
	s25 =	simm.s32 $0x1  }
0x4: {  	s26 =	simm.s32 $0x5000;
	s0 =	sand.u32 $0x1, s0;
	s29 =	smul.u32 $0xA000, s24  }
0x5: {  	[smem:$0x7FF] =	sst s3;
	s19 =	smul.u32 $0x280, s24;
	p0 =	seq.s32 s24, $0xF  }
0x6: {  	s2 =	sshll.u32 s0, $0x4;
	_ =	strace $0x80000047;
	s4 =	ssub.s32 $0x2, s0  }
0x7: {  	s0 =	smul.u32 $0x2710, s0;
	s2 =	sor.u32 s24, s2;
	s6 =	sshrl.u32 s4, $0x1  }
0x8: {  	s30 =	sshrl.u32 s29, $0x2;
	s3 =	sadd.s32 s19, s5;
	s24 =	simm.s32 $0x0  }
0x9: {  	s2 =	smul.u32 $0x500, s2;
	s23 =	ssub.s32 s4, s6;
	s5 =	sadd.s32 s30, s5  }
0xa: {  	s6 =	sadd.s32 $0x2800, s3;
	s7 =	sadd.s32 $0x5000, s3;
	s8 =	sadd.s32 $0x7800, s3  }
0xb: {  	s9 =	sadd.s32 $0xA000, s3;
	s10 =	sadd.s32 $0xC800, s3;
	s11 =	sadd.s32 $0xF000, s3  }
0xc: {  	s12 =	sadd.s32 $0x11800, s3;
	s13 =	sadd.s32 $0x14000, s3;
	s14 =	sadd.s32 $0x16800, s3  }
0xd: {  	s15 =	sadd.s32 $0x19000, s3;
	s16 =	sadd.s32 $0x1B800, s3;
	s17 =	sadd.s32 $0x1E000, s3  }
0xe: {  	s18 =	sadd.s32 $0x20800, s3;
	s31 =	sadd.s32 s19, s0;
	s0 =	sshrl.u32 s0, $0x3  }
0xf: {  	s19 =	sadd.s32 $0x23000, s3;
	s20 =	sadd.s32 $0x25800, s3;
	s2 =	sadd.s32 s2, s1  }
0x10: {  	s1 =	sadd.s32 $0xDE00, s1;
	s4 =	sadd.s32 $0x3E00, s2;
	s2 =	sshrl.u32 s31, $0x3  }
0x11: {  	s23 =	smax.u32 s23, $0x1;
	s0 =	sadd.s32 s1, s0;
	s21 =	sadd.s32 s1, s2  }
0x12: {  	v0 =	vimm.f32 $0.0e+00;
	v1 =	vimm.f32 $1.000000000e+00;
	s22 =	sadd.s32 $0x4B0, s0;
	s0 =	simm.s32 $0x9B00;
	s2 =	simm.s32 $0x9D80  }
.LBB2_1:
0x13: {  	s1 =	simm.s32 $0x0;
	s28 =	simm.s32 $0x2800  }
0x14: {  	[tilespmem:s28], [sflag:$0x1] =	stream.linear.gather [hbm4b:s4+s1], $0x2800, $0x38;
	[tilespmem:$0xA280] =	vst v63  }
0x15: {  	_ =	swait.ge [sflag:s25], $0x2800  }
0x16: {  	[sflag:s25] =	ssyncset.done $0x0  }
0x17: {  	s28 =	simm.s32 $0x0;
	[sflag:s25] =	ssyncadd.s32 $0xFFFFD800  }
.LBB2_2:
0x18: {  	p1 =	sne.s32 s28, $0x9FC0  }
.Ltmp0:
0x19: {  	_ = 	snop;
	(pc) =	sbr.rel @p1 .LBB2_2-.Ltmp0, $3  }
0x1a: {  	_ =	sdelay $0x1  }
0x1b: {  	s29 =	sshra.s32 s28, $0x2  }
0x1c: {  	s28 =	sadd.s32 $0x40, s28;
	[tilespmem:s29+$0x5000] =	vst v0  }
0x1d: {  	s29 =	simm.s32 $0x0;
	s28 =	simm.s32 $0x40  }
.LBB2_4:
0x1e: {  	p1 =	sne.s32 s28, $0x9FC0;
	v2 =	vld [tilespmem:s29+$0x2800];
	_ =	sdelay $0x3  }
.Ltmp1:
0x1f: {  	(pc) =	sbr.rel @p1 .LBB2_4-.Ltmp1, $2  }
0x20: {  	_ =	sdelay $0x2  }
0x21: {  	s29 =	sshra.s32 s28, $0x2;
	s28 =	sadd.s32 $0x40, s28;
	[tilespmem:v2+s26+$0x0] =	vst.idx.add.f32.msk $0xffff, v1  }
0x22: {  	v2 =	vld [tilespmem:s29+$0x2800];
	_ =	sdelay $0x7  }
0x23: {  	[tilespmem:v2+s26+$0x0] =	vst.idx.add.f32.msk $0xffff, v1  }
0x24: {  	[spmem:s5] =	stream.linear.scatter [tilespmem:s26], [sflag:$0x1], $0x2800, $0x38;
	[tilespmem:$0xA280] =	vst v63  }
0x25: {  	_ =	swait.ge [sflag:s25], $0x2800  }
0x26: {  	[sflag:s25] =	ssyncset.done $0x0  }
0x27: {  	[sflag:s25] =	ssyncadd.s32 $0xFFFFD800  }
0x28: {  	s28 =	simm.s32 $0x7800;
	[bflag:$0x0] =	sbarrier.arrive $0xFFFF  }
0x29: {  	[tilespmem:s28], [sflag:$0x1] =	stream.linear.gather [spmem:s3], $0x280, $0x38;
	[tilespmem:$0xA280] =	vst v63  }
0x2a: {  	_ =	swait.ge [sflag:s25], $0x280  }
0x2b: {  	[sflag:s25] =	ssyncset.done $0x0  }
0x2c: {  	s1 =	simm.s32 $0x7A80;
	[sflag:s25] =	ssyncadd.s32 $0xFFFFFD80  }
0x2d: {  	[tilespmem:s1], [sflag:$0x1] =	stream.linear.gather [spmem:s6], $0x280, $0x38;
	[tilespmem:$0xA280] =	vst v63  }
0x2e: {  	_ =	swait.ge [sflag:s25], $0x280  }
0x2f: {  	[sflag:s25] =	ssyncset.done $0x0  }
0x30: {  	s1 =	simm.s32 $0x7D00;
	[sflag:s25] =	ssyncadd.s32 $0xFFFFFD80  }
0x31: {  	[tilespmem:s1], [sflag:$0x1] =	stream.linear.gather [spmem:s7], $0x280, $0x38;
	[tilespmem:$0xA280] =	vst v63  }
0x32: {  	_ =	swait.ge [sflag:s25], $0x280  }
0x33: {  	[sflag:s25] =	ssyncset.done $0x0  }
0x34: {  	s1 =	simm.s32 $0x7F80;
	[sflag:s25] =	ssyncadd.s32 $0xFFFFFD80  }
0x35: {  	[tilespmem:s1], [sflag:$0x1] =	stream.linear.gather [spmem:s8], $0x280, $0x38;
	[tilespmem:$0xA280] =	vst v63  }
0x36: {  	_ =	swait.ge [sflag:s25], $0x280  }
0x37: {  	[sflag:s25] =	ssyncset.done $0x0  }
0x38: {  	s1 =	simm.s32 $0x8200;
	[sflag:s25] =	ssyncadd.s32 $0xFFFFFD80  }
0x39: {  	[tilespmem:s1], [sflag:$0x1] =	stream.linear.gather [spmem:s9], $0x280, $0x38;
	[tilespmem:$0xA280] =	vst v63  }
0x3a: {  	_ =	swait.ge [sflag:s25], $0x280  }
0x3b: {  	[sflag:s25] =	ssyncset.done $0x0  }
0x3c: {  	s1 =	simm.s32 $0x8480;
	[sflag:s25] =	ssyncadd.s32 $0xFFFFFD80  }
0x3d: {  	[tilespmem:s1], [sflag:$0x1] =	stream.linear.gather [spmem:s10], $0x280, $0x38;
	[tilespmem:$0xA280] =	vst v63  }
0x3e: {  	_ =	swait.ge [sflag:s25], $0x280  }
0x3f: {  	[sflag:s25] =	ssyncset.done $0x0  }
0x40: {  	s1 =	simm.s32 $0x8700;
	[sflag:s25] =	ssyncadd.s32 $0xFFFFFD80  }
0x41: {  	[tilespmem:s1], [sflag:$0x1] =	stream.linear.gather [spmem:s11], $0x280, $0x38;
	[tilespmem:$0xA280] =	vst v63  }
0x42: {  	_ =	swait.ge [sflag:s25], $0x280  }
0x43: {  	[sflag:s25] =	ssyncset.done $0x0  }
0x44: {  	s1 =	simm.s32 $0x8980;
	[sflag:s25] =	ssyncadd.s32 $0xFFFFFD80  }
0x45: {  	[tilespmem:s1], [sflag:$0x1] =	stream.linear.gather [spmem:s12], $0x280, $0x38;
	[tilespmem:$0xA280] =	vst v63  }
0x46: {  	_ =	swait.ge [sflag:s25], $0x280  }
0x47: {  	[sflag:s25] =	ssyncset.done $0x0  }
0x48: {  	s1 =	simm.s32 $0x8C00;
	[sflag:s25] =	ssyncadd.s32 $0xFFFFFD80  }
0x49: {  	[tilespmem:s1], [sflag:$0x1] =	stream.linear.gather [spmem:s13], $0x280, $0x38;
	[tilespmem:$0xA280] =	vst v63  }
0x4a: {  	_ =	swait.ge [sflag:s25], $0x280  }
0x4b: {  	[sflag:s25] =	ssyncset.done $0x0  }
0x4c: {  	s1 =	simm.s32 $0x8E80;
	[sflag:s25] =	ssyncadd.s32 $0xFFFFFD80  }
0x4d: {  	[tilespmem:s1], [sflag:$0x1] =	stream.linear.gather [spmem:s14], $0x280, $0x38;
	[tilespmem:$0xA280] =	vst v63  }
0x4e: {  	_ =	swait.ge [sflag:s25], $0x280  }
0x4f: {  	[sflag:s25] =	ssyncset.done $0x0  }
0x50: {  	s1 =	simm.s32 $0x9100;
	[sflag:s25] =	ssyncadd.s32 $0xFFFFFD80  }
0x51: {  	[tilespmem:s1], [sflag:$0x1] =	stream.linear.gather [spmem:s15], $0x280, $0x38;
	[tilespmem:$0xA280] =	vst v63  }
0x52: {  	_ =	swait.ge [sflag:s25], $0x280  }
0x53: {  	[sflag:s25] =	ssyncset.done $0x0  }
0x54: {  	s1 =	simm.s32 $0x9380;
	[sflag:s25] =	ssyncadd.s32 $0xFFFFFD80  }
0x55: {  	[tilespmem:s1], [sflag:$0x1] =	stream.linear.gather [spmem:s16], $0x280, $0x38;
	[tilespmem:$0xA280] =	vst v63  }
0x56: {  	_ =	swait.ge [sflag:s25], $0x280  }
0x57: {  	[sflag:s25] =	ssyncset.done $0x0  }
0x58: {  	s1 =	simm.s32 $0x9600;
	[sflag:s25] =	ssyncadd.s32 $0xFFFFFD80  }
0x59: {  	[tilespmem:s1], [sflag:$0x1] =	stream.linear.gather [spmem:s17], $0x280, $0x38;
	[tilespmem:$0xA280] =	vst v63  }
0x5a: {  	_ =	swait.ge [sflag:s25], $0x280  }
0x5b: {  	[sflag:s25] =	ssyncset.done $0x0  }
0x5c: {  	s1 =	simm.s32 $0x9880;
	[sflag:s25] =	ssyncadd.s32 $0xFFFFFD80  }
0x5d: {  	[tilespmem:s1], [sflag:$0x1] =	stream.linear.gather [spmem:s18], $0x280, $0x38;
	[tilespmem:$0xA280] =	vst v63  }
0x5e: {  	_ =	swait.ge [sflag:s25], $0x280  }
0x5f: {  	[sflag:s25] =	ssyncset.done $0x0  }
0x60: {  	[sflag:s25] =	ssyncadd.s32 $0xFFFFFD80  }
0x61: {  	[tilespmem:s0], [sflag:$0x1] =	stream.linear.gather [spmem:s19], $0x280, $0x38;
	[tilespmem:$0xA280] =	vst v63  }
0x62: {  	_ =	swait.ge [sflag:s25], $0x280  }
0x63: {  	[sflag:s25] =	ssyncset.done $0x0  }
0x64: {  	[sflag:s25] =	ssyncadd.s32 $0xFFFFFD80  }
0x65: {  	[tilespmem:s2], [sflag:$0x1] =	stream.linear.gather [spmem:s20], $0x280, $0x38;
	[tilespmem:$0xA280] =	vst v63  }
0x66: {  	_ =	swait.ge [sflag:s25], $0x280  }
0x67: {  	[sflag:s25] =	ssyncset.done $0x0  }
0x68: {  	[sflag:s25] =	ssyncadd.s32 $0xFFFFFD80  }
0x69: {  	s29 =	simm.s32 $0x0;
	v2 =	vld [tilespmem:s28+$0x0]  }
0x6a: {  	s28 =	sand.u32 $0x3F0, s29  }
0x6b: {  	v3 =	vld [tilespmem:s28+$0x7A80];
	_ =	sdelay $0x1  }
0x6c: {  	v4 =	vld [tilespmem:s28+$0x7D00]  }
0x6d: {  	v2 =	vadd.f32 $0.0e+00, v2  }
0x6e: {  	v5 =	vld [tilespmem:s28+$0x7F80]  }
0x6f: {  	v2 =	vadd.f32 v3, v2  }
0x70: {  	v3 =	vld [tilespmem:s28+$0x8200]  }
0x71: {  	v2 =	vadd.f32 v4, v2  }
0x72: {  	v56 =	vld [tilespmem:s28+$0x8480]  }
0x73: {  	v2 =	vadd.f32 v5, v2  }
0x74: {  	v57 =	vld [tilespmem:s28+$0x8700]  }
0x75: {  	v2 =	vadd.f32 v3, v2  }
0x76: {  	v3 =	vld [tilespmem:s28+$0x8980]  }
0x77: {  	v2 =	vadd.f32 v56, v2  }
0x78: {  	v58 =	vld [tilespmem:s28+$0x8C00]  }
0x79: {  	v2 =	vadd.f32 v57, v2  }
0x7a: {  	v59 =	vld [tilespmem:s28+$0x8E80]  }
0x7b: {  	v2 =	vadd.f32 v3, v2  }
0x7c: {  	v3 =	vld [tilespmem:s28+$0x9100]  }
0x7d: {  	v2 =	vadd.f32 v58, v2  }
0x7e: {  	v60 =	vld [tilespmem:s28+$0x9380]  }
0x7f: {  	v2 =	vadd.f32 v59, v2  }
0x80: {  	v61 =	vld [tilespmem:s28+$0x9600]  }
0x81: {  	v2 =	vadd.f32 v3, v2  }
0x82: {  	v3 =	vld [tilespmem:s28+$0x9880]  }
0x83: {  	v2 =	vadd.f32 v60, v2  }
0x84: {  	v62 =	vld [tilespmem:s28+$0x9B00]  }
0x85: {  	v2 =	vadd.f32 v61, v2  }
0x86: {  	v63 =	vld [tilespmem:s28+$0x9D80]  }
0x87: {  	v2 =	vadd.f32 v3, v2;
	_ =	sdelay $0x1  }
0x88: {  	v2 =	vadd.f32 v62, v2;
	_ =	sdelay $0x1  }
0x89: {  	v2 =	vadd.f32 v63, v2  }
0x8a: {  	s28 =	simm.s32 $0xA000  }
0x8b: {  	s29 =	simm.s32 $0x7810;
	[tilespmem:s28+$0x0] =	vst v2  }
0x8c: {  	s30 =	simm.s32 $0x10;
	s31 =	simm.s32 $0x20;
	v2 =	vld [tilespmem:s29+$0x0]  }
.LBB2_6:
0x8d: {  	p1 =	sne.s32 s31, $0x270;
	s1 =	sand.u32 $0x3F0, s30;
	s30 =	smov.u32 s31  }
0x8e: {  	v3 =	vld [tilespmem:s1+$0x7A80];
	_ =	sdelay $0x1  }
0x8f: {  	v4 =	vld [tilespmem:s1+$0x7D00]  }
0x90: {  	v2 =	vadd.f32 $0.0e+00, v2  }
0x91: {  	v5 =	vld [tilespmem:s1+$0x7F80]  }
0x92: {  	v2 =	vadd.f32 v3, v2  }
0x93: {  	v3 =	vld [tilespmem:s1+$0x8200]  }
0x94: {  	v2 =	vadd.f32 v4, v2  }
0x95: {  	v4 =	vld [tilespmem:s1+$0x8480]  }
0x96: {  	v2 =	vadd.f32 v5, v2  }
0x97: {  	v5 =	vld [tilespmem:s1+$0x8700]  }
0x98: {  	v2 =	vadd.f32 v3, v2  }
0x99: {  	v3 =	vld [tilespmem:s1+$0x8980]  }
0x9a: {  	v2 =	vadd.f32 v4, v2  }
0x9b: {  	v4 =	vld [tilespmem:s1+$0x8C00]  }
0x9c: {  	v2 =	vadd.f32 v5, v2  }
0x9d: {  	v5 =	vld [tilespmem:s1+$0x8E80]  }
0x9e: {  	v2 =	vadd.f32 v3, v2  }
0x9f: {  	v3 =	vld [tilespmem:s1+$0x9100]  }
0xa0: {  	v2 =	vadd.f32 v4, v2  }
0xa1: {  	v4 =	vld [tilespmem:s1+$0x9380]  }
0xa2: {  	v2 =	vadd.f32 v5, v2  }
0xa3: {  	v5 =	vld [tilespmem:s1+$0x9600]  }
0xa4: {  	v2 =	vadd.f32 v3, v2  }
0xa5: {  	v3 =	vld [tilespmem:s1+$0x9880]  }
0xa6: {  	v2 =	vadd.f32 v4, v2  }
0xa7: {  	v4 =	vld [tilespmem:s1+$0x9B00]  }
0xa8: {  	v2 =	vadd.f32 v5, v2  }
0xa9: {  	v5 =	vld [tilespmem:s1+$0x9D80]  }
0xaa: {  	v2 =	vadd.f32 v3, v2;
	_ =	sdelay $0x1  }
0xab: {  	v2 =	vadd.f32 v4, v2  }
.Ltmp2:
0xac: {  	(pc) =	sbr.rel @p1 .LBB2_6-.Ltmp2, $4  }
0xad: {  	v2 =	vadd.f32 v5, v2  }
0xae: {  	s28 =	sadd.s32 $0x10, s28  }
0xaf: {  	s29 =	sadd.s32 $0x10, s29;
	[tilespmem:s28+$0x0] =	vst v2  }
0xb0: {  	s31 =	sadd.s32 $0x10, s31;
	v2 =	vld [tilespmem:s29+$0x0]  }
0xb1: {  	s1 =	sand.u32 $0x3F0, s30  }
0xb2: {  	v3 =	vld [tilespmem:s1+$0x7A80];
	_ =	sdelay $0x1  }
0xb3: {  	v4 =	vld [tilespmem:s1+$0x7D00]  }
0xb4: {  	v2 =	vadd.f32 $0.0e+00, v2  }
0xb5: {  	v5 =	vld [tilespmem:s1+$0x7F80]  }
0xb6: {  	v2 =	vadd.f32 v3, v2  }
0xb7: {  	v3 =	vld [tilespmem:s1+$0x8200]  }
0xb8: {  	v2 =	vadd.f32 v4, v2  }
0xb9: {  	v56 =	vld [tilespmem:s1+$0x8480]  }
0xba: {  	v2 =	vadd.f32 v5, v2  }
0xbb: {  	v57 =	vld [tilespmem:s1+$0x8700]  }
0xbc: {  	v2 =	vadd.f32 v3, v2  }
0xbd: {  	v3 =	vld [tilespmem:s1+$0x8980]  }
0xbe: {  	v2 =	vadd.f32 v56, v2  }
0xbf: {  	v58 =	vld [tilespmem:s1+$0x8C00]  }
0xc0: {  	v2 =	vadd.f32 v57, v2  }
0xc1: {  	v59 =	vld [tilespmem:s1+$0x8E80]  }
0xc2: {  	v2 =	vadd.f32 v3, v2  }
0xc3: {  	v3 =	vld [tilespmem:s1+$0x9100]  }
0xc4: {  	v2 =	vadd.f32 v58, v2  }
0xc5: {  	v60 =	vld [tilespmem:s1+$0x9380]  }
0xc6: {  	v2 =	vadd.f32 v59, v2  }
0xc7: {  	v61 =	vld [tilespmem:s1+$0x9600]  }
0xc8: {  	v2 =	vadd.f32 v3, v2  }
0xc9: {  	v3 =	vld [tilespmem:s1+$0x9880]  }
0xca: {  	v2 =	vadd.f32 v60, v2  }
0xcb: {  	v62 =	vld [tilespmem:s1+$0x9B00]  }
0xcc: {  	v2 =	vadd.f32 v61, v2  }
0xcd: {  	v63 =	vld [tilespmem:s1+$0x9D80]  }
0xce: {  	v2 =	vadd.f32 v3, v2;
	_ =	sdelay $0x1  }
0xcf: {  	v2 =	vadd.f32 v62, v2;
	_ =	sdelay $0x1  }
0xd0: {  	v2 =	vadd.f32 v63, v2  }
0xd1: {  	s31 =	sadd.s32 $0x10, s28  }
0xd2: {  	s28 =	simm.s32 @p0 $0xA000;
	s1 =	simm.s32 @p0 $0x0;
	[tilespmem:s31+$0x0] =	vst v2  }
0xd3: {  	[hbm4b:s22+s1] =	stream.linear.scatter @p0 [tilespmem:s28], [sflag:$0x1], $0x190, $0x38;
	[tilespmem:$0xA280] =	vst v63  }
0xd4: {  	s1 =	simm.s32 @p0 $0x1  }
0xd5: {  	s24 =	sadd.s32 $0x1, s24;
	_ =	swait.ge @p0 [sflag:s1], $0x190  }
0xd6: {  	p1 =	sne.s32 s24, s23;
	[sflag:s1] =	ssyncset.done @p0 $0x0  }
0xd7: {  	s28 =	simm.s32 @!p0 $0xA000;
	[sflag:s1] =	ssyncadd.s32 @p0 $0xFFFFFE70;
	s1 =	simm.s32 @!p0 $0x0  }
0xd8: {  	[hbm4b:s21+s1] =	stream.linear.scatter @!p0 [tilespmem:s28], [sflag:$0x1], $0x280, $0x38;
	[tilespmem:$0xA280] =	vst v63  }
.Ltmp3:
0xd9: {  	_ = 	snop;
	(pc) =	sbr.rel @p1 .LBB2_1-.Ltmp3, $4  }
0xda: {  	s1 =	simm.s32 @!p0 $0x1  }
0xdb: {  	_ =	swait.ge @!p0 [sflag:s1], $0x280  }
0xdc: {  	[sflag:s1] =	ssyncset.done @!p0 $0x0  }
0xdd: {  	[sflag:s1] =	ssyncadd.s32 @!p0 $0xFFFFFD80  }
0xde: {  	_ =	sfence.sel $0x180000  }
0xdf: {  	[bflag:$0x0] =	sbarrier.arrive $0xFFFF  }
0xe0: {  	_ =	strace $0x90000047  }
0xe1: {  	s0 =	stileid.u32;
	[bflag:$0x2] =	sbarrier.arrive $0xFFFF  }
0xe2: {  	p0 =	sne.s32 s0, $0x0;
	s0 =	rddreg [dreg:$0x2]  }
0xe3: {  	s0 =	sadd.s32 @!p0 $0x100000, s0  }
0xe4: {  	[sflag:s0] =	ssyncadd.tile.s32 @!p0 $0x1;
	_ =	shalt  }
.Lfunc_end2:
_tile_overlayer_lowered:
.L_overlay_start_2:
0xe5: {  	(tag) =	ssettag $0x2  }
0xe6: {  	s0 =	rddreg [dreg:$0x0];
	s2 =	stileid.u32  }
0xe7: {  	s1 =	rddreg [dreg:$0x1];
	p0 =	sne.s32 s2, $0x0  }
0xe8: {  	s3 =	rddreg [dreg:$0x2];
	[bflag:$0x3] =	sbarrier.arrive $0xFFFF;
	s2 =	simm.s32 @!p0 $0x1C01  }
0xe9: {  	[timem:s3], [sflag:s2] =	dma.local @!p0 [hbm:s0], s1  }
0xea: {  	s0 =	simm.s32 @!p0 $0x1  }
0xeb: {  	_ =	swait.ge @!p0 [sflag:s0], s1  }
0xec: {  	s1 =	ssub.s32 @!p0 $0x0, s1;
	[sflag:s0] =	ssyncset.done @!p0 $0x0  }
0xed: {  	[sflag:s0] =	ssyncadd.s32 @!p0 s1  }
0xee: {  	[bflag:$0x3] =	sbarrier.arrive $0xFFFF  }
0xef: {  	_ =	shalt  }

// kernel: kernel.13.cloned.1.call-start
scs
__scs_entry_jumppad:
0x0: {  	(pc) =	sbr.rel $0x88, $3  }
0x1: {  	(tag) =	ssettag $0x0;
	lr =	simm.s32 $0x1  }
0x2: {  	[smem:$0x3F8F] =	sst lr;
	_ =	strace $0xD0000000  }
0x3: {  	_ = 	snop  }
0x4: {  	_ = 	snop  }
0x5: {  	_ = 	snop  }
0x6: {  	_ = 	snop  }
0x7: {  	_ = 	snop  }
__scs_overlays_trampoline_lowered:
0x8: {  	[smem:$0x3F9E] =	sst s0  }
0x9: {  	[smem:$0x3F9F] =	sst s1  }
0xa: {  	[smem:$0x3FA0] =	sst s2  }
0xb: {  	[smem:$0x3FA1] =	sst s3  }
0xc: {  	[smem:$0x3FA2] =	sst s4  }
0xd: {  	[smem:$0x3FA3] =	sst s5  }
0xe: {  	[smem:$0x3FA4] =	sst s6  }
0xf: {  	[smem:$0x3FA5] =	sst s7  }
0x10: {  	[smem:$0x3FA6] =	sst s8  }
0x11: {  	[smem:$0x3FA7] =	sst s9;
	s0 =	simm.s32 @!p0 $0x0  }
0x12: {  	s1 =	sld [smem:$0x3F8D];
	s0 =	simm.s32 @p0 $0x1  }
0x13: {  	[smem:$0x3FA8] =	sst s0;
	s0 =	simm.s32 @!p1 $0x0  }
0x14: {  	s2 =	sld [smem:$0x3F8C];
	s0 =	simm.s32 @p1 $0x1  }
0x15: {  	[smem:$0x3FA9] =	sst s0;
	s0 =	simm.s32 @!p2 $0x0  }
0x16: {  	s3 =	sld [smem:$0x3FDB];
	s0 =	simm.s32 @p2 $0x1  }
0x17: {  	s4 =	simm.s32 $0x1BF5;
	[smem:$0x3FAB] =	sst s0  }
0x18: {  	s0 =	sld [smem:$0x3F8E];
	_ =	swait.ge [sflag:s4], $0x0  }
0x19: {  	s7 =	sld [smem:$0x3F8F]  }
0x1a: {  	s8 =	sadd.s32 $0xFFFFE003, lr  }
0x1b: {  	s9 =	sadd.s32 $0xFFFFFEF7, lr;
	s5 =	simm.s32 $0xFFFFFFFF;
	p2 =	slt.u32 s8, $0xFFFFF086  }
0x1c: {  	p1 =	slt.u32 s9, $0xF7A;
	s5 =	simm.s32 @!p2 $0x0  }
0x1d: {  	s5 =	simm.s32 @p1 $0x1;
	p0 =	seq.s32 s7, s2  }
0x1e: {  	s7 =	smul.u32 @!p0 $0xF7A, s2;
	p2 =	seq.s32 @!p0 s5, $0x0  }
0x1f: {  	s9 =	smul.u32 $0xF7A, s1;
	s8 =	simm.s32 @!p0 $0x1BF5;
	p2 =	por !p2, p0  }
0x20: {  	[sflag:s8] =	ssyncset.s32 @!p0 $0xFFFFF086;
	s6 =	sadd.s32 @!p0 s3, s7;
	s7 =	simm.s32 @!p0 $0x108  }
0x21: {  	s3 =	sadd.s32 s3, s9;
	s6 =	sadd.s32 @!p0 $0x88, s6;
	s7 =	simm.s32 @p2 $0x1082  }
0x22: {  	[simem:s7], [sflag:s8] =	dma.local @!p0 [hbm:s6], $0xF7A  }
0x23: {  	s9 =	sor.u32 $0xD0000000, s2;
	s6 =	simm.s32 $0x108;
	_ =	swait.ge @!p0 [sflag:s8], $0x0  }
0x24: {  	s3 =	sadd.s32 $0x88, s3;
	s6 =	simm.s32 @!p1 $0x1082;
	[sflag:s4] =	ssyncset.s32 $0xFFFFF086  }
0x25: {  	[simem:s6], [sflag:s4] =	dma.local [hbm:s3], $0xF7A  }
0x26: {  	[smem:$0x3F8F] =	sst s1;
	(tag) =	ssettag s2;
	_ =	strace s9  }
0x27: {  	s1 =	sld [smem:$0x3F9F]  }
0x28: {  	s2 =	sld [smem:$0x3FA0]  }
0x29: {  	s4 =	sld [smem:$0x3FA2]  }
0x2a: {  	p0 =	seq.s32 s5, $0x0;
	s5 =	sld [smem:$0x3FA3]  }
0x2b: {  	s6 =	sld [smem:$0x3FA4]  }
0x2c: {  	s7 =	sld [smem:$0x3FA5]  }
0x2d: {  	s3 =	simm.s32 $0x108;
	s8 =	sld [smem:$0x3FA6]  }
0x2e: {  	s3 =	simm.s32 @!p0 $0x1082;
	s9 =	sld [smem:$0x3FA7]  }
0x2f: {  	lr =	sadd.s32 s0, s3;
	s0 =	sld [smem:$0x3F9E]  }
0x30: {  	s3 =	sld [smem:$0x3FA1]  }
0x31: {  	[smem:$0x3FAA] =	sst s10  }
0x32: {  	s10 =	sld [smem:$0x3FA8];
	_ =	sdelay $0x3  }
0x33: {  	p0 =	seq.s32 s10, $0x1;
	s10 =	sld [smem:$0x3FAA];
	_ =	sdelay $0x3  }
0x34: {  	[smem:$0x3FAA] =	sst s10  }
0x35: {  	s10 =	sld [smem:$0x3FA9];
	_ =	sdelay $0x3  }
0x36: {  	p1 =	seq.s32 s10, $0x1;
	s10 =	sld [smem:$0x3FAA];
	_ =	sdelay $0x3  }
0x37: {  	[smem:$0x3FAA] =	sst s10  }
0x38: {  	s10 =	sld [smem:$0x3FAB]  }
0x39: {  	_ = 	snop;
	(pc) =	sbr.ind lr, $3  }
0x3a: {  	_ = 	snop  }
0x3b: {  	_ = 	snop  }
0x3c: {  	p2 =	seq.s32 s10, $0x1;
	s10 =	sld [smem:$0x3FAA]  }
0x3d: {  	_ =	shalt  }
0x3e: {  	_ =	shalt  }
0x3f: {  	_ =	shalt  }
0x40: {  	_ =	shalt  }
0x41: {  	_ =	shalt  }
0x42: {  	_ =	shalt  }
0x43: {  	_ =	shalt  }
0x44: {  	_ =	shalt  }
0x45: {  	_ =	shalt  }
0x46: {  	_ =	shalt  }
0x47: {  	_ =	shalt  }
0x48: {  	_ =	shalt  }
0x49: {  	_ =	shalt  }
0x4a: {  	_ =	shalt  }
0x4b: {  	_ =	shalt  }
0x4c: {  	_ =	shalt  }
0x4d: {  	_ =	shalt  }
0x4e: {  	_ =	shalt  }
0x4f: {  	_ =	shalt  }
0x50: {  	_ =	shalt  }
0x51: {  	_ =	shalt  }
0x52: {  	_ =	shalt  }
0x53: {  	_ =	shalt  }
0x54: {  	_ =	shalt  }
0x55: {  	_ =	shalt  }
0x56: {  	_ =	shalt  }
0x57: {  	_ =	shalt  }
0x58: {  	_ =	shalt  }
0x59: {  	_ =	shalt  }
0x5a: {  	_ =	shalt  }
0x5b: {  	_ =	shalt  }
0x5c: {  	_ =	shalt  }
0x5d: {  	_ =	shalt  }
0x5e: {  	_ =	shalt  }
0x5f: {  	_ =	shalt  }
0x60: {  	_ =	shalt  }
0x61: {  	_ =	shalt  }
0x62: {  	_ =	shalt  }
0x63: {  	_ =	shalt  }
0x64: {  	_ =	shalt  }
0x65: {  	_ =	shalt  }
0x66: {  	_ =	shalt  }
0x67: {  	_ =	shalt  }
0x68: {  	_ =	shalt  }
0x69: {  	_ =	shalt  }
0x6a: {  	_ =	shalt  }
0x6b: {  	_ =	shalt  }
0x6c: {  	_ =	shalt  }
0x6d: {  	_ =	shalt  }
0x6e: {  	_ =	shalt  }
0x6f: {  	_ =	shalt  }
0x70: {  	_ =	shalt  }
0x71: {  	_ =	shalt  }
0x72: {  	_ =	shalt  }
0x73: {  	_ =	shalt  }
0x74: {  	_ =	shalt  }
0x75: {  	_ =	shalt  }
0x76: {  	_ =	shalt  }
0x77: {  	_ =	shalt  }
0x78: {  	_ =	shalt  }
0x79: {  	_ =	shalt  }
0x7a: {  	_ =	shalt  }
0x7b: {  	_ =	shalt  }
0x7c: {  	_ =	shalt  }
0x7d: {  	_ =	shalt  }
0x7e: {  	_ =	shalt  }
0x7f: {  	_ =	shalt  }
0x80: {  	_ =	shalt  }
0x81: {  	_ =	shalt  }
0x82: {  	_ =	shalt  }
0x83: {  	_ =	shalt  }
0x84: {  	_ =	shalt  }
0x85: {  	_ =	shalt  }
0x86: {  	_ =	shalt  }
0x87: {  	_ =	shalt  }
.Lfunc_end0:
.L_simem_size_0:
called_computation.1_lowered:
.L_overlay_start_0:
0x88: {  	s2 =	sld [smem:$0x3FD9]  }
0x89: {  	s3 =	sld [smem:$0x3FFE];
	_ =	sdelay $0x1  }
0x8a: {  	s1 =	srdreg.scid  }
0x8b: {  	s0 =	sand.u32 $0x1, s1  }
0x8c: {  	s17 =	sshll.u32 s0, $0xA;
	s2 =	sadd.s32 s3, s2  }
0x8d: {  	s2 =	sadd.s32 s2, s17  }
0x8e: {  	[smem:$0x3FB6] =	sst s2  }
0x8f: {  	_ = 	snop  }
0x90: {  	s18 =	sld [smem:$0x3FC9];
	(tm) =	ssettm $0x1  }
0x91: {  	s19 =	sld [smem:$0x3FFB];
	_ =	sdelay $0x3  }
0x92: {  	_ =	strace s19  }
0x93: {  	s2 =	sld [smem:$0x3FFC];
	_ =	sdelay $0x3  }
0x94: {  	_ =	strace s2  }
0x95: {  	s2 =	sld [smem:$0x3FFD];
	_ =	sdelay $0x3  }
0x96: {  	_ =	strace s2  }
0x97: {  	_ =	strace $0x8FFFFFFF  }
0x98: {  	s20 =	sld [smem:$0x3FDB];
	_ =	sdelay $0x1  }
0x99: {  	s4 =	simm.s32 $_scs_section_size  }
0x9a: {  	s5 =	simm.s32 $_size__tile_overlayer_lowered;
	s6 =	simm.s32 $_tile_overlayer_lowered  }
0x9b: {  	s7 =	simm.s32 $0x1BFF;
	s21 =	sshll.u32 s6, $0x1;
	s4 =	sadd.s32 s4, s20  }
0x9c: {  	s22 =	simm.s32 $0x0;
	s5 =	sshll.u32 s5, $0x1;
	s6 =	sadd.s32 s21, s4  }
0x9d: {  	[timem:s22], [sflag:s7] =	dma.local [hbm:s6], s5  }
0x9e: {  	_ =	swait.ge [sflag:s7], s5  }
0x9f: {  	s5 =	ssub.s32 $0x0, s5;
	[sflag:s7] =	ssyncset.done $0x0  }
0xa0: {  	[sflag:s7] =	ssyncadd.s32 s5;
	_ =	sdelay $0x1  }
0xa1: {  	s23 =	simm.s32 $0x1B8B  }
0xa2: {  	_ =	swait.ge [sflag:s23], $0x1  }
0xa3: {  	[sflag:s23] =	ssyncset.done $0x0  }
0xa4: {  	[sflag:s23] =	ssyncadd.s32 $0xFFFFFFFF  }
0xa5: {  	s5 =	sld [smem:$0x0]  }
0xa6: {  	s6 =	sand.u32 $0xFFFFFFFE, s1  }
0xa7: {  	p0 =	sne.s32 s1, s6  }
0xa8: {  	s6 =	sshll.u32 @p0 s6, $0xE  }
0xa9: {  	s6 =	sadd.s32 @p0 $0x11B8D, s6;
	s7 =	sshll.u32 @p0 s5, $0x11  }
0xaa: {  	s6 =	sor.u32 @p0 s7, s6  }
0xab: {  	[sflag:s6] =	ssyncadd.remote.s32 @p0 $0x1;
	_ =	sdelay $0x1  }
0xac: {  	s6 =	simm.s32 @p0 $0x1B8D  }
0xad: {  	_ =	swait.eq @p0 [sflag:s6], $0x1  }
0xae: {  	[sflag:s6] =	ssyncadd.s32 @p0 $0xFFFFFFFF  }
0xaf: {  	s7 =	sshll.u32 @!p0 s1, $0xE  }
0xb0: {  	s7 =	sor.u32 @!p0 $0x4000, s7;
	s6 =	simm.s32 @!p0 $0x1B8D  }
0xb1: {  	s5 =	sshll.u32 @!p0 s5, $0x11;
	s7 =	sadd.s32 @!p0 $0x11B8D, s7;
	_ =	swait.eq @!p0 [sflag:s6], $0x1  }
0xb2: {  	s5 =	sor.u32 @!p0 s5, s7;
	[sflag:s6] =	ssyncadd.s32 @!p0 $0xFFFFFFFF  }
0xb3: {  	s25 =	simm.s32 $0x1B8E;
	s24 =	sld [smem:$0x3FFE];
	[sflag:s5] =	ssyncadd.remote.s32 @!p0 $0x1  }
0xb4: {  	s26 =	simm.s32 $execute0_lowered;
	[smem:$0x3FD2] =	sst s25  }
0xb5: {  	s6 =	sshll.u32 s26, $0x1;
	_ =	strace $0x80000049;
	[dreg:$0x1] =	wrdreg $0xFFFFFFFF  }
0xb6: {  	s28 =	simm.s32 $_size_execute0_lowered;
	s4 =	sadd.s32 s4, s6;
	[dreg:$0x0] =	wrdreg $0x0  }
0xb7: {  	s6 =	sshll.u32 s28, $0x1;
	[dreg:$0x2] =	wrdreg s4  }
0xb8: {  	[dreg:$0x3] =	wrdreg s6  }
0xb9: {  	[dreg:$0x4] =	wrdreg $0xC0  }
0xba: {  	_ =	task [dreg:s22], $0x5FFFF  }
0xbb: {  	[dreg:$0x1] =	wrdreg $0xFFFFFFFF  }
0xbc: {  	[dreg:$0x0] =	wrdreg $0x60  }
0xbd: {  	[dreg:$0x2] =	wrdreg s18  }
0xbe: {  	[dreg:$0x3] =	wrdreg s24  }
0xbf: {  	[dreg:$0x4] =	wrdreg $0x0  }
0xc0: {  	[dreg:$0x5] =	wrdreg $0xA  }
0xc1: {  	_ =	task.clear_ibuf [dreg:s22], $0x6FFFF;
	_ =	strace $0x90000049  }
0xc2: {  	s29 =	simm.s32 $0xA;
	_ =	strace $0x8000004B  }
0xc3: {  	_ =	swait.ge [sflag:s29], $0x1  }
0xc4: {  	[sflag:s29] =	ssyncadd.s32 $0xFFFFFFFF  }
0xc5: {  	_ =	strace $0x9000004B  }
0xc6: {  	_ =	sfence  }
0xc7: {  	s30 =	sld [smem:$0x0];
	_ =	sdelay $0x2  }
0xc8: {  	s31 =	sshll.u32 s1, $0xD;
	s1 =	sshrl.u32 s1, $0x2  }
0xc9: {  	s4 =	sand.u32 $0x4000, s31;
	s1 =	sadd.s32 s1, s30  }
0xca: {  	s0 =	sor.u32 s4, s0;
	s1 =	sshll.u32 s1, $0x11  }
0xcb: {  	s0 =	sor.u32 s1, s0  }
0xcc: {  	s0 =	sadd.s32 $0x8F2B, s0  }
0xcd: {  	[sflag:s0] =	ssyncadd.remote.s32 $0x1  }
0xce: {  	_ =	sfence.sel $0xFFFF  }
0xcf: {  	[dreg:$0x0] =	wrdreg $0xFFFFFFFF;
	(pc) =	sbr.abs _section_cstart, $3  }
0xd0: {  	[dreg:$0x1] =	wrdreg $0xFFFFFFFF  }
0xd1: {  	_ =	task.clear_ibuf [dreg:s22], $0x2FFFF;
	_ =	strace $0x9FFFFFFF  }
0xd2: {  	(tm) =	ssettm $0x7FFFFFFF  }
0xd3: {  	_ =	shalt  }
tec
execute0_lowered:
.L_overlay_start_1:
0x0: {  	(tag) =	ssettag $0x1  }
0x1: {  	s1 =	rddreg [dreg:$0x0]  }
0x2: {  	s0 =	rddreg [dreg:$0x1]  }
0x3: {  	s2 =	rddreg [dreg:$0x2]  }
0x4: {  	s3 =	simm.s32 $0x0;
	s4 =	srdreg.scid;
	s11 =	stileid.u32  }
0x5: {  	s28 =	simm.s32 $0x14C00;
	s30 =	simm.s32 $0x17400;
	s29 =	simm.s32 $0x3  }
0x6: {  	s31 =	simm.s32 $0x6;
	[smem:$0x7FF] =	sst s3;
	s4 =	sand.u32 $0x1, s4  }
0x7: {  	s5 =	sadd.s32 $0x1E800, s0;
	s6 =	sadd.s32 $0xE800, s0;
	s8 =	sadd.s32 $0x2E800, s0  }
0x8: {  	s9 =	smul.u32 $0x4F000, s11;
	s22 =	sshll.u32 s11, $0x7;
	s10 =	sshll.u32 s11, $0x6  }
0x9: {  	p0 =	seq.s32 s11, $0xF;
	_ =	strace $0x8000004A;
	s7 =	smul.u32 $0x27100, s4  }
0xa: {  	[dreg:$0x4] =	wrdreg s8;
	s20 =	ssub.s32 $0x2, s4;
	s4 =	sshll.u32 s4, $0xB  }
0xb: {  	s21 =	sshrl.u32 s20, $0x1;
	s9 =	sshrl.u32 s9, $0x2;
	s4 =	sor.u32 s22, s4  }
0xc: {  	s22 =	simm.s32 $0x2;
	s0 =	sadd.s32 s7, s0;
	s7 =	ssub.s32 s20, s21  }
0xd: {  	s12 =	sadd.s32 s9, s2;
	s9 =	sor.u32 $0x1C0A, s10;
	s8 =	sshll.u32 s4, $0x4  }
0xe: {  	s14 =	sshrl.u32 s4, $0x3;
	s4 =	sadd.s32 $0x128400, s2;
	s21 =	simm.s32 $0x9  }
0xf: {  	s20 =	simm.s32 $0x1C400;
	s23 =	sadd.s32 s5, s8;
	[dreg:$0x5] =	wrdreg s12  }
0x10: {  	s10 =	simm.s32 $0x7;
	s24 =	sadd.s32 s6, s8;
	[dreg:$0x6] =	wrdreg s23  }
0x11: {  	s8 =	sor.u32 $0x80, s8;
	s7 =	smax.u32 s7, $0x1;
	[dreg:$0x7] =	wrdreg s24  }
0x12: {  	s26 =	sshrl.u32 s12, $0x3;
	s4 =	sshrl.u32 @p0 s4, $0x3;
	[dreg:$0xb] =	wrdreg s7  }
0x13: {  	s12 =	simm.s32 $0x0;
	s25 =	sadd.s32 s5, s8;
	[dreg:$0xc] =	wrdreg s26  }
0x14: {  	s8 =	sadd.s32 s6, s8;
	[dreg:$0xd] =	wrdreg s4;
	s26 =	simm.s32 $0x50  }
0x15: {  	[dreg:$0x9] =	wrdreg s8;
	s8 =	sadd.s32 $0x31000, s0;
	s0 =	smul.u32 $0x2780, s11  }
0x16: {  	s4 =	simm.s32 $0x1;
	s23 =	simm.s32 $0x5;
	[dreg:$0x8] =	wrdreg s25  }
0x17: {  	s7 =	simm.s32 $0x4;
	[dreg:$0xa] =	wrdreg s8;
	s0 =	sadd.s32 @!p0 s0, s8  }
0x18: {  	s11 =	simm.s32 $0x8;
	[dreg:$0xe] =	wrdreg s0;
	s0 =	simm.s32 $0x19C00  }
.LBB2_1:
0x19: {  	s8 =	rddreg [dreg:$0x4]  }
0x1a: {  	s13 =	rddreg [dreg:$0xc];
	s18 =	simm.s32 $0xA  }
0x1b: {  	[spmem:s13], [sflag:s9] =	dma.local [hbm:s8], $0x2780  }
0x1c: {  	_ =	swait.ge [sflag:s18], $0x2780  }
0x1d: {  	[sflag:s18] =	ssyncset.done $0x0  }
0x1e: {  	[sflag:s18] =	ssyncadd.s32 $0xFFFFD880  }
0x1f: {  	[bflag:$0x0] =	sbarrier.arrive $0xFFFF  }
0x20: {  	s24 =	simm.s32 $0x13C00;
	s19 =	rddreg [dreg:$0x6]  }
0x21: {  	[tilespmem:s24], [sflag:$0x9] =	stream.linear.gather [hbm4b:s19+s3], $0x400, $0x38;
	[tilespmem:$0x1EC00] =	vst v63  }
0x22: {  	s15 =	simm.s32 $0x14400;
	s25 =	rddreg [dreg:$0x7]  }
0x23: {  	[tilespmem:s15], [sflag:$0x9] =	stream.linear.gather [hbm4b:s25+s3], $0x400, $0x38;
	[tilespmem:$0x1EC00] =	vst v63  }
0x24: {  	_ =	swait.ge [sflag:s21], $0x400  }
0x25: {  	[sflag:s21] =	ssyncset.done $0x0  }
0x26: {  	[sflag:s21] =	ssyncadd.s32 $0xFFFFFC00  }
0x27: {  	_ =	swait.ge [sflag:s21], $0x400  }
0x28: {  	[sflag:s21] =	ssyncset.done $0x0  }
0x29: {  	s17 =	simm.s32 $0x14000;
	s16 =	rddreg [dreg:$0x8];
	[sflag:s21] =	ssyncadd.s32 $0xFFFFFC00  }
0x2a: {  	[tilespmem:s17], [sflag:$0x9] =	stream.linear.gather [hbm4b:s16+s3], $0x400, $0x38;
	[tilespmem:$0x1EC00] =	vst v63  }
0x2b: {  	s19 =	simm.s32 $0x14800;
	s18 =	rddreg [dreg:$0x9]  }
0x2c: {  	[tilespmem:s19], [sflag:$0x9] =	stream.linear.gather [hbm4b:s18+s3], $0x400, $0x38;
	[tilespmem:$0x1EC00] =	vst v63  }
0x2d: {  	_ = 	snop  }
0x2e: {  	[tilespmem:s28], [sflag:$0x1] =	stream.indirect.gather [hbm4b:s1+s26], $0x80, s24, s26, $0xb8;
	[tilespmem:$0x1EC00] =	vst v63  }
0x2f: {  	s24 =	simm.s32 $0x13C80  }
0x30: {  	[tilespmem:s30], [sflag:$0x2] =	stream.indirect.gather [hbm4b:s1+s26], $0x80, s24, s26, $0xb8;
	[tilespmem:$0x1EC00] =	vst v63  }
0x31: {  	s13 =	simm.s32 $0x0;
	s25 =	simm.s32 $0x13D00  }
0x32: {  	[tilespmem:s0], [sflag:$0x3] =	stream.indirect.gather [hbm4b:s1+s26], $0x80, s25, s26, $0xb8;
	[tilespmem:$0x1EC00] =	vst v63  }
.LBB2_2:
0x33: {  	s16 =	smov.u32 s13;
	s19 =	sand.u32 $0x1, s13;
	_ =	swait.ge [sflag:s4], $0x2800  }
0x34: {  	[sflag:s4] =	ssyncset.done $0x0;
	s8 =	sshll.u32 s19, $0xA;
	p1 =	seq.s32 s16, $0x0  }
0x35: {  	[sflag:s4] =	ssyncadd.s32 $0xFFFFD800;
	s18 =	sadd.s32 $0x14400, s8;
	p2 =	seq.s32 @!p1 s16, $0xF  }
0x36: {  	[spmem:s2] =	stream.indirect.scatter.add.f32 [tilespmem:s28], [sflag:$0x5], $0x80, s18, s26, $0xb8;
	[tilespmem:$0x1EC00] =	vst v63  }
0x37: {  	p3 =	por p2, p1  }
0x38: {  	s17 =	simm.s32 @!p1 $0x8;
	s13 =	sadd.s32 @!p3 $0x1, s16  }
0x39: {  	_ =	swait.ge @!p1 [sflag:s17], $0x2800;
	s15 =	sadd.s32 @!p3 s14, s13  }
0x3a: {  	s19 =	sxor.u32 $0x1, s19;
	[sflag:s17] =	ssyncset.done @!p1 $0x0;
	s15 =	sshll.u32 @!p3 s15, $0x7  }
0x3b: {  	[sflag:s17] =	ssyncadd.s32 @!p1 $0xFFFFD800;
	s17 =	sshll.u32 @!p3 s19, $0xA;
	s15 =	sand.u32 @!p3 $0x1FFFFF80, s15  }
0x3c: {  	s18 =	simm.s32 @!p3 $0x0;
	s24 =	sadd.s32 @!p3 $0x13C00, s17;
	s25 =	sadd.s32 @!p3 s5, s15  }
0x3d: {  	[tilespmem:s24], [sflag:$0x9] =	stream.linear.gather @!p3 [hbm4b:s25+s18], $0x400, $0x38;
	[tilespmem:$0x1EC00] =	vst v63  }
0x3e: {  	s17 =	sadd.s32 @!p3 $0x14400, s17;
	s15 =	sadd.s32 @!p3 s6, s15  }
0x3f: {  	[tilespmem:s17], [sflag:$0x9] =	stream.linear.gather @!p3 [hbm4b:s15+s18], $0x400, $0x38;
	[tilespmem:$0x1EC00] =	vst v63  }
0x40: {  	s24 =	sadd.s32 $0x13D80, s8  }
0x41: {  	[tilespmem:s20], [sflag:$0x4] =	stream.indirect.gather [hbm4b:s1+s26], $0x80, s24, s26, $0xb8;
	[tilespmem:$0x1EC00] =	vst v63  }
0x42: {  	_ =	swait.ge [sflag:s22], $0x2800  }
0x43: {  	[sflag:s22] =	ssyncset.done $0x0  }
0x44: {  	s25 =	sadd.s32 $0x14480, s8;
	[sflag:s22] =	ssyncadd.s32 $0xFFFFD800  }
0x45: {  	[spmem:s2] =	stream.indirect.scatter.add.f32 [tilespmem:s30], [sflag:$0x6], $0x80, s25, s26, $0xb8;
	[tilespmem:$0x1EC00] =	vst v63  }
0x46: {  	_ =	swait.ge [sflag:s23], $0x2800  }
0x47: {  	[sflag:s23] =	ssyncset.done $0x0  }
0x48: {  	s17 =	sadd.s32 $0x13E00, s8;
	[sflag:s23] =	ssyncadd.s32 $0xFFFFD800  }
0x49: {  	[tilespmem:s28], [sflag:$0x1] =	stream.indirect.gather [hbm4b:s1+s26], $0x80, s17, s26, $0xb8;
	[tilespmem:$0x1EC00] =	vst v63  }
0x4a: {  	_ =	swait.ge [sflag:s29], $0x2800  }
0x4b: {  	[sflag:s29] =	ssyncset.done $0x0  }
0x4c: {  	s18 =	sadd.s32 $0x14500, s8;
	[sflag:s29] =	ssyncadd.s32 $0xFFFFD800  }
0x4d: {  	[spmem:s2] =	stream.indirect.scatter.add.f32 [tilespmem:s0], [sflag:$0x7], $0x80, s18, s26, $0xb8;
	[tilespmem:$0x1EC00] =	vst v63  }
0x4e: {  	_ =	swait.ge [sflag:s31], $0x2800  }
0x4f: {  	[sflag:s31] =	ssyncset.done $0x0  }
0x50: {  	s24 =	sadd.s32 $0x13E80, s8;
	[sflag:s31] =	ssyncadd.s32 $0xFFFFD800  }
0x51: {  	[tilespmem:s30], [sflag:$0x2] =	stream.indirect.gather [hbm4b:s1+s26], $0x80, s24, s26, $0xb8;
	[tilespmem:$0x1EC00] =	vst v63  }
0x52: {  	_ =	swait.ge [sflag:s7], $0x2800  }
0x53: {  	[sflag:s7] =	ssyncset.done $0x0  }
0x54: {  	s25 =	sadd.s32 $0x14580, s8;
	[sflag:s7] =	ssyncadd.s32 $0xFFFFD800  }
0x55: {  	[spmem:s2] =	stream.indirect.scatter.add.f32 [tilespmem:s20], [sflag:$0x8], $0x80, s25, s26, $0xb8;
	[tilespmem:$0x1EC00] =	vst v63  }
0x56: {  	_ =	swait.ge [sflag:s10], $0x2800  }
0x57: {  	[sflag:s10] =	ssyncset.done $0x0  }
0x58: {  	s17 =	sadd.s32 $0x13F00, s8;
	[sflag:s10] =	ssyncadd.s32 $0xFFFFD800  }
0x59: {  	[tilespmem:s0], [sflag:$0x3] =	stream.indirect.gather [hbm4b:s1+s26], $0x80, s17, s26, $0xb8;
	[tilespmem:$0x1EC00] =	vst v63  }
0x5a: {  	_ =	swait.ge [sflag:s4], $0x2800  }
0x5b: {  	[sflag:s4] =	ssyncset.done $0x0  }
0x5c: {  	s18 =	sadd.s32 $0x14600, s8;
	[sflag:s4] =	ssyncadd.s32 $0xFFFFD800  }
0x5d: {  	[spmem:s2] =	stream.indirect.scatter.add.f32 [tilespmem:s28], [sflag:$0x5], $0x80, s18, s26, $0xb8;
	[tilespmem:$0x1EC00] =	vst v63  }
0x5e: {  	_ =	swait.ge [sflag:s11], $0x2800  }
0x5f: {  	[sflag:s11] =	ssyncset.done $0x0  }
0x60: {  	s24 =	sadd.s32 $0x13F80, s8;
	[sflag:s11] =	ssyncadd.s32 $0xFFFFD800  }
0x61: {  	[tilespmem:s20], [sflag:$0x4] =	stream.indirect.gather [hbm4b:s1+s26], $0x80, s24, s26, $0xb8;
	[tilespmem:$0x1EC00] =	vst v63  }
0x62: {  	_ =	swait.ge [sflag:s22], $0x2800  }
0x63: {  	[sflag:s22] =	ssyncset.done $0x0  }
0x64: {  	s25 =	sadd.s32 $0x14680, s8;
	[sflag:s22] =	ssyncadd.s32 $0xFFFFD800  }
0x65: {  	[spmem:s2] =	stream.indirect.scatter.add.f32 [tilespmem:s30], [sflag:$0x6], $0x80, s25, s26, $0xb8;
	[tilespmem:$0x1EC00] =	vst v63  }
0x66: {  	_ =	swait.ge [sflag:s23], $0x2800  }
0x67: {  	p3 =	seq.s32 s16, $0xF;
	[sflag:s23] =	ssyncset.done $0x0  }
0x68: {  	s15 =	simm.s32 @p3 $0x3;
	[sflag:s23] =	ssyncadd.s32 $0xFFFFD800  }
0x69: {  	_ =	swait.ge @p3 [sflag:s15], $0x2800  }
0x6a: {  	s16 =	simm.s32 @p3 $0x50;
	[sflag:s15] =	ssyncset.done @p3 $0x0  }
0x6b: {  	s17 =	simm.s32 @p3 $0x19C00;
	[sflag:s15] =	ssyncadd.s32 @p3 $0xFFFFD800;
	s15 =	sadd.s32 @p3 $0x14700, s8  }
0x6c: {  	[spmem:s2] =	stream.indirect.scatter.add.f32 @p3 [tilespmem:s17], [sflag:$0x7], $0x80, s15, s16, $0xb8;
	[tilespmem:$0x1EC00] =	vst v63  }
0x6d: {  	s15 =	simm.s32 @p3 $0x6  }
0x6e: {  	_ =	swait.ge @p3 [sflag:s15], $0x2800  }
0x6f: {  	[sflag:s15] =	ssyncset.done @p3 $0x0  }
0x70: {  	[sflag:s15] =	ssyncadd.s32 @p3 $0xFFFFD800;
	s15 =	simm.s32 @!p3 $0x9  }
0x71: {  	_ =	swait.ge @!p3 [sflag:s15], $0x400  }
0x72: {  	[sflag:s15] =	ssyncset.done @!p3 $0x0  }
0x73: {  	[sflag:s15] =	ssyncadd.s32 @!p3 $0xFFFFFC00  }
0x74: {  	_ =	swait.ge @!p3 [sflag:s15], $0x400  }
0x75: {  	[sflag:s15] =	ssyncset.done @!p3 $0x0  }
0x76: {  	[sflag:s15] =	ssyncadd.s32 @!p3 $0xFFFFFC00;
	s15 =	sshll.u32 @!p3 s19, $0xA  }
0x77: {  	s18 =	simm.s32 @!p3 $0x14C00;
	s17 =	simm.s32 @!p3 $0x50;
	s16 =	sadd.s32 @!p3 $0x13C00, s15  }
0x78: {  	[tilespmem:s18], [sflag:$0x1] =	stream.indirect.gather @!p3 [hbm4b:s1+s17], $0x80, s16, s17, $0xb8;
	[tilespmem:$0x1EC00] =	vst v63  }
0x79: {  	s16 =	simm.s32 @!p3 $0x3  }
0x7a: {  	_ =	swait.ge @!p3 [sflag:s16], $0x2800  }
0x7b: {  	[sflag:s16] =	ssyncset.done @!p3 $0x0  }
0x7c: {  	s18 =	simm.s32 @!p3 $0x19C00;
	[sflag:s16] =	ssyncadd.s32 @!p3 $0xFFFFD800;
	s16 =	sadd.s32 @!p3 $0x14700, s8  }
0x7d: {  	[spmem:s2] =	stream.indirect.scatter.add.f32 @!p3 [tilespmem:s18], [sflag:$0x7], $0x80, s16, s17, $0xb8;
	[tilespmem:$0x1EC00] =	vst v63  }
0x7e: {  	s16 =	simm.s32 @!p3 $0x6  }
0x7f: {  	_ =	swait.ge @!p3 [sflag:s16], $0x2800  }
0x80: {  	p2 =	por !p2, p1;
	[sflag:s16] =	ssyncset.done @!p3 $0x0  }
0x81: {  	s19 =	simm.s32 @!p3 $0x17400;
	[sflag:s16] =	ssyncadd.s32 @!p3 $0xFFFFD800;
	s16 =	sadd.s32 @!p3 $0x13C80, s15  }
0x82: {  	[tilespmem:s19], [sflag:$0x2] =	stream.indirect.gather @!p3 [hbm4b:s1+s17], $0x80, s16, s17, $0xb8;
	[tilespmem:$0x1EC00] =	vst v63  }
0x83: {  	s13 =	simm.s32 @!p2 $0x10;
	_ =	swait.ge [sflag:s7], $0x2800  }
0x84: {  	s13 =	simm.s32 @p1 $0x1;
	[sflag:s7] =	ssyncset.done $0x0  }
0x85: {  	p1 =	slt.u32 s13, $0x10;
	s8 =	sadd.s32 $0x14780, s8;
	[sflag:s7] =	ssyncadd.s32 $0xFFFFD800  }
0x86: {  	[spmem:s2] =	stream.indirect.scatter.add.f32 [tilespmem:s20], [sflag:$0x8], $0x80, s8, s26, $0xb8;
	[tilespmem:$0x1EC00] =	vst v63  }
.Ltmp0:
0x87: {  	_ = 	snop;
	(pc) =	sbr.rel @p1 .LBB2_2-.Ltmp0, $4  }
0x88: {  	_ =	swait.ge [sflag:s10], $0x2800  }
0x89: {  	[sflag:s10] =	ssyncset.done $0x0  }
0x8a: {  	s8 =	sadd.s32 @!p3 $0x13D00, s15;
	[sflag:s10] =	ssyncadd.s32 $0xFFFFD800  }
0x8b: {  	[tilespmem:s18], [sflag:$0x3] =	stream.indirect.gather @!p3 [hbm4b:s1+s17], $0x80, s8, s17, $0xb8;
	[tilespmem:$0x1EC00] =	vst v63  }
0x8c: {  	_ =	swait.ge [sflag:s11], $0x2800  }
0x8d: {  	[sflag:s11] =	ssyncset.done $0x0  }
0x8e: {  	[sflag:s11] =	ssyncadd.s32 $0xFFFFD800  }
0x8f: {  	[bflag:$0x0] =	sbarrier.arrive $0xFFFF  }
0x90: {  	s8 =	rddreg [dreg:$0xa]  }
0x91: {  	s13 =	rddreg [dreg:$0xd];
	s8 =	sadd.s32 @p0 $0x25080, s8  }
0x92: {  	[hbm:s8], [sflag:s9] =	dma.local @p0 [spmem:s13], $0x2080  }
0x93: {  	s8 =	simm.s32 @p0 $0xA  }
0x94: {  	_ =	swait.ge @p0 [sflag:s8], $0x2080  }
0x95: {  	[sflag:s8] =	ssyncset.done @p0 $0x0  }
0x96: {  	[sflag:s8] =	ssyncadd.s32 @p0 $0xFFFFDF80;
	s8 =	rddreg [dreg:$0x5]  }
0x97: {  	s13 =	rddreg [dreg:$0xe];
	s8 =	sshrl.u32 @!p0 s8, $0x3  }
0x98: {  	[hbm:s13], [sflag:s9] =	dma.local @!p0 [spmem:s8], $0x2780  }
0x99: {  	s8 =	simm.s32 @!p0 $0xA  }
0x9a: {  	_ =	swait.ge @!p0 [sflag:s8], $0x2780  }
0x9b: {  	s12 =	sadd.s32 $0x1, s12;
	s25 =	rddreg [dreg:$0xb]  }
0x9c: {  	p1 =	sne.s32 s12, s25  }
.Ltmp1:
0x9d: {  	_ = 	snop;
	(pc) =	sbr.rel @p1 .LBB2_1-.Ltmp1, $3  }
0x9e: {  	_ =	sdelay $0x1  }
0x9f: {  	[sflag:s8] =	ssyncset.done @!p0 $0x0  }
0xa0: {  	[sflag:s8] =	ssyncadd.s32 @!p0 $0xFFFFD880  }
0xa1: {  	_ =	sfence.sel $0x180000  }
0xa2: {  	[bflag:$0x0] =	sbarrier.arrive $0xFFFF  }
0xa3: {  	_ =	strace $0x9000004A  }
0xa4: {  	s0 =	stileid.u32;
	[bflag:$0x2] =	sbarrier.arrive $0xFFFF  }
0xa5: {  	p0 =	sne.s32 s0, $0x0;
	s0 =	rddreg [dreg:$0x3]  }
0xa6: {  	s0 =	sadd.s32 @!p0 $0x100000, s0  }
0xa7: {  	[sflag:s0] =	ssyncadd.tile.s32 @!p0 $0x1;
	_ =	shalt  }
.Lfunc_end2:
_tile_overlayer_lowered:
.L_overlay_start_2:
0xa8: {  	(tag) =	ssettag $0x2  }
0xa9: {  	s0 =	rddreg [dreg:$0x0];
	s2 =	stileid.u32  }
0xaa: {  	s1 =	rddreg [dreg:$0x1];
	p0 =	sne.s32 s2, $0x0  }
0xab: {  	s3 =	rddreg [dreg:$0x2];
	[bflag:$0x3] =	sbarrier.arrive $0xFFFF;
	s2 =	simm.s32 @!p0 $0x1C0A  }
0xac: {  	[timem:s3], [sflag:s2] =	dma.local @!p0 [hbm:s0], s1  }
0xad: {  	s0 =	simm.s32 @!p0 $0xA  }
0xae: {  	_ =	swait.ge @!p0 [sflag:s0], s1  }
0xaf: {  	s1 =	ssub.s32 @!p0 $0x0, s1;
	[sflag:s0] =	ssyncset.done @!p0 $0x0  }
0xb0: {  	[sflag:s0] =	ssyncadd.s32 @!p0 s1  }
0xb1: {  	[bflag:$0x3] =	sbarrier.arrive $0xFFFF  }
0xb2: {  	_ =	shalt  }

// kernel: kernel.16.cloned.1.call-start
scs
__scs_entry_jumppad:
0x0: {  	(pc) =	sbr.rel $0x88, $3  }
0x1: {  	(tag) =	ssettag $0x0;
	lr =	simm.s32 $0x1  }
0x2: {  	[smem:$0x3F8F] =	sst lr;
	_ =	strace $0xD0000000  }
0x3: {  	_ = 	snop  }
0x4: {  	_ = 	snop  }
0x5: {  	_ = 	snop  }
0x6: {  	_ = 	snop  }
0x7: {  	_ = 	snop  }
__scs_overlays_trampoline_lowered:
0x8: {  	[smem:$0x3F9E] =	sst s0  }
0x9: {  	[smem:$0x3F9F] =	sst s1  }
0xa: {  	[smem:$0x3FA0] =	sst s2  }
0xb: {  	[smem:$0x3FA1] =	sst s3  }
0xc: {  	[smem:$0x3FA2] =	sst s4  }
0xd: {  	[smem:$0x3FA3] =	sst s5  }
0xe: {  	[smem:$0x3FA4] =	sst s6  }
0xf: {  	[smem:$0x3FA5] =	sst s7  }
0x10: {  	[smem:$0x3FA6] =	sst s8  }
0x11: {  	[smem:$0x3FA7] =	sst s9;
	s0 =	simm.s32 @!p0 $0x0  }
0x12: {  	s1 =	sld [smem:$0x3F8D];
	s0 =	simm.s32 @p0 $0x1  }
0x13: {  	[smem:$0x3FA8] =	sst s0;
	s0 =	simm.s32 @!p1 $0x0  }
0x14: {  	s2 =	sld [smem:$0x3F8C];
	s0 =	simm.s32 @p1 $0x1  }
0x15: {  	[smem:$0x3FA9] =	sst s0;
	s0 =	simm.s32 @!p2 $0x0  }
0x16: {  	s3 =	sld [smem:$0x3FDB];
	s0 =	simm.s32 @p2 $0x1  }
0x17: {  	s4 =	simm.s32 $0x1BF5;
	[smem:$0x3FAB] =	sst s0  }
0x18: {  	s0 =	sld [smem:$0x3F8E];
	_ =	swait.ge [sflag:s4], $0x0  }
0x19: {  	s7 =	sld [smem:$0x3F8F]  }
0x1a: {  	s8 =	sadd.s32 $0xFFFFE003, lr  }
0x1b: {  	s9 =	sadd.s32 $0xFFFFFEF7, lr;
	s5 =	simm.s32 $0xFFFFFFFF;
	p2 =	slt.u32 s8, $0xFFFFF086  }
0x1c: {  	p1 =	slt.u32 s9, $0xF7A;
	s5 =	simm.s32 @!p2 $0x0  }
0x1d: {  	s5 =	simm.s32 @p1 $0x1;
	p0 =	seq.s32 s7, s2  }
0x1e: {  	s7 =	smul.u32 @!p0 $0xF7A, s2;
	p2 =	seq.s32 @!p0 s5, $0x0  }
0x1f: {  	s9 =	smul.u32 $0xF7A, s1;
	s8 =	simm.s32 @!p0 $0x1BF5;
	p2 =	por !p2, p0  }
0x20: {  	[sflag:s8] =	ssyncset.s32 @!p0 $0xFFFFF086;
	s6 =	sadd.s32 @!p0 s3, s7;
	s7 =	simm.s32 @!p0 $0x108  }
0x21: {  	s3 =	sadd.s32 s3, s9;
	s6 =	sadd.s32 @!p0 $0x88, s6;
	s7 =	simm.s32 @p2 $0x1082  }
0x22: {  	[simem:s7], [sflag:s8] =	dma.local @!p0 [hbm:s6], $0xF7A  }
0x23: {  	s9 =	sor.u32 $0xD0000000, s2;
	s6 =	simm.s32 $0x108;
	_ =	swait.ge @!p0 [sflag:s8], $0x0  }
0x24: {  	s3 =	sadd.s32 $0x88, s3;
	s6 =	simm.s32 @!p1 $0x1082;
	[sflag:s4] =	ssyncset.s32 $0xFFFFF086  }
0x25: {  	[simem:s6], [sflag:s4] =	dma.local [hbm:s3], $0xF7A  }
0x26: {  	[smem:$0x3F8F] =	sst s1;
	(tag) =	ssettag s2;
	_ =	strace s9  }
0x27: {  	s1 =	sld [smem:$0x3F9F]  }
0x28: {  	s2 =	sld [smem:$0x3FA0]  }
0x29: {  	s4 =	sld [smem:$0x3FA2]  }
0x2a: {  	p0 =	seq.s32 s5, $0x0;
	s5 =	sld [smem:$0x3FA3]  }
0x2b: {  	s6 =	sld [smem:$0x3FA4]  }
0x2c: {  	s7 =	sld [smem:$0x3FA5]  }
0x2d: {  	s3 =	simm.s32 $0x108;
	s8 =	sld [smem:$0x3FA6]  }
0x2e: {  	s3 =	simm.s32 @!p0 $0x1082;
	s9 =	sld [smem:$0x3FA7]  }
0x2f: {  	lr =	sadd.s32 s0, s3;
	s0 =	sld [smem:$0x3F9E]  }
0x30: {  	s3 =	sld [smem:$0x3FA1]  }
0x31: {  	[smem:$0x3FAA] =	sst s10  }
0x32: {  	s10 =	sld [smem:$0x3FA8];
	_ =	sdelay $0x3  }
0x33: {  	p0 =	seq.s32 s10, $0x1;
	s10 =	sld [smem:$0x3FAA];
	_ =	sdelay $0x3  }
0x34: {  	[smem:$0x3FAA] =	sst s10  }
0x35: {  	s10 =	sld [smem:$0x3FA9];
	_ =	sdelay $0x3  }
0x36: {  	p1 =	seq.s32 s10, $0x1;
	s10 =	sld [smem:$0x3FAA];
	_ =	sdelay $0x3  }
0x37: {  	[smem:$0x3FAA] =	sst s10  }
0x38: {  	s10 =	sld [smem:$0x3FAB]  }
0x39: {  	_ = 	snop;
	(pc) =	sbr.ind lr, $3  }
0x3a: {  	_ = 	snop  }
0x3b: {  	_ = 	snop  }
0x3c: {  	p2 =	seq.s32 s10, $0x1;
	s10 =	sld [smem:$0x3FAA]  }
0x3d: {  	_ =	shalt  }
0x3e: {  	_ =	shalt  }
0x3f: {  	_ =	shalt  }
0x40: {  	_ =	shalt  }
0x41: {  	_ =	shalt  }
0x42: {  	_ =	shalt  }
0x43: {  	_ =	shalt  }
0x44: {  	_ =	shalt  }
0x45: {  	_ =	shalt  }
0x46: {  	_ =	shalt  }
0x47: {  	_ =	shalt  }
0x48: {  	_ =	shalt  }
0x49: {  	_ =	shalt  }
0x4a: {  	_ =	shalt  }
0x4b: {  	_ =	shalt  }
0x4c: {  	_ =	shalt  }
0x4d: {  	_ =	shalt  }
0x4e: {  	_ =	shalt  }
0x4f: {  	_ =	shalt  }
0x50: {  	_ =	shalt  }
0x51: {  	_ =	shalt  }
0x52: {  	_ =	shalt  }
0x53: {  	_ =	shalt  }
0x54: {  	_ =	shalt  }
0x55: {  	_ =	shalt  }
0x56: {  	_ =	shalt  }
0x57: {  	_ =	shalt  }
0x58: {  	_ =	shalt  }
0x59: {  	_ =	shalt  }
0x5a: {  	_ =	shalt  }
0x5b: {  	_ =	shalt  }
0x5c: {  	_ =	shalt  }
0x5d: {  	_ =	shalt  }
0x5e: {  	_ =	shalt  }
0x5f: {  	_ =	shalt  }
0x60: {  	_ =	shalt  }
0x61: {  	_ =	shalt  }
0x62: {  	_ =	shalt  }
0x63: {  	_ =	shalt  }
0x64: {  	_ =	shalt  }
0x65: {  	_ =	shalt  }
0x66: {  	_ =	shalt  }
0x67: {  	_ =	shalt  }
0x68: {  	_ =	shalt  }
0x69: {  	_ =	shalt  }
0x6a: {  	_ =	shalt  }
0x6b: {  	_ =	shalt  }
0x6c: {  	_ =	shalt  }
0x6d: {  	_ =	shalt  }
0x6e: {  	_ =	shalt  }
0x6f: {  	_ =	shalt  }
0x70: {  	_ =	shalt  }
0x71: {  	_ =	shalt  }
0x72: {  	_ =	shalt  }
0x73: {  	_ =	shalt  }
0x74: {  	_ =	shalt  }
0x75: {  	_ =	shalt  }
0x76: {  	_ =	shalt  }
0x77: {  	_ =	shalt  }
0x78: {  	_ =	shalt  }
0x79: {  	_ =	shalt  }
0x7a: {  	_ =	shalt  }
0x7b: {  	_ =	shalt  }
0x7c: {  	_ =	shalt  }
0x7d: {  	_ =	shalt  }
0x7e: {  	_ =	shalt  }
0x7f: {  	_ =	shalt  }
0x80: {  	_ =	shalt  }
0x81: {  	_ =	shalt  }
0x82: {  	_ =	shalt  }
0x83: {  	_ =	shalt  }
0x84: {  	_ =	shalt  }
0x85: {  	_ =	shalt  }
0x86: {  	_ =	shalt  }
0x87: {  	_ =	shalt  }
.Lfunc_end0:
.L_simem_size_0:
called_computation.2_lowered:
.L_overlay_start_0:
0x88: {  	s2 =	sld [smem:$0x3FD9]  }
0x89: {  	s3 =	sld [smem:$0x3FFE];
	_ =	sdelay $0x1  }
0x8a: {  	s1 =	srdreg.scid  }
0x8b: {  	s0 =	sand.u32 $0x1, s1  }
0x8c: {  	s16 =	sshll.u32 s0, $0xA;
	s2 =	sadd.s32 s3, s2  }
0x8d: {  	s2 =	sadd.s32 s2, s16  }
0x8e: {  	[smem:$0x3FB6] =	sst s2  }
0x8f: {  	_ = 	snop  }
0x90: {  	(tm) =	ssettm $0x1  }
0x91: {  	s17 =	sld [smem:$0x3FFB];
	_ =	sdelay $0x3  }
0x92: {  	_ =	strace s17  }
0x93: {  	s2 =	sld [smem:$0x3FFC];
	_ =	sdelay $0x3  }
0x94: {  	_ =	strace s2  }
0x95: {  	s2 =	sld [smem:$0x3FFD];
	_ =	sdelay $0x3  }
0x96: {  	_ =	strace s2  }
0x97: {  	_ =	strace $0x8FFFFFFF  }
0x98: {  	s18 =	sld [smem:$0x3FDB];
	_ =	sdelay $0x1  }
0x99: {  	s19 =	simm.s32 $_scs_section_size  }
0x9a: {  	s4 =	simm.s32 $_size__tile_overlayer_lowered;
	s5 =	simm.s32 $_tile_overlayer_lowered  }
0x9b: {  	s22 =	simm.s32 $0x1BFF;
	s21 =	sshll.u32 s5, $0x1;
	s2 =	sadd.s32 s19, s18  }
0x9c: {  	s6 =	simm.s32 $0x0;
	s20 =	sshll.u32 s4, $0x1;
	s4 =	sadd.s32 s21, s2  }
0x9d: {  	[timem:s6], [sflag:s22] =	dma.local [hbm:s4], s20  }
0x9e: {  	_ =	swait.ge [sflag:s22], s20  }
0x9f: {  	s3 =	ssub.s32 $0x0, s20;
	[sflag:s22] =	ssyncset.done $0x0  }
0xa0: {  	[sflag:s22] =	ssyncadd.s32 s3;
	_ =	sdelay $0x1  }
0xa1: {  	s23 =	simm.s32 $0x1B8B  }
0xa2: {  	_ =	swait.ge [sflag:s23], $0x1  }
0xa3: {  	[sflag:s23] =	ssyncset.done $0x0  }
0xa4: {  	s25 =	simm.s32 $0x1B8E;
	s24 =	sld [smem:$0x3FFE];
	[sflag:s23] =	ssyncadd.s32 $0xFFFFFFFF  }
0xa5: {  	s26 =	simm.s32 $execute0_lowered;
	[smem:$0x3FD2] =	sst s25  }
0xa6: {  	s4 =	sshll.u32 s26, $0x1;
	_ =	strace $0x8000004C;
	[dreg:$0x1] =	wrdreg $0xFFFFFFFF  }
0xa7: {  	s28 =	simm.s32 $_size_execute0_lowered;
	s2 =	sadd.s32 s2, s4;
	[dreg:$0x0] =	wrdreg $0x0  }
0xa8: {  	s4 =	sshll.u32 s28, $0x1;
	[dreg:$0x2] =	wrdreg s2  }
0xa9: {  	[dreg:$0x3] =	wrdreg s4  }
0xaa: {  	[dreg:$0x4] =	wrdreg $0xC0  }
0xab: {  	_ =	task [dreg:s6], $0x5FFFF  }
0xac: {  	[dreg:$0x1] =	wrdreg $0xFFFFFFFF  }
0xad: {  	[dreg:$0x0] =	wrdreg $0x60  }
0xae: {  	[dreg:$0x2] =	wrdreg s24  }
0xaf: {  	[dreg:$0x3] =	wrdreg $0x0  }
0xb0: {  	[dreg:$0x4] =	wrdreg $0x9  }
0xb1: {  	_ =	task.clear_ibuf [dreg:s6], $0x5FFFF;
	_ =	strace $0x9000004C  }
0xb2: {  	s29 =	simm.s32 $0x9;
	_ =	strace $0x8000004E  }
0xb3: {  	_ =	swait.ge [sflag:s29], $0x1  }
0xb4: {  	[sflag:s29] =	ssyncadd.s32 $0xFFFFFFFF  }
0xb5: {  	_ =	strace $0x9000004E  }
0xb6: {  	_ =	sfence  }
0xb7: {  	s30 =	sld [smem:$0x0];
	_ =	sdelay $0x2  }
0xb8: {  	s31 =	sshll.u32 s1, $0xD;
	s1 =	sshrl.u32 s1, $0x2  }
0xb9: {  	s3 =	sand.u32 $0x4000, s31;
	s1 =	sadd.s32 s1, s30  }
0xba: {  	s0 =	sor.u32 s3, s0;
	s1 =	sshll.u32 s1, $0x11  }
0xbb: {  	s0 =	sor.u32 s1, s0  }
0xbc: {  	s0 =	sadd.s32 $0x8F2B, s0  }
0xbd: {  	[sflag:s0] =	ssyncadd.remote.s32 $0x1  }
0xbe: {  	_ =	sfence.sel $0xFFFF  }
0xbf: {  	[dreg:$0x0] =	wrdreg $0xFFFFFFFF;
	(pc) =	sbr.abs _section_cstart, $3  }
0xc0: {  	[dreg:$0x1] =	wrdreg $0xFFFFFFFF  }
0xc1: {  	_ =	task.clear_ibuf [dreg:s6], $0x2FFFF;
	_ =	strace $0x9FFFFFFF  }
0xc2: {  	(tm) =	ssettm $0x7FFFFFFF  }
0xc3: {  	_ =	shalt  }
tec
execute0_lowered:
.L_overlay_start_1:
0x0: {  	(tag) =	ssettag $0x1  }
0x1: {  	s0 =	rddreg [dreg:$0x0]  }
0x2: {  	s1 =	rddreg [dreg:$0x1];
	s2 =	simm.s32 $0x0  }
0x3: {  	s4 =	srdreg.scid;
	s11 =	stileid.u32;
	s28 =	simm.s32 $0x14C00  }
0x4: {  	s30 =	simm.s32 $0x17400;
	s29 =	simm.s32 $0x3;
	s31 =	simm.s32 $0x6  }
0x5: {  	[smem:$0x7FF] =	sst s2;
	s3 =	sadd.s32 $0x31000, s0;
	s4 =	sand.u32 $0x1, s4  }
0x6: {  	s5 =	sadd.s32 $0x1E800, s0;
	s6 =	sadd.s32 $0xE800, s0;
	s8 =	sadd.s32 $0x2E800, s0  }
0x7: {  	s9 =	smul.u32 $0x4F000, s11;
	s22 =	sshll.u32 s11, $0x7;
	s10 =	sshll.u32 s11, $0x6  }
0x8: {  	p0 =	seq.s32 s11, $0xF;
	_ =	strace $0x8000004D;
	s7 =	smul.u32 $0x27100, s4  }
0x9: {  	[dreg:$0x3] =	wrdreg s8;
	s20 =	ssub.s32 $0x2, s4;
	s4 =	sshll.u32 s4, $0xB  }
0xa: {  	s21 =	sshrl.u32 s20, $0x1;
	s9 =	sshrl.u32 s9, $0x2;
	s4 =	sor.u32 s22, s4  }
0xb: {  	s22 =	simm.s32 $0x2;
	s0 =	sadd.s32 s7, s0;
	s7 =	ssub.s32 s20, s21  }
0xc: {  	s12 =	sadd.s32 s9, s1;
	s9 =	sor.u32 $0x1C0A, s10;
	s8 =	sshll.u32 s4, $0x4  }
0xd: {  	s14 =	sshrl.u32 s4, $0x3;
	s4 =	sadd.s32 $0x128400, s1;
	s21 =	simm.s32 $0x9  }
0xe: {  	s20 =	simm.s32 $0x1C400;
	s23 =	sadd.s32 s5, s8;
	[dreg:$0x4] =	wrdreg s12  }
0xf: {  	s10 =	simm.s32 $0x7;
	s24 =	sadd.s32 s6, s8;
	[dreg:$0x5] =	wrdreg s23  }
0x10: {  	s8 =	sor.u32 $0x80, s8;
	s7 =	smax.u32 s7, $0x1;
	[dreg:$0x6] =	wrdreg s24  }
0x11: {  	s26 =	sshrl.u32 s12, $0x3;
	s4 =	sshrl.u32 @p0 s4, $0x3;
	[dreg:$0xa] =	wrdreg s7  }
0x12: {  	s12 =	simm.s32 $0x0;
	s25 =	sadd.s32 s5, s8;
	[dreg:$0xb] =	wrdreg s26  }
0x13: {  	s8 =	sadd.s32 s6, s8;
	[dreg:$0xc] =	wrdreg s4;
	s26 =	simm.s32 $0x50  }
0x14: {  	[dreg:$0x8] =	wrdreg s8;
	s8 =	sadd.s32 $0xCD400, s0;
	s0 =	smul.u32 $0x2780, s11  }
0x15: {  	s4 =	simm.s32 $0x1;
	s23 =	simm.s32 $0x5;
	[dreg:$0x7] =	wrdreg s25  }
0x16: {  	s7 =	simm.s32 $0x4;
	[dreg:$0x9] =	wrdreg s8;
	s0 =	sadd.s32 @!p0 s0, s8  }
0x17: {  	s11 =	simm.s32 $0x8;
	[dreg:$0xd] =	wrdreg s0;
	s0 =	simm.s32 $0x19C00  }
.LBB2_1:
0x18: {  	s8 =	rddreg [dreg:$0x3]  }
0x19: {  	s13 =	rddreg [dreg:$0xb];
	s18 =	simm.s32 $0xA  }
0x1a: {  	[spmem:s13], [sflag:s9] =	dma.local [hbm:s8], $0x2780  }
0x1b: {  	_ =	swait.ge [sflag:s18], $0x2780  }
0x1c: {  	[sflag:s18] =	ssyncset.done $0x0  }
0x1d: {  	[sflag:s18] =	ssyncadd.s32 $0xFFFFD880  }
0x1e: {  	[bflag:$0x0] =	sbarrier.arrive $0xFFFF  }
0x1f: {  	s24 =	simm.s32 $0x13C00;
	s19 =	rddreg [dreg:$0x5]  }
0x20: {  	[tilespmem:s24], [sflag:$0x9] =	stream.linear.gather [hbm4b:s19+s2], $0x400, $0x38;
	[tilespmem:$0x1EC00] =	vst v63  }
0x21: {  	s15 =	simm.s32 $0x14400;
	s25 =	rddreg [dreg:$0x6]  }
0x22: {  	[tilespmem:s15], [sflag:$0x9] =	stream.linear.gather [hbm4b:s25+s2], $0x400, $0x38;
	[tilespmem:$0x1EC00] =	vst v63  }
0x23: {  	_ =	swait.ge [sflag:s21], $0x400  }
0x24: {  	[sflag:s21] =	ssyncset.done $0x0  }
0x25: {  	[sflag:s21] =	ssyncadd.s32 $0xFFFFFC00  }
0x26: {  	_ =	swait.ge [sflag:s21], $0x400  }
0x27: {  	[sflag:s21] =	ssyncset.done $0x0  }
0x28: {  	s17 =	simm.s32 $0x14000;
	s16 =	rddreg [dreg:$0x7];
	[sflag:s21] =	ssyncadd.s32 $0xFFFFFC00  }
0x29: {  	[tilespmem:s17], [sflag:$0x9] =	stream.linear.gather [hbm4b:s16+s2], $0x400, $0x38;
	[tilespmem:$0x1EC00] =	vst v63  }
0x2a: {  	s19 =	simm.s32 $0x14800;
	s18 =	rddreg [dreg:$0x8]  }
0x2b: {  	[tilespmem:s19], [sflag:$0x9] =	stream.linear.gather [hbm4b:s18+s2], $0x400, $0x38;
	[tilespmem:$0x1EC00] =	vst v63  }
0x2c: {  	_ = 	snop  }
0x2d: {  	[tilespmem:s28], [sflag:$0x1] =	stream.indirect.gather [hbm4b:s3+s26], $0x80, s24, s26, $0xb8;
	[tilespmem:$0x1EC00] =	vst v63  }
0x2e: {  	s24 =	simm.s32 $0x13C80  }
0x2f: {  	[tilespmem:s30], [sflag:$0x2] =	stream.indirect.gather [hbm4b:s3+s26], $0x80, s24, s26, $0xb8;
	[tilespmem:$0x1EC00] =	vst v63  }
0x30: {  	s13 =	simm.s32 $0x0;
	s25 =	simm.s32 $0x13D00  }
0x31: {  	[tilespmem:s0], [sflag:$0x3] =	stream.indirect.gather [hbm4b:s3+s26], $0x80, s25, s26, $0xb8;
	[tilespmem:$0x1EC00] =	vst v63  }
.LBB2_2:
0x32: {  	s16 =	smov.u32 s13;
	s19 =	sand.u32 $0x1, s13;
	_ =	swait.ge [sflag:s4], $0x2800  }
0x33: {  	[sflag:s4] =	ssyncset.done $0x0;
	s8 =	sshll.u32 s19, $0xA;
	p1 =	seq.s32 s16, $0x0  }
0x34: {  	[sflag:s4] =	ssyncadd.s32 $0xFFFFD800;
	s18 =	sadd.s32 $0x14400, s8;
	p2 =	seq.s32 @!p1 s16, $0xF  }
0x35: {  	[spmem:s1] =	stream.indirect.scatter.add.f32 [tilespmem:s28], [sflag:$0x5], $0x80, s18, s26, $0xb8;
	[tilespmem:$0x1EC00] =	vst v63  }
0x36: {  	p3 =	por p2, p1  }
0x37: {  	s17 =	simm.s32 @!p1 $0x8;
	s13 =	sadd.s32 @!p3 $0x1, s16  }
0x38: {  	_ =	swait.ge @!p1 [sflag:s17], $0x2800;
	s15 =	sadd.s32 @!p3 s14, s13  }
0x39: {  	s19 =	sxor.u32 $0x1, s19;
	[sflag:s17] =	ssyncset.done @!p1 $0x0;
	s15 =	sshll.u32 @!p3 s15, $0x7  }
0x3a: {  	[sflag:s17] =	ssyncadd.s32 @!p1 $0xFFFFD800;
	s17 =	sshll.u32 @!p3 s19, $0xA;
	s15 =	sand.u32 @!p3 $0x1FFFFF80, s15  }
0x3b: {  	s18 =	simm.s32 @!p3 $0x0;
	s24 =	sadd.s32 @!p3 $0x13C00, s17;
	s25 =	sadd.s32 @!p3 s5, s15  }
0x3c: {  	[tilespmem:s24], [sflag:$0x9] =	stream.linear.gather @!p3 [hbm4b:s25+s18], $0x400, $0x38;
	[tilespmem:$0x1EC00] =	vst v63  }
0x3d: {  	s17 =	sadd.s32 @!p3 $0x14400, s17;
	s15 =	sadd.s32 @!p3 s6, s15  }
0x3e: {  	[tilespmem:s17], [sflag:$0x9] =	stream.linear.gather @!p3 [hbm4b:s15+s18], $0x400, $0x38;
	[tilespmem:$0x1EC00] =	vst v63  }
0x3f: {  	s24 =	sadd.s32 $0x13D80, s8  }
0x40: {  	[tilespmem:s20], [sflag:$0x4] =	stream.indirect.gather [hbm4b:s3+s26], $0x80, s24, s26, $0xb8;
	[tilespmem:$0x1EC00] =	vst v63  }
0x41: {  	_ =	swait.ge [sflag:s22], $0x2800  }
0x42: {  	[sflag:s22] =	ssyncset.done $0x0  }
0x43: {  	s25 =	sadd.s32 $0x14480, s8;
	[sflag:s22] =	ssyncadd.s32 $0xFFFFD800  }
0x44: {  	[spmem:s1] =	stream.indirect.scatter.add.f32 [tilespmem:s30], [sflag:$0x6], $0x80, s25, s26, $0xb8;
	[tilespmem:$0x1EC00] =	vst v63  }
0x45: {  	_ =	swait.ge [sflag:s23], $0x2800  }
0x46: {  	[sflag:s23] =	ssyncset.done $0x0  }
0x47: {  	s17 =	sadd.s32 $0x13E00, s8;
	[sflag:s23] =	ssyncadd.s32 $0xFFFFD800  }
0x48: {  	[tilespmem:s28], [sflag:$0x1] =	stream.indirect.gather [hbm4b:s3+s26], $0x80, s17, s26, $0xb8;
	[tilespmem:$0x1EC00] =	vst v63  }
0x49: {  	_ =	swait.ge [sflag:s29], $0x2800  }
0x4a: {  	[sflag:s29] =	ssyncset.done $0x0  }
0x4b: {  	s18 =	sadd.s32 $0x14500, s8;
	[sflag:s29] =	ssyncadd.s32 $0xFFFFD800  }
0x4c: {  	[spmem:s1] =	stream.indirect.scatter.add.f32 [tilespmem:s0], [sflag:$0x7], $0x80, s18, s26, $0xb8;
	[tilespmem:$0x1EC00] =	vst v63  }
0x4d: {  	_ =	swait.ge [sflag:s31], $0x2800  }
0x4e: {  	[sflag:s31] =	ssyncset.done $0x0  }
0x4f: {  	s24 =	sadd.s32 $0x13E80, s8;
	[sflag:s31] =	ssyncadd.s32 $0xFFFFD800  }
0x50: {  	[tilespmem:s30], [sflag:$0x2] =	stream.indirect.gather [hbm4b:s3+s26], $0x80, s24, s26, $0xb8;
	[tilespmem:$0x1EC00] =	vst v63  }
0x51: {  	_ =	swait.ge [sflag:s7], $0x2800  }
0x52: {  	[sflag:s7] =	ssyncset.done $0x0  }
0x53: {  	s25 =	sadd.s32 $0x14580, s8;
	[sflag:s7] =	ssyncadd.s32 $0xFFFFD800  }
0x54: {  	[spmem:s1] =	stream.indirect.scatter.add.f32 [tilespmem:s20], [sflag:$0x8], $0x80, s25, s26, $0xb8;
	[tilespmem:$0x1EC00] =	vst v63  }
0x55: {  	_ =	swait.ge [sflag:s10], $0x2800  }
0x56: {  	[sflag:s10] =	ssyncset.done $0x0  }
0x57: {  	s17 =	sadd.s32 $0x13F00, s8;
	[sflag:s10] =	ssyncadd.s32 $0xFFFFD800  }
0x58: {  	[tilespmem:s0], [sflag:$0x3] =	stream.indirect.gather [hbm4b:s3+s26], $0x80, s17, s26, $0xb8;
	[tilespmem:$0x1EC00] =	vst v63  }
0x59: {  	_ =	swait.ge [sflag:s4], $0x2800  }
0x5a: {  	[sflag:s4] =	ssyncset.done $0x0  }
0x5b: {  	s18 =	sadd.s32 $0x14600, s8;
	[sflag:s4] =	ssyncadd.s32 $0xFFFFD800  }
0x5c: {  	[spmem:s1] =	stream.indirect.scatter.add.f32 [tilespmem:s28], [sflag:$0x5], $0x80, s18, s26, $0xb8;
	[tilespmem:$0x1EC00] =	vst v63  }
0x5d: {  	_ =	swait.ge [sflag:s11], $0x2800  }
0x5e: {  	[sflag:s11] =	ssyncset.done $0x0  }
0x5f: {  	s24 =	sadd.s32 $0x13F80, s8;
	[sflag:s11] =	ssyncadd.s32 $0xFFFFD800  }
0x60: {  	[tilespmem:s20], [sflag:$0x4] =	stream.indirect.gather [hbm4b:s3+s26], $0x80, s24, s26, $0xb8;
	[tilespmem:$0x1EC00] =	vst v63  }
0x61: {  	_ =	swait.ge [sflag:s22], $0x2800  }
0x62: {  	[sflag:s22] =	ssyncset.done $0x0  }
0x63: {  	s25 =	sadd.s32 $0x14680, s8;
	[sflag:s22] =	ssyncadd.s32 $0xFFFFD800  }
0x64: {  	[spmem:s1] =	stream.indirect.scatter.add.f32 [tilespmem:s30], [sflag:$0x6], $0x80, s25, s26, $0xb8;
	[tilespmem:$0x1EC00] =	vst v63  }
0x65: {  	_ =	swait.ge [sflag:s23], $0x2800  }
0x66: {  	p3 =	seq.s32 s16, $0xF;
	[sflag:s23] =	ssyncset.done $0x0  }
0x67: {  	s15 =	simm.s32 @p3 $0x3;
	[sflag:s23] =	ssyncadd.s32 $0xFFFFD800  }
0x68: {  	_ =	swait.ge @p3 [sflag:s15], $0x2800  }
0x69: {  	s16 =	simm.s32 @p3 $0x50;
	[sflag:s15] =	ssyncset.done @p3 $0x0  }
0x6a: {  	s17 =	simm.s32 @p3 $0x19C00;
	[sflag:s15] =	ssyncadd.s32 @p3 $0xFFFFD800;
	s15 =	sadd.s32 @p3 $0x14700, s8  }
0x6b: {  	[spmem:s1] =	stream.indirect.scatter.add.f32 @p3 [tilespmem:s17], [sflag:$0x7], $0x80, s15, s16, $0xb8;
	[tilespmem:$0x1EC00] =	vst v63  }
0x6c: {  	s15 =	simm.s32 @p3 $0x6  }
0x6d: {  	_ =	swait.ge @p3 [sflag:s15], $0x2800  }
0x6e: {  	[sflag:s15] =	ssyncset.done @p3 $0x0  }
0x6f: {  	[sflag:s15] =	ssyncadd.s32 @p3 $0xFFFFD800;
	s15 =	simm.s32 @!p3 $0x9  }
0x70: {  	_ =	swait.ge @!p3 [sflag:s15], $0x400  }
0x71: {  	[sflag:s15] =	ssyncset.done @!p3 $0x0  }
0x72: {  	[sflag:s15] =	ssyncadd.s32 @!p3 $0xFFFFFC00  }
0x73: {  	_ =	swait.ge @!p3 [sflag:s15], $0x400  }
0x74: {  	[sflag:s15] =	ssyncset.done @!p3 $0x0  }
0x75: {  	[sflag:s15] =	ssyncadd.s32 @!p3 $0xFFFFFC00;
	s15 =	sshll.u32 @!p3 s19, $0xA  }
0x76: {  	s18 =	simm.s32 @!p3 $0x14C00;
	s17 =	simm.s32 @!p3 $0x50;
	s16 =	sadd.s32 @!p3 $0x13C00, s15  }
0x77: {  	[tilespmem:s18], [sflag:$0x1] =	stream.indirect.gather @!p3 [hbm4b:s3+s17], $0x80, s16, s17, $0xb8;
	[tilespmem:$0x1EC00] =	vst v63  }
0x78: {  	s16 =	simm.s32 @!p3 $0x3  }
0x79: {  	_ =	swait.ge @!p3 [sflag:s16], $0x2800  }
0x7a: {  	[sflag:s16] =	ssyncset.done @!p3 $0x0  }
0x7b: {  	s18 =	simm.s32 @!p3 $0x19C00;
	[sflag:s16] =	ssyncadd.s32 @!p3 $0xFFFFD800;
	s16 =	sadd.s32 @!p3 $0x14700, s8  }
0x7c: {  	[spmem:s1] =	stream.indirect.scatter.add.f32 @!p3 [tilespmem:s18], [sflag:$0x7], $0x80, s16, s17, $0xb8;
	[tilespmem:$0x1EC00] =	vst v63  }
0x7d: {  	s16 =	simm.s32 @!p3 $0x6  }
0x7e: {  	_ =	swait.ge @!p3 [sflag:s16], $0x2800  }
0x7f: {  	p2 =	por !p2, p1;
	[sflag:s16] =	ssyncset.done @!p3 $0x0  }
0x80: {  	s19 =	simm.s32 @!p3 $0x17400;
	[sflag:s16] =	ssyncadd.s32 @!p3 $0xFFFFD800;
	s16 =	sadd.s32 @!p3 $0x13C80, s15  }
0x81: {  	[tilespmem:s19], [sflag:$0x2] =	stream.indirect.gather @!p3 [hbm4b:s3+s17], $0x80, s16, s17, $0xb8;
	[tilespmem:$0x1EC00] =	vst v63  }
0x82: {  	s13 =	simm.s32 @!p2 $0x10;
	_ =	swait.ge [sflag:s7], $0x2800  }
0x83: {  	s13 =	simm.s32 @p1 $0x1;
	[sflag:s7] =	ssyncset.done $0x0  }
0x84: {  	p1 =	slt.u32 s13, $0x10;
	s8 =	sadd.s32 $0x14780, s8;
	[sflag:s7] =	ssyncadd.s32 $0xFFFFD800  }
0x85: {  	[spmem:s1] =	stream.indirect.scatter.add.f32 [tilespmem:s20], [sflag:$0x8], $0x80, s8, s26, $0xb8;
	[tilespmem:$0x1EC00] =	vst v63  }
.Ltmp0:
0x86: {  	_ = 	snop;
	(pc) =	sbr.rel @p1 .LBB2_2-.Ltmp0, $4  }
0x87: {  	_ =	swait.ge [sflag:s10], $0x2800  }
0x88: {  	[sflag:s10] =	ssyncset.done $0x0  }
0x89: {  	s8 =	sadd.s32 @!p3 $0x13D00, s15;
	[sflag:s10] =	ssyncadd.s32 $0xFFFFD800  }
0x8a: {  	[tilespmem:s18], [sflag:$0x3] =	stream.indirect.gather @!p3 [hbm4b:s3+s17], $0x80, s8, s17, $0xb8;
	[tilespmem:$0x1EC00] =	vst v63  }
0x8b: {  	_ =	swait.ge [sflag:s11], $0x2800  }
0x8c: {  	[sflag:s11] =	ssyncset.done $0x0  }
0x8d: {  	[sflag:s11] =	ssyncadd.s32 $0xFFFFD800  }
0x8e: {  	[bflag:$0x0] =	sbarrier.arrive $0xFFFF  }
0x8f: {  	s8 =	rddreg [dreg:$0x9]  }
0x90: {  	s13 =	rddreg [dreg:$0xc];
	s8 =	sadd.s32 @p0 $0x25080, s8  }
0x91: {  	[hbm:s8], [sflag:s9] =	dma.local @p0 [spmem:s13], $0x2080  }
0x92: {  	s8 =	simm.s32 @p0 $0xA  }
0x93: {  	_ =	swait.ge @p0 [sflag:s8], $0x2080  }
0x94: {  	[sflag:s8] =	ssyncset.done @p0 $0x0  }
0x95: {  	[sflag:s8] =	ssyncadd.s32 @p0 $0xFFFFDF80;
	s8 =	rddreg [dreg:$0x4]  }
0x96: {  	s13 =	rddreg [dreg:$0xd];
	s8 =	sshrl.u32 @!p0 s8, $0x3  }
0x97: {  	[hbm:s13], [sflag:s9] =	dma.local @!p0 [spmem:s8], $0x2780  }
0x98: {  	s8 =	simm.s32 @!p0 $0xA  }
0x99: {  	_ =	swait.ge @!p0 [sflag:s8], $0x2780  }
0x9a: {  	s12 =	sadd.s32 $0x1, s12;
	s25 =	rddreg [dreg:$0xa]  }
0x9b: {  	p1 =	sne.s32 s12, s25  }
.Ltmp1:
0x9c: {  	_ = 	snop;
	(pc) =	sbr.rel @p1 .LBB2_1-.Ltmp1, $3  }
0x9d: {  	_ =	sdelay $0x1  }
0x9e: {  	[sflag:s8] =	ssyncset.done @!p0 $0x0  }
0x9f: {  	[sflag:s8] =	ssyncadd.s32 @!p0 $0xFFFFD880  }
0xa0: {  	_ =	sfence.sel $0x180000  }
0xa1: {  	[bflag:$0x0] =	sbarrier.arrive $0xFFFF  }
0xa2: {  	_ =	strace $0x9000004D  }
0xa3: {  	s0 =	stileid.u32;
	[bflag:$0x2] =	sbarrier.arrive $0xFFFF  }
0xa4: {  	p0 =	sne.s32 s0, $0x0;
	s0 =	rddreg [dreg:$0x2]  }
0xa5: {  	s0 =	sadd.s32 @!p0 $0x100000, s0  }
0xa6: {  	[sflag:s0] =	ssyncadd.tile.s32 @!p0 $0x1;
	_ =	shalt  }
.Lfunc_end2:
_tile_overlayer_lowered:
.L_overlay_start_2:
0xa7: {  	(tag) =	ssettag $0x2  }
0xa8: {  	s0 =	rddreg [dreg:$0x0];
	s2 =	stileid.u32  }
0xa9: {  	s1 =	rddreg [dreg:$0x1];
	p0 =	sne.s32 s2, $0x0  }
0xaa: {  	s3 =	rddreg [dreg:$0x2];
	[bflag:$0x3] =	sbarrier.arrive $0xFFFF;
	s2 =	simm.s32 @!p0 $0x1C0A  }
0xab: {  	[timem:s3], [sflag:s2] =	dma.local @!p0 [hbm:s0], s1  }
0xac: {  	s0 =	simm.s32 @!p0 $0xA  }
0xad: {  	_ =	swait.ge @!p0 [sflag:s0], s1  }
0xae: {  	s1 =	ssub.s32 @!p0 $0x0, s1;
	[sflag:s0] =	ssyncset.done @!p0 $0x0  }
0xaf: {  	[sflag:s0] =	ssyncadd.s32 @!p0 s1  }
0xb0: {  	[bflag:$0x3] =	sbarrier.arrive $0xFFFF  }
0xb1: {  	_ =	shalt  }

// kernel: kernel.19.cloned.1.call-start
scs
__scs_entry_jumppad:
0x0: {  	(pc) =	sbr.rel $0x88, $3  }
0x1: {  	(tag) =	ssettag $0x0;
	lr =	simm.s32 $0x1  }
0x2: {  	[smem:$0x3F8F] =	sst lr;
	_ =	strace $0xD0000000  }
0x3: {  	_ = 	snop  }
0x4: {  	_ = 	snop  }
0x5: {  	_ = 	snop  }
0x6: {  	_ = 	snop  }
0x7: {  	_ = 	snop  }
__scs_overlays_trampoline_lowered:
0x8: {  	[smem:$0x3F9E] =	sst s0  }
0x9: {  	[smem:$0x3F9F] =	sst s1  }
0xa: {  	[smem:$0x3FA0] =	sst s2  }
0xb: {  	[smem:$0x3FA1] =	sst s3  }
0xc: {  	[smem:$0x3FA2] =	sst s4  }
0xd: {  	[smem:$0x3FA3] =	sst s5  }
0xe: {  	[smem:$0x3FA4] =	sst s6  }
0xf: {  	[smem:$0x3FA5] =	sst s7  }
0x10: {  	[smem:$0x3FA6] =	sst s8  }
0x11: {  	[smem:$0x3FA7] =	sst s9;
	s0 =	simm.s32 @!p0 $0x0  }
0x12: {  	s1 =	sld [smem:$0x3F8D];
	s0 =	simm.s32 @p0 $0x1  }
0x13: {  	[smem:$0x3FA8] =	sst s0;
	s0 =	simm.s32 @!p1 $0x0  }
0x14: {  	s2 =	sld [smem:$0x3F8C];
	s0 =	simm.s32 @p1 $0x1  }
0x15: {  	[smem:$0x3FA9] =	sst s0;
	s0 =	simm.s32 @!p2 $0x0  }
0x16: {  	s3 =	sld [smem:$0x3FDB];
	s0 =	simm.s32 @p2 $0x1  }
0x17: {  	s4 =	simm.s32 $0x1BF5;
	[smem:$0x3FAB] =	sst s0  }
0x18: {  	s0 =	sld [smem:$0x3F8E];
	_ =	swait.ge [sflag:s4], $0x0  }
0x19: {  	s7 =	sld [smem:$0x3F8F]  }
0x1a: {  	s8 =	sadd.s32 $0xFFFFE003, lr  }
0x1b: {  	s9 =	sadd.s32 $0xFFFFFEF7, lr;
	s5 =	simm.s32 $0xFFFFFFFF;
	p2 =	slt.u32 s8, $0xFFFFF086  }
0x1c: {  	p1 =	slt.u32 s9, $0xF7A;
	s5 =	simm.s32 @!p2 $0x0  }
0x1d: {  	s5 =	simm.s32 @p1 $0x1;
	p0 =	seq.s32 s7, s2  }
0x1e: {  	s7 =	smul.u32 @!p0 $0xF7A, s2;
	p2 =	seq.s32 @!p0 s5, $0x0  }
0x1f: {  	s9 =	smul.u32 $0xF7A, s1;
	s8 =	simm.s32 @!p0 $0x1BF5;
	p2 =	por !p2, p0  }
0x20: {  	[sflag:s8] =	ssyncset.s32 @!p0 $0xFFFFF086;
	s6 =	sadd.s32 @!p0 s3, s7;
	s7 =	simm.s32 @!p0 $0x108  }
0x21: {  	s3 =	sadd.s32 s3, s9;
	s6 =	sadd.s32 @!p0 $0x88, s6;
	s7 =	simm.s32 @p2 $0x1082  }
0x22: {  	[simem:s7], [sflag:s8] =	dma.local @!p0 [hbm:s6], $0xF7A  }
0x23: {  	s9 =	sor.u32 $0xD0000000, s2;
	s6 =	simm.s32 $0x108;
	_ =	swait.ge @!p0 [sflag:s8], $0x0  }
0x24: {  	s3 =	sadd.s32 $0x88, s3;
	s6 =	simm.s32 @!p1 $0x1082;
	[sflag:s4] =	ssyncset.s32 $0xFFFFF086  }
0x25: {  	[simem:s6], [sflag:s4] =	dma.local [hbm:s3], $0xF7A  }
0x26: {  	[smem:$0x3F8F] =	sst s1;
	(tag) =	ssettag s2;
	_ =	strace s9  }
0x27: {  	s1 =	sld [smem:$0x3F9F]  }
0x28: {  	s2 =	sld [smem:$0x3FA0]  }
0x29: {  	s4 =	sld [smem:$0x3FA2]  }
0x2a: {  	p0 =	seq.s32 s5, $0x0;
	s5 =	sld [smem:$0x3FA3]  }
0x2b: {  	s6 =	sld [smem:$0x3FA4]  }
0x2c: {  	s7 =	sld [smem:$0x3FA5]  }
0x2d: {  	s3 =	simm.s32 $0x108;
	s8 =	sld [smem:$0x3FA6]  }
0x2e: {  	s3 =	simm.s32 @!p0 $0x1082;
	s9 =	sld [smem:$0x3FA7]  }
0x2f: {  	lr =	sadd.s32 s0, s3;
	s0 =	sld [smem:$0x3F9E]  }
0x30: {  	s3 =	sld [smem:$0x3FA1]  }
0x31: {  	[smem:$0x3FAA] =	sst s10  }
0x32: {  	s10 =	sld [smem:$0x3FA8];
	_ =	sdelay $0x3  }
0x33: {  	p0 =	seq.s32 s10, $0x1;
	s10 =	sld [smem:$0x3FAA];
	_ =	sdelay $0x3  }
0x34: {  	[smem:$0x3FAA] =	sst s10  }
0x35: {  	s10 =	sld [smem:$0x3FA9];
	_ =	sdelay $0x3  }
0x36: {  	p1 =	seq.s32 s10, $0x1;
	s10 =	sld [smem:$0x3FAA];
	_ =	sdelay $0x3  }
0x37: {  	[smem:$0x3FAA] =	sst s10  }
0x38: {  	s10 =	sld [smem:$0x3FAB]  }
0x39: {  	_ = 	snop;
	(pc) =	sbr.ind lr, $3  }
0x3a: {  	_ = 	snop  }
0x3b: {  	_ = 	snop  }
0x3c: {  	p2 =	seq.s32 s10, $0x1;
	s10 =	sld [smem:$0x3FAA]  }
0x3d: {  	_ =	shalt  }
0x3e: {  	_ =	shalt  }
0x3f: {  	_ =	shalt  }
0x40: {  	_ =	shalt  }
0x41: {  	_ =	shalt  }
0x42: {  	_ =	shalt  }
0x43: {  	_ =	shalt  }
0x44: {  	_ =	shalt  }
0x45: {  	_ =	shalt  }
0x46: {  	_ =	shalt  }
0x47: {  	_ =	shalt  }
0x48: {  	_ =	shalt  }
0x49: {  	_ =	shalt  }
0x4a: {  	_ =	shalt  }
0x4b: {  	_ =	shalt  }
0x4c: {  	_ =	shalt  }
0x4d: {  	_ =	shalt  }
0x4e: {  	_ =	shalt  }
0x4f: {  	_ =	shalt  }
0x50: {  	_ =	shalt  }
0x51: {  	_ =	shalt  }
0x52: {  	_ =	shalt  }
0x53: {  	_ =	shalt  }
0x54: {  	_ =	shalt  }
0x55: {  	_ =	shalt  }
0x56: {  	_ =	shalt  }
0x57: {  	_ =	shalt  }
0x58: {  	_ =	shalt  }
0x59: {  	_ =	shalt  }
0x5a: {  	_ =	shalt  }
0x5b: {  	_ =	shalt  }
0x5c: {  	_ =	shalt  }
0x5d: {  	_ =	shalt  }
0x5e: {  	_ =	shalt  }
0x5f: {  	_ =	shalt  }
0x60: {  	_ =	shalt  }
0x61: {  	_ =	shalt  }
0x62: {  	_ =	shalt  }
0x63: {  	_ =	shalt  }
0x64: {  	_ =	shalt  }
0x65: {  	_ =	shalt  }
0x66: {  	_ =	shalt  }
0x67: {  	_ =	shalt  }
0x68: {  	_ =	shalt  }
0x69: {  	_ =	shalt  }
0x6a: {  	_ =	shalt  }
0x6b: {  	_ =	shalt  }
0x6c: {  	_ =	shalt  }
0x6d: {  	_ =	shalt  }
0x6e: {  	_ =	shalt  }
0x6f: {  	_ =	shalt  }
0x70: {  	_ =	shalt  }
0x71: {  	_ =	shalt  }
0x72: {  	_ =	shalt  }
0x73: {  	_ =	shalt  }
0x74: {  	_ =	shalt  }
0x75: {  	_ =	shalt  }
0x76: {  	_ =	shalt  }
0x77: {  	_ =	shalt  }
0x78: {  	_ =	shalt  }
0x79: {  	_ =	shalt  }
0x7a: {  	_ =	shalt  }
0x7b: {  	_ =	shalt  }
0x7c: {  	_ =	shalt  }
0x7d: {  	_ =	shalt  }
0x7e: {  	_ =	shalt  }
0x7f: {  	_ =	shalt  }
0x80: {  	_ =	shalt  }
0x81: {  	_ =	shalt  }
0x82: {  	_ =	shalt  }
0x83: {  	_ =	shalt  }
0x84: {  	_ =	shalt  }
0x85: {  	_ =	shalt  }
0x86: {  	_ =	shalt  }
0x87: {  	_ =	shalt  }
.Lfunc_end0:
.L_simem_size_0:
called_computation.3_lowered:
.L_overlay_start_0:
0x88: {  	s2 =	sld [smem:$0x3FD9]  }
0x89: {  	s3 =	sld [smem:$0x3FFE];
	_ =	sdelay $0x1  }
0x8a: {  	s1 =	srdreg.scid  }
0x8b: {  	s0 =	sand.u32 $0x1, s1  }
0x8c: {  	s16 =	sshll.u32 s0, $0xA;
	s2 =	sadd.s32 s3, s2  }
0x8d: {  	s2 =	sadd.s32 s2, s16  }
0x8e: {  	[smem:$0x3FB6] =	sst s2  }
0x8f: {  	_ = 	snop  }
0x90: {  	(tm) =	ssettm $0x1  }
0x91: {  	s17 =	sld [smem:$0x3FFB];
	_ =	sdelay $0x3  }
0x92: {  	_ =	strace s17  }
0x93: {  	s2 =	sld [smem:$0x3FFC];
	_ =	sdelay $0x3  }
0x94: {  	_ =	strace s2  }
0x95: {  	s2 =	sld [smem:$0x3FFD];
	_ =	sdelay $0x3  }
0x96: {  	_ =	strace s2  }
0x97: {  	_ =	strace $0x8FFFFFFF  }
0x98: {  	s18 =	sld [smem:$0x3FDB];
	_ =	sdelay $0x1  }
0x99: {  	s19 =	simm.s32 $_scs_section_size  }
0x9a: {  	s4 =	simm.s32 $_size__tile_overlayer_lowered;
	s5 =	simm.s32 $_tile_overlayer_lowered  }
0x9b: {  	s22 =	simm.s32 $0x1BFF;
	s21 =	sshll.u32 s5, $0x1;
	s2 =	sadd.s32 s19, s18  }
0x9c: {  	s6 =	simm.s32 $0x0;
	s20 =	sshll.u32 s4, $0x1;
	s4 =	sadd.s32 s21, s2  }
0x9d: {  	[timem:s6], [sflag:s22] =	dma.local [hbm:s4], s20  }
0x9e: {  	_ =	swait.ge [sflag:s22], s20  }
0x9f: {  	s3 =	ssub.s32 $0x0, s20;
	[sflag:s22] =	ssyncset.done $0x0  }
0xa0: {  	[sflag:s22] =	ssyncadd.s32 s3;
	_ =	sdelay $0x1  }
0xa1: {  	s23 =	simm.s32 $0x1B8B  }
0xa2: {  	_ =	swait.ge [sflag:s23], $0x1  }
0xa3: {  	[sflag:s23] =	ssyncset.done $0x0  }
0xa4: {  	s25 =	simm.s32 $0x1B8E;
	s24 =	sld [smem:$0x3FFE];
	[sflag:s23] =	ssyncadd.s32 $0xFFFFFFFF  }
0xa5: {  	s26 =	simm.s32 $execute0_lowered;
	[smem:$0x3FD2] =	sst s25  }
0xa6: {  	s4 =	sshll.u32 s26, $0x1;
	_ =	strace $0x8000004F;
	[dreg:$0x1] =	wrdreg $0xFFFFFFFF  }
0xa7: {  	s28 =	simm.s32 $_size_execute0_lowered;
	s2 =	sadd.s32 s2, s4;
	[dreg:$0x0] =	wrdreg $0x0  }
0xa8: {  	s4 =	sshll.u32 s28, $0x1;
	[dreg:$0x2] =	wrdreg s2  }
0xa9: {  	[dreg:$0x3] =	wrdreg s4  }
0xaa: {  	[dreg:$0x4] =	wrdreg $0xC0  }
0xab: {  	_ =	task [dreg:s6], $0x5FFFF  }
0xac: {  	[dreg:$0x1] =	wrdreg $0xFFFFFFFF  }
0xad: {  	[dreg:$0x0] =	wrdreg $0x60  }
0xae: {  	[dreg:$0x2] =	wrdreg s24  }
0xaf: {  	[dreg:$0x3] =	wrdreg $0x0  }
0xb0: {  	[dreg:$0x4] =	wrdreg $0x9  }
0xb1: {  	_ =	task.clear_ibuf [dreg:s6], $0x5FFFF;
	_ =	strace $0x9000004F  }
0xb2: {  	s29 =	simm.s32 $0x9;
	_ =	strace $0x80000051  }
0xb3: {  	_ =	swait.ge [sflag:s29], $0x1  }
0xb4: {  	[sflag:s29] =	ssyncadd.s32 $0xFFFFFFFF  }
0xb5: {  	_ =	strace $0x90000051  }
0xb6: {  	_ =	sfence  }
0xb7: {  	s30 =	sld [smem:$0x0];
	_ =	sdelay $0x2  }
0xb8: {  	s31 =	sshll.u32 s1, $0xD;
	s1 =	sshrl.u32 s1, $0x2  }
0xb9: {  	s3 =	sand.u32 $0x4000, s31;
	s1 =	sadd.s32 s1, s30  }
0xba: {  	s0 =	sor.u32 s3, s0;
	s1 =	sshll.u32 s1, $0x11  }
0xbb: {  	s0 =	sor.u32 s1, s0  }
0xbc: {  	s0 =	sadd.s32 $0x8F2B, s0  }
0xbd: {  	[sflag:s0] =	ssyncadd.remote.s32 $0x1  }
0xbe: {  	_ =	sfence.sel $0xFFFF  }
0xbf: {  	[dreg:$0x0] =	wrdreg $0xFFFFFFFF;
	(pc) =	sbr.abs _section_cstart, $3  }
0xc0: {  	[dreg:$0x1] =	wrdreg $0xFFFFFFFF  }
0xc1: {  	_ =	task.clear_ibuf [dreg:s6], $0x2FFFF;
	_ =	strace $0x9FFFFFFF  }
0xc2: {  	(tm) =	ssettm $0x7FFFFFFF  }
0xc3: {  	_ =	shalt  }
tec
execute0_lowered:
.L_overlay_start_1:
0x0: {  	(tag) =	ssettag $0x1  }
0x1: {  	s0 =	rddreg [dreg:$0x0]  }
0x2: {  	s1 =	rddreg [dreg:$0x1];
	s2 =	simm.s32 $0x0  }
0x3: {  	s4 =	srdreg.scid;
	s11 =	stileid.u32;
	s28 =	simm.s32 $0x14C00  }
0x4: {  	s30 =	simm.s32 $0x17400;
	s29 =	simm.s32 $0x3;
	s31 =	simm.s32 $0x6  }
0x5: {  	[smem:$0x7FF] =	sst s2;
	s3 =	sadd.s32 $0x31000, s0;
	s4 =	sand.u32 $0x1, s4  }
0x6: {  	s5 =	sadd.s32 $0x1E800, s0;
	s6 =	sadd.s32 $0xE800, s0;
	s8 =	sadd.s32 $0x2E800, s0  }
0x7: {  	s9 =	smul.u32 $0x4F000, s11;
	s22 =	sshll.u32 s11, $0x7;
	s10 =	sshll.u32 s11, $0x6  }
0x8: {  	p0 =	seq.s32 s11, $0xF;
	_ =	strace $0x80000050;
	s7 =	smul.u32 $0x27100, s4  }
0x9: {  	[dreg:$0x3] =	wrdreg s8;
	s20 =	ssub.s32 $0x2, s4;
	s4 =	sshll.u32 s4, $0xB  }
0xa: {  	s21 =	sshrl.u32 s20, $0x1;
	s9 =	sshrl.u32 s9, $0x2;
	s4 =	sor.u32 s22, s4  }
0xb: {  	s22 =	simm.s32 $0x2;
	s0 =	sadd.s32 s7, s0;
	s7 =	ssub.s32 s20, s21  }
0xc: {  	s12 =	sadd.s32 s9, s1;
	s9 =	sor.u32 $0x1C0A, s10;
	s8 =	sshll.u32 s4, $0x4  }
0xd: {  	s14 =	sshrl.u32 s4, $0x3;
	s4 =	sadd.s32 $0x128400, s1;
	s21 =	simm.s32 $0x9  }
0xe: {  	s20 =	simm.s32 $0x1C400;
	s23 =	sadd.s32 s5, s8;
	[dreg:$0x4] =	wrdreg s12  }
0xf: {  	s10 =	simm.s32 $0x7;
	s24 =	sadd.s32 s6, s8;
	[dreg:$0x5] =	wrdreg s23  }
0x10: {  	s8 =	sor.u32 $0x80, s8;
	s7 =	smax.u32 s7, $0x1;
	[dreg:$0x6] =	wrdreg s24  }
0x11: {  	s26 =	sshrl.u32 s12, $0x3;
	s4 =	sshrl.u32 @p0 s4, $0x3;
	[dreg:$0xa] =	wrdreg s7  }
0x12: {  	s12 =	simm.s32 $0x0;
	s25 =	sadd.s32 s5, s8;
	[dreg:$0xb] =	wrdreg s26  }
0x13: {  	s8 =	sadd.s32 s6, s8;
	[dreg:$0xc] =	wrdreg s4;
	s26 =	simm.s32 $0x50  }
0x14: {  	[dreg:$0x8] =	wrdreg s8;
	s8 =	sadd.s32 $0xCD400, s0;
	s0 =	smul.u32 $0x2780, s11  }
0x15: {  	s4 =	simm.s32 $0x1;
	s23 =	simm.s32 $0x5;
	[dreg:$0x7] =	wrdreg s25  }
0x16: {  	s7 =	simm.s32 $0x4;
	[dreg:$0x9] =	wrdreg s8;
	s0 =	sadd.s32 @!p0 s0, s8  }
0x17: {  	s11 =	simm.s32 $0x8;
	[dreg:$0xd] =	wrdreg s0;
	s0 =	simm.s32 $0x19C00  }
.LBB2_1:
0x18: {  	s8 =	rddreg [dreg:$0x3]  }
0x19: {  	s13 =	rddreg [dreg:$0xb];
	s18 =	simm.s32 $0xA  }
0x1a: {  	[spmem:s13], [sflag:s9] =	dma.local [hbm:s8], $0x2780  }
0x1b: {  	_ =	swait.ge [sflag:s18], $0x2780  }
0x1c: {  	[sflag:s18] =	ssyncset.done $0x0  }
0x1d: {  	[sflag:s18] =	ssyncadd.s32 $0xFFFFD880  }
0x1e: {  	[bflag:$0x0] =	sbarrier.arrive $0xFFFF  }
0x1f: {  	s24 =	simm.s32 $0x13C00;
	s19 =	rddreg [dreg:$0x5]  }
0x20: {  	[tilespmem:s24], [sflag:$0x9] =	stream.linear.gather [hbm4b:s19+s2], $0x400, $0x38;
	[tilespmem:$0x1EC00] =	vst v63  }
0x21: {  	s15 =	simm.s32 $0x14400;
	s25 =	rddreg [dreg:$0x6]  }
0x22: {  	[tilespmem:s15], [sflag:$0x9] =	stream.linear.gather [hbm4b:s25+s2], $0x400, $0x38;
	[tilespmem:$0x1EC00] =	vst v63  }
0x23: {  	_ =	swait.ge [sflag:s21], $0x400  }
0x24: {  	[sflag:s21] =	ssyncset.done $0x0  }
0x25: {  	[sflag:s21] =	ssyncadd.s32 $0xFFFFFC00  }
0x26: {  	_ =	swait.ge [sflag:s21], $0x400  }
0x27: {  	[sflag:s21] =	ssyncset.done $0x0  }
0x28: {  	s17 =	simm.s32 $0x14000;
	s16 =	rddreg [dreg:$0x7];
	[sflag:s21] =	ssyncadd.s32 $0xFFFFFC00  }
0x29: {  	[tilespmem:s17], [sflag:$0x9] =	stream.linear.gather [hbm4b:s16+s2], $0x400, $0x38;
	[tilespmem:$0x1EC00] =	vst v63  }
0x2a: {  	s19 =	simm.s32 $0x14800;
	s18 =	rddreg [dreg:$0x8]  }
0x2b: {  	[tilespmem:s19], [sflag:$0x9] =	stream.linear.gather [hbm4b:s18+s2], $0x400, $0x38;
	[tilespmem:$0x1EC00] =	vst v63  }
0x2c: {  	_ = 	snop  }
0x2d: {  	[tilespmem:s28], [sflag:$0x1] =	stream.indirect.gather [hbm4b:s3+s26], $0x80, s24, s26, $0xb8;
	[tilespmem:$0x1EC00] =	vst v63  }
0x2e: {  	s24 =	simm.s32 $0x13C80  }
0x2f: {  	[tilespmem:s30], [sflag:$0x2] =	stream.indirect.gather [hbm4b:s3+s26], $0x80, s24, s26, $0xb8;
	[tilespmem:$0x1EC00] =	vst v63  }
0x30: {  	s13 =	simm.s32 $0x0;
	s25 =	simm.s32 $0x13D00  }
0x31: {  	[tilespmem:s0], [sflag:$0x3] =	stream.indirect.gather [hbm4b:s3+s26], $0x80, s25, s26, $0xb8;
	[tilespmem:$0x1EC00] =	vst v63  }
.LBB2_2:
0x32: {  	s16 =	smov.u32 s13;
	s19 =	sand.u32 $0x1, s13;
	_ =	swait.ge [sflag:s4], $0x2800  }
0x33: {  	[sflag:s4] =	ssyncset.done $0x0;
	s8 =	sshll.u32 s19, $0xA;
	p1 =	seq.s32 s16, $0x0  }
0x34: {  	[sflag:s4] =	ssyncadd.s32 $0xFFFFD800;
	s18 =	sadd.s32 $0x14400, s8;
	p2 =	seq.s32 @!p1 s16, $0xF  }
0x35: {  	[spmem:s1] =	stream.indirect.scatter.add.f32 [tilespmem:s28], [sflag:$0x5], $0x80, s18, s26, $0xb8;
	[tilespmem:$0x1EC00] =	vst v63  }
0x36: {  	p3 =	por p2, p1  }
0x37: {  	s17 =	simm.s32 @!p1 $0x8;
	s13 =	sadd.s32 @!p3 $0x1, s16  }
0x38: {  	_ =	swait.ge @!p1 [sflag:s17], $0x2800;
	s15 =	sadd.s32 @!p3 s14, s13  }
0x39: {  	s19 =	sxor.u32 $0x1, s19;
	[sflag:s17] =	ssyncset.done @!p1 $0x0;
	s15 =	sshll.u32 @!p3 s15, $0x7  }
0x3a: {  	[sflag:s17] =	ssyncadd.s32 @!p1 $0xFFFFD800;
	s17 =	sshll.u32 @!p3 s19, $0xA;
	s15 =	sand.u32 @!p3 $0x1FFFFF80, s15  }
0x3b: {  	s18 =	simm.s32 @!p3 $0x0;
	s24 =	sadd.s32 @!p3 $0x13C00, s17;
	s25 =	sadd.s32 @!p3 s5, s15  }
0x3c: {  	[tilespmem:s24], [sflag:$0x9] =	stream.linear.gather @!p3 [hbm4b:s25+s18], $0x400, $0x38;
	[tilespmem:$0x1EC00] =	vst v63  }
0x3d: {  	s17 =	sadd.s32 @!p3 $0x14400, s17;
	s15 =	sadd.s32 @!p3 s6, s15  }
0x3e: {  	[tilespmem:s17], [sflag:$0x9] =	stream.linear.gather @!p3 [hbm4b:s15+s18], $0x400, $0x38;
	[tilespmem:$0x1EC00] =	vst v63  }
0x3f: {  	s24 =	sadd.s32 $0x13D80, s8  }
0x40: {  	[tilespmem:s20], [sflag:$0x4] =	stream.indirect.gather [hbm4b:s3+s26], $0x80, s24, s26, $0xb8;
	[tilespmem:$0x1EC00] =	vst v63  }
0x41: {  	_ =	swait.ge [sflag:s22], $0x2800  }
0x42: {  	[sflag:s22] =	ssyncset.done $0x0  }
0x43: {  	s25 =	sadd.s32 $0x14480, s8;
	[sflag:s22] =	ssyncadd.s32 $0xFFFFD800  }
0x44: {  	[spmem:s1] =	stream.indirect.scatter.add.f32 [tilespmem:s30], [sflag:$0x6], $0x80, s25, s26, $0xb8;
	[tilespmem:$0x1EC00] =	vst v63  }
0x45: {  	_ =	swait.ge [sflag:s23], $0x2800  }
0x46: {  	[sflag:s23] =	ssyncset.done $0x0  }
0x47: {  	s17 =	sadd.s32 $0x13E00, s8;
	[sflag:s23] =	ssyncadd.s32 $0xFFFFD800  }
0x48: {  	[tilespmem:s28], [sflag:$0x1] =	stream.indirect.gather [hbm4b:s3+s26], $0x80, s17, s26, $0xb8;
	[tilespmem:$0x1EC00] =	vst v63  }
0x49: {  	_ =	swait.ge [sflag:s29], $0x2800  }
0x4a: {  	[sflag:s29] =	ssyncset.done $0x0  }
0x4b: {  	s18 =	sadd.s32 $0x14500, s8;
	[sflag:s29] =	ssyncadd.s32 $0xFFFFD800  }
0x4c: {  	[spmem:s1] =	stream.indirect.scatter.add.f32 [tilespmem:s0], [sflag:$0x7], $0x80, s18, s26, $0xb8;
	[tilespmem:$0x1EC00] =	vst v63  }
0x4d: {  	_ =	swait.ge [sflag:s31], $0x2800  }
0x4e: {  	[sflag:s31] =	ssyncset.done $0x0  }
0x4f: {  	s24 =	sadd.s32 $0x13E80, s8;
	[sflag:s31] =	ssyncadd.s32 $0xFFFFD800  }
0x50: {  	[tilespmem:s30], [sflag:$0x2] =	stream.indirect.gather [hbm4b:s3+s26], $0x80, s24, s26, $0xb8;
	[tilespmem:$0x1EC00] =	vst v63  }
0x51: {  	_ =	swait.ge [sflag:s7], $0x2800  }
0x52: {  	[sflag:s7] =	ssyncset.done $0x0  }
0x53: {  	s25 =	sadd.s32 $0x14580, s8;
	[sflag:s7] =	ssyncadd.s32 $0xFFFFD800  }
0x54: {  	[spmem:s1] =	stream.indirect.scatter.add.f32 [tilespmem:s20], [sflag:$0x8], $0x80, s25, s26, $0xb8;
	[tilespmem:$0x1EC00] =	vst v63  }
0x55: {  	_ =	swait.ge [sflag:s10], $0x2800  }
0x56: {  	[sflag:s10] =	ssyncset.done $0x0  }
0x57: {  	s17 =	sadd.s32 $0x13F00, s8;
	[sflag:s10] =	ssyncadd.s32 $0xFFFFD800  }
0x58: {  	[tilespmem:s0], [sflag:$0x3] =	stream.indirect.gather [hbm4b:s3+s26], $0x80, s17, s26, $0xb8;
	[tilespmem:$0x1EC00] =	vst v63  }
0x59: {  	_ =	swait.ge [sflag:s4], $0x2800  }
0x5a: {  	[sflag:s4] =	ssyncset.done $0x0  }
0x5b: {  	s18 =	sadd.s32 $0x14600, s8;
	[sflag:s4] =	ssyncadd.s32 $0xFFFFD800  }
0x5c: {  	[spmem:s1] =	stream.indirect.scatter.add.f32 [tilespmem:s28], [sflag:$0x5], $0x80, s18, s26, $0xb8;
	[tilespmem:$0x1EC00] =	vst v63  }
0x5d: {  	_ =	swait.ge [sflag:s11], $0x2800  }
0x5e: {  	[sflag:s11] =	ssyncset.done $0x0  }
0x5f: {  	s24 =	sadd.s32 $0x13F80, s8;
	[sflag:s11] =	ssyncadd.s32 $0xFFFFD800  }
0x60: {  	[tilespmem:s20], [sflag:$0x4] =	stream.indirect.gather [hbm4b:s3+s26], $0x80, s24, s26, $0xb8;
	[tilespmem:$0x1EC00] =	vst v63  }
0x61: {  	_ =	swait.ge [sflag:s22], $0x2800  }
0x62: {  	[sflag:s22] =	ssyncset.done $0x0  }
0x63: {  	s25 =	sadd.s32 $0x14680, s8;
	[sflag:s22] =	ssyncadd.s32 $0xFFFFD800  }
0x64: {  	[spmem:s1] =	stream.indirect.scatter.add.f32 [tilespmem:s30], [sflag:$0x6], $0x80, s25, s26, $0xb8;
	[tilespmem:$0x1EC00] =	vst v63  }
0x65: {  	_ =	swait.ge [sflag:s23], $0x2800  }
0x66: {  	p3 =	seq.s32 s16, $0xF;
	[sflag:s23] =	ssyncset.done $0x0  }
0x67: {  	s15 =	simm.s32 @p3 $0x3;
	[sflag:s23] =	ssyncadd.s32 $0xFFFFD800  }
0x68: {  	_ =	swait.ge @p3 [sflag:s15], $0x2800  }
0x69: {  	s16 =	simm.s32 @p3 $0x50;
	[sflag:s15] =	ssyncset.done @p3 $0x0  }
0x6a: {  	s17 =	simm.s32 @p3 $0x19C00;
	[sflag:s15] =	ssyncadd.s32 @p3 $0xFFFFD800;
	s15 =	sadd.s32 @p3 $0x14700, s8  }
0x6b: {  	[spmem:s1] =	stream.indirect.scatter.add.f32 @p3 [tilespmem:s17], [sflag:$0x7], $0x80, s15, s16, $0xb8;
	[tilespmem:$0x1EC00] =	vst v63  }
0x6c: {  	s15 =	simm.s32 @p3 $0x6  }
0x6d: {  	_ =	swait.ge @p3 [sflag:s15], $0x2800  }
0x6e: {  	[sflag:s15] =	ssyncset.done @p3 $0x0  }
0x6f: {  	[sflag:s15] =	ssyncadd.s32 @p3 $0xFFFFD800;
	s15 =	simm.s32 @!p3 $0x9  }
0x70: {  	_ =	swait.ge @!p3 [sflag:s15], $0x400  }
0x71: {  	[sflag:s15] =	ssyncset.done @!p3 $0x0  }
0x72: {  	[sflag:s15] =	ssyncadd.s32 @!p3 $0xFFFFFC00  }
0x73: {  	_ =	swait.ge @!p3 [sflag:s15], $0x400  }
0x74: {  	[sflag:s15] =	ssyncset.done @!p3 $0x0  }
0x75: {  	[sflag:s15] =	ssyncadd.s32 @!p3 $0xFFFFFC00;
	s15 =	sshll.u32 @!p3 s19, $0xA  }
0x76: {  	s18 =	simm.s32 @!p3 $0x14C00;
	s17 =	simm.s32 @!p3 $0x50;
	s16 =	sadd.s32 @!p3 $0x13C00, s15  }
0x77: {  	[tilespmem:s18], [sflag:$0x1] =	stream.indirect.gather @!p3 [hbm4b:s3+s17], $0x80, s16, s17, $0xb8;
	[tilespmem:$0x1EC00] =	vst v63  }
0x78: {  	s16 =	simm.s32 @!p3 $0x3  }
0x79: {  	_ =	swait.ge @!p3 [sflag:s16], $0x2800  }
0x7a: {  	[sflag:s16] =	ssyncset.done @!p3 $0x0  }
0x7b: {  	s18 =	simm.s32 @!p3 $0x19C00;
	[sflag:s16] =	ssyncadd.s32 @!p3 $0xFFFFD800;
	s16 =	sadd.s32 @!p3 $0x14700, s8  }
0x7c: {  	[spmem:s1] =	stream.indirect.scatter.add.f32 @!p3 [tilespmem:s18], [sflag:$0x7], $0x80, s16, s17, $0xb8;
	[tilespmem:$0x1EC00] =	vst v63  }
0x7d: {  	s16 =	simm.s32 @!p3 $0x6  }
0x7e: {  	_ =	swait.ge @!p3 [sflag:s16], $0x2800  }
0x7f: {  	p2 =	por !p2, p1;
	[sflag:s16] =	ssyncset.done @!p3 $0x0  }
0x80: {  	s19 =	simm.s32 @!p3 $0x17400;
	[sflag:s16] =	ssyncadd.s32 @!p3 $0xFFFFD800;
	s16 =	sadd.s32 @!p3 $0x13C80, s15  }
0x81: {  	[tilespmem:s19], [sflag:$0x2] =	stream.indirect.gather @!p3 [hbm4b:s3+s17], $0x80, s16, s17, $0xb8;
	[tilespmem:$0x1EC00] =	vst v63  }
0x82: {  	s13 =	simm.s32 @!p2 $0x10;
	_ =	swait.ge [sflag:s7], $0x2800  }
0x83: {  	s13 =	simm.s32 @p1 $0x1;
	[sflag:s7] =	ssyncset.done $0x0  }
0x84: {  	p1 =	slt.u32 s13, $0x10;
	s8 =	sadd.s32 $0x14780, s8;
	[sflag:s7] =	ssyncadd.s32 $0xFFFFD800  }
0x85: {  	[spmem:s1] =	stream.indirect.scatter.add.f32 [tilespmem:s20], [sflag:$0x8], $0x80, s8, s26, $0xb8;
	[tilespmem:$0x1EC00] =	vst v63  }
.Ltmp0:
0x86: {  	_ = 	snop;
	(pc) =	sbr.rel @p1 .LBB2_2-.Ltmp0, $4  }
0x87: {  	_ =	swait.ge [sflag:s10], $0x2800  }
0x88: {  	[sflag:s10] =	ssyncset.done $0x0  }
0x89: {  	s8 =	sadd.s32 @!p3 $0x13D00, s15;
	[sflag:s10] =	ssyncadd.s32 $0xFFFFD800  }
0x8a: {  	[tilespmem:s18], [sflag:$0x3] =	stream.indirect.gather @!p3 [hbm4b:s3+s17], $0x80, s8, s17, $0xb8;
	[tilespmem:$0x1EC00] =	vst v63  }
0x8b: {  	_ =	swait.ge [sflag:s11], $0x2800  }
0x8c: {  	[sflag:s11] =	ssyncset.done $0x0  }
0x8d: {  	[sflag:s11] =	ssyncadd.s32 $0xFFFFD800  }
0x8e: {  	[bflag:$0x0] =	sbarrier.arrive $0xFFFF  }
0x8f: {  	s8 =	rddreg [dreg:$0x9]  }
0x90: {  	s13 =	rddreg [dreg:$0xc];
	s8 =	sadd.s32 @p0 $0x25080, s8  }
0x91: {  	[hbm:s8], [sflag:s9] =	dma.local @p0 [spmem:s13], $0x2080  }
0x92: {  	s8 =	simm.s32 @p0 $0xA  }
0x93: {  	_ =	swait.ge @p0 [sflag:s8], $0x2080  }
0x94: {  	[sflag:s8] =	ssyncset.done @p0 $0x0  }
0x95: {  	[sflag:s8] =	ssyncadd.s32 @p0 $0xFFFFDF80;
	s8 =	rddreg [dreg:$0x4]  }
0x96: {  	s13 =	rddreg [dreg:$0xd];
	s8 =	sshrl.u32 @!p0 s8, $0x3  }
0x97: {  	[hbm:s13], [sflag:s9] =	dma.local @!p0 [spmem:s8], $0x2780  }
0x98: {  	s8 =	simm.s32 @!p0 $0xA  }
0x99: {  	_ =	swait.ge @!p0 [sflag:s8], $0x2780  }
0x9a: {  	s12 =	sadd.s32 $0x1, s12;
	s25 =	rddreg [dreg:$0xa]  }
0x9b: {  	p1 =	sne.s32 s12, s25  }
.Ltmp1:
0x9c: {  	_ = 	snop;
	(pc) =	sbr.rel @p1 .LBB2_1-.Ltmp1, $3  }
0x9d: {  	_ =	sdelay $0x1  }
0x9e: {  	[sflag:s8] =	ssyncset.done @!p0 $0x0  }
0x9f: {  	[sflag:s8] =	ssyncadd.s32 @!p0 $0xFFFFD880  }
0xa0: {  	_ =	sfence.sel $0x180000  }
0xa1: {  	[bflag:$0x0] =	sbarrier.arrive $0xFFFF  }
0xa2: {  	_ =	strace $0x90000050  }
0xa3: {  	s0 =	stileid.u32;
	[bflag:$0x2] =	sbarrier.arrive $0xFFFF  }
0xa4: {  	p0 =	sne.s32 s0, $0x0;
	s0 =	rddreg [dreg:$0x2]  }
0xa5: {  	s0 =	sadd.s32 @!p0 $0x100000, s0  }
0xa6: {  	[sflag:s0] =	ssyncadd.tile.s32 @!p0 $0x1;
	_ =	shalt  }
.Lfunc_end2:
_tile_overlayer_lowered:
.L_overlay_start_2:
0xa7: {  	(tag) =	ssettag $0x2  }
0xa8: {  	s0 =	rddreg [dreg:$0x0];
	s2 =	stileid.u32  }
0xa9: {  	s1 =	rddreg [dreg:$0x1];
	p0 =	sne.s32 s2, $0x0  }
0xaa: {  	s3 =	rddreg [dreg:$0x2];
	[bflag:$0x3] =	sbarrier.arrive $0xFFFF;
	s2 =	simm.s32 @!p0 $0x1C0A  }
0xab: {  	[timem:s3], [sflag:s2] =	dma.local @!p0 [hbm:s0], s1  }
0xac: {  	s0 =	simm.s32 @!p0 $0xA  }
0xad: {  	_ =	swait.ge @!p0 [sflag:s0], s1  }
0xae: {  	s1 =	ssub.s32 @!p0 $0x0, s1;
	[sflag:s0] =	ssyncset.done @!p0 $0x0  }
0xaf: {  	[sflag:s0] =	ssyncadd.s32 @!p0 s1  }
0xb0: {  	[bflag:$0x3] =	sbarrier.arrive $0xFFFF  }
0xb1: {  	_ =	shalt  }

</sc_bundles>
